<compile_context>
chip_gen: v7x
topology: tpu7x:2x2x1
jax: 0.10.2.dev20260603
libtpu: 0.0.44.dev20260713+nightly
codegen_flags: <defaults>
</compile_context>

<pallas_src>
import functools

import jax
import jax.numpy as jnp
from jax import lax
from jax.experimental import pallas as pl
from jax.experimental.pallas import tpu as pltpu
from jax.experimental.pallas import tpu_sc as plsc

N_NODES = 100000
N_EDGES = 6400000
IN_DIM = 6
HID_DIM = 64
OUT_DIM = 50

NC, NS, L = 2, 16, 16
NW = NC * NS
NCHUNK = 4

EH = 256
EBLK = 2 * EH
EW = 200704
NSTEP = EW // EBLK
E_PAD = EW * NW
TRASH = N_NODES

ACC_ROWS = 102400
SLICE = ACC_ROWS // NS
ZROWS = 400




def _deg_body(dst_hbm, out_hbm, hist, dblk):
    cid = lax.axis_index("c")
    sid = lax.axis_index("s")
    wid = cid * NS + sid

    def _zero(i, _):
        hist[pl.ds(i * L, L)] = jnp.zeros((L,), jnp.float32)
        return _

    lax.fori_loop(0, ACC_ROWS // L, _zero, 0)

    ones = jnp.ones((L,), jnp.float32)
    base = wid * EW

    def _step(t, _):
        pltpu.sync_copy(dst_hbm.at[pl.ds(base + t * EBLK, EBLK)], dblk)
        for k in range(EBLK // L):
            idx = dblk[pl.ds(k * L, L)]
            plsc.addupdate_scatter(hist, [idx], ones)
        return _

    lax.fori_loop(0, NSTEP, _step, 0)
    pltpu.sync_copy(hist, out_hbm.at[wid])


@functools.cache
def _deg_call():
    mesh = plsc.VectorSubcoreMesh(core_axis_name="c", subcore_axis_name="s",
                                  num_cores=NC, num_subcores=NS)
    return pl.kernel(
        _deg_body,
        out_type=jax.ShapeDtypeStruct((NW, ACC_ROWS), jnp.float32),
        mesh=mesh,
        compiler_params=pltpu.CompilerParams(needs_layout_passes=False),
        scratch_types=[
            pltpu.VMEM((ACC_ROWS,), jnp.float32),
            pltpu.VMEM((EBLK,), jnp.int32),
        ],
    )


def _agg_body(y0, y1, y2, y3, src_hbm, dst_hbm, out_hbm,
              acc, sblk0, dblk0, rows0, sblk1, dblk1, rows1, zbuf,
              gsem0, gsem1, ssem):
    cid = lax.axis_index("c")
    sid = lax.axis_index("s")
    wid = cid * NS + sid

    def _zb(i, _):
        zbuf[i, :] = jnp.zeros((L,), jnp.float32)
        return _

    lax.fori_loop(0, ZROWS, _zb, 0)

    base = wid * EW
    for c, ytab in enumerate((y0, y1, y2, y3)):
        for z in range(SLICE // ZROWS):
            pltpu.sync_copy(zbuf, acc.at[pl.ds(sid * SLICE + z * ZROWS, ZROWS)])
        plsc.subcore_barrier()

        def _step(t, _):
            e0 = base + t * EBLK
            pltpu.sync_copy(src_hbm.at[pl.ds(e0, EH)], sblk0)
            pltpu.sync_copy(dst_hbm.at[pl.ds(e0, EH)], dblk0)
            g0 = pltpu.async_copy(ytab.at[sblk0], rows0, gsem0)
            pltpu.sync_copy(src_hbm.at[pl.ds(e0 + EH, EH)], sblk1)
            pltpu.sync_copy(dst_hbm.at[pl.ds(e0 + EH, EH)], dblk1)
            g1 = pltpu.async_copy(ytab.at[sblk1], rows1, gsem1)
            g0.wait()
            g1.wait()
            return _

        lax.fori_loop(0, NSTEP, _step, 0)
        plsc.subcore_barrier()
        pltpu.sync_copy(acc.at[pl.ds(sid * SLICE, SLICE)],
                        out_hbm.at[c, cid, pl.ds(sid * SLICE, SLICE)])
        plsc.subcore_barrier()


@functools.cache
def _agg_call():
    mesh = plsc.VectorSubcoreMesh(core_axis_name="c", subcore_axis_name="s",
                                  num_cores=NC, num_subcores=NS)
    return pl.kernel(
        _agg_body,
        out_type=jax.ShapeDtypeStruct((NCHUNK, NC, ACC_ROWS, L), jnp.float32),
        mesh=mesh,
        compiler_params=pltpu.CompilerParams(use_tc_tiling_on_sc=False),
        scratch_types=[
            pltpu.VMEM_SHARED((ACC_ROWS, L), jnp.float32),
            pltpu.VMEM((EH,), jnp.int32),
            pltpu.VMEM((EH,), jnp.int32),
            pltpu.VMEM((EH, 2 * L), jnp.float32),
            pltpu.VMEM((EH,), jnp.int32),
            pltpu.VMEM((EH,), jnp.int32),
            pltpu.VMEM((EH, 2 * L), jnp.float32),
            pltpu.VMEM((ZROWS, L), jnp.float32),
            pltpu.SemaphoreType.DMA,
            pltpu.SemaphoreType.DMA,
            pltpu.SemaphoreType.DMA,
        ],
    )



NB = 1024
NGRID = (N_NODES + NB - 1) // NB


def _enc1_body(x_ref, w1_ref, hist_ref, dinv_ref, *yc_refs):
    deg = jnp.sum(hist_ref[...], axis=0) + 1.0
    dinv = lax.rsqrt(deg)
    dinv_ref[...] = dinv
    h = jnp.dot(x_ref[...], w1_ref[...], preferred_element_type=jnp.float32)
    y = h * dinv[:, None]
    for c in range(NCHUNK):
        yc_refs[c][...] = y[:, c * L:(c + 1) * L]


_enc1_call = pl.pallas_call(
    _enc1_body,
    grid=(NGRID,),
    in_specs=[
        pl.BlockSpec((NB, IN_DIM), lambda i: (i, 0)),
        pl.BlockSpec((IN_DIM, HID_DIM), lambda i: (0, 0)),
        pl.BlockSpec((NW, NB), lambda i: (0, i)),
    ],
    out_specs=[pl.BlockSpec((NB,), lambda i: (i,))]
    + [pl.BlockSpec((NB, L), lambda i: (i, 0)) for _ in range(NCHUNK)],
    out_shape=[jax.ShapeDtypeStruct((N_NODES,), jnp.float32)]
    + [jax.ShapeDtypeStruct((N_NODES, L), jnp.float32) for _ in range(NCHUNK)],
)


def _mid_body(zp_ref, y0_ref, y1_ref, y2_ref, y3_ref, dinv_ref, b1_ref, w2_ref,
              *y2c_refs):
    dinv = dinv_ref[...]
    zp = zp_ref[...]
    b1 = b1_ref[...]
    w2 = w2_ref[...]
    h2 = jnp.zeros((NB, OUT_DIM), jnp.float32)
    for c, y_ref in enumerate((y0_ref, y1_ref, y2_ref, y3_ref)):
        zc = zp[c, 0] + zp[c, 1] + y_ref[...]
        a = zc * dinv[:, None] + b1[:, c * L:(c + 1) * L]
        r = jnp.maximum(a, 0.0)
        h2 = h2 + jnp.dot(r, w2[c * L:(c + 1) * L, :],
                          preferred_element_type=jnp.float32)
    y2 = h2 * dinv[:, None]
    y2p = jnp.concatenate(
        [y2, jnp.zeros((NB, NCHUNK * L - OUT_DIM), jnp.float32)], axis=1)
    for c in range(NCHUNK):
        y2c_refs[c][...] = y2p[:, c * L:(c + 1) * L]


_mid_call = pl.pallas_call(
    _mid_body,
    grid=(NGRID,),
    in_specs=[
        pl.BlockSpec((NCHUNK, NC, NB, L), lambda i: (0, 0, i, 0)),
        pl.BlockSpec((NB, L), lambda i: (i, 0)),
        pl.BlockSpec((NB, L), lambda i: (i, 0)),
        pl.BlockSpec((NB, L), lambda i: (i, 0)),
        pl.BlockSpec((NB, L), lambda i: (i, 0)),
        pl.BlockSpec((NB,), lambda i: (i,)),
        pl.BlockSpec((1, HID_DIM), lambda i: (0, 0)),
        pl.BlockSpec((HID_DIM, OUT_DIM), lambda i: (0, 0)),
    ],
    out_specs=[pl.BlockSpec((NB, L), lambda i: (i, 0)) for _ in range(NCHUNK)],
    out_shape=[jax.ShapeDtypeStruct((N_NODES, L), jnp.float32)
               for _ in range(NCHUNK)],
)


def _fin_body(zp_ref, y0_ref, y1_ref, y2_ref, y3_ref, dinv_ref, b2_ref, out_ref):
    dinv = dinv_ref[...]
    zp = zp_ref[...]
    cols = []
    for c, y_ref in enumerate((y0_ref, y1_ref, y2_ref, y3_ref)):
        zc = zp[c, 0] + zp[c, 1] + y_ref[...]
        cols.append(zc * dinv[:, None])
    agg = jnp.concatenate(cols, axis=1)[:, :OUT_DIM]
    out_ref[...] = agg + b2_ref[...]


_fin_call = pl.pallas_call(
    _fin_body,
    grid=(NGRID,),
    in_specs=[
        pl.BlockSpec((NCHUNK, NC, NB, L), lambda i: (0, 0, i, 0)),
        pl.BlockSpec((NB, L), lambda i: (i, 0)),
        pl.BlockSpec((NB, L), lambda i: (i, 0)),
        pl.BlockSpec((NB, L), lambda i: (i, 0)),
        pl.BlockSpec((NB, L), lambda i: (i, 0)),
        pl.BlockSpec((NB,), lambda i: (i,)),
        pl.BlockSpec((1, OUT_DIM), lambda i: (0, 0)),
    ],
    out_specs=pl.BlockSpec((NB, OUT_DIM), lambda i: (i, 0)),
    out_shape=jax.ShapeDtypeStruct((N_NODES, OUT_DIM), jnp.float32),
)



def kernel(x, edge_index, W1, b1, W2, b2):
    src = edge_index[0].astype(jnp.int32)
    dst = edge_index[1].astype(jnp.int32)
    pad = E_PAD - N_EDGES
    src_p = jnp.concatenate([src, jnp.zeros((pad,), jnp.int32)])
    dst_p = jnp.concatenate([dst, jnp.full((pad,), TRASH, jnp.int32)])

    hist = _deg_call()(dst_p)
    dinv, *y1c = _enc1_call(x, W1, hist)
    y1w = [jnp.concatenate([a, a], axis=1) for a in y1c]
    agg = _agg_call()
    zp1 = agg(y1w[0], y1w[1], y1w[2], y1w[3], src_p, dst_p)
    y2c = _mid_call(zp1, y1c[0], y1c[1], y1c[2], y1c[3],
                    dinv, b1.reshape(1, HID_DIM), W2)
    y2w = [jnp.concatenate([a, a], axis=1) for a in y2c]
    zp2 = agg(y2w[0], y2w[1], y2w[2], y2w[3], src_p, dst_p)
    out = _fin_call(zp2, y2c[0], y2c[1], y2c[2], y2c[3],
                    dinv, b2.reshape(1, OUT_DIM))
    return out

# --- scband reference (transcript-rebuilt; emitter-appended) ---
"""Pipeline reference for scband-dual-encoder-eps-network-82566451298885 (READ-ONLY COPY).

The authoritative reference and input builder live on the scoring server;
editing this copy changes nothing except your own understanding.
"""

import jax, jax.numpy as jnp
import numpy as np

N_NODES = 100000
N_EDGES = 6400000
IN_DIM = 6
HID_DIM = 64
OUT_DIM = 50


def _glorot(key, shape):
    fan_in, fan_out = shape[0], shape[1]
    lim = jnp.sqrt(6.0 / (fan_in + fan_out))
    return jax.random.uniform(key, shape, dtype=jnp.float32, minval=-lim, maxval=lim)


def setup_inputs(seed: int = 0) -> dict:
    key = jax.random.key(seed)
    k_x, k_e, k_w1, k_w2 = jax.random.split(key, 4)
    x = jax.random.normal(k_x, (N_NODES, IN_DIM), dtype=jnp.float32)
    edge_index = jax.random.randint(k_e, (2, N_EDGES), 0, N_NODES, dtype=jnp.int64)
    W1 = _glorot(k_w1, (IN_DIM, HID_DIM))
    b1 = jnp.zeros((HID_DIM,), dtype=jnp.float32)
    W2 = _glorot(k_w2, (HID_DIM, OUT_DIM))
    b2 = jnp.zeros((OUT_DIM,), dtype=jnp.float32)
    return {"x": x, "edge_index": edge_index, "W1": W1, "b1": b1, "W2": W2, "b2": b2}


def _gcn_conv(x, src, dst, W, b, n_nodes):
    # GCNConv with self-loops and symmetric normalization (PyG semantics)
    loop = jnp.arange(n_nodes, dtype=src.dtype)
    s = jnp.concatenate([src, loop])
    d = jnp.concatenate([dst, loop])
    deg = jnp.zeros((n_nodes,), dtype=jnp.float32).at[d].add(1.0)
    dinv = jnp.where(deg > 0, 1.0 / jnp.sqrt(deg), 0.0)
    norm = dinv[s] * dinv[d]
    h = x @ W
    msg = h[s] * norm[:, None]
    agg = jax.ops.segment_sum(msg, d, num_segments=n_nodes)
    return agg + b


def reference(x, edge_index, W1, b1, W2, b2):
    src = edge_index[0]
    dst = edge_index[1]
    h = _gcn_conv(x, src, dst, W1, b1, N_NODES)
    h = jax.nn.relu(h)
    out = _gcn_conv(h, src, dst, W2, b2, N_NODES)
    return out

if __name__ == "__main__":
    import jax
    _d = setup_inputs()
    print(jax.jit(kernel)(*tuple(_d.values())))

</pallas_src>

<mosaic_0001>
#map = affine_map<(d0, d1) -> (0)>
#map1 = affine_map<(d0, d1) -> (0, 0)>
module attributes {stable_mosaic.version = 14 : i64} {
  func.func @_deg_body(%arg0: i32, %arg1: i32, %arg2: memref<6422528xi32, #tpu.memory_space<hbm>>, %arg3: memref<32x102400xf32, #tpu.memory_space<hbm>>, %arg4: memref<102400xf32, #tpu.memory_space<vmem>>, %arg5: memref<512xi32, #tpu.memory_space<vmem>>) attributes {dimension_semantics = [#tpu.dimension_semantics<core_parallel>, #tpu.dimension_semantics<subcore_parallel>], iteration_bounds = array<i64: 2, 16>, scalar_prefetch = 0 : i64, scratch_operands = 2 : i64, tpu.core_type = #tpu.core_type<sc_vector_subcore>, window_params = [{transform_indices = #map}, {transform_indices = #map1}]} {
    %mul3A = arith.constant 16 : i32
    %mul3A_0 = arith.muli %arg0, %mul3A : i32
    %add3A = arith.addi %mul3A_0, %arg1 : i32
    %scan3A = arith.constant 0 : i32
    %scan3A_1 = arith.constant 0 : i32
    %scan3A_2 = arith.constant 6400 : i32
    %scan3A_3 = arith.addi %scan3A_1, %scan3A_2 : i32
    %scan3A_4 = arith.constant 1 : i32
    scf.for %scan3A_15 = %scan3A_1 to %scan3A_3 step %scan3A_4  : i32 {
      %broadcast_in_dim3A_16 = arith.constant 0.000000e+00 : f32
      %broadcast_in_dim3A_17 = vector.broadcast %broadcast_in_dim3A_16 : f32 to vector<16xf32>
      %mul3A_18 = arith.constant 16 : i32
      %mul3A_19 = arith.muli %scan3A_15, %mul3A_18 : i32
      %swap3A = arith.index_cast %mul3A_19 : i32 to index
      %swap3A_20 = tpu.vector_load %arg4[%swap3A] {strides = array<i32>} : memref<102400xf32, #tpu.memory_space<vmem>>, vector<16xf32>,
      tpu.vector_store %arg4[%swap3A], %broadcast_in_dim3A_17 {strides = array<i32>} : memref<102400xf32, #tpu.memory_space<vmem>>, vector<16xf32>,
    }
    %scan3A_5 = arith.constant 6400 : i32
    %broadcast_in_dim3A = arith.constant 1.000000e+00 : f32
    %broadcast_in_dim3A_6 = vector.broadcast %broadcast_in_dim3A : f32 to vector<16xf32>
    %mul3A_7 = arith.constant 200704 : i32
    %mul3A_8 = arith.muli %add3A, %mul3A_7 : i32
    %scan3A_9 = arith.constant 0 : i32
    %scan3A_10 = arith.constant 0 : i32
    %scan3A_11 = arith.constant 392 : i32
    %scan3A_12 = arith.addi %scan3A_10, %scan3A_11 : i32
    %scan3A_13 = arith.constant 1 : i32
    scf.for %scan3A_15 = %scan3A_10 to %scan3A_12 step %scan3A_13  : i32 {
      %mul3A_16 = arith.constant 512 : i32
      %mul3A_17 = arith.muli %scan3A_15, %mul3A_16 : i32
      %add3A_18 = arith.addi %mul3A_8, %mul3A_17 : i32
      "tpu.region"() ({
        %run_scoped3A = tpu.sem_alloc : memref<!tpu.dma_semaphore, #tpu.memory_space<semaphore_mem>>
        %dma_start3A = tpu.memref_slice %arg2[%add3A_18] : memref<6422528xi32, #tpu.memory_space<hbm>> -> memref<512xi32, #tpu.memory_space<hbm>>
        %dma_start3A_82 = tpu.memref_slice %arg2[%add3A_18] : memref<6422528xi32, #tpu.memory_space<hbm>> -> memref<512xi32, #tpu.memory_space<hbm>>
        tpu.enqueue_dma source(%dma_start3A_82 : memref<512xi32, #tpu.memory_space<hbm>>) target(%arg5 : memref<512xi32, #tpu.memory_space<vmem>>) target_semaphore(%run_scoped3A : memref<!tpu.dma_semaphore, #tpu.memory_space<semaphore_mem>>)
        %dma_wait3A = tpu.memref_slice %arg2[%add3A_18] : memref<6422528xi32, #tpu.memory_space<hbm>> -> memref<512xi32, #tpu.memory_space<hbm>>
        %dma_wait3A_83 = tpu.memref_slice %arg2[%add3A_18] : memref<6422528xi32, #tpu.memory_space<hbm>> -> memref<512xi32, #tpu.memory_space<hbm>>
        tpu.wait_dma2 semaphore(%run_scoped3A : memref<!tpu.dma_semaphore, #tpu.memory_space<semaphore_mem>>) src(%dma_wait3A_83 : memref<512xi32, #tpu.memory_space<hbm>>) dst(%arg5 : memref<512xi32, #tpu.memory_space<vmem>>)
        tpu.yield
      }) : () -> ()
      %get3A = arith.constant 0 : index
      %get3A_19 = tpu.vector_load %arg5[%get3A] {strides = array<i32>} : memref<512xi32, #tpu.memory_space<vmem>>, vector<16xi32>,
      tpu.vector_store_idx %arg4[%get3A_19], %broadcast_in_dim3A_6 {add = true} : memref<102400xf32, #tpu.memory_space<vmem>>[vector<16xi32>], vector<16xf32>,
      %get3A_20 = arith.constant 16 : index
      %get3A_21 = tpu.vector_load %arg5[%get3A_20] {strides = array<i32>} : memref<512xi32, #tpu.memory_space<vmem>>, vector<16xi32>,
      tpu.vector_store_idx %arg4[%get3A_21], %broadcast_in_dim3A_6 {add = true} : memref<102400xf32, #tpu.memory_space<vmem>>[vector<16xi32>], vector<16xf32>,
      %get3A_22 = arith.constant 32 : index
      %get3A_23 = tpu.vector_load %arg5[%get3A_22] {strides = array<i32>} : memref<512xi32, #tpu.memory_space<vmem>>, vector<16xi32>,
      tpu.vector_store_idx %arg4[%get3A_23], %broadcast_in_dim3A_6 {add = true} : memref<102400xf32, #tpu.memory_space<vmem>>[vector<16xi32>], vector<16xf32>,
      %get3A_24 = arith.constant 48 : index
      %get3A_25 = tpu.vector_load %arg5[%get3A_24] {strides = array<i32>} : memref<512xi32, #tpu.memory_space<vmem>>, vector<16xi32>,
      tpu.vector_store_idx %arg4[%get3A_25], %broadcast_in_dim3A_6 {add = true} : memref<102400xf32, #tpu.memory_space<vmem>>[vector<16xi32>], vector<16xf32>,
      %get3A_26 = arith.constant 64 : index
      %get3A_27 = tpu.vector_load %arg5[%get3A_26] {strides = array<i32>} : memref<512xi32, #tpu.memory_space<vmem>>, vector<16xi32>,
      tpu.vector_store_idx %arg4[%get3A_27], %broadcast_in_dim3A_6 {add = true} : memref<102400xf32, #tpu.memory_space<vmem>>[vector<16xi32>], vector<16xf32>,
      %get3A_28 = arith.constant 80 : index
      %get3A_29 = tpu.vector_load %arg5[%get3A_28] {strides = array<i32>} : memref<512xi32, #tpu.memory_space<vmem>>, vector<16xi32>,
      tpu.vector_store_idx %arg4[%get3A_29], %broadcast_in_dim3A_6 {add = true} : memref<102400xf32, #tpu.memory_space<vmem>>[vector<16xi32>], vector<16xf32>,
      %get3A_30 = arith.constant 96 : index
      %get3A_31 = tpu.vector_load %arg5[%get3A_30] {strides = array<i32>} : memref<512xi32, #tpu.memory_space<vmem>>, vector<16xi32>,
      tpu.vector_store_idx %arg4[%get3A_31], %broadcast_in_dim3A_6 {add = true} : memref<102400xf32, #tpu.memory_space<vmem>>[vector<16xi32>], vector<16xf32>,
      %get3A_32 = arith.constant 112 : index
      %get3A_33 = tpu.vector_load %arg5[%get3A_32] {strides = array<i32>} : memref<512xi32, #tpu.memory_space<vmem>>, vector<16xi32>,
      tpu.vector_store_idx %arg4[%get3A_33], %broadcast_in_dim3A_6 {add = true} : memref<102400xf32, #tpu.memory_space<vmem>>[vector<16xi32>], vector<16xf32>,
      %get3A_34 = arith.constant 128 : index
      %get3A_35 = tpu.vector_load %arg5[%get3A_34] {strides = array<i32>} : memref<512xi32, #tpu.memory_space<vmem>>, vector<16xi32>,
      tpu.vector_store_idx %arg4[%get3A_35], %broadcast_in_dim3A_6 {add = true} : memref<102400xf32, #tpu.memory_space<vmem>>[vector<16xi32>], vector<16xf32>,
      %get3A_36 = arith.constant 144 : index
      %get3A_37 = tpu.vector_load %arg5[%get3A_36] {strides = array<i32>} : memref<512xi32, #tpu.memory_space<vmem>>, vector<16xi32>,
      tpu.vector_store_idx %arg4[%get3A_37], %broadcast_in_dim3A_6 {add = true} : memref<102400xf32, #tpu.memory_space<vmem>>[vector<16xi32>], vector<16xf32>,
      %get3A_38 = arith.constant 160 : index
      %get3A_39 = tpu.vector_load %arg5[%get3A_38] {strides = array<i32>} : memref<512xi32, #tpu.memory_space<vmem>>, vector<16xi32>,
      tpu.vector_store_idx %arg4[%get3A_39], %broadcast_in_dim3A_6 {add = true} : memref<102400xf32, #tpu.memory_space<vmem>>[vector<16xi32>], vector<16xf32>,
      %get3A_40 = arith.constant 176 : index
      %get3A_41 = tpu.vector_load %arg5[%get3A_40] {strides = array<i32>} : memref<512xi32, #tpu.memory_space<vmem>>, vector<16xi32>,
      tpu.vector_store_idx %arg4[%get3A_41], %broadcast_in_dim3A_6 {add = true} : memref<102400xf32, #tpu.memory_space<vmem>>[vector<16xi32>], vector<16xf32>,
      %get3A_42 = arith.constant 192 : index
      %get3A_43 = tpu.vector_load %arg5[%get3A_42] {strides = array<i32>} : memref<512xi32, #tpu.memory_space<vmem>>, vector<16xi32>,
      tpu.vector_store_idx %arg4[%get3A_43], %broadcast_in_dim3A_6 {add = true} : memref<102400xf32, #tpu.memory_space<vmem>>[vector<16xi32>], vector<16xf32>,
      %get3A_44 = arith.constant 208 : index
      %get3A_45 = tpu.vector_load %arg5[%get3A_44] {strides = array<i32>} : memref<512xi32, #tpu.memory_space<vmem>>, vector<16xi32>,
      tpu.vector_store_idx %arg4[%get3A_45], %broadcast_in_dim3A_6 {add = true} : memref<102400xf32, #tpu.memory_space<vmem>>[vector<16xi32>], vector<16xf32>,
      %get3A_46 = arith.constant 224 : index
      %get3A_47 = tpu.vector_load %arg5[%get3A_46] {strides = array<i32>} : memref<512xi32, #tpu.memory_space<vmem>>, vector<16xi32>,
      tpu.vector_store_idx %arg4[%get3A_47], %broadcast_in_dim3A_6 {add = true} : memref<102400xf32, #tpu.memory_space<vmem>>[vector<16xi32>], vector<16xf32>,
      %get3A_48 = arith.constant 240 : index
      %get3A_49 = tpu.vector_load %arg5[%get3A_48] {strides = array<i32>} : memref<512xi32, #tpu.memory_space<vmem>>, vector<16xi32>,
      tpu.vector_store_idx %arg4[%get3A_49], %broadcast_in_dim3A_6 {add = true} : memref<102400xf32, #tpu.memory_space<vmem>>[vector<16xi32>], vector<16xf32>,
      %get3A_50 = arith.constant 256 : index
      %get3A_51 = tpu.vector_load %arg5[%get3A_50] {strides = array<i32>} : memref<512xi32, #tpu.memory_space<vmem>>, vector<16xi32>,
      tpu.vector_store_idx %arg4[%get3A_51], %broadcast_in_dim3A_6 {add = true} : memref<102400xf32, #tpu.memory_space<vmem>>[vector<16xi32>], vector<16xf32>,
      %get3A_52 = arith.constant 272 : index
      %get3A_53 = tpu.vector_load %arg5[%get3A_52] {strides = array<i32>} : memref<512xi32, #tpu.memory_space<vmem>>, vector<16xi32>,
      tpu.vector_store_idx %arg4[%get3A_53], %broadcast_in_dim3A_6 {add = true} : memref<102400xf32, #tpu.memory_space<vmem>>[vector<16xi32>], vector<16xf32>,
      %get3A_54 = arith.constant 288 : index
      %get3A_55 = tpu.vector_load %arg5[%get3A_54] {strides = array<i32>} : memref<512xi32, #tpu.memory_space<vmem>>, vector<16xi32>,
      tpu.vector_store_idx %arg4[%get3A_55], %broadcast_in_dim3A_6 {add = true} : memref<102400xf32, #tpu.memory_space<vmem>>[vector<16xi32>], vector<16xf32>,
      %get3A_56 = arith.constant 304 : index
      %get3A_57 = tpu.vector_load %arg5[%get3A_56] {strides = array<i32>} : memref<512xi32, #tpu.memory_space<vmem>>, vector<16xi32>,
      tpu.vector_store_idx %arg4[%get3A_57], %broadcast_in_dim3A_6 {add = true} : memref<102400xf32, #tpu.memory_space<vmem>>[vector<16xi32>], vector<16xf32>,
      %get3A_58 = arith.constant 320 : index
      %get3A_59 = tpu.vector_load %arg5[%get3A_58] {strides = array<i32>} : memref<512xi32, #tpu.memory_space<vmem>>, vector<16xi32>,
      tpu.vector_store_idx %arg4[%get3A_59], %broadcast_in_dim3A_6 {add = true} : memref<102400xf32, #tpu.memory_space<vmem>>[vector<16xi32>], vector<16xf32>,
      %get3A_60 = arith.constant 336 : index
      %get3A_61 = tpu.vector_load %arg5[%get3A_60] {strides = array<i32>} : memref<512xi32, #tpu.memory_space<vmem>>, vector<16xi32>,
      tpu.vector_store_idx %arg4[%get3A_61], %broadcast_in_dim3A_6 {add = true} : memref<102400xf32, #tpu.memory_space<vmem>>[vector<16xi32>], vector<16xf32>,
      %get3A_62 = arith.constant 352 : index
      %get3A_63 = tpu.vector_load %arg5[%get3A_62] {strides = array<i32>} : memref<512xi32, #tpu.memory_space<vmem>>, vector<16xi32>,
      tpu.vector_store_idx %arg4[%get3A_63], %broadcast_in_dim3A_6 {add = true} : memref<102400xf32, #tpu.memory_space<vmem>>[vector<16xi32>], vector<16xf32>,
      %get3A_64 = arith.constant 368 : index
      %get3A_65 = tpu.vector_load %arg5[%get3A_64] {strides = array<i32>} : memref<512xi32, #tpu.memory_space<vmem>>, vector<16xi32>,
      tpu.vector_store_idx %arg4[%get3A_65], %broadcast_in_dim3A_6 {add = true} : memref<102400xf32, #tpu.memory_space<vmem>>[vector<16xi32>], vector<16xf32>,
      %get3A_66 = arith.constant 384 : index
      %get3A_67 = tpu.vector_load %arg5[%get3A_66] {strides = array<i32>} : memref<512xi32, #tpu.memory_space<vmem>>, vector<16xi32>,
      tpu.vector_store_idx %arg4[%get3A_67], %broadcast_in_dim3A_6 {add = true} : memref<102400xf32, #tpu.memory_space<vmem>>[vector<16xi32>], vector<16xf32>,
      %get3A_68 = arith.constant 400 : index
      %get3A_69 = tpu.vector_load %arg5[%get3A_68] {strides = array<i32>} : memref<512xi32, #tpu.memory_space<vmem>>, vector<16xi32>,
      tpu.vector_store_idx %arg4[%get3A_69], %broadcast_in_dim3A_6 {add = true} : memref<102400xf32, #tpu.memory_space<vmem>>[vector<16xi32>], vector<16xf32>,
      %get3A_70 = arith.constant 416 : index
      %get3A_71 = tpu.vector_load %arg5[%get3A_70] {strides = array<i32>} : memref<512xi32, #tpu.memory_space<vmem>>, vector<16xi32>,
      tpu.vector_store_idx %arg4[%get3A_71], %broadcast_in_dim3A_6 {add = true} : memref<102400xf32, #tpu.memory_space<vmem>>[vector<16xi32>], vector<16xf32>,
      %get3A_72 = arith.constant 432 : index
      %get3A_73 = tpu.vector_load %arg5[%get3A_72] {strides = array<i32>} : memref<512xi32, #tpu.memory_space<vmem>>, vector<16xi32>,
      tpu.vector_store_idx %arg4[%get3A_73], %broadcast_in_dim3A_6 {add = true} : memref<102400xf32, #tpu.memory_space<vmem>>[vector<16xi32>], vector<16xf32>,
      %get3A_74 = arith.constant 448 : index
      %get3A_75 = tpu.vector_load %arg5[%get3A_74] {strides = array<i32>} : memref<512xi32, #tpu.memory_space<vmem>>, vector<16xi32>,
      tpu.vector_store_idx %arg4[%get3A_75], %broadcast_in_dim3A_6 {add = true} : memref<102400xf32, #tpu.memory_space<vmem>>[vector<16xi32>], vector<16xf32>,
      %get3A_76 = arith.constant 464 : index
      %get3A_77 = tpu.vector_load %arg5[%get3A_76] {strides = array<i32>} : memref<512xi32, #tpu.memory_space<vmem>>, vector<16xi32>,
      tpu.vector_store_idx %arg4[%get3A_77], %broadcast_in_dim3A_6 {add = true} : memref<102400xf32, #tpu.memory_space<vmem>>[vector<16xi32>], vector<16xf32>,
      %get3A_78 = arith.constant 480 : index
      %get3A_79 = tpu.vector_load %arg5[%get3A_78] {strides = array<i32>} : memref<512xi32, #tpu.memory_space<vmem>>, vector<16xi32>,
      tpu.vector_store_idx %arg4[%get3A_79], %broadcast_in_dim3A_6 {add = true} : memref<102400xf32, #tpu.memory_space<vmem>>[vector<16xi32>], vector<16xf32>,
      %get3A_80 = arith.constant 496 : index
      %get3A_81 = tpu.vector_load %arg5[%get3A_80] {strides = array<i32>} : memref<512xi32, #tpu.memory_space<vmem>>, vector<16xi32>,
      tpu.vector_store_idx %arg4[%get3A_81], %broadcast_in_dim3A_6 {add = true} : memref<102400xf32, #tpu.memory_space<vmem>>[vector<16xi32>], vector<16xf32>,
    }
    %scan3A_14 = arith.constant 392 : i32
    "tpu.region"() ({
      %run_scoped3A = tpu.sem_alloc : memref<!tpu.dma_semaphore, #tpu.memory_space<semaphore_mem>>
      %dma_start3A = arith.constant 0 : i32
      %dma_start3A_15 = tpu.memref_slice %arg3[%add3A, %dma_start3A] : memref<32x102400xf32, #tpu.memory_space<hbm>> -> memref<1x102400xf32, #tpu.memory_space<hbm>>
      %dma_start3A_16 = tpu.memref_squeeze %dma_start3A_15 : memref<1x102400xf32, #tpu.memory_space<hbm>> -> memref<102400xf32, #tpu.memory_space<hbm>>
      %dma_start3A_17 = arith.constant 0 : i32
      %dma_start3A_18 = tpu.memref_slice %arg3[%add3A, %dma_start3A_17] : memref<32x102400xf32, #tpu.memory_space<hbm>> -> memref<1x102400xf32, #tpu.memory_space<hbm>>
      %dma_start3A_19 = tpu.memref_squeeze %dma_start3A_18 : memref<1x102400xf32, #tpu.memory_space<hbm>> -> memref<102400xf32, #tpu.memory_space<hbm>>
      tpu.enqueue_dma source(%arg4 : memref<102400xf32, #tpu.memory_space<vmem>>) target(%dma_start3A_19 : memref<102400xf32, #tpu.memory_space<hbm>>) target_semaphore(%run_scoped3A : memref<!tpu.dma_semaphore, #tpu.memory_space<semaphore_mem>>)
      %dma_wait3A = arith.constant 0 : i32
      %dma_wait3A_20 = tpu.memref_slice %arg3[%add3A, %dma_wait3A] : memref<32x102400xf32, #tpu.memory_space<hbm>> -> memref<1x102400xf32, #tpu.memory_space<hbm>>
      %dma_wait3A_21 = tpu.memref_squeeze %dma_wait3A_20 : memref<1x102400xf32, #tpu.memory_space<hbm>> -> memref<102400xf32, #tpu.memory_space<hbm>>
      %dma_wait3A_22 = arith.constant 0 : i32
      %dma_wait3A_23 = tpu.memref_slice %arg3[%add3A, %dma_wait3A_22] : memref<32x102400xf32, #tpu.memory_space<hbm>> -> memref<1x102400xf32, #tpu.memory_space<hbm>>
      %dma_wait3A_24 = tpu.memref_squeeze %dma_wait3A_23 : memref<1x102400xf32, #tpu.memory_space<hbm>> -> memref<102400xf32, #tpu.memory_space<hbm>>
      tpu.wait_dma2 semaphore(%run_scoped3A : memref<!tpu.dma_semaphore, #tpu.memory_space<semaphore_mem>>) src(%arg4 : memref<102400xf32, #tpu.memory_space<vmem>>) dst(%dma_wait3A_24 : memref<102400xf32, #tpu.memory_space<hbm>>)
      tpu.yield
    }) : () -> ()
    return
  }
}

#map = affine_map<(d0, d1) -> (0, 0)>
#map1 = affine_map<(d0, d1) -> (0)>
#map2 = affine_map<(d0, d1) -> (0, 0, 0, 0)>
module attributes {stable_mosaic.version = 14 : i64} {
  func.func @_agg_body(%arg0: i32, %arg1: i32, %arg2: memref<100000x32xf32, #tpu.memory_space<hbm>>, %arg3: memref<100000x32xf32, #tpu.memory_space<hbm>>, %arg4: memref<100000x32xf32, #tpu.memory_space<hbm>>, %arg5: memref<100000x32xf32, #tpu.memory_space<hbm>>, %arg6: memref<6422528xi32, #tpu.memory_space<hbm>>, %arg7: memref<6422528xi32, #tpu.memory_space<hbm>>, %arg8: memref<4x2x102400x16xf32, #tpu.memory_space<hbm>>, %arg9: memref<102400x16xf32, #tpu.memory_space<vmem_shared>>, %arg10: memref<256xi32, #tpu.memory_space<vmem>>, %arg11: memref<256xi32, #tpu.memory_space<vmem>>, %arg12: memref<256x32xf32, #tpu.memory_space<vmem>>, %arg13: memref<256xi32, #tpu.memory_space<vmem>>, %arg14: memref<256xi32, #tpu.memory_space<vmem>>, %arg15: memref<256x32xf32, #tpu.memory_space<vmem>>, %arg16: memref<400x16xf32, #tpu.memory_space<vmem>>, %arg17: memref<!tpu.dma_semaphore, #tpu.memory_space<semaphore_mem>>, %arg18: memref<!tpu.dma_semaphore, #tpu.memory_space<semaphore_mem>>, %arg19: memref<!tpu.dma_semaphore, #tpu.memory_space<semaphore_mem>>) attributes {dimension_semantics = [#tpu.dimension_semantics<core_parallel>, #tpu.dimension_semantics<subcore_parallel>], iteration_bounds = array<i64: 2, 16>, scalar_prefetch = 0 : i64, scratch_operands = 11 : i64, tpu.core_type = #tpu.core_type<sc_vector_subcore>, window_params = [{transform_indices = #map}, {transform_indices = #map}, {transform_indices = #map}, {transform_indices = #map}, {transform_indices = #map1}, {transform_indices = #map1}, {transform_indices = #map2}]} {
    %mul3A = arith.constant 16 : i32
    %mul3A_0 = arith.muli %arg0, %mul3A : i32
    %add3A = arith.addi %mul3A_0, %arg1 : i32
    %scan3A = arith.constant 0 : i32
    %scan3A_1 = arith.constant 0 : i32
    %scan3A_2 = arith.constant 400 : i32
    %scan3A_3 = arith.addi %scan3A_1, %scan3A_2 : i32
    %scan3A_4 = arith.constant 1 : i32
    scf.for %scan3A_318 = %scan3A_1 to %scan3A_3 step %scan3A_4  : i32 {
      %broadcast_in_dim3A = arith.constant 0.000000e+00 : f32
      %broadcast_in_dim3A_319 = vector.broadcast %broadcast_in_dim3A : f32 to vector<16xf32>
      %swap3A = arith.index_cast %scan3A_318 : i32 to index
      %swap3A_320 = arith.constant 0 : index
      %swap3A_321 = tpu.vector_load %arg16[%swap3A, %swap3A_320] {strides = array<i32>} : memref<400x16xf32, #tpu.memory_space<vmem>>, vector<1x16xf32>,
      %swap3A_322 = vector.shape_cast %swap3A_321 : vector<1x16xf32> to vector<16xf32>
      %swap3A_323 = vector.shape_cast %broadcast_in_dim3A_319 : vector<16xf32> to vector<1x16xf32>
      tpu.vector_store %arg16[%swap3A, %swap3A_320], %swap3A_323 {strides = array<i32>} : memref<400x16xf32, #tpu.memory_space<vmem>>, vector<1x16xf32>,
    }
    %scan3A_5 = arith.constant 400 : i32
    %mul3A_6 = arith.constant 200704 : i32
    %mul3A_7 = arith.muli %add3A, %mul3A_6 : i32
    %mul3A_8 = arith.constant 6400 : i32
    %mul3A_9 = arith.muli %arg1, %mul3A_8 : i32
    %add3A_10 = arith.constant 0 : i32
    %add3A_11 = arith.addi %mul3A_9, %add3A_10 : i32
    "tpu.region"() ({
      %run_scoped3A_318 = tpu.sem_alloc : memref<!tpu.dma_semaphore, #tpu.memory_space<semaphore_mem>>
      %dma_start3A = arith.constant 0 : i32
      %dma_start3A_319 = tpu.memref_slice %arg9[%add3A_11, %dma_start3A] : memref<102400x16xf32, #tpu.memory_space<vmem_shared>> -> memref<400x16xf32, #tpu.memory_space<vmem_shared>>
      %dma_start3A_320 = arith.constant 0 : i32
      %dma_start3A_321 = tpu.memref_slice %arg9[%add3A_11, %dma_start3A_320] : memref<102400x16xf32, #tpu.memory_space<vmem_shared>> -> memref<400x16xf32, #tpu.memory_space<vmem_shared>>
      tpu.enqueue_dma source(%arg16 : memref<400x16xf32, #tpu.memory_space<vmem>>) target(%dma_start3A_321 : memref<400x16xf32, #tpu.memory_space<vmem_shared>>) target_semaphore(%run_scoped3A_318 : memref<!tpu.dma_semaphore, #tpu.memory_space<semaphore_mem>>)
      %dma_wait3A = arith.constant 0 : i32
      %dma_wait3A_322 = tpu.memref_slice %arg9[%add3A_11, %dma_wait3A] : memref<102400x16xf32, #tpu.memory_space<vmem_shared>> -> memref<400x16xf32, #tpu.memory_space<vmem_shared>>
      %dma_wait3A_323 = arith.constant 0 : i32
      %dma_wait3A_324 = tpu.memref_slice %arg9[%add3A_11, %dma_wait3A_323] : memref<102400x16xf32, #tpu.memory_space<vmem_shared>> -> memref<400x16xf32, #tpu.memory_space<vmem_shared>>
      tpu.wait_dma2 semaphore(%run_scoped3A_318 : memref<!tpu.dma_semaphore, #tpu.memory_space<semaphore_mem>>) src(%arg16 : memref<400x16xf32, #tpu.memory_space<vmem>>) dst(%dma_wait3A_324 : memref<400x16xf32, #tpu.memory_space<vmem_shared>>)
      tpu.yield
    }) : () -> ()
    %mul3A_12 = arith.constant 6400 : i32
    %mul3A_13 = arith.muli %arg1, %mul3A_12 : i32
    %add3A_14 = arith.constant 400 : i32
    %add3A_15 = arith.addi %mul3A_13, %add3A_14 : i32
    "tpu.region"() ({
      %run_scoped3A_318 = tpu.sem_alloc : memref<!tpu.dma_semaphore, #tpu.memory_space<semaphore_mem>>
      %dma_start3A = arith.constant 0 : i32
      %dma_start3A_319 = tpu.memref_slice %arg9[%add3A_15, %dma_start3A] : memref<102400x16xf32, #tpu.memory_space<vmem_shared>> -> memref<400x16xf32, #tpu.memory_space<vmem_shared>>
      %dma_start3A_320 = arith.constant 0 : i32
      %dma_start3A_321 = tpu.memref_slice %arg9[%add3A_15, %dma_start3A_320] : memref<102400x16xf32, #tpu.memory_space<vmem_shared>> -> memref<400x16xf32, #tpu.memory_space<vmem_shared>>
      tpu.enqueue_dma source(%arg16 : memref<400x16xf32, #tpu.memory_space<vmem>>) target(%dma_start3A_321 : memref<400x16xf32, #tpu.memory_space<vmem_shared>>) target_semaphore(%run_scoped3A_318 : memref<!tpu.dma_semaphore, #tpu.memory_space<semaphore_mem>>)
      %dma_wait3A = arith.constant 0 : i32
      %dma_wait3A_322 = tpu.memref_slice %arg9[%add3A_15, %dma_wait3A] : memref<102400x16xf32, #tpu.memory_space<vmem_shared>> -> memref<400x16xf32, #tpu.memory_space<vmem_shared>>
      %dma_wait3A_323 = arith.constant 0 : i32
      %dma_wait3A_324 = tpu.memref_slice %arg9[%add3A_15, %dma_wait3A_323] : memref<102400x16xf32, #tpu.memory_space<vmem_shared>> -> memref<400x16xf32, #tpu.memory_space<vmem_shared>>
      tpu.wait_dma2 semaphore(%run_scoped3A_318 : memref<!tpu.dma_semaphore, #tpu.memory_space<semaphore_mem>>) src(%arg16 : memref<400x16xf32, #tpu.memory_space<vmem>>) dst(%dma_wait3A_324 : memref<400x16xf32, #tpu.memory_space<vmem_shared>>)
      tpu.yield
    }) : () -> ()
    %mul3A_16 = arith.constant 6400 : i32
    %mul3A_17 = arith.muli %arg1, %mul3A_16 : i32
    %add3A_18 = arith.constant 800 : i32
    %add3A_19 = arith.addi %mul3A_17, %add3A_18 : i32
    "tpu.region"() ({
      %run_scoped3A_318 = tpu.sem_alloc : memref<!tpu.dma_semaphore, #tpu.memory_space<semaphore_mem>>
      %dma_start3A = arith.constant 0 : i32
      %dma_start3A_319 = tpu.memref_slice %arg9[%add3A_19, %dma_start3A] : memref<102400x16xf32, #tpu.memory_space<vmem_shared>> -> memref<400x16xf32, #tpu.memory_space<vmem_shared>>
      %dma_start3A_320 = arith.constant 0 : i32
      %dma_start3A_321 = tpu.memref_slice %arg9[%add3A_19, %dma_start3A_320] : memref<102400x16xf32, #tpu.memory_space<vmem_shared>> -> memref<400x16xf32, #tpu.memory_space<vmem_shared>>
      tpu.enqueue_dma source(%arg16 : memref<400x16xf32, #tpu.memory_space<vmem>>) target(%dma_start3A_321 : memref<400x16xf32, #tpu.memory_space<vmem_shared>>) target_semaphore(%run_scoped3A_318 : memref<!tpu.dma_semaphore, #tpu.memory_space<semaphore_mem>>)
      %dma_wait3A = arith.constant 0 : i32
      %dma_wait3A_322 = tpu.memref_slice %arg9[%add3A_19, %dma_wait3A] : memref<102400x16xf32, #tpu.memory_space<vmem_shared>> -> memref<400x16xf32, #tpu.memory_space<vmem_shared>>
      %dma_wait3A_323 = arith.constant 0 : i32
      %dma_wait3A_324 = tpu.memref_slice %arg9[%add3A_19, %dma_wait3A_323] : memref<102400x16xf32, #tpu.memory_space<vmem_shared>> -> memref<400x16xf32, #tpu.memory_space<vmem_shared>>
      tpu.wait_dma2 semaphore(%run_scoped3A_318 : memref<!tpu.dma_semaphore, #tpu.memory_space<semaphore_mem>>) src(%arg16 : memref<400x16xf32, #tpu.memory_space<vmem>>) dst(%dma_wait3A_324 : memref<400x16xf32, #tpu.memory_space<vmem_shared>>)
      tpu.yield
    }) : () -> ()
    %mul3A_20 = arith.constant 6400 : i32
    %mul3A_21 = arith.muli %arg1, %mul3A_20 : i32
    %add3A_22 = arith.constant 1200 : i32
    %add3A_23 = arith.addi %mul3A_21, %add3A_22 : i32
    "tpu.region"() ({
      %run_scoped3A_318 = tpu.sem_alloc : memref<!tpu.dma_semaphore, #tpu.memory_space<semaphore_mem>>
      %dma_start3A = arith.constant 0 : i32
      %dma_start3A_319 = tpu.memref_slice %arg9[%add3A_23, %dma_start3A] : memref<102400x16xf32, #tpu.memory_space<vmem_shared>> -> memref<400x16xf32, #tpu.memory_space<vmem_shared>>
      %dma_start3A_320 = arith.constant 0 : i32
      %dma_start3A_321 = tpu.memref_slice %arg9[%add3A_23, %dma_start3A_320] : memref<102400x16xf32, #tpu.memory_space<vmem_shared>> -> memref<400x16xf32, #tpu.memory_space<vmem_shared>>
      tpu.enqueue_dma source(%arg16 : memref<400x16xf32, #tpu.memory_space<vmem>>) target(%dma_start3A_321 : memref<400x16xf32, #tpu.memory_space<vmem_shared>>) target_semaphore(%run_scoped3A_318 : memref<!tpu.dma_semaphore, #tpu.memory_space<semaphore_mem>>)
      %dma_wait3A = arith.constant 0 : i32
      %dma_wait3A_322 = tpu.memref_slice %arg9[%add3A_23, %dma_wait3A] : memref<102400x16xf32, #tpu.memory_space<vmem_shared>> -> memref<400x16xf32, #tpu.memory_space<vmem_shared>>
      %dma_wait3A_323 = arith.constant 0 : i32
      %dma_wait3A_324 = tpu.memref_slice %arg9[%add3A_23, %dma_wait3A_323] : memref<102400x16xf32, #tpu.memory_space<vmem_shared>> -> memref<400x16xf32, #tpu.memory_space<vmem_shared>>
      tpu.wait_dma2 semaphore(%run_scoped3A_318 : memref<!tpu.dma_semaphore, #tpu.memory_space<semaphore_mem>>) src(%arg16 : memref<400x16xf32, #tpu.memory_space<vmem>>) dst(%dma_wait3A_324 : memref<400x16xf32, #tpu.memory_space<vmem_shared>>)
      tpu.yield
    }) : () -> ()
    %mul3A_24 = arith.constant 6400 : i32
    %mul3A_25 = arith.muli %arg1, %mul3A_24 : i32
    %add3A_26 = arith.constant 1600 : i32
    %add3A_27 = arith.addi %mul3A_25, %add3A_26 : i32
    "tpu.region"() ({
      %run_scoped3A_318 = tpu.sem_alloc : memref<!tpu.dma_semaphore, #tpu.memory_space<semaphore_mem>>
      %dma_start3A = arith.constant 0 : i32
      %dma_start3A_319 = tpu.memref_slice %arg9[%add3A_27, %dma_start3A] : memref<102400x16xf32, #tpu.memory_space<vmem_shared>> -> memref<400x16xf32, #tpu.memory_space<vmem_shared>>
      %dma_start3A_320 = arith.constant 0 : i32
      %dma_start3A_321 = tpu.memref_slice %arg9[%add3A_27, %dma_start3A_320] : memref<102400x16xf32, #tpu.memory_space<vmem_shared>> -> memref<400x16xf32, #tpu.memory_space<vmem_shared>>
      tpu.enqueue_dma source(%arg16 : memref<400x16xf32, #tpu.memory_space<vmem>>) target(%dma_start3A_321 : memref<400x16xf32, #tpu.memory_space<vmem_shared>>) target_semaphore(%run_scoped3A_318 : memref<!tpu.dma_semaphore, #tpu.memory_space<semaphore_mem>>)
      %dma_wait3A = arith.constant 0 : i32
      %dma_wait3A_322 = tpu.memref_slice %arg9[%add3A_27, %dma_wait3A] : memref<102400x16xf32, #tpu.memory_space<vmem_shared>> -> memref<400x16xf32, #tpu.memory_space<vmem_shared>>
      %dma_wait3A_323 = arith.constant 0 : i32
      %dma_wait3A_324 = tpu.memref_slice %arg9[%add3A_27, %dma_wait3A_323] : memref<102400x16xf32, #tpu.memory_space<vmem_shared>> -> memref<400x16xf32, #tpu.memory_space<vmem_shared>>
      tpu.wait_dma2 semaphore(%run_scoped3A_318 : memref<!tpu.dma_semaphore, #tpu.memory_space<semaphore_mem>>) src(%arg16 : memref<400x16xf32, #tpu.memory_space<vmem>>) dst(%dma_wait3A_324 : memref<400x16xf32, #tpu.memory_space<vmem_shared>>)
      tpu.yield
    }) : () -> ()
    %mul3A_28 = arith.constant 6400 : i32
    %mul3A_29 = arith.muli %arg1, %mul3A_28 : i32
    %add3A_30 = arith.constant 2000 : i32
    %add3A_31 = arith.addi %mul3A_29, %add3A_30 : i32
    "tpu.region"() ({
      %run_scoped3A_318 = tpu.sem_alloc : memref<!tpu.dma_semaphore, #tpu.memory_space<semaphore_mem>>
      %dma_start3A = arith.constant 0 : i32
      %dma_start3A_319 = tpu.memref_slice %arg9[%add3A_31, %dma_start3A] : memref<102400x16xf32, #tpu.memory_space<vmem_shared>> -> memref<400x16xf32, #tpu.memory_space<vmem_shared>>
      %dma_start3A_320 = arith.constant 0 : i32
      %dma_start3A_321 = tpu.memref_slice %arg9[%add3A_31, %dma_start3A_320] : memref<102400x16xf32, #tpu.memory_space<vmem_shared>> -> memref<400x16xf32, #tpu.memory_space<vmem_shared>>
      tpu.enqueue_dma source(%arg16 : memref<400x16xf32, #tpu.memory_space<vmem>>) target(%dma_start3A_321 : memref<400x16xf32, #tpu.memory_space<vmem_shared>>) target_semaphore(%run_scoped3A_318 : memref<!tpu.dma_semaphore, #tpu.memory_space<semaphore_mem>>)
      %dma_wait3A = arith.constant 0 : i32
      %dma_wait3A_322 = tpu.memref_slice %arg9[%add3A_31, %dma_wait3A] : memref<102400x16xf32, #tpu.memory_space<vmem_shared>> -> memref<400x16xf32, #tpu.memory_space<vmem_shared>>
      %dma_wait3A_323 = arith.constant 0 : i32
      %dma_wait3A_324 = tpu.memref_slice %arg9[%add3A_31, %dma_wait3A_323] : memref<102400x16xf32, #tpu.memory_space<vmem_shared>> -> memref<400x16xf32, #tpu.memory_space<vmem_shared>>
      tpu.wait_dma2 semaphore(%run_scoped3A_318 : memref<!tpu.dma_semaphore, #tpu.memory_space<semaphore_mem>>) src(%arg16 : memref<400x16xf32, #tpu.memory_space<vmem>>) dst(%dma_wait3A_324 : memref<400x16xf32, #tpu.memory_space<vmem_shared>>)
      tpu.yield
    }) : () -> ()
    %mul3A_32 = arith.constant 6400 : i32
    %mul3A_33 = arith.muli %arg1, %mul3A_32 : i32
    %add3A_34 = arith.constant 2400 : i32
    %add3A_35 = arith.addi %mul3A_33, %add3A_34 : i32
    "tpu.region"() ({
      %run_scoped3A_318 = tpu.sem_alloc : memref<!tpu.dma_semaphore, #tpu.memory_space<semaphore_mem>>
      %dma_start3A = arith.constant 0 : i32
      %dma_start3A_319 = tpu.memref_slice %arg9[%add3A_35, %dma_start3A] : memref<102400x16xf32, #tpu.memory_space<vmem_shared>> -> memref<400x16xf32, #tpu.memory_space<vmem_shared>>
      %dma_start3A_320 = arith.constant 0 : i32
      %dma_start3A_321 = tpu.memref_slice %arg9[%add3A_35, %dma_start3A_320] : memref<102400x16xf32, #tpu.memory_space<vmem_shared>> -> memref<400x16xf32, #tpu.memory_space<vmem_shared>>
      tpu.enqueue_dma source(%arg16 : memref<400x16xf32, #tpu.memory_space<vmem>>) target(%dma_start3A_321 : memref<400x16xf32, #tpu.memory_space<vmem_shared>>) target_semaphore(%run_scoped3A_318 : memref<!tpu.dma_semaphore, #tpu.memory_space<semaphore_mem>>)
      %dma_wait3A = arith.constant 0 : i32
      %dma_wait3A_322 = tpu.memref_slice %arg9[%add3A_35, %dma_wait3A] : memref<102400x16xf32, #tpu.memory_space<vmem_shared>> -> memref<400x16xf32, #tpu.memory_space<vmem_shared>>
      %dma_wait3A_323 = arith.constant 0 : i32
      %dma_wait3A_324 = tpu.memref_slice %arg9[%add3A_35, %dma_wait3A_323] : memref<102400x16xf32, #tpu.memory_space<vmem_shared>> -> memref<400x16xf32, #tpu.memory_space<vmem_shared>>
      tpu.wait_dma2 semaphore(%run_scoped3A_318 : memref<!tpu.dma_semaphore, #tpu.memory_space<semaphore_mem>>) src(%arg16 : memref<400x16xf32, #tpu.memory_space<vmem>>) dst(%dma_wait3A_324 : memref<400x16xf32, #tpu.memory_space<vmem_shared>>)
      tpu.yield
    }) : () -> ()
    %mul3A_36 = arith.constant 6400 : i32
    %mul3A_37 = arith.muli %arg1, %mul3A_36 : i32
    %add3A_38 = arith.constant 2800 : i32
    %add3A_39 = arith.addi %mul3A_37, %add3A_38 : i32
    "tpu.region"() ({
      %run_scoped3A_318 = tpu.sem_alloc : memref<!tpu.dma_semaphore, #tpu.memory_space<semaphore_mem>>
      %dma_start3A = arith.constant 0 : i32
      %dma_start3A_319 = tpu.memref_slice %arg9[%add3A_39, %dma_start3A] : memref<102400x16xf32, #tpu.memory_space<vmem_shared>> -> memref<400x16xf32, #tpu.memory_space<vmem_shared>>
      %dma_start3A_320 = arith.constant 0 : i32
      %dma_start3A_321 = tpu.memref_slice %arg9[%add3A_39, %dma_start3A_320] : memref<102400x16xf32, #tpu.memory_space<vmem_shared>> -> memref<400x16xf32, #tpu.memory_space<vmem_shared>>
      tpu.enqueue_dma source(%arg16 : memref<400x16xf32, #tpu.memory_space<vmem>>) target(%dma_start3A_321 : memref<400x16xf32, #tpu.memory_space<vmem_shared>>) target_semaphore(%run_scoped3A_318 : memref<!tpu.dma_semaphore, #tpu.memory_space<semaphore_mem>>)
      %dma_wait3A = arith.constant 0 : i32
      %dma_wait3A_322 = tpu.memref_slice %arg9[%add3A_39, %dma_wait3A] : memref<102400x16xf32, #tpu.memory_space<vmem_shared>> -> memref<400x16xf32, #tpu.memory_space<vmem_shared>>
      %dma_wait3A_323 = arith.constant 0 : i32
      %dma_wait3A_324 = tpu.memref_slice %arg9[%add3A_39, %dma_wait3A_323] : memref<102400x16xf32, #tpu.memory_space<vmem_shared>> -> memref<400x16xf32, #tpu.memory_space<vmem_shared>>
      tpu.wait_dma2 semaphore(%run_scoped3A_318 : memref<!tpu.dma_semaphore, #tpu.memory_space<semaphore_mem>>) src(%arg16 : memref<400x16xf32, #tpu.memory_space<vmem>>) dst(%dma_wait3A_324 : memref<400x16xf32, #tpu.memory_space<vmem_shared>>)
      tpu.yield
    }) : () -> ()
    %mul3A_40 = arith.constant 6400 : i32
    %mul3A_41 = arith.muli %arg1, %mul3A_40 : i32
    %add3A_42 = arith.constant 3200 : i32
    %add3A_43 = arith.addi %mul3A_41, %add3A_42 : i32
    "tpu.region"() ({
      %run_scoped3A_318 = tpu.sem_alloc : memref<!tpu.dma_semaphore, #tpu.memory_space<semaphore_mem>>
      %dma_start3A = arith.constant 0 : i32
      %dma_start3A_319 = tpu.memref_slice %arg9[%add3A_43, %dma_start3A] : memref<102400x16xf32, #tpu.memory_space<vmem_shared>> -> memref<400x16xf32, #tpu.memory_space<vmem_shared>>
      %dma_start3A_320 = arith.constant 0 : i32
      %dma_start3A_321 = tpu.memref_slice %arg9[%add3A_43, %dma_start3A_320] : memref<102400x16xf32, #tpu.memory_space<vmem_shared>> -> memref<400x16xf32, #tpu.memory_space<vmem_shared>>
      tpu.enqueue_dma source(%arg16 : memref<400x16xf32, #tpu.memory_space<vmem>>) target(%dma_start3A_321 : memref<400x16xf32, #tpu.memory_space<vmem_shared>>) target_semaphore(%run_scoped3A_318 : memref<!tpu.dma_semaphore, #tpu.memory_space<semaphore_mem>>)
      %dma_wait3A = arith.constant 0 : i32
      %dma_wait3A_322 = tpu.memref_slice %arg9[%add3A_43, %dma_wait3A] : memref<102400x16xf32, #tpu.memory_space<vmem_shared>> -> memref<400x16xf32, #tpu.memory_space<vmem_shared>>
      %dma_wait3A_323 = arith.constant 0 : i32
      %dma_wait3A_324 = tpu.memref_slice %arg9[%add3A_43, %dma_wait3A_323] : memref<102400x16xf32, #tpu.memory_space<vmem_shared>> -> memref<400x16xf32, #tpu.memory_space<vmem_shared>>
      tpu.wait_dma2 semaphore(%run_scoped3A_318 : memref<!tpu.dma_semaphore, #tpu.memory_space<semaphore_mem>>) src(%arg16 : memref<400x16xf32, #tpu.memory_space<vmem>>) dst(%dma_wait3A_324 : memref<400x16xf32, #tpu.memory_space<vmem_shared>>)
      tpu.yield
    }) : () -> ()
    %mul3A_44 = arith.constant 6400 : i32
    %mul3A_45 = arith.muli %arg1, %mul3A_44 : i32
    %add3A_46 = arith.constant 3600 : i32
    %add3A_47 = arith.addi %mul3A_45, %add3A_46 : i32
    "tpu.region"() ({
      %run_scoped3A_318 = tpu.sem_alloc : memref<!tpu.dma_semaphore, #tpu.memory_space<semaphore_mem>>
      %dma_start3A = arith.constant 0 : i32
      %dma_start3A_319 = tpu.memref_slice %arg9[%add3A_47, %dma_start3A] : memref<102400x16xf32, #tpu.memory_space<vmem_shared>> -> memref<400x16xf32, #tpu.memory_space<vmem_shared>>
      %dma_start3A_320 = arith.constant 0 : i32
      %dma_start3A_321 = tpu.memref_slice %arg9[%add3A_47, %dma_start3A_320] : memref<102400x16xf32, #tpu.memory_space<vmem_shared>> -> memref<400x16xf32, #tpu.memory_space<vmem_shared>>
      tpu.enqueue_dma source(%arg16 : memref<400x16xf32, #tpu.memory_space<vmem>>) target(%dma_start3A_321 : memref<400x16xf32, #tpu.memory_space<vmem_shared>>) target_semaphore(%run_scoped3A_318 : memref<!tpu.dma_semaphore, #tpu.memory_space<semaphore_mem>>)
      %dma_wait3A = arith.constant 0 : i32
      %dma_wait3A_322 = tpu.memref_slice %arg9[%add3A_47, %dma_wait3A] : memref<102400x16xf32, #tpu.memory_space<vmem_shared>> -> memref<400x16xf32, #tpu.memory_space<vmem_shared>>
      %dma_wait3A_323 = arith.constant 0 : i32
      %dma_wait3A_324 = tpu.memref_slice %arg9[%add3A_47, %dma_wait3A_323] : memref<102400x16xf32, #tpu.memory_space<vmem_shared>> -> memref<400x16xf32, #tpu.memory_space<vmem_shared>>
      tpu.wait_dma2 semaphore(%run_scoped3A_318 : memref<!tpu.dma_semaphore, #tpu.memory_space<semaphore_mem>>) src(%arg16 : memref<400x16xf32, #tpu.memory_space<vmem>>) dst(%dma_wait3A_324 : memref<400x16xf32, #tpu.memory_space<vmem_shared>>)
      tpu.yield
    }) : () -> ()
    %mul3A_48 = arith.constant 6400 : i32
    %mul3A_49 = arith.muli %arg1, %mul3A_48 : i32
    %add3A_50 = arith.constant 4000 : i32
    %add3A_51 = arith.addi %mul3A_49, %add3A_50 : i32
    "tpu.region"() ({
      %run_scoped3A_318 = tpu.sem_alloc : memref<!tpu.dma_semaphore, #tpu.memory_space<semaphore_mem>>
      %dma_start3A = arith.constant 0 : i32
      %dma_start3A_319 = tpu.memref_slice %arg9[%add3A_51, %dma_start3A] : memref<102400x16xf32, #tpu.memory_space<vmem_shared>> -> memref<400x16xf32, #tpu.memory_space<vmem_shared>>
      %dma_start3A_320 = arith.constant 0 : i32
      %dma_start3A_321 = tpu.memref_slice %arg9[%add3A_51, %dma_start3A_320] : memref<102400x16xf32, #tpu.memory_space<vmem_shared>> -> memref<400x16xf32, #tpu.memory_space<vmem_shared>>
      tpu.enqueue_dma source(%arg16 : memref<400x16xf32, #tpu.memory_space<vmem>>) target(%dma_start3A_321 : memref<400x16xf32, #tpu.memory_space<vmem_shared>>) target_semaphore(%run_scoped3A_318 : memref<!tpu.dma_semaphore, #tpu.memory_space<semaphore_mem>>)
      %dma_wait3A = arith.constant 0 : i32
      %dma_wait3A_322 = tpu.memref_slice %arg9[%add3A_51, %dma_wait3A] : memref<102400x16xf32, #tpu.memory_space<vmem_shared>> -> memref<400x16xf32, #tpu.memory_space<vmem_shared>>
      %dma_wait3A_323 = arith.constant 0 : i32
      %dma_wait3A_324 = tpu.memref_slice %arg9[%add3A_51, %dma_wait3A_323] : memref<102400x16xf32, #tpu.memory_space<vmem_shared>> -> memref<400x16xf32, #tpu.memory_space<vmem_shared>>
      tpu.wait_dma2 semaphore(%run_scoped3A_318 : memref<!tpu.dma_semaphore, #tpu.memory_space<semaphore_mem>>) src(%arg16 : memref<400x16xf32, #tpu.memory_space<vmem>>) dst(%dma_wait3A_324 : memref<400x16xf32, #tpu.memory_space<vmem_shared>>)
      tpu.yield
    }) : () -> ()
    %mul3A_52 = arith.constant 6400 : i32
    %mul3A_53 = arith.muli %arg1, %mul3A_52 : i32
    %add3A_54 = arith.constant 4400 : i32
    %add3A_55 = arith.addi %mul3A_53, %add3A_54 : i32
    "tpu.region"() ({
      %run_scoped3A_318 = tpu.sem_alloc : memref<!tpu.dma_semaphore, #tpu.memory_space<semaphore_mem>>
      %dma_start3A = arith.constant 0 : i32
      %dma_start3A_319 = tpu.memref_slice %arg9[%add3A_55, %dma_start3A] : memref<102400x16xf32, #tpu.memory_space<vmem_shared>> -> memref<400x16xf32, #tpu.memory_space<vmem_shared>>
      %dma_start3A_320 = arith.constant 0 : i32
      %dma_start3A_321 = tpu.memref_slice %arg9[%add3A_55, %dma_start3A_320] : memref<102400x16xf32, #tpu.memory_space<vmem_shared>> -> memref<400x16xf32, #tpu.memory_space<vmem_shared>>
      tpu.enqueue_dma source(%arg16 : memref<400x16xf32, #tpu.memory_space<vmem>>) target(%dma_start3A_321 : memref<400x16xf32, #tpu.memory_space<vmem_shared>>) target_semaphore(%run_scoped3A_318 : memref<!tpu.dma_semaphore, #tpu.memory_space<semaphore_mem>>)
      %dma_wait3A = arith.constant 0 : i32
      %dma_wait3A_322 = tpu.memref_slice %arg9[%add3A_55, %dma_wait3A] : memref<102400x16xf32, #tpu.memory_space<vmem_shared>> -> memref<400x16xf32, #tpu.memory_space<vmem_shared>>
      %dma_wait3A_323 = arith.constant 0 : i32
      %dma_wait3A_324 = tpu.memref_slice %arg9[%add3A_55, %dma_wait3A_323] : memref<102400x16xf32, #tpu.memory_space<vmem_shared>> -> memref<400x16xf32, #tpu.memory_space<vmem_shared>>
      tpu.wait_dma2 semaphore(%run_scoped3A_318 : memref<!tpu.dma_semaphore, #tpu.memory_space<semaphore_mem>>) src(%arg16 : memref<400x16xf32, #tpu.memory_space<vmem>>) dst(%dma_wait3A_324 : memref<400x16xf32, #tpu.memory_space<vmem_shared>>)
      tpu.yield
    }) : () -> ()
    %mul3A_56 = arith.constant 6400 : i32
    %mul3A_57 = arith.muli %arg1, %mul3A_56 : i32
    %add3A_58 = arith.constant 4800 : i32
    %add3A_59 = arith.addi %mul3A_57, %add3A_58 : i32
    "tpu.region"() ({
      %run_scoped3A_318 = tpu.sem_alloc : memref<!tpu.dma_semaphore, #tpu.memory_space<semaphore_mem>>
      %dma_start3A = arith.constant 0 : i32
      %dma_start3A_319 = tpu.memref_slice %arg9[%add3A_59, %dma_start3A] : memref<102400x16xf32, #tpu.memory_space<vmem_shared>> -> memref<400x16xf32, #tpu.memory_space<vmem_shared>>
      %dma_start3A_320 = arith.constant 0 : i32
      %dma_start3A_321 = tpu.memref_slice %arg9[%add3A_59, %dma_start3A_320] : memref<102400x16xf32, #tpu.memory_space<vmem_shared>> -> memref<400x16xf32, #tpu.memory_space<vmem_shared>>
      tpu.enqueue_dma source(%arg16 : memref<400x16xf32, #tpu.memory_space<vmem>>) target(%dma_start3A_321 : memref<400x16xf32, #tpu.memory_space<vmem_shared>>) target_semaphore(%run_scoped3A_318 : memref<!tpu.dma_semaphore, #tpu.memory_space<semaphore_mem>>)
      %dma_wait3A = arith.constant 0 : i32
      %dma_wait3A_322 = tpu.memref_slice %arg9[%add3A_59, %dma_wait3A] : memref<102400x16xf32, #tpu.memory_space<vmem_shared>> -> memref<400x16xf32, #tpu.memory_space<vmem_shared>>
      %dma_wait3A_323 = arith.constant 0 : i32
      %dma_wait3A_324 = tpu.memref_slice %arg9[%add3A_59, %dma_wait3A_323] : memref<102400x16xf32, #tpu.memory_space<vmem_shared>> -> memref<400x16xf32, #tpu.memory_space<vmem_shared>>
      tpu.wait_dma2 semaphore(%run_scoped3A_318 : memref<!tpu.dma_semaphore, #tpu.memory_space<semaphore_mem>>) src(%arg16 : memref<400x16xf32, #tpu.memory_space<vmem>>) dst(%dma_wait3A_324 : memref<400x16xf32, #tpu.memory_space<vmem_shared>>)
      tpu.yield
    }) : () -> ()
    %mul3A_60 = arith.constant 6400 : i32
    %mul3A_61 = arith.muli %arg1, %mul3A_60 : i32
    %add3A_62 = arith.constant 5200 : i32
    %add3A_63 = arith.addi %mul3A_61, %add3A_62 : i32
    "tpu.region"() ({
      %run_scoped3A_318 = tpu.sem_alloc : memref<!tpu.dma_semaphore, #tpu.memory_space<semaphore_mem>>
      %dma_start3A = arith.constant 0 : i32
      %dma_start3A_319 = tpu.memref_slice %arg9[%add3A_63, %dma_start3A] : memref<102400x16xf32, #tpu.memory_space<vmem_shared>> -> memref<400x16xf32, #tpu.memory_space<vmem_shared>>
      %dma_start3A_320 = arith.constant 0 : i32
      %dma_start3A_321 = tpu.memref_slice %arg9[%add3A_63, %dma_start3A_320] : memref<102400x16xf32, #tpu.memory_space<vmem_shared>> -> memref<400x16xf32, #tpu.memory_space<vmem_shared>>
      tpu.enqueue_dma source(%arg16 : memref<400x16xf32, #tpu.memory_space<vmem>>) target(%dma_start3A_321 : memref<400x16xf32, #tpu.memory_space<vmem_shared>>) target_semaphore(%run_scoped3A_318 : memref<!tpu.dma_semaphore, #tpu.memory_space<semaphore_mem>>)
      %dma_wait3A = arith.constant 0 : i32
      %dma_wait3A_322 = tpu.memref_slice %arg9[%add3A_63, %dma_wait3A] : memref<102400x16xf32, #tpu.memory_space<vmem_shared>> -> memref<400x16xf32, #tpu.memory_space<vmem_shared>>
      %dma_wait3A_323 = arith.constant 0 : i32
      %dma_wait3A_324 = tpu.memref_slice %arg9[%add3A_63, %dma_wait3A_323] : memref<102400x16xf32, #tpu.memory_space<vmem_shared>> -> memref<400x16xf32, #tpu.memory_space<vmem_shared>>
      tpu.wait_dma2 semaphore(%run_scoped3A_318 : memref<!tpu.dma_semaphore, #tpu.memory_space<semaphore_mem>>) src(%arg16 : memref<400x16xf32, #tpu.memory_space<vmem>>) dst(%dma_wait3A_324 : memref<400x16xf32, #tpu.memory_space<vmem_shared>>)
      tpu.yield
    }) : () -> ()
    %mul3A_64 = arith.constant 6400 : i32
    %mul3A_65 = arith.muli %arg1, %mul3A_64 : i32
    %add3A_66 = arith.constant 5600 : i32
    %add3A_67 = arith.addi %mul3A_65, %add3A_66 : i32
    "tpu.region"() ({
      %run_scoped3A_318 = tpu.sem_alloc : memref<!tpu.dma_semaphore, #tpu.memory_space<semaphore_mem>>
      %dma_start3A = arith.constant 0 : i32
      %dma_start3A_319 = tpu.memref_slice %arg9[%add3A_67, %dma_start3A] : memref<102400x16xf32, #tpu.memory_space<vmem_shared>> -> memref<400x16xf32, #tpu.memory_space<vmem_shared>>
      %dma_start3A_320 = arith.constant 0 : i32
      %dma_start3A_321 = tpu.memref_slice %arg9[%add3A_67, %dma_start3A_320] : memref<102400x16xf32, #tpu.memory_space<vmem_shared>> -> memref<400x16xf32, #tpu.memory_space<vmem_shared>>
      tpu.enqueue_dma source(%arg16 : memref<400x16xf32, #tpu.memory_space<vmem>>) target(%dma_start3A_321 : memref<400x16xf32, #tpu.memory_space<vmem_shared>>) target_semaphore(%run_scoped3A_318 : memref<!tpu.dma_semaphore, #tpu.memory_space<semaphore_mem>>)
      %dma_wait3A = arith.constant 0 : i32
      %dma_wait3A_322 = tpu.memref_slice %arg9[%add3A_67, %dma_wait3A] : memref<102400x16xf32, #tpu.memory_space<vmem_shared>> -> memref<400x16xf32, #tpu.memory_space<vmem_shared>>
      %dma_wait3A_323 = arith.constant 0 : i32
      %dma_wait3A_324 = tpu.memref_slice %arg9[%add3A_67, %dma_wait3A_323] : memref<102400x16xf32, #tpu.memory_space<vmem_shared>> -> memref<400x16xf32, #tpu.memory_space<vmem_shared>>
      tpu.wait_dma2 semaphore(%run_scoped3A_318 : memref<!tpu.dma_semaphore, #tpu.memory_space<semaphore_mem>>) src(%arg16 : memref<400x16xf32, #tpu.memory_space<vmem>>) dst(%dma_wait3A_324 : memref<400x16xf32, #tpu.memory_space<vmem_shared>>)
      tpu.yield
    }) : () -> ()
    %mul3A_68 = arith.constant 6400 : i32
    %mul3A_69 = arith.muli %arg1, %mul3A_68 : i32
    %add3A_70 = arith.constant 6000 : i32
    %add3A_71 = arith.addi %mul3A_69, %add3A_70 : i32
    "tpu.region"() ({
      %run_scoped3A_318 = tpu.sem_alloc : memref<!tpu.dma_semaphore, #tpu.memory_space<semaphore_mem>>
      %dma_start3A = arith.constant 0 : i32
      %dma_start3A_319 = tpu.memref_slice %arg9[%add3A_71, %dma_start3A] : memref<102400x16xf32, #tpu.memory_space<vmem_shared>> -> memref<400x16xf32, #tpu.memory_space<vmem_shared>>
      %dma_start3A_320 = arith.constant 0 : i32
      %dma_start3A_321 = tpu.memref_slice %arg9[%add3A_71, %dma_start3A_320] : memref<102400x16xf32, #tpu.memory_space<vmem_shared>> -> memref<400x16xf32, #tpu.memory_space<vmem_shared>>
      tpu.enqueue_dma source(%arg16 : memref<400x16xf32, #tpu.memory_space<vmem>>) target(%dma_start3A_321 : memref<400x16xf32, #tpu.memory_space<vmem_shared>>) target_semaphore(%run_scoped3A_318 : memref<!tpu.dma_semaphore, #tpu.memory_space<semaphore_mem>>)
      %dma_wait3A = arith.constant 0 : i32
      %dma_wait3A_322 = tpu.memref_slice %arg9[%add3A_71, %dma_wait3A] : memref<102400x16xf32, #tpu.memory_space<vmem_shared>> -> memref<400x16xf32, #tpu.memory_space<vmem_shared>>
      %dma_wait3A_323 = arith.constant 0 : i32
      %dma_wait3A_324 = tpu.memref_slice %arg9[%add3A_71, %dma_wait3A_323] : memref<102400x16xf32, #tpu.memory_space<vmem_shared>> -> memref<400x16xf32, #tpu.memory_space<vmem_shared>>
      tpu.wait_dma2 semaphore(%run_scoped3A_318 : memref<!tpu.dma_semaphore, #tpu.memory_space<semaphore_mem>>) src(%arg16 : memref<400x16xf32, #tpu.memory_space<vmem>>) dst(%dma_wait3A_324 : memref<400x16xf32, #tpu.memory_space<vmem_shared>>)
      tpu.yield
    }) : () -> ()
    %barrier3A = arith.constant 0 : index
    tpu.barrier barrier_id(%barrier3A)
    %scan3A_72 = arith.constant 0 : i32
    %scan3A_73 = arith.constant 0 : i32
    %scan3A_74 = arith.constant 392 : i32
    %scan3A_75 = arith.addi %scan3A_73, %scan3A_74 : i32
    %scan3A_76 = arith.constant 1 : i32
    scf.for %scan3A_318 = %scan3A_73 to %scan3A_75 step %scan3A_76  : i32 {
      %mul3A_319 = arith.constant 512 : i32
      %mul3A_320 = arith.muli %scan3A_318, %mul3A_319 : i32
      %add3A_321 = arith.addi %mul3A_7, %mul3A_320 : i32
      "tpu.region"() ({
        %run_scoped3A_336 = tpu.sem_alloc : memref<!tpu.dma_semaphore, #tpu.memory_space<semaphore_mem>>
        %dma_start3A_337 = tpu.memref_slice %arg6[%add3A_321] : memref<6422528xi32, #tpu.memory_space<hbm>> -> memref<256xi32, #tpu.memory_space<hbm>>
        %dma_start3A_338 = tpu.memref_slice %arg6[%add3A_321] : memref<6422528xi32, #tpu.memory_space<hbm>> -> memref<256xi32, #tpu.memory_space<hbm>>
        tpu.enqueue_dma source(%dma_start3A_338 : memref<256xi32, #tpu.memory_space<hbm>>) target(%arg10 : memref<256xi32, #tpu.memory_space<vmem>>) target_semaphore(%run_scoped3A_336 : memref<!tpu.dma_semaphore, #tpu.memory_space<semaphore_mem>>)
        %dma_wait3A_339 = tpu.memref_slice %arg6[%add3A_321] : memref<6422528xi32, #tpu.memory_space<hbm>> -> memref<256xi32, #tpu.memory_space<hbm>>
        %dma_wait3A_340 = tpu.memref_slice %arg6[%add3A_321] : memref<6422528xi32, #tpu.memory_space<hbm>> -> memref<256xi32, #tpu.memory_space<hbm>>
        tpu.wait_dma2 semaphore(%run_scoped3A_336 : memref<!tpu.dma_semaphore, #tpu.memory_space<semaphore_mem>>) src(%dma_wait3A_340 : memref<256xi32, #tpu.memory_space<hbm>>) dst(%arg10 : memref<256xi32, #tpu.memory_space<vmem>>)
        tpu.yield
      }) : () -> ()
      "tpu.region"() ({
        %run_scoped3A_336 = tpu.sem_alloc : memref<!tpu.dma_semaphore, #tpu.memory_space<semaphore_mem>>
        %dma_start3A_337 = tpu.memref_slice %arg7[%add3A_321] : memref<6422528xi32, #tpu.memory_space<hbm>> -> memref<256xi32, #tpu.memory_space<hbm>>
        %dma_start3A_338 = tpu.memref_slice %arg7[%add3A_321] : memref<6422528xi32, #tpu.memory_space<hbm>> -> memref<256xi32, #tpu.memory_space<hbm>>
        tpu.enqueue_dma source(%dma_start3A_338 : memref<256xi32, #tpu.memory_space<hbm>>) target(%arg11 : memref<256xi32, #tpu.memory_space<vmem>>) target_semaphore(%run_scoped3A_336 : memref<!tpu.dma_semaphore, #tpu.memory_space<semaphore_mem>>)
        %dma_wait3A_339 = tpu.memref_slice %arg7[%add3A_321] : memref<6422528xi32, #tpu.memory_space<hbm>> -> memref<256xi32, #tpu.memory_space<hbm>>
        %dma_wait3A_340 = tpu.memref_slice %arg7[%add3A_321] : memref<6422528xi32, #tpu.memory_space<hbm>> -> memref<256xi32, #tpu.memory_space<hbm>>
        tpu.wait_dma2 semaphore(%run_scoped3A_336 : memref<!tpu.dma_semaphore, #tpu.memory_space<semaphore_mem>>) src(%dma_wait3A_340 : memref<256xi32, #tpu.memory_space<hbm>>) dst(%arg11 : memref<256xi32, #tpu.memory_space<vmem>>)
        tpu.yield
      }) : () -> ()
      %dma_start3A = arith.constant 0 : i32
      %dma_start3A_322 = arith.constant 0 : i32
      %dma_start3A_323 = tpu.memref_slice %arg2[%dma_start3A, %dma_start3A_322] : memref<100000x32xf32, #tpu.memory_space<hbm>> -> memref<100000x32xf32, #tpu.memory_space<hbm>>
      tpu.enqueue_indirect_dma source(%dma_start3A_323 : memref<100000x32xf32, #tpu.memory_space<hbm>>) target(%arg12 : memref<256x32xf32, #tpu.memory_space<vmem>>) offsets(%arg10 : memref<256xi32, #tpu.memory_space<vmem>>) semaphore(%arg17 : memref<!tpu.dma_semaphore, #tpu.memory_space<semaphore_mem>>)
      %add3A_324 = arith.constant 256 : i32
      %add3A_325 = arith.addi %add3A_321, %add3A_324 : i32
      "tpu.region"() ({
        %run_scoped3A_336 = tpu.sem_alloc : memref<!tpu.dma_semaphore, #tpu.memory_space<semaphore_mem>>
        %dma_start3A_337 = tpu.memref_slice %arg6[%add3A_325] : memref<6422528xi32, #tpu.memory_space<hbm>> -> memref<256xi32, #tpu.memory_space<hbm>>
        %dma_start3A_338 = tpu.memref_slice %arg6[%add3A_325] : memref<6422528xi32, #tpu.memory_space<hbm>> -> memref<256xi32, #tpu.memory_space<hbm>>
        tpu.enqueue_dma source(%dma_start3A_338 : memref<256xi32, #tpu.memory_space<hbm>>) target(%arg13 : memref<256xi32, #tpu.memory_space<vmem>>) target_semaphore(%run_scoped3A_336 : memref<!tpu.dma_semaphore, #tpu.memory_space<semaphore_mem>>)
        %dma_wait3A_339 = tpu.memref_slice %arg6[%add3A_325] : memref<6422528xi32, #tpu.memory_space<hbm>> -> memref<256xi32, #tpu.memory_space<hbm>>
        %dma_wait3A_340 = tpu.memref_slice %arg6[%add3A_325] : memref<6422528xi32, #tpu.memory_space<hbm>> -> memref<256xi32, #tpu.memory_space<hbm>>
        tpu.wait_dma2 semaphore(%run_scoped3A_336 : memref<!tpu.dma_semaphore, #tpu.memory_space<semaphore_mem>>) src(%dma_wait3A_340 : memref<256xi32, #tpu.memory_space<hbm>>) dst(%arg13 : memref<256xi32, #tpu.memory_space<vmem>>)
        tpu.yield
      }) : () -> ()
      %add3A_326 = arith.constant 256 : i32
      %add3A_327 = arith.addi %add3A_321, %add3A_326 : i32
      "tpu.region"() ({
        %run_scoped3A_336 = tpu.sem_alloc : memref<!tpu.dma_semaphore, #tpu.memory_space<semaphore_mem>>
        %dma_start3A_337 = tpu.memref_slice %arg7[%add3A_327] : memref<6422528xi32, #tpu.memory_space<hbm>> -> memref<256xi32, #tpu.memory_space<hbm>>
        %dma_start3A_338 = tpu.memref_slice %arg7[%add3A_327] : memref<6422528xi32, #tpu.memory_space<hbm>> -> memref<256xi32, #tpu.memory_space<hbm>>
        tpu.enqueue_dma source(%dma_start3A_338 : memref<256xi32, #tpu.memory_space<hbm>>) target(%arg14 : memref<256xi32, #tpu.memory_space<vmem>>) target_semaphore(%run_scoped3A_336 : memref<!tpu.dma_semaphore, #tpu.memory_space<semaphore_mem>>)
        %dma_wait3A_339 = tpu.memref_slice %arg7[%add3A_327] : memref<6422528xi32, #tpu.memory_space<hbm>> -> memref<256xi32, #tpu.memory_space<hbm>>
        %dma_wait3A_340 = tpu.memref_slice %arg7[%add3A_327] : memref<6422528xi32, #tpu.memory_space<hbm>> -> memref<256xi32, #tpu.memory_space<hbm>>
        tpu.wait_dma2 semaphore(%run_scoped3A_336 : memref<!tpu.dma_semaphore, #tpu.memory_space<semaphore_mem>>) src(%dma_wait3A_340 : memref<256xi32, #tpu.memory_space<hbm>>) dst(%arg14 : memref<256xi32, #tpu.memory_space<vmem>>)
        tpu.yield
      }) : () -> ()
      %dma_start3A_328 = arith.constant 0 : i32
      %dma_start3A_329 = arith.constant 0 : i32
      %dma_start3A_330 = tpu.memref_slice %arg2[%dma_start3A_328, %dma_start3A_329] : memref<100000x32xf32, #tpu.memory_space<hbm>> -> memref<100000x32xf32, #tpu.memory_space<hbm>>
      tpu.enqueue_indirect_dma source(%dma_start3A_330 : memref<100000x32xf32, #tpu.memory_space<hbm>>) target(%arg15 : memref<256x32xf32, #tpu.memory_space<vmem>>) offsets(%arg13 : memref<256xi32, #tpu.memory_space<vmem>>) semaphore(%arg18 : memref<!tpu.dma_semaphore, #tpu.memory_space<semaphore_mem>>)
      %dma_wait3A = arith.constant 0 : i32
      %dma_wait3A_331 = arith.constant 0 : i32
      %dma_wait3A_332 = tpu.memref_slice %arg2[%dma_wait3A, %dma_wait3A_331] : memref<100000x32xf32, #tpu.memory_space<hbm>> -> memref<100000x32xf32, #tpu.memory_space<hbm>>
      tpu.wait_indirect_dma semaphore(%arg17 : memref<!tpu.dma_semaphore, #tpu.memory_space<semaphore_mem>>) src(%dma_wait3A_332 : memref<100000x32xf32, #tpu.memory_space<hbm>>) dst(%arg12 : memref<256x32xf32, #tpu.memory_space<vmem>>)
      %dma_wait3A_333 = arith.constant 0 : i32
      %dma_wait3A_334 = arith.constant 0 : i32
      %dma_wait3A_335 = tpu.memref_slice %arg2[%dma_wait3A_333, %dma_wait3A_334] : memref<100000x32xf32, #tpu.memory_space<hbm>> -> memref<100000x32xf32, #tpu.memory_space<hbm>>
      tpu.wait_indirect_dma semaphore(%arg18 : memref<!tpu.dma_semaphore, #tpu.memory_space<semaphore_mem>>) src(%dma_wait3A_335 : memref<100000x32xf32, #tpu.memory_space<hbm>>) dst(%arg15 : memref<256x32xf32, #tpu.memory_space<vmem>>)
    }
    %scan3A_77 = arith.constant 392 : i32
    %barrier3A_78 = arith.constant 0 : index
    tpu.barrier barrier_id(%barrier3A_78)
    %mul3A_79 = arith.constant 6400 : i32
    %mul3A_80 = arith.muli %arg1, %mul3A_79 : i32
    %mul3A_81 = arith.constant 6400 : i32
    %mul3A_82 = arith.muli %arg1, %mul3A_81 : i32
    %run_scoped3A = arith.constant 0 : i32
    "tpu.region"() ({
      %run_scoped3A_318 = tpu.sem_alloc : memref<!tpu.dma_semaphore, #tpu.memory_space<semaphore_mem>>
      %dma_start3A = arith.constant 0 : i32
      %dma_start3A_319 = tpu.memref_slice %arg8[%run_scoped3A, %arg0, %mul3A_82, %dma_start3A] : memref<4x2x102400x16xf32, #tpu.memory_space<hbm>> -> memref<1x1x6400x16xf32, #tpu.memory_space<hbm>>
      %dma_start3A_320 = tpu.memref_squeeze %dma_start3A_319 : memref<1x1x6400x16xf32, #tpu.memory_space<hbm>> -> memref<6400x16xf32, #tpu.memory_space<hbm>>
      %dma_start3A_321 = arith.constant 0 : i32
      %dma_start3A_322 = tpu.memref_slice %arg9[%mul3A_80, %dma_start3A_321] : memref<102400x16xf32, #tpu.memory_space<vmem_shared>> -> memref<6400x16xf32, #tpu.memory_space<vmem_shared>>
      tpu.enqueue_dma source(%dma_start3A_322 : memref<6400x16xf32, #tpu.memory_space<vmem_shared>>) target(%dma_start3A_320 : memref<6400x16xf32, #tpu.memory_space<hbm>>) target_semaphore(%run_scoped3A_318 : memref<!tpu.dma_semaphore, #tpu.memory_space<semaphore_mem>>)
      %dma_wait3A = arith.constant 0 : i32
      %dma_wait3A_323 = tpu.memref_slice %arg8[%run_scoped3A, %arg0, %mul3A_82, %dma_wait3A] : memref<4x2x102400x16xf32, #tpu.memory_space<hbm>> -> memref<1x1x6400x16xf32, #tpu.memory_space<hbm>>
      %dma_wait3A_324 = tpu.memref_squeeze %dma_wait3A_323 : memref<1x1x6400x16xf32, #tpu.memory_space<hbm>> -> memref<6400x16xf32, #tpu.memory_space<hbm>>
      %dma_wait3A_325 = arith.constant 0 : i32
      %dma_wait3A_326 = tpu.memref_slice %arg9[%mul3A_80, %dma_wait3A_325] : memref<102400x16xf32, #tpu.memory_space<vmem_shared>> -> memref<6400x16xf32, #tpu.memory_space<vmem_shared>>
      tpu.wait_dma2 semaphore(%run_scoped3A_318 : memref<!tpu.dma_semaphore, #tpu.memory_space<semaphore_mem>>) src(%dma_wait3A_326 : memref<6400x16xf32, #tpu.memory_space<vmem_shared>>) dst(%dma_wait3A_324 : memref<6400x16xf32, #tpu.memory_space<hbm>>)
      tpu.yield
    }) : () -> ()
    %barrier3A_83 = arith.constant 0 : index
    tpu.barrier barrier_id(%barrier3A_83)
    %mul3A_84 = arith.constant 6400 : i32
    %mul3A_85 = arith.muli %arg1, %mul3A_84 : i32
    %add3A_86 = arith.constant 0 : i32
    %add3A_87 = arith.addi %mul3A_85, %add3A_86 : i32
    "tpu.region"() ({
      %run_scoped3A_318 = tpu.sem_alloc : memref<!tpu.dma_semaphore, #tpu.memory_space<semaphore_mem>>
      %dma_start3A = arith.constant 0 : i32
      %dma_start3A_319 = tpu.memref_slice %arg9[%add3A_87, %dma_start3A] : memref<102400x16xf32, #tpu.memory_space<vmem_shared>> -> memref<400x16xf32, #tpu.memory_space<vmem_shared>>
      %dma_start3A_320 = arith.constant 0 : i32
      %dma_start3A_321 = tpu.memref_slice %arg9[%add3A_87, %dma_start3A_320] : memref<102400x16xf32, #tpu.memory_space<vmem_shared>> -> memref<400x16xf32, #tpu.memory_space<vmem_shared>>
      tpu.enqueue_dma source(%arg16 : memref<400x16xf32, #tpu.memory_space<vmem>>) target(%dma_start3A_321 : memref<400x16xf32, #tpu.memory_space<vmem_shared>>) target_semaphore(%run_scoped3A_318 : memref<!tpu.dma_semaphore, #tpu.memory_space<semaphore_mem>>)
      %dma_wait3A = arith.constant 0 : i32
      %dma_wait3A_322 = tpu.memref_slice %arg9[%add3A_87, %dma_wait3A] : memref<102400x16xf32, #tpu.memory_space<vmem_shared>> -> memref<400x16xf32, #tpu.memory_space<vmem_shared>>
      %dma_wait3A_323 = arith.constant 0 : i32
      %dma_wait3A_324 = tpu.memref_slice %arg9[%add3A_87, %dma_wait3A_323] : memref<102400x16xf32, #tpu.memory_space<vmem_shared>> -> memref<400x16xf32, #tpu.memory_space<vmem_shared>>
      tpu.wait_dma2 semaphore(%run_scoped3A_318 : memref<!tpu.dma_semaphore, #tpu.memory_space<semaphore_mem>>) src(%arg16 : memref<400x16xf32, #tpu.memory_space<vmem>>) dst(%dma_wait3A_324 : memref<400x16xf32, #tpu.memory_space<vmem_shared>>)
      tpu.yield
    }) : () -> ()
    %mul3A_88 = arith.constant 6400 : i32
    %mul3A_89 = arith.muli %arg1, %mul3A_88 : i32
    %add3A_90 = arith.constant 400 : i32
    %add3A_91 = arith.addi %mul3A_89, %add3A_90 : i32
    "tpu.region"() ({
      %run_scoped3A_318 = tpu.sem_alloc : memref<!tpu.dma_semaphore, #tpu.memory_space<semaphore_mem>>
      %dma_start3A = arith.constant 0 : i32
      %dma_start3A_319 = tpu.memref_slice %arg9[%add3A_91, %dma_start3A] : memref<102400x16xf32, #tpu.memory_space<vmem_shared>> -> memref<400x16xf32, #tpu.memory_space<vmem_shared>>
      %dma_start3A_320 = arith.constant 0 : i32
      %dma_start3A_321 = tpu.memref_slice %arg9[%add3A_91, %dma_start3A_320] : memref<102400x16xf32, #tpu.memory_space<vmem_shared>> -> memref<400x16xf32, #tpu.memory_space<vmem_shared>>
      tpu.enqueue_dma source(%arg16 : memref<400x16xf32, #tpu.memory_space<vmem>>) target(%dma_start3A_321 : memref<400x16xf32, #tpu.memory_space<vmem_shared>>) target_semaphore(%run_scoped3A_318 : memref<!tpu.dma_semaphore, #tpu.memory_space<semaphore_mem>>)
      %dma_wait3A = arith.constant 0 : i32
      %dma_wait3A_322 = tpu.memref_slice %arg9[%add3A_91, %dma_wait3A] : memref<102400x16xf32, #tpu.memory_space<vmem_shared>> -> memref<400x16xf32, #tpu.memory_space<vmem_shared>>
      %dma_wait3A_323 = arith.constant 0 : i32
      %dma_wait3A_324 = tpu.memref_slice %arg9[%add3A_91, %dma_wait3A_323] : memref<102400x16xf32, #tpu.memory_space<vmem_shared>> -> memref<400x16xf32, #tpu.memory_space<vmem_shared>>
      tpu.wait_dma2 semaphore(%run_scoped3A_318 : memref<!tpu.dma_semaphore, #tpu.memory_space<semaphore_mem>>) src(%arg16 : memref<400x16xf32, #tpu.memory_space<vmem>>) dst(%dma_wait3A_324 : memref<400x16xf32, #tpu.memory_space<vmem_shared>>)
      tpu.yield
    }) : () -> ()
    %mul3A_92 = arith.constant 6400 : i32
    %mul3A_93 = arith.muli %arg1, %mul3A_92 : i32
    %add3A_94 = arith.constant 800 : i32
    %add3A_95 = arith.addi %mul3A_93, %add3A_94 : i32
    "tpu.region"() ({
      %run_scoped3A_318 = tpu.sem_alloc : memref<!tpu.dma_semaphore, #tpu.memory_space<semaphore_mem>>
      %dma_start3A = arith.constant 0 : i32
      %dma_start3A_319 = tpu.memref_slice %arg9[%add3A_95, %dma_start3A] : memref<102400x16xf32, #tpu.memory_space<vmem_shared>> -> memref<400x16xf32, #tpu.memory_space<vmem_shared>>
      %dma_start3A_320 = arith.constant 0 : i32
      %dma_start3A_321 = tpu.memref_slice %arg9[%add3A_95, %dma_start3A_320] : memref<102400x16xf32, #tpu.memory_space<vmem_shared>> -> memref<400x16xf32, #tpu.memory_space<vmem_shared>>
      tpu.enqueue_dma source(%arg16 : memref<400x16xf32, #tpu.memory_space<vmem>>) target(%dma_start3A_321 : memref<400x16xf32, #tpu.memory_space<vmem_shared>>) target_semaphore(%run_scoped3A_318 : memref<!tpu.dma_semaphore, #tpu.memory_space<semaphore_mem>>)
      %dma_wait3A = arith.constant 0 : i32
      %dma_wait3A_322 = tpu.memref_slice %arg9[%add3A_95, %dma_wait3A] : memref<102400x16xf32, #tpu.memory_space<vmem_shared>> -> memref<400x16xf32, #tpu.memory_space<vmem_shared>>
      %dma_wait3A_323 = arith.constant 0 : i32
      %dma_wait3A_324 = tpu.memref_slice %arg9[%add3A_95, %dma_wait3A_323] : memref<102400x16xf32, #tpu.memory_space<vmem_shared>> -> memref<400x16xf32, #tpu.memory_space<vmem_shared>>
      tpu.wait_dma2 semaphore(%run_scoped3A_318 : memref<!tpu.dma_semaphore, #tpu.memory_space<semaphore_mem>>) src(%arg16 : memref<400x16xf32, #tpu.memory_space<vmem>>) dst(%dma_wait3A_324 : memref<400x16xf32, #tpu.memory_space<vmem_shared>>)
      tpu.yield
    }) : () -> ()
    %mul3A_96 = arith.constant 6400 : i32
    %mul3A_97 = arith.muli %arg1, %mul3A_96 : i32
    %add3A_98 = arith.constant 1200 : i32
    %add3A_99 = arith.addi %mul3A_97, %add3A_98 : i32
    "tpu.region"() ({
      %run_scoped3A_318 = tpu.sem_alloc : memref<!tpu.dma_semaphore, #tpu.memory_space<semaphore_mem>>
      %dma_start3A = arith.constant 0 : i32
      %dma_start3A_319 = tpu.memref_slice %arg9[%add3A_99, %dma_start3A] : memref<102400x16xf32, #tpu.memory_space<vmem_shared>> -> memref<400x16xf32, #tpu.memory_space<vmem_shared>>
      %dma_start3A_320 = arith.constant 0 : i32
      %dma_start3A_321 = tpu.memref_slice %arg9[%add3A_99, %dma_start3A_320] : memref<102400x16xf32, #tpu.memory_space<vmem_shared>> -> memref<400x16xf32, #tpu.memory_space<vmem_shared>>
      tpu.enqueue_dma source(%arg16 : memref<400x16xf32, #tpu.memory_space<vmem>>) target(%dma_start3A_321 : memref<400x16xf32, #tpu.memory_space<vmem_shared>>) target_semaphore(%run_scoped3A_318 : memref<!tpu.dma_semaphore, #tpu.memory_space<semaphore_mem>>)
      %dma_wait3A = arith.constant 0 : i32
      %dma_wait3A_322 = tpu.memref_slice %arg9[%add3A_99, %dma_wait3A] : memref<102400x16xf32, #tpu.memory_space<vmem_shared>> -> memref<400x16xf32, #tpu.memory_space<vmem_shared>>
      %dma_wait3A_323 = arith.constant 0 : i32
      %dma_wait3A_324 = tpu.memref_slice %arg9[%add3A_99, %dma_wait3A_323] : memref<102400x16xf32, #tpu.memory_space<vmem_shared>> -> memref<400x16xf32, #tpu.memory_space<vmem_shared>>
      tpu.wait_dma2 semaphore(%run_scoped3A_318 : memref<!tpu.dma_semaphore, #tpu.memory_space<semaphore_mem>>) src(%arg16 : memref<400x16xf32, #tpu.memory_space<vmem>>) dst(%dma_wait3A_324 : memref<400x16xf32, #tpu.memory_space<vmem_shared>>)
      tpu.yield
    }) : () -> ()
    %mul3A_100 = arith.constant 6400 : i32
    %mul3A_101 = arith.muli %arg1, %mul3A_100 : i32
    %add3A_102 = arith.constant 1600 : i32
    %add3A_103 = arith.addi %mul3A_101, %add3A_102 : i32
    "tpu.region"() ({
      %run_scoped3A_318 = tpu.sem_alloc : memref<!tpu.dma_semaphore, #tpu.memory_space<semaphore_mem>>
      %dma_start3A = arith.constant 0 : i32
      %dma_start3A_319 = tpu.memref_slice %arg9[%add3A_103, %dma_start3A] : memref<102400x16xf32, #tpu.memory_space<vmem_shared>> -> memref<400x16xf32, #tpu.memory_space<vmem_shared>>
      %dma_start3A_320 = arith.constant 0 : i32
      %dma_start3A_321 = tpu.memref_slice %arg9[%add3A_103, %dma_start3A_320] : memref<102400x16xf32, #tpu.memory_space<vmem_shared>> -> memref<400x16xf32, #tpu.memory_space<vmem_shared>>
      tpu.enqueue_dma source(%arg16 : memref<400x16xf32, #tpu.memory_space<vmem>>) target(%dma_start3A_321 : memref<400x16xf32, #tpu.memory_space<vmem_shared>>) target_semaphore(%run_scoped3A_318 : memref<!tpu.dma_semaphore, #tpu.memory_space<semaphore_mem>>)
      %dma_wait3A = arith.constant 0 : i32
      %dma_wait3A_322 = tpu.memref_slice %arg9[%add3A_103, %dma_wait3A] : memref<102400x16xf32, #tpu.memory_space<vmem_shared>> -> memref<400x16xf32, #tpu.memory_space<vmem_shared>>
      %dma_wait3A_323 = arith.constant 0 : i32
      %dma_wait3A_324 = tpu.memref_slice %arg9[%add3A_103, %dma_wait3A_323] : memref<102400x16xf32, #tpu.memory_space<vmem_shared>> -> memref<400x16xf32, #tpu.memory_space<vmem_shared>>
      tpu.wait_dma2 semaphore(%run_scoped3A_318 : memref<!tpu.dma_semaphore, #tpu.memory_space<semaphore_mem>>) src(%arg16 : memref<400x16xf32, #tpu.memory_space<vmem>>) dst(%dma_wait3A_324 : memref<400x16xf32, #tpu.memory_space<vmem_shared>>)
      tpu.yield
    }) : () -> ()
    %mul3A_104 = arith.constant 6400 : i32
    %mul3A_105 = arith.muli %arg1, %mul3A_104 : i32
    %add3A_106 = arith.constant 2000 : i32
    %add3A_107 = arith.addi %mul3A_105, %add3A_106 : i32
    "tpu.region"() ({
      %run_scoped3A_318 = tpu.sem_alloc : memref<!tpu.dma_semaphore, #tpu.memory_space<semaphore_mem>>
      %dma_start3A = arith.constant 0 : i32
      %dma_start3A_319 = tpu.memref_slice %arg9[%add3A_107, %dma_start3A] : memref<102400x16xf32, #tpu.memory_space<vmem_shared>> -> memref<400x16xf32, #tpu.memory_space<vmem_shared>>
      %dma_start3A_320 = arith.constant 0 : i32
      %dma_start3A_321 = tpu.memref_slice %arg9[%add3A_107, %dma_start3A_320] : memref<102400x16xf32, #tpu.memory_space<vmem_shared>> -> memref<400x16xf32, #tpu.memory_space<vmem_shared>>
      tpu.enqueue_dma source(%arg16 : memref<400x16xf32, #tpu.memory_space<vmem>>) target(%dma_start3A_321 : memref<400x16xf32, #tpu.memory_space<vmem_shared>>) target_semaphore(%run_scoped3A_318 : memref<!tpu.dma_semaphore, #tpu.memory_space<semaphore_mem>>)
      %dma_wait3A = arith.constant 0 : i32
      %dma_wait3A_322 = tpu.memref_slice %arg9[%add3A_107, %dma_wait3A] : memref<102400x16xf32, #tpu.memory_space<vmem_shared>> -> memref<400x16xf32, #tpu.memory_space<vmem_shared>>
      %dma_wait3A_323 = arith.constant 0 : i32
      %dma_wait3A_324 = tpu.memref_slice %arg9[%add3A_107, %dma_wait3A_323] : memref<102400x16xf32, #tpu.memory_space<vmem_shared>> -> memref<400x16xf32, #tpu.memory_space<vmem_shared>>
      tpu.wait_dma2 semaphore(%run_scoped3A_318 : memref<!tpu.dma_semaphore, #tpu.memory_space<semaphore_mem>>) src(%arg16 : memref<400x16xf32, #tpu.memory_space<vmem>>) dst(%dma_wait3A_324 : memref<400x16xf32, #tpu.memory_space<vmem_shared>>)
      tpu.yield
    }) : () -> ()
    %mul3A_108 = arith.constant 6400 : i32
    %mul3A_109 = arith.muli %arg1, %mul3A_108 : i32
    %add3A_110 = arith.constant 2400 : i32
    %add3A_111 = arith.addi %mul3A_109, %add3A_110 : i32
    "tpu.region"() ({
      %run_scoped3A_318 = tpu.sem_alloc : memref<!tpu.dma_semaphore, #tpu.memory_space<semaphore_mem>>
      %dma_start3A = arith.constant 0 : i32
      %dma_start3A_319 = tpu.memref_slice %arg9[%add3A_111, %dma_start3A] : memref<102400x16xf32, #tpu.memory_space<vmem_shared>> -> memref<400x16xf32, #tpu.memory_space<vmem_shared>>
      %dma_start3A_320 = arith.constant 0 : i32
      %dma_start3A_321 = tpu.memref_slice %arg9[%add3A_111, %dma_start3A_320] : memref<102400x16xf32, #tpu.memory_space<vmem_shared>> -> memref<400x16xf32, #tpu.memory_space<vmem_shared>>
      tpu.enqueue_dma source(%arg16 : memref<400x16xf32, #tpu.memory_space<vmem>>) target(%dma_start3A_321 : memref<400x16xf32, #tpu.memory_space<vmem_shared>>) target_semaphore(%run_scoped3A_318 : memref<!tpu.dma_semaphore, #tpu.memory_space<semaphore_mem>>)
      %dma_wait3A = arith.constant 0 : i32
      %dma_wait3A_322 = tpu.memref_slice %arg9[%add3A_111, %dma_wait3A] : memref<102400x16xf32, #tpu.memory_space<vmem_shared>> -> memref<400x16xf32, #tpu.memory_space<vmem_shared>>
      %dma_wait3A_323 = arith.constant 0 : i32
      %dma_wait3A_324 = tpu.memref_slice %arg9[%add3A_111, %dma_wait3A_323] : memref<102400x16xf32, #tpu.memory_space<vmem_shared>> -> memref<400x16xf32, #tpu.memory_space<vmem_shared>>
      tpu.wait_dma2 semaphore(%run_scoped3A_318 : memref<!tpu.dma_semaphore, #tpu.memory_space<semaphore_mem>>) src(%arg16 : memref<400x16xf32, #tpu.memory_space<vmem>>) dst(%dma_wait3A_324 : memref<400x16xf32, #tpu.memory_space<vmem_shared>>)
      tpu.yield
    }) : () -> ()
    %mul3A_112 = arith.constant 6400 : i32
    %mul3A_113 = arith.muli %arg1, %mul3A_112 : i32
    %add3A_114 = arith.constant 2800 : i32
    %add3A_115 = arith.addi %mul3A_113, %add3A_114 : i32
    "tpu.region"() ({
      %run_scoped3A_318 = tpu.sem_alloc : memref<!tpu.dma_semaphore, #tpu.memory_space<semaphore_mem>>
      %dma_start3A = arith.constant 0 : i32
      %dma_start3A_319 = tpu.memref_slice %arg9[%add3A_115, %dma_start3A] : memref<102400x16xf32, #tpu.memory_space<vmem_shared>> -> memref<400x16xf32, #tpu.memory_space<vmem_shared>>
      %dma_start3A_320 = arith.constant 0 : i32
      %dma_start3A_321 = tpu.memref_slice %arg9[%add3A_115, %dma_start3A_320] : memref<102400x16xf32, #tpu.memory_space<vmem_shared>> -> memref<400x16xf32, #tpu.memory_space<vmem_shared>>
      tpu.enqueue_dma source(%arg16 : memref<400x16xf32, #tpu.memory_space<vmem>>) target(%dma_start3A_321 : memref<400x16xf32, #tpu.memory_space<vmem_shared>>) target_semaphore(%run_scoped3A_318 : memref<!tpu.dma_semaphore, #tpu.memory_space<semaphore_mem>>)
      %dma_wait3A = arith.constant 0 : i32
      %dma_wait3A_322 = tpu.memref_slice %arg9[%add3A_115, %dma_wait3A] : memref<102400x16xf32, #tpu.memory_space<vmem_shared>> -> memref<400x16xf32, #tpu.memory_space<vmem_shared>>
      %dma_wait3A_323 = arith.constant 0 : i32
      %dma_wait3A_324 = tpu.memref_slice %arg9[%add3A_115, %dma_wait3A_323] : memref<102400x16xf32, #tpu.memory_space<vmem_shared>> -> memref<400x16xf32, #tpu.memory_space<vmem_shared>>
      tpu.wait_dma2 semaphore(%run_scoped3A_318 : memref<!tpu.dma_semaphore, #tpu.memory_space<semaphore_mem>>) src(%arg16 : memref<400x16xf32, #tpu.memory_space<vmem>>) dst(%dma_wait3A_324 : memref<400x16xf32, #tpu.memory_space<vmem_shared>>)
      tpu.yield
    }) : () -> ()
    %mul3A_116 = arith.constant 6400 : i32
    %mul3A_117 = arith.muli %arg1, %mul3A_116 : i32
    %add3A_118 = arith.constant 3200 : i32
    %add3A_119 = arith.addi %mul3A_117, %add3A_118 : i32
    "tpu.region"() ({
      %run_scoped3A_318 = tpu.sem_alloc : memref<!tpu.dma_semaphore, #tpu.memory_space<semaphore_mem>>
      %dma_start3A = arith.constant 0 : i32
      %dma_start3A_319 = tpu.memref_slice %arg9[%add3A_119, %dma_start3A] : memref<102400x16xf32, #tpu.memory_space<vmem_shared>> -> memref<400x16xf32, #tpu.memory_space<vmem_shared>>
      %dma_start3A_320 = arith.constant 0 : i32
      %dma_start3A_321 = tpu.memref_slice %arg9[%add3A_119, %dma_start3A_320] : memref<102400x16xf32, #tpu.memory_space<vmem_shared>> -> memref<400x16xf32, #tpu.memory_space<vmem_shared>>
      tpu.enqueue_dma source(%arg16 : memref<400x16xf32, #tpu.memory_space<vmem>>) target(%dma_start3A_321 : memref<400x16xf32, #tpu.memory_space<vmem_shared>>) target_semaphore(%run_scoped3A_318 : memref<!tpu.dma_semaphore, #tpu.memory_space<semaphore_mem>>)
      %dma_wait3A = arith.constant 0 : i32
      %dma_wait3A_322 = tpu.memref_slice %arg9[%add3A_119, %dma_wait3A] : memref<102400x16xf32, #tpu.memory_space<vmem_shared>> -> memref<400x16xf32, #tpu.memory_space<vmem_shared>>
      %dma_wait3A_323 = arith.constant 0 : i32
      %dma_wait3A_324 = tpu.memref_slice %arg9[%add3A_119, %dma_wait3A_323] : memref<102400x16xf32, #tpu.memory_space<vmem_shared>> -> memref<400x16xf32, #tpu.memory_space<vmem_shared>>
      tpu.wait_dma2 semaphore(%run_scoped3A_318 : memref<!tpu.dma_semaphore, #tpu.memory_space<semaphore_mem>>) src(%arg16 : memref<400x16xf32, #tpu.memory_space<vmem>>) dst(%dma_wait3A_324 : memref<400x16xf32, #tpu.memory_space<vmem_shared>>)
      tpu.yield
    }) : () -> ()
    %mul3A_120 = arith.constant 6400 : i32
    %mul3A_121 = arith.muli %arg1, %mul3A_120 : i32
    %add3A_122 = arith.constant 3600 : i32
    %add3A_123 = arith.addi %mul3A_121, %add3A_122 : i32
    "tpu.region"() ({
      %run_scoped3A_318 = tpu.sem_alloc : memref<!tpu.dma_semaphore, #tpu.memory_space<semaphore_mem>>
      %dma_start3A = arith.constant 0 : i32
      %dma_start3A_319 = tpu.memref_slice %arg9[%add3A_123, %dma_start3A] : memref<102400x16xf32, #tpu.memory_space<vmem_shared>> -> memref<400x16xf32, #tpu.memory_space<vmem_shared>>
      %dma_start3A_320 = arith.constant 0 : i32
      %dma_start3A_321 = tpu.memref_slice %arg9[%add3A_123, %dma_start3A_320] : memref<102400x16xf32, #tpu.memory_space<vmem_shared>> -> memref<400x16xf32, #tpu.memory_space<vmem_shared>>
      tpu.enqueue_dma source(%arg16 : memref<400x16xf32, #tpu.memory_space<vmem>>) target(%dma_start3A_321 : memref<400x16xf32, #tpu.memory_space<vmem_shared>>) target_semaphore(%run_scoped3A_318 : memref<!tpu.dma_semaphore, #tpu.memory_space<semaphore_mem>>)
      %dma_wait3A = arith.constant 0 : i32
      %dma_wait3A_322 = tpu.memref_slice %arg9[%add3A_123, %dma_wait3A] : memref<102400x16xf32, #tpu.memory_space<vmem_shared>> -> memref<400x16xf32, #tpu.memory_space<vmem_shared>>
      %dma_wait3A_323 = arith.constant 0 : i32
      %dma_wait3A_324 = tpu.memref_slice %arg9[%add3A_123, %dma_wait3A_323] : memref<102400x16xf32, #tpu.memory_space<vmem_shared>> -> memref<400x16xf32, #tpu.memory_space<vmem_shared>>
      tpu.wait_dma2 semaphore(%run_scoped3A_318 : memref<!tpu.dma_semaphore, #tpu.memory_space<semaphore_mem>>) src(%arg16 : memref<400x16xf32, #tpu.memory_space<vmem>>) dst(%dma_wait3A_324 : memref<400x16xf32, #tpu.memory_space<vmem_shared>>)
      tpu.yield
    }) : () -> ()
    %mul3A_124 = arith.constant 6400 : i32
    %mul3A_125 = arith.muli %arg1, %mul3A_124 : i32
    %add3A_126 = arith.constant 4000 : i32
    %add3A_127 = arith.addi %mul3A_125, %add3A_126 : i32
    "tpu.region"() ({
      %run_scoped3A_318 = tpu.sem_alloc : memref<!tpu.dma_semaphore, #tpu.memory_space<semaphore_mem>>
      %dma_start3A = arith.constant 0 : i32
      %dma_start3A_319 = tpu.memref_slice %arg9[%add3A_127, %dma_start3A] : memref<102400x16xf32, #tpu.memory_space<vmem_shared>> -> memref<400x16xf32, #tpu.memory_space<vmem_shared>>
      %dma_start3A_320 = arith.constant 0 : i32
      %dma_start3A_321 = tpu.memref_slice %arg9[%add3A_127, %dma_start3A_320] : memref<102400x16xf32, #tpu.memory_space<vmem_shared>> -> memref<400x16xf32, #tpu.memory_space<vmem_shared>>
      tpu.enqueue_dma source(%arg16 : memref<400x16xf32, #tpu.memory_space<vmem>>) target(%dma_start3A_321 : memref<400x16xf32, #tpu.memory_space<vmem_shared>>) target_semaphore(%run_scoped3A_318 : memref<!tpu.dma_semaphore, #tpu.memory_space<semaphore_mem>>)
      %dma_wait3A = arith.constant 0 : i32
      %dma_wait3A_322 = tpu.memref_slice %arg9[%add3A_127, %dma_wait3A] : memref<102400x16xf32, #tpu.memory_space<vmem_shared>> -> memref<400x16xf32, #tpu.memory_space<vmem_shared>>
      %dma_wait3A_323 = arith.constant 0 : i32
      %dma_wait3A_324 = tpu.memref_slice %arg9[%add3A_127, %dma_wait3A_323] : memref<102400x16xf32, #tpu.memory_space<vmem_shared>> -> memref<400x16xf32, #tpu.memory_space<vmem_shared>>
      tpu.wait_dma2 semaphore(%run_scoped3A_318 : memref<!tpu.dma_semaphore, #tpu.memory_space<semaphore_mem>>) src(%arg16 : memref<400x16xf32, #tpu.memory_space<vmem>>) dst(%dma_wait3A_324 : memref<400x16xf32, #tpu.memory_space<vmem_shared>>)
      tpu.yield
    }) : () -> ()
    %mul3A_128 = arith.constant 6400 : i32
    %mul3A_129 = arith.muli %arg1, %mul3A_128 : i32
    %add3A_130 = arith.constant 4400 : i32
    %add3A_131 = arith.addi %mul3A_129, %add3A_130 : i32
    "tpu.region"() ({
      %run_scoped3A_318 = tpu.sem_alloc : memref<!tpu.dma_semaphore, #tpu.memory_space<semaphore_mem>>
      %dma_start3A = arith.constant 0 : i32
      %dma_start3A_319 = tpu.memref_slice %arg9[%add3A_131, %dma_start3A] : memref<102400x16xf32, #tpu.memory_space<vmem_shared>> -> memref<400x16xf32, #tpu.memory_space<vmem_shared>>
      %dma_start3A_320 = arith.constant 0 : i32
      %dma_start3A_321 = tpu.memref_slice %arg9[%add3A_131, %dma_start3A_320] : memref<102400x16xf32, #tpu.memory_space<vmem_shared>> -> memref<400x16xf32, #tpu.memory_space<vmem_shared>>
      tpu.enqueue_dma source(%arg16 : memref<400x16xf32, #tpu.memory_space<vmem>>) target(%dma_start3A_321 : memref<400x16xf32, #tpu.memory_space<vmem_shared>>) target_semaphore(%run_scoped3A_318 : memref<!tpu.dma_semaphore, #tpu.memory_space<semaphore_mem>>)
      %dma_wait3A = arith.constant 0 : i32
      %dma_wait3A_322 = tpu.memref_slice %arg9[%add3A_131, %dma_wait3A] : memref<102400x16xf32, #tpu.memory_space<vmem_shared>> -> memref<400x16xf32, #tpu.memory_space<vmem_shared>>
      %dma_wait3A_323 = arith.constant 0 : i32
      %dma_wait3A_324 = tpu.memref_slice %arg9[%add3A_131, %dma_wait3A_323] : memref<102400x16xf32, #tpu.memory_space<vmem_shared>> -> memref<400x16xf32, #tpu.memory_space<vmem_shared>>
      tpu.wait_dma2 semaphore(%run_scoped3A_318 : memref<!tpu.dma_semaphore, #tpu.memory_space<semaphore_mem>>) src(%arg16 : memref<400x16xf32, #tpu.memory_space<vmem>>) dst(%dma_wait3A_324 : memref<400x16xf32, #tpu.memory_space<vmem_shared>>)
      tpu.yield
    }) : () -> ()
    %mul3A_132 = arith.constant 6400 : i32
    %mul3A_133 = arith.muli %arg1, %mul3A_132 : i32
    %add3A_134 = arith.constant 4800 : i32
    %add3A_135 = arith.addi %mul3A_133, %add3A_134 : i32
    "tpu.region"() ({
      %run_scoped3A_318 = tpu.sem_alloc : memref<!tpu.dma_semaphore, #tpu.memory_space<semaphore_mem>>
      %dma_start3A = arith.constant 0 : i32
      %dma_start3A_319 = tpu.memref_slice %arg9[%add3A_135, %dma_start3A] : memref<102400x16xf32, #tpu.memory_space<vmem_shared>> -> memref<400x16xf32, #tpu.memory_space<vmem_shared>>
      %dma_start3A_320 = arith.constant 0 : i32
      %dma_start3A_321 = tpu.memref_slice %arg9[%add3A_135, %dma_start3A_320] : memref<102400x16xf32, #tpu.memory_space<vmem_shared>> -> memref<400x16xf32, #tpu.memory_space<vmem_shared>>
      tpu.enqueue_dma source(%arg16 : memref<400x16xf32, #tpu.memory_space<vmem>>) target(%dma_start3A_321 : memref<400x16xf32, #tpu.memory_space<vmem_shared>>) target_semaphore(%run_scoped3A_318 : memref<!tpu.dma_semaphore, #tpu.memory_space<semaphore_mem>>)
      %dma_wait3A = arith.constant 0 : i32
      %dma_wait3A_322 = tpu.memref_slice %arg9[%add3A_135, %dma_wait3A] : memref<102400x16xf32, #tpu.memory_space<vmem_shared>> -> memref<400x16xf32, #tpu.memory_space<vmem_shared>>
      %dma_wait3A_323 = arith.constant 0 : i32
      %dma_wait3A_324 = tpu.memref_slice %arg9[%add3A_135, %dma_wait3A_323] : memref<102400x16xf32, #tpu.memory_space<vmem_shared>> -> memref<400x16xf32, #tpu.memory_space<vmem_shared>>
      tpu.wait_dma2 semaphore(%run_scoped3A_318 : memref<!tpu.dma_semaphore, #tpu.memory_space<semaphore_mem>>) src(%arg16 : memref<400x16xf32, #tpu.memory_space<vmem>>) dst(%dma_wait3A_324 : memref<400x16xf32, #tpu.memory_space<vmem_shared>>)
      tpu.yield
    }) : () -> ()
    %mul3A_136 = arith.constant 6400 : i32
    %mul3A_137 = arith.muli %arg1, %mul3A_136 : i32
    %add3A_138 = arith.constant 5200 : i32
    %add3A_139 = arith.addi %mul3A_137, %add3A_138 : i32
    "tpu.region"() ({
      %run_scoped3A_318 = tpu.sem_alloc : memref<!tpu.dma_semaphore, #tpu.memory_space<semaphore_mem>>
      %dma_start3A = arith.constant 0 : i32
      %dma_start3A_319 = tpu.memref_slice %arg9[%add3A_139, %dma_start3A] : memref<102400x16xf32, #tpu.memory_space<vmem_shared>> -> memref<400x16xf32, #tpu.memory_space<vmem_shared>>
      %dma_start3A_320 = arith.constant 0 : i32
      %dma_start3A_321 = tpu.memref_slice %arg9[%add3A_139, %dma_start3A_320] : memref<102400x16xf32, #tpu.memory_space<vmem_shared>> -> memref<400x16xf32, #tpu.memory_space<vmem_shared>>
      tpu.enqueue_dma source(%arg16 : memref<400x16xf32, #tpu.memory_space<vmem>>) target(%dma_start3A_321 : memref<400x16xf32, #tpu.memory_space<vmem_shared>>) target_semaphore(%run_scoped3A_318 : memref<!tpu.dma_semaphore, #tpu.memory_space<semaphore_mem>>)
      %dma_wait3A = arith.constant 0 : i32
      %dma_wait3A_322 = tpu.memref_slice %arg9[%add3A_139, %dma_wait3A] : memref<102400x16xf32, #tpu.memory_space<vmem_shared>> -> memref<400x16xf32, #tpu.memory_space<vmem_shared>>
      %dma_wait3A_323 = arith.constant 0 : i32
      %dma_wait3A_324 = tpu.memref_slice %arg9[%add3A_139, %dma_wait3A_323] : memref<102400x16xf32, #tpu.memory_space<vmem_shared>> -> memref<400x16xf32, #tpu.memory_space<vmem_shared>>
      tpu.wait_dma2 semaphore(%run_scoped3A_318 : memref<!tpu.dma_semaphore, #tpu.memory_space<semaphore_mem>>) src(%arg16 : memref<400x16xf32, #tpu.memory_space<vmem>>) dst(%dma_wait3A_324 : memref<400x16xf32, #tpu.memory_space<vmem_shared>>)
      tpu.yield
    }) : () -> ()
    %mul3A_140 = arith.constant 6400 : i32
    %mul3A_141 = arith.muli %arg1, %mul3A_140 : i32
    %add3A_142 = arith.constant 5600 : i32
    %add3A_143 = arith.addi %mul3A_141, %add3A_142 : i32
    "tpu.region"() ({
      %run_scoped3A_318 = tpu.sem_alloc : memref<!tpu.dma_semaphore, #tpu.memory_space<semaphore_mem>>
      %dma_start3A = arith.constant 0 : i32
      %dma_start3A_319 = tpu.memref_slice %arg9[%add3A_143, %dma_start3A] : memref<102400x16xf32, #tpu.memory_space<vmem_shared>> -> memref<400x16xf32, #tpu.memory_space<vmem_shared>>
      %dma_start3A_320 = arith.constant 0 : i32
      %dma_start3A_321 = tpu.memref_slice %arg9[%add3A_143, %dma_start3A_320] : memref<102400x16xf32, #tpu.memory_space<vmem_shared>> -> memref<400x16xf32, #tpu.memory_space<vmem_shared>>
      tpu.enqueue_dma source(%arg16 : memref<400x16xf32, #tpu.memory_space<vmem>>) target(%dma_start3A_321 : memref<400x16xf32, #tpu.memory_space<vmem_shared>>) target_semaphore(%run_scoped3A_318 : memref<!tpu.dma_semaphore, #tpu.memory_space<semaphore_mem>>)
      %dma_wait3A = arith.constant 0 : i32
      %dma_wait3A_322 = tpu.memref_slice %arg9[%add3A_143, %dma_wait3A] : memref<102400x16xf32, #tpu.memory_space<vmem_shared>> -> memref<400x16xf32, #tpu.memory_space<vmem_shared>>
      %dma_wait3A_323 = arith.constant 0 : i32
      %dma_wait3A_324 = tpu.memref_slice %arg9[%add3A_143, %dma_wait3A_323] : memref<102400x16xf32, #tpu.memory_space<vmem_shared>> -> memref<400x16xf32, #tpu.memory_space<vmem_shared>>
      tpu.wait_dma2 semaphore(%run_scoped3A_318 : memref<!tpu.dma_semaphore, #tpu.memory_space<semaphore_mem>>) src(%arg16 : memref<400x16xf32, #tpu.memory_space<vmem>>) dst(%dma_wait3A_324 : memref<400x16xf32, #tpu.memory_space<vmem_shared>>)
      tpu.yield
    }) : () -> ()
    %mul3A_144 = arith.constant 6400 : i32
    %mul3A_145 = arith.muli %arg1, %mul3A_144 : i32
    %add3A_146 = arith.constant 6000 : i32
    %add3A_147 = arith.addi %mul3A_145, %add3A_146 : i32
    "tpu.region"() ({
      %run_scoped3A_318 = tpu.sem_alloc : memref<!tpu.dma_semaphore, #tpu.memory_space<semaphore_mem>>
      %dma_start3A = arith.constant 0 : i32
      %dma_start3A_319 = tpu.memref_slice %arg9[%add3A_147, %dma_start3A] : memref<102400x16xf32, #tpu.memory_space<vmem_shared>> -> memref<400x16xf32, #tpu.memory_space<vmem_shared>>
      %dma_start3A_320 = arith.constant 0 : i32
      %dma_start3A_321 = tpu.memref_slice %arg9[%add3A_147, %dma_start3A_320] : memref<102400x16xf32, #tpu.memory_space<vmem_shared>> -> memref<400x16xf32, #tpu.memory_space<vmem_shared>>
      tpu.enqueue_dma source(%arg16 : memref<400x16xf32, #tpu.memory_space<vmem>>) target(%dma_start3A_321 : memref<400x16xf32, #tpu.memory_space<vmem_shared>>) target_semaphore(%run_scoped3A_318 : memref<!tpu.dma_semaphore, #tpu.memory_space<semaphore_mem>>)
      %dma_wait3A = arith.constant 0 : i32
      %dma_wait3A_322 = tpu.memref_slice %arg9[%add3A_147, %dma_wait3A] : memref<102400x16xf32, #tpu.memory_space<vmem_shared>> -> memref<400x16xf32, #tpu.memory_space<vmem_shared>>
      %dma_wait3A_323 = arith.constant 0 : i32
      %dma_wait3A_324 = tpu.memref_slice %arg9[%add3A_147, %dma_wait3A_323] : memref<102400x16xf32, #tpu.memory_space<vmem_shared>> -> memref<400x16xf32, #tpu.memory_space<vmem_shared>>
      tpu.wait_dma2 semaphore(%run_scoped3A_318 : memref<!tpu.dma_semaphore, #tpu.memory_space<semaphore_mem>>) src(%arg16 : memref<400x16xf32, #tpu.memory_space<vmem>>) dst(%dma_wait3A_324 : memref<400x16xf32, #tpu.memory_space<vmem_shared>>)
      tpu.yield
    }) : () -> ()
    %barrier3A_148 = arith.constant 0 : index
    tpu.barrier barrier_id(%barrier3A_148)
    %scan3A_149 = arith.constant 0 : i32
    %scan3A_150 = arith.constant 0 : i32
    %scan3A_151 = arith.constant 392 : i32
    %scan3A_152 = arith.addi %scan3A_150, %scan3A_151 : i32
    %scan3A_153 = arith.constant 1 : i32
    scf.for %scan3A_318 = %scan3A_150 to %scan3A_152 step %scan3A_153  : i32 {
      %mul3A_319 = arith.constant 512 : i32
      %mul3A_320 = arith.muli %scan3A_318, %mul3A_319 : i32
      %add3A_321 = arith.addi %mul3A_7, %mul3A_320 : i32
      "tpu.region"() ({
        %run_scoped3A_336 = tpu.sem_alloc : memref<!tpu.dma_semaphore, #tpu.memory_space<semaphore_mem>>
        %dma_start3A_337 = tpu.memref_slice %arg6[%add3A_321] : memref<6422528xi32, #tpu.memory_space<hbm>> -> memref<256xi32, #tpu.memory_space<hbm>>
        %dma_start3A_338 = tpu.memref_slice %arg6[%add3A_321] : memref<6422528xi32, #tpu.memory_space<hbm>> -> memref<256xi32, #tpu.memory_space<hbm>>
        tpu.enqueue_dma source(%dma_start3A_338 : memref<256xi32, #tpu.memory_space<hbm>>) target(%arg10 : memref<256xi32, #tpu.memory_space<vmem>>) target_semaphore(%run_scoped3A_336 : memref<!tpu.dma_semaphore, #tpu.memory_space<semaphore_mem>>)
        %dma_wait3A_339 = tpu.memref_slice %arg6[%add3A_321] : memref<6422528xi32, #tpu.memory_space<hbm>> -> memref<256xi32, #tpu.memory_space<hbm>>
        %dma_wait3A_340 = tpu.memref_slice %arg6[%add3A_321] : memref<6422528xi32, #tpu.memory_space<hbm>> -> memref<256xi32, #tpu.memory_space<hbm>>
        tpu.wait_dma2 semaphore(%run_scoped3A_336 : memref<!tpu.dma_semaphore, #tpu.memory_space<semaphore_mem>>) src(%dma_wait3A_340 : memref<256xi32, #tpu.memory_space<hbm>>) dst(%arg10 : memref<256xi32, #tpu.memory_space<vmem>>)
        tpu.yield
      }) : () -> ()
      "tpu.region"() ({
        %run_scoped3A_336 = tpu.sem_alloc : memref<!tpu.dma_semaphore, #tpu.memory_space<semaphore_mem>>
        %dma_start3A_337 = tpu.memref_slice %arg7[%add3A_321] : memref<6422528xi32, #tpu.memory_space<hbm>> -> memref<256xi32, #tpu.memory_space<hbm>>
        %dma_start3A_338 = tpu.memref_slice %arg7[%add3A_321] : memref<6422528xi32, #tpu.memory_space<hbm>> -> memref<256xi32, #tpu.memory_space<hbm>>
        tpu.enqueue_dma source(%dma_start3A_338 : memref<256xi32, #tpu.memory_space<hbm>>) target(%arg11 : memref<256xi32, #tpu.memory_space<vmem>>) target_semaphore(%run_scoped3A_336 : memref<!tpu.dma_semaphore, #tpu.memory_space<semaphore_mem>>)
        %dma_wait3A_339 = tpu.memref_slice %arg7[%add3A_321] : memref<6422528xi32, #tpu.memory_space<hbm>> -> memref<256xi32, #tpu.memory_space<hbm>>
        %dma_wait3A_340 = tpu.memref_slice %arg7[%add3A_321] : memref<6422528xi32, #tpu.memory_space<hbm>> -> memref<256xi32, #tpu.memory_space<hbm>>
        tpu.wait_dma2 semaphore(%run_scoped3A_336 : memref<!tpu.dma_semaphore, #tpu.memory_space<semaphore_mem>>) src(%dma_wait3A_340 : memref<256xi32, #tpu.memory_space<hbm>>) dst(%arg11 : memref<256xi32, #tpu.memory_space<vmem>>)
        tpu.yield
      }) : () -> ()
      %dma_start3A = arith.constant 0 : i32
      %dma_start3A_322 = arith.constant 0 : i32
      %dma_start3A_323 = tpu.memref_slice %arg3[%dma_start3A, %dma_start3A_322] : memref<100000x32xf32, #tpu.memory_space<hbm>> -> memref<100000x32xf32, #tpu.memory_space<hbm>>
      tpu.enqueue_indirect_dma source(%dma_start3A_323 : memref<100000x32xf32, #tpu.memory_space<hbm>>) target(%arg12 : memref<256x32xf32, #tpu.memory_space<vmem>>) offsets(%arg10 : memref<256xi32, #tpu.memory_space<vmem>>) semaphore(%arg17 : memref<!tpu.dma_semaphore, #tpu.memory_space<semaphore_mem>>)
      %add3A_324 = arith.constant 256 : i32
      %add3A_325 = arith.addi %add3A_321, %add3A_324 : i32
      "tpu.region"() ({
        %run_scoped3A_336 = tpu.sem_alloc : memref<!tpu.dma_semaphore, #tpu.memory_space<semaphore_mem>>
        %dma_start3A_337 = tpu.memref_slice %arg6[%add3A_325] : memref<6422528xi32, #tpu.memory_space<hbm>> -> memref<256xi32, #tpu.memory_space<hbm>>
        %dma_start3A_338 = tpu.memref_slice %arg6[%add3A_325] : memref<6422528xi32, #tpu.memory_space<hbm>> -> memref<256xi32, #tpu.memory_space<hbm>>
        tpu.enqueue_dma source(%dma_start3A_338 : memref<256xi32, #tpu.memory_space<hbm>>) target(%arg13 : memref<256xi32, #tpu.memory_space<vmem>>) target_semaphore(%run_scoped3A_336 : memref<!tpu.dma_semaphore, #tpu.memory_space<semaphore_mem>>)
        %dma_wait3A_339 = tpu.memref_slice %arg6[%add3A_325] : memref<6422528xi32, #tpu.memory_space<hbm>> -> memref<256xi32, #tpu.memory_space<hbm>>
        %dma_wait3A_340 = tpu.memref_slice %arg6[%add3A_325] : memref<6422528xi32, #tpu.memory_space<hbm>> -> memref<256xi32, #tpu.memory_space<hbm>>
        tpu.wait_dma2 semaphore(%run_scoped3A_336 : memref<!tpu.dma_semaphore, #tpu.memory_space<semaphore_mem>>) src(%dma_wait3A_340 : memref<256xi32, #tpu.memory_space<hbm>>) dst(%arg13 : memref<256xi32, #tpu.memory_space<vmem>>)
        tpu.yield
      }) : () -> ()
      %add3A_326 = arith.constant 256 : i32
      %add3A_327 = arith.addi %add3A_321, %add3A_326 : i32
      "tpu.region"() ({
        %run_scoped3A_336 = tpu.sem_alloc : memref<!tpu.dma_semaphore, #tpu.memory_space<semaphore_mem>>
        %dma_start3A_337 = tpu.memref_slice %arg7[%add3A_327] : memref<6422528xi32, #tpu.memory_space<hbm>> -> memref<256xi32, #tpu.memory_space<hbm>>
        %dma_start3A_338 = tpu.memref_slice %arg7[%add3A_327] : memref<6422528xi32, #tpu.memory_space<hbm>> -> memref<256xi32, #tpu.memory_space<hbm>>
        tpu.enqueue_dma source(%dma_start3A_338 : memref<256xi32, #tpu.memory_space<hbm>>) target(%arg14 : memref<256xi32, #tpu.memory_space<vmem>>) target_semaphore(%run_scoped3A_336 : memref<!tpu.dma_semaphore, #tpu.memory_space<semaphore_mem>>)
        %dma_wait3A_339 = tpu.memref_slice %arg7[%add3A_327] : memref<6422528xi32, #tpu.memory_space<hbm>> -> memref<256xi32, #tpu.memory_space<hbm>>
        %dma_wait3A_340 = tpu.memref_slice %arg7[%add3A_327] : memref<6422528xi32, #tpu.memory_space<hbm>> -> memref<256xi32, #tpu.memory_space<hbm>>
        tpu.wait_dma2 semaphore(%run_scoped3A_336 : memref<!tpu.dma_semaphore, #tpu.memory_space<semaphore_mem>>) src(%dma_wait3A_340 : memref<256xi32, #tpu.memory_space<hbm>>) dst(%arg14 : memref<256xi32, #tpu.memory_space<vmem>>)
        tpu.yield
      }) : () -> ()
      %dma_start3A_328 = arith.constant 0 : i32
      %dma_start3A_329 = arith.constant 0 : i32
      %dma_start3A_330 = tpu.memref_slice %arg3[%dma_start3A_328, %dma_start3A_329] : memref<100000x32xf32, #tpu.memory_space<hbm>> -> memref<100000x32xf32, #tpu.memory_space<hbm>>
      tpu.enqueue_indirect_dma source(%dma_start3A_330 : memref<100000x32xf32, #tpu.memory_space<hbm>>) target(%arg15 : memref<256x32xf32, #tpu.memory_space<vmem>>) offsets(%arg13 : memref<256xi32, #tpu.memory_space<vmem>>) semaphore(%arg18 : memref<!tpu.dma_semaphore, #tpu.memory_space<semaphore_mem>>)
      %dma_wait3A = arith.constant 0 : i32
      %dma_wait3A_331 = arith.constant 0 : i32
      %dma_wait3A_332 = tpu.memref_slice %arg3[%dma_wait3A, %dma_wait3A_331] : memref<100000x32xf32, #tpu.memory_space<hbm>> -> memref<100000x32xf32, #tpu.memory_space<hbm>>
      tpu.wait_indirect_dma semaphore(%arg17 : memref<!tpu.dma_semaphore, #tpu.memory_space<semaphore_mem>>) src(%dma_wait3A_332 : memref<100000x32xf32, #tpu.memory_space<hbm>>) dst(%arg12 : memref<256x32xf32, #tpu.memory_space<vmem>>)
      %dma_wait3A_333 = arith.constant 0 : i32
      %dma_wait3A_334 = arith.constant 0 : i32
      %dma_wait3A_335 = tpu.memref_slice %arg3[%dma_wait3A_333, %dma_wait3A_334] : memref<100000x32xf32, #tpu.memory_space<hbm>> -> memref<100000x32xf32, #tpu.memory_space<hbm>>
      tpu.wait_indirect_dma semaphore(%arg18 : memref<!tpu.dma_semaphore, #tpu.memory_space<semaphore_mem>>) src(%dma_wait3A_335 : memref<100000x32xf32, #tpu.memory_space<hbm>>) dst(%arg15 : memref<256x32xf32, #tpu.memory_space<vmem>>)
    }
    %scan3A_154 = arith.constant 392 : i32
    %barrier3A_155 = arith.constant 0 : index
    tpu.barrier barrier_id(%barrier3A_155)
    %mul3A_156 = arith.constant 6400 : i32
    %mul3A_157 = arith.muli %arg1, %mul3A_156 : i32
    %mul3A_158 = arith.constant 6400 : i32
    %mul3A_159 = arith.muli %arg1, %mul3A_158 : i32
    %run_scoped3A_160 = arith.constant 1 : i32
    "tpu.region"() ({
      %run_scoped3A_318 = tpu.sem_alloc : memref<!tpu.dma_semaphore, #tpu.memory_space<semaphore_mem>>
      %dma_start3A = arith.constant 0 : i32
      %dma_start3A_319 = tpu.memref_slice %arg8[%run_scoped3A_160, %arg0, %mul3A_159, %dma_start3A] : memref<4x2x102400x16xf32, #tpu.memory_space<hbm>> -> memref<1x1x6400x16xf32, #tpu.memory_space<hbm>>
      %dma_start3A_320 = tpu.memref_squeeze %dma_start3A_319 : memref<1x1x6400x16xf32, #tpu.memory_space<hbm>> -> memref<6400x16xf32, #tpu.memory_space<hbm>>
      %dma_start3A_321 = arith.constant 0 : i32
      %dma_start3A_322 = tpu.memref_slice %arg9[%mul3A_157, %dma_start3A_321] : memref<102400x16xf32, #tpu.memory_space<vmem_shared>> -> memref<6400x16xf32, #tpu.memory_space<vmem_shared>>
      tpu.enqueue_dma source(%dma_start3A_322 : memref<6400x16xf32, #tpu.memory_space<vmem_shared>>) target(%dma_start3A_320 : memref<6400x16xf32, #tpu.memory_space<hbm>>) target_semaphore(%run_scoped3A_318 : memref<!tpu.dma_semaphore, #tpu.memory_space<semaphore_mem>>)
      %dma_wait3A = arith.constant 0 : i32
      %dma_wait3A_323 = tpu.memref_slice %arg8[%run_scoped3A_160, %arg0, %mul3A_159, %dma_wait3A] : memref<4x2x102400x16xf32, #tpu.memory_space<hbm>> -> memref<1x1x6400x16xf32, #tpu.memory_space<hbm>>
      %dma_wait3A_324 = tpu.memref_squeeze %dma_wait3A_323 : memref<1x1x6400x16xf32, #tpu.memory_space<hbm>> -> memref<6400x16xf32, #tpu.memory_space<hbm>>
      %dma_wait3A_325 = arith.constant 0 : i32
      %dma_wait3A_326 = tpu.memref_slice %arg9[%mul3A_157, %dma_wait3A_325] : memref<102400x16xf32, #tpu.memory_space<vmem_shared>> -> memref<6400x16xf32, #tpu.memory_space<vmem_shared>>
      tpu.wait_dma2 semaphore(%run_scoped3A_318 : memref<!tpu.dma_semaphore, #tpu.memory_space<semaphore_mem>>) src(%dma_wait3A_326 : memref<6400x16xf32, #tpu.memory_space<vmem_shared>>) dst(%dma_wait3A_324 : memref<6400x16xf32, #tpu.memory_space<hbm>>)
      tpu.yield
    }) : () -> ()
    %barrier3A_161 = arith.constant 0 : index
    tpu.barrier barrier_id(%barrier3A_161)
    %mul3A_162 = arith.constant 6400 : i32
    %mul3A_163 = arith.muli %arg1, %mul3A_162 : i32
    %add3A_164 = arith.constant 0 : i32
    %add3A_165 = arith.addi %mul3A_163, %add3A_164 : i32
    "tpu.region"() ({
      %run_scoped3A_318 = tpu.sem_alloc : memref<!tpu.dma_semaphore, #tpu.memory_space<semaphore_mem>>
      %dma_start3A = arith.constant 0 : i32
      %dma_start3A_319 = tpu.memref_slice %arg9[%add3A_165, %dma_start3A] : memref<102400x16xf32, #tpu.memory_space<vmem_shared>> -> memref<400x16xf32, #tpu.memory_space<vmem_shared>>
      %dma_start3A_320 = arith.constant 0 : i32
      %dma_start3A_321 = tpu.memref_slice %arg9[%add3A_165, %dma_start3A_320] : memref<102400x16xf32, #tpu.memory_space<vmem_shared>> -> memref<400x16xf32, #tpu.memory_space<vmem_shared>>
      tpu.enqueue_dma source(%arg16 : memref<400x16xf32, #tpu.memory_space<vmem>>) target(%dma_start3A_321 : memref<400x16xf32, #tpu.memory_space<vmem_shared>>) target_semaphore(%run_scoped3A_318 : memref<!tpu.dma_semaphore, #tpu.memory_space<semaphore_mem>>)
      %dma_wait3A = arith.constant 0 : i32
      %dma_wait3A_322 = tpu.memref_slice %arg9[%add3A_165, %dma_wait3A] : memref<102400x16xf32, #tpu.memory_space<vmem_shared>> -> memref<400x16xf32, #tpu.memory_space<vmem_shared>>
      %dma_wait3A_323 = arith.constant 0 : i32
      %dma_wait3A_324 = tpu.memref_slice %arg9[%add3A_165, %dma_wait3A_323] : memref<102400x16xf32, #tpu.memory_space<vmem_shared>> -> memref<400x16xf32, #tpu.memory_space<vmem_shared>>
      tpu.wait_dma2 semaphore(%run_scoped3A_318 : memref<!tpu.dma_semaphore, #tpu.memory_space<semaphore_mem>>) src(%arg16 : memref<400x16xf32, #tpu.memory_space<vmem>>) dst(%dma_wait3A_324 : memref<400x16xf32, #tpu.memory_space<vmem_shared>>)
      tpu.yield
    }) : () -> ()
    %mul3A_166 = arith.constant 6400 : i32
    %mul3A_167 = arith.muli %arg1, %mul3A_166 : i32
    %add3A_168 = arith.constant 400 : i32
    %add3A_169 = arith.addi %mul3A_167, %add3A_168 : i32
    "tpu.region"() ({
      %run_scoped3A_318 = tpu.sem_alloc : memref<!tpu.dma_semaphore, #tpu.memory_space<semaphore_mem>>
      %dma_start3A = arith.constant 0 : i32
      %dma_start3A_319 = tpu.memref_slice %arg9[%add3A_169, %dma_start3A] : memref<102400x16xf32, #tpu.memory_space<vmem_shared>> -> memref<400x16xf32, #tpu.memory_space<vmem_shared>>
      %dma_start3A_320 = arith.constant 0 : i32
      %dma_start3A_321 = tpu.memref_slice %arg9[%add3A_169, %dma_start3A_320] : memref<102400x16xf32, #tpu.memory_space<vmem_shared>> -> memref<400x16xf32, #tpu.memory_space<vmem_shared>>
      tpu.enqueue_dma source(%arg16 : memref<400x16xf32, #tpu.memory_space<vmem>>) target(%dma_start3A_321 : memref<400x16xf32, #tpu.memory_space<vmem_shared>>) target_semaphore(%run_scoped3A_318 : memref<!tpu.dma_semaphore, #tpu.memory_space<semaphore_mem>>)
      %dma_wait3A = arith.constant 0 : i32
      %dma_wait3A_322 = tpu.memref_slice %arg9[%add3A_169, %dma_wait3A] : memref<102400x16xf32, #tpu.memory_space<vmem_shared>> -> memref<400x16xf32, #tpu.memory_space<vmem_shared>>
      %dma_wait3A_323 = arith.constant 0 : i32
      %dma_wait3A_324 = tpu.memref_slice %arg9[%add3A_169, %dma_wait3A_323] : memref<102400x16xf32, #tpu.memory_space<vmem_shared>> -> memref<400x16xf32, #tpu.memory_space<vmem_shared>>
      tpu.wait_dma2 semaphore(%run_scoped3A_318 : memref<!tpu.dma_semaphore, #tpu.memory_space<semaphore_mem>>) src(%arg16 : memref<400x16xf32, #tpu.memory_space<vmem>>) dst(%dma_wait3A_324 : memref<400x16xf32, #tpu.memory_space<vmem_shared>>)
      tpu.yield
    }) : () -> ()
    %mul3A_170 = arith.constant 6400 : i32
    %mul3A_171 = arith.muli %arg1, %mul3A_170 : i32
    %add3A_172 = arith.constant 800 : i32
    %add3A_173 = arith.addi %mul3A_171, %add3A_172 : i32
    "tpu.region"() ({
      %run_scoped3A_318 = tpu.sem_alloc : memref<!tpu.dma_semaphore, #tpu.memory_space<semaphore_mem>>
      %dma_start3A = arith.constant 0 : i32
      %dma_start3A_319 = tpu.memref_slice %arg9[%add3A_173, %dma_start3A] : memref<102400x16xf32, #tpu.memory_space<vmem_shared>> -> memref<400x16xf32, #tpu.memory_space<vmem_shared>>
      %dma_start3A_320 = arith.constant 0 : i32
      %dma_start3A_321 = tpu.memref_slice %arg9[%add3A_173, %dma_start3A_320] : memref<102400x16xf32, #tpu.memory_space<vmem_shared>> -> memref<400x16xf32, #tpu.memory_space<vmem_shared>>
      tpu.enqueue_dma source(%arg16 : memref<400x16xf32, #tpu.memory_space<vmem>>) target(%dma_start3A_321 : memref<400x16xf32, #tpu.memory_space<vmem_shared>>) target_semaphore(%run_scoped3A_318 : memref<!tpu.dma_semaphore, #tpu.memory_space<semaphore_mem>>)
      %dma_wait3A = arith.constant 0 : i32
      %dma_wait3A_322 = tpu.memref_slice %arg9[%add3A_173, %dma_wait3A] : memref<102400x16xf32, #tpu.memory_space<vmem_shared>> -> memref<400x16xf32, #tpu.memory_space<vmem_shared>>
      %dma_wait3A_323 = arith.constant 0 : i32
      %dma_wait3A_324 = tpu.memref_slice %arg9[%add3A_173, %dma_wait3A_323] : memref<102400x16xf32, #tpu.memory_space<vmem_shared>> -> memref<400x16xf32, #tpu.memory_space<vmem_shared>>
      tpu.wait_dma2 semaphore(%run_scoped3A_318 : memref<!tpu.dma_semaphore, #tpu.memory_space<semaphore_mem>>) src(%arg16 : memref<400x16xf32, #tpu.memory_space<vmem>>) dst(%dma_wait3A_324 : memref<400x16xf32, #tpu.memory_space<vmem_shared>>)
      tpu.yield
    }) : () -> ()
    %mul3A_174 = arith.constant 6400 : i32
    %mul3A_175 = arith.muli %arg1, %mul3A_174 : i32
    %add3A_176 = arith.constant 1200 : i32
    %add3A_177 = arith.addi %mul3A_175, %add3A_176 : i32
    "tpu.region"() ({
      %run_scoped3A_318 = tpu.sem_alloc : memref<!tpu.dma_semaphore, #tpu.memory_space<semaphore_mem>>
      %dma_start3A = arith.constant 0 : i32
      %dma_start3A_319 = tpu.memref_slice %arg9[%add3A_177, %dma_start3A] : memref<102400x16xf32, #tpu.memory_space<vmem_shared>> -> memref<400x16xf32, #tpu.memory_space<vmem_shared>>
      %dma_start3A_320 = arith.constant 0 : i32
      %dma_start3A_321 = tpu.memref_slice %arg9[%add3A_177, %dma_start3A_320] : memref<102400x16xf32, #tpu.memory_space<vmem_shared>> -> memref<400x16xf32, #tpu.memory_space<vmem_shared>>
      tpu.enqueue_dma source(%arg16 : memref<400x16xf32, #tpu.memory_space<vmem>>) target(%dma_start3A_321 : memref<400x16xf32, #tpu.memory_space<vmem_shared>>) target_semaphore(%run_scoped3A_318 : memref<!tpu.dma_semaphore, #tpu.memory_space<semaphore_mem>>)
      %dma_wait3A = arith.constant 0 : i32
      %dma_wait3A_322 = tpu.memref_slice %arg9[%add3A_177, %dma_wait3A] : memref<102400x16xf32, #tpu.memory_space<vmem_shared>> -> memref<400x16xf32, #tpu.memory_space<vmem_shared>>
      %dma_wait3A_323 = arith.constant 0 : i32
      %dma_wait3A_324 = tpu.memref_slice %arg9[%add3A_177, %dma_wait3A_323] : memref<102400x16xf32, #tpu.memory_space<vmem_shared>> -> memref<400x16xf32, #tpu.memory_space<vmem_shared>>
      tpu.wait_dma2 semaphore(%run_scoped3A_318 : memref<!tpu.dma_semaphore, #tpu.memory_space<semaphore_mem>>) src(%arg16 : memref<400x16xf32, #tpu.memory_space<vmem>>) dst(%dma_wait3A_324 : memref<400x16xf32, #tpu.memory_space<vmem_shared>>)
      tpu.yield
    }) : () -> ()
    %mul3A_178 = arith.constant 6400 : i32
    %mul3A_179 = arith.muli %arg1, %mul3A_178 : i32
    %add3A_180 = arith.constant 1600 : i32
    %add3A_181 = arith.addi %mul3A_179, %add3A_180 : i32
    "tpu.region"() ({
      %run_scoped3A_318 = tpu.sem_alloc : memref<!tpu.dma_semaphore, #tpu.memory_space<semaphore_mem>>
      %dma_start3A = arith.constant 0 : i32
      %dma_start3A_319 = tpu.memref_slice %arg9[%add3A_181, %dma_start3A] : memref<102400x16xf32, #tpu.memory_space<vmem_shared>> -> memref<400x16xf32, #tpu.memory_space<vmem_shared>>
      %dma_start3A_320 = arith.constant 0 : i32
      %dma_start3A_321 = tpu.memref_slice %arg9[%add3A_181, %dma_start3A_320] : memref<102400x16xf32, #tpu.memory_space<vmem_shared>> -> memref<400x16xf32, #tpu.memory_space<vmem_shared>>
      tpu.enqueue_dma source(%arg16 : memref<400x16xf32, #tpu.memory_space<vmem>>) target(%dma_start3A_321 : memref<400x16xf32, #tpu.memory_space<vmem_shared>>) target_semaphore(%run_scoped3A_318 : memref<!tpu.dma_semaphore, #tpu.memory_space<semaphore_mem>>)
      %dma_wait3A = arith.constant 0 : i32
      %dma_wait3A_322 = tpu.memref_slice %arg9[%add3A_181, %dma_wait3A] : memref<102400x16xf32, #tpu.memory_space<vmem_shared>> -> memref<400x16xf32, #tpu.memory_space<vmem_shared>>
      %dma_wait3A_323 = arith.constant 0 : i32
      %dma_wait3A_324 = tpu.memref_slice %arg9[%add3A_181, %dma_wait3A_323] : memref<102400x16xf32, #tpu.memory_space<vmem_shared>> -> memref<400x16xf32, #tpu.memory_space<vmem_shared>>
      tpu.wait_dma2 semaphore(%run_scoped3A_318 : memref<!tpu.dma_semaphore, #tpu.memory_space<semaphore_mem>>) src(%arg16 : memref<400x16xf32, #tpu.memory_space<vmem>>) dst(%dma_wait3A_324 : memref<400x16xf32, #tpu.memory_space<vmem_shared>>)
      tpu.yield
    }) : () -> ()
    %mul3A_182 = arith.constant 6400 : i32
    %mul3A_183 = arith.muli %arg1, %mul3A_182 : i32
    %add3A_184 = arith.constant 2000 : i32
    %add3A_185 = arith.addi %mul3A_183, %add3A_184 : i32
    "tpu.region"() ({
      %run_scoped3A_318 = tpu.sem_alloc : memref<!tpu.dma_semaphore, #tpu.memory_space<semaphore_mem>>
      %dma_start3A = arith.constant 0 : i32
      %dma_start3A_319 = tpu.memref_slice %arg9[%add3A_185, %dma_start3A] : memref<102400x16xf32, #tpu.memory_space<vmem_shared>> -> memref<400x16xf32, #tpu.memory_space<vmem_shared>>
      %dma_start3A_320 = arith.constant 0 : i32
      %dma_start3A_321 = tpu.memref_slice %arg9[%add3A_185, %dma_start3A_320] : memref<102400x16xf32, #tpu.memory_space<vmem_shared>> -> memref<400x16xf32, #tpu.memory_space<vmem_shared>>
      tpu.enqueue_dma source(%arg16 : memref<400x16xf32, #tpu.memory_space<vmem>>) target(%dma_start3A_321 : memref<400x16xf32, #tpu.memory_space<vmem_shared>>) target_semaphore(%run_scoped3A_318 : memref<!tpu.dma_semaphore, #tpu.memory_space<semaphore_mem>>)
      %dma_wait3A = arith.constant 0 : i32
      %dma_wait3A_322 = tpu.memref_slice %arg9[%add3A_185, %dma_wait3A] : memref<102400x16xf32, #tpu.memory_space<vmem_shared>> -> memref<400x16xf32, #tpu.memory_space<vmem_shared>>
      %dma_wait3A_323 = arith.constant 0 : i32
      %dma_wait3A_324 = tpu.memref_slice %arg9[%add3A_185, %dma_wait3A_323] : memref<102400x16xf32, #tpu.memory_space<vmem_shared>> -> memref<400x16xf32, #tpu.memory_space<vmem_shared>>
      tpu.wait_dma2 semaphore(%run_scoped3A_318 : memref<!tpu.dma_semaphore, #tpu.memory_space<semaphore_mem>>) src(%arg16 : memref<400x16xf32, #tpu.memory_space<vmem>>) dst(%dma_wait3A_324 : memref<400x16xf32, #tpu.memory_space<vmem_shared>>)
      tpu.yield
    }) : () -> ()
    %mul3A_186 = arith.constant 6400 : i32
    %mul3A_187 = arith.muli %arg1, %mul3A_186 : i32
    %add3A_188 = arith.constant 2400 : i32
    %add3A_189 = arith.addi %mul3A_187, %add3A_188 : i32
    "tpu.region"() ({
      %run_scoped3A_318 = tpu.sem_alloc : memref<!tpu.dma_semaphore, #tpu.memory_space<semaphore_mem>>
      %dma_start3A = arith.constant 0 : i32
      %dma_start3A_319 = tpu.memref_slice %arg9[%add3A_189, %dma_start3A] : memref<102400x16xf32, #tpu.memory_space<vmem_shared>> -> memref<400x16xf32, #tpu.memory_space<vmem_shared>>
      %dma_start3A_320 = arith.constant 0 : i32
      %dma_start3A_321 = tpu.memref_slice %arg9[%add3A_189, %dma_start3A_320] : memref<102400x16xf32, #tpu.memory_space<vmem_shared>> -> memref<400x16xf32, #tpu.memory_space<vmem_shared>>
      tpu.enqueue_dma source(%arg16 : memref<400x16xf32, #tpu.memory_space<vmem>>) target(%dma_start3A_321 : memref<400x16xf32, #tpu.memory_space<vmem_shared>>) target_semaphore(%run_scoped3A_318 : memref<!tpu.dma_semaphore, #tpu.memory_space<semaphore_mem>>)
      %dma_wait3A = arith.constant 0 : i32
      %dma_wait3A_322 = tpu.memref_slice %arg9[%add3A_189, %dma_wait3A] : memref<102400x16xf32, #tpu.memory_space<vmem_shared>> -> memref<400x16xf32, #tpu.memory_space<vmem_shared>>
      %dma_wait3A_323 = arith.constant 0 : i32
      %dma_wait3A_324 = tpu.memref_slice %arg9[%add3A_189, %dma_wait3A_323] : memref<102400x16xf32, #tpu.memory_space<vmem_shared>> -> memref<400x16xf32, #tpu.memory_space<vmem_shared>>
      tpu.wait_dma2 semaphore(%run_scoped3A_318 : memref<!tpu.dma_semaphore, #tpu.memory_space<semaphore_mem>>) src(%arg16 : memref<400x16xf32, #tpu.memory_space<vmem>>) dst(%dma_wait3A_324 : memref<400x16xf32, #tpu.memory_space<vmem_shared>>)
      tpu.yield
    }) : () -> ()
    %mul3A_190 = arith.constant 6400 : i32
    %mul3A_191 = arith.muli %arg1, %mul3A_190 : i32
    %add3A_192 = arith.constant 2800 : i32
    %add3A_193 = arith.addi %mul3A_191, %add3A_192 : i32
    "tpu.region"() ({
      %run_scoped3A_318 = tpu.sem_alloc : memref<!tpu.dma_semaphore, #tpu.memory_space<semaphore_mem>>
      %dma_start3A = arith.constant 0 : i32
      %dma_start3A_319 = tpu.memref_slice %arg9[%add3A_193, %dma_start3A] : memref<102400x16xf32, #tpu.memory_space<vmem_shared>> -> memref<400x16xf32, #tpu.memory_space<vmem_shared>>
      %dma_start3A_320 = arith.constant 0 : i32
      %dma_start3A_321 = tpu.memref_slice %arg9[%add3A_193, %dma_start3A_320] : memref<102400x16xf32, #tpu.memory_space<vmem_shared>> -> memref<400x16xf32, #tpu.memory_space<vmem_shared>>
      tpu.enqueue_dma source(%arg16 : memref<400x16xf32, #tpu.memory_space<vmem>>) target(%dma_start3A_321 : memref<400x16xf32, #tpu.memory_space<vmem_shared>>) target_semaphore(%run_scoped3A_318 : memref<!tpu.dma_semaphore, #tpu.memory_space<semaphore_mem>>)
      %dma_wait3A = arith.constant 0 : i32
      %dma_wait3A_322 = tpu.memref_slice %arg9[%add3A_193, %dma_wait3A] : memref<102400x16xf32, #tpu.memory_space<vmem_shared>> -> memref<400x16xf32, #tpu.memory_space<vmem_shared>>
      %dma_wait3A_323 = arith.constant 0 : i32
      %dma_wait3A_324 = tpu.memref_slice %arg9[%add3A_193, %dma_wait3A_323] : memref<102400x16xf32, #tpu.memory_space<vmem_shared>> -> memref<400x16xf32, #tpu.memory_space<vmem_shared>>
      tpu.wait_dma2 semaphore(%run_scoped3A_318 : memref<!tpu.dma_semaphore, #tpu.memory_space<semaphore_mem>>) src(%arg16 : memref<400x16xf32, #tpu.memory_space<vmem>>) dst(%dma_wait3A_324 : memref<400x16xf32, #tpu.memory_space<vmem_shared>>)
      tpu.yield
    }) : () -> ()
    %mul3A_194 = arith.constant 6400 : i32
    %mul3A_195 = arith.muli %arg1, %mul3A_194 : i32
    %add3A_196 = arith.constant 3200 : i32
    %add3A_197 = arith.addi %mul3A_195, %add3A_196 : i32
    "tpu.region"() ({
      %run_scoped3A_318 = tpu.sem_alloc : memref<!tpu.dma_semaphore, #tpu.memory_space<semaphore_mem>>
      %dma_start3A = arith.constant 0 : i32
      %dma_start3A_319 = tpu.memref_slice %arg9[%add3A_197, %dma_start3A] : memref<102400x16xf32, #tpu.memory_space<vmem_shared>> -> memref<400x16xf32, #tpu.memory_space<vmem_shared>>
      %dma_start3A_320 = arith.constant 0 : i32
      %dma_start3A_321 = tpu.memref_slice %arg9[%add3A_197, %dma_start3A_320] : memref<102400x16xf32, #tpu.memory_space<vmem_shared>> -> memref<400x16xf32, #tpu.memory_space<vmem_shared>>
      tpu.enqueue_dma source(%arg16 : memref<400x16xf32, #tpu.memory_space<vmem>>) target(%dma_start3A_321 : memref<400x16xf32, #tpu.memory_space<vmem_shared>>) target_semaphore(%run_scoped3A_318 : memref<!tpu.dma_semaphore, #tpu.memory_space<semaphore_mem>>)
      %dma_wait3A = arith.constant 0 : i32
      %dma_wait3A_322 = tpu.memref_slice %arg9[%add3A_197, %dma_wait3A] : memref<102400x16xf32, #tpu.memory_space<vmem_shared>> -> memref<400x16xf32, #tpu.memory_space<vmem_shared>>
      %dma_wait3A_323 = arith.constant 0 : i32
      %dma_wait3A_324 = tpu.memref_slice %arg9[%add3A_197, %dma_wait3A_323] : memref<102400x16xf32, #tpu.memory_space<vmem_shared>> -> memref<400x16xf32, #tpu.memory_space<vmem_shared>>
      tpu.wait_dma2 semaphore(%run_scoped3A_318 : memref<!tpu.dma_semaphore, #tpu.memory_space<semaphore_mem>>) src(%arg16 : memref<400x16xf32, #tpu.memory_space<vmem>>) dst(%dma_wait3A_324 : memref<400x16xf32, #tpu.memory_space<vmem_shared>>)
      tpu.yield
    }) : () -> ()
    %mul3A_198 = arith.constant 6400 : i32
    %mul3A_199 = arith.muli %arg1, %mul3A_198 : i32
    %add3A_200 = arith.constant 3600 : i32
    %add3A_201 = arith.addi %mul3A_199, %add3A_200 : i32
    "tpu.region"() ({
      %run_scoped3A_318 = tpu.sem_alloc : memref<!tpu.dma_semaphore, #tpu.memory_space<semaphore_mem>>
      %dma_start3A = arith.constant 0 : i32
      %dma_start3A_319 = tpu.memref_slice %arg9[%add3A_201, %dma_start3A] : memref<102400x16xf32, #tpu.memory_space<vmem_shared>> -> memref<400x16xf32, #tpu.memory_space<vmem_shared>>
      %dma_start3A_320 = arith.constant 0 : i32
      %dma_start3A_321 = tpu.memref_slice %arg9[%add3A_201, %dma_start3A_320] : memref<102400x16xf32, #tpu.memory_space<vmem_shared>> -> memref<400x16xf32, #tpu.memory_space<vmem_shared>>
      tpu.enqueue_dma source(%arg16 : memref<400x16xf32, #tpu.memory_space<vmem>>) target(%dma_start3A_321 : memref<400x16xf32, #tpu.memory_space<vmem_shared>>) target_semaphore(%run_scoped3A_318 : memref<!tpu.dma_semaphore, #tpu.memory_space<semaphore_mem>>)
      %dma_wait3A = arith.constant 0 : i32
      %dma_wait3A_322 = tpu.memref_slice %arg9[%add3A_201, %dma_wait3A] : memref<102400x16xf32, #tpu.memory_space<vmem_shared>> -> memref<400x16xf32, #tpu.memory_space<vmem_shared>>
      %dma_wait3A_323 = arith.constant 0 : i32
      %dma_wait3A_324 = tpu.memref_slice %arg9[%add3A_201, %dma_wait3A_323] : memref<102400x16xf32, #tpu.memory_space<vmem_shared>> -> memref<400x16xf32, #tpu.memory_space<vmem_shared>>
      tpu.wait_dma2 semaphore(%run_scoped3A_318 : memref<!tpu.dma_semaphore, #tpu.memory_space<semaphore_mem>>) src(%arg16 : memref<400x16xf32, #tpu.memory_space<vmem>>) dst(%dma_wait3A_324 : memref<400x16xf32, #tpu.memory_space<vmem_shared>>)
      tpu.yield
    }) : () -> ()
    %mul3A_202 = arith.constant 6400 : i32
    %mul3A_203 = arith.muli %arg1, %mul3A_202 : i32
    %add3A_204 = arith.constant 4000 : i32
    %add3A_205 = arith.addi %mul3A_203, %add3A_204 : i32
    "tpu.region"() ({
      %run_scoped3A_318 = tpu.sem_alloc : memref<!tpu.dma_semaphore, #tpu.memory_space<semaphore_mem>>
      %dma_start3A = arith.constant 0 : i32
      %dma_start3A_319 = tpu.memref_slice %arg9[%add3A_205, %dma_start3A] : memref<102400x16xf32, #tpu.memory_space<vmem_shared>> -> memref<400x16xf32, #tpu.memory_space<vmem_shared>>
      %dma_start3A_320 = arith.constant 0 : i32
      %dma_start3A_321 = tpu.memref_slice %arg9[%add3A_205, %dma_start3A_320] : memref<102400x16xf32, #tpu.memory_space<vmem_shared>> -> memref<400x16xf32, #tpu.memory_space<vmem_shared>>
      tpu.enqueue_dma source(%arg16 : memref<400x16xf32, #tpu.memory_space<vmem>>) target(%dma_start3A_321 : memref<400x16xf32, #tpu.memory_space<vmem_shared>>) target_semaphore(%run_scoped3A_318 : memref<!tpu.dma_semaphore, #tpu.memory_space<semaphore_mem>>)
      %dma_wait3A = arith.constant 0 : i32
      %dma_wait3A_322 = tpu.memref_slice %arg9[%add3A_205, %dma_wait3A] : memref<102400x16xf32, #tpu.memory_space<vmem_shared>> -> memref<400x16xf32, #tpu.memory_space<vmem_shared>>
      %dma_wait3A_323 = arith.constant 0 : i32
      %dma_wait3A_324 = tpu.memref_slice %arg9[%add3A_205, %dma_wait3A_323] : memref<102400x16xf32, #tpu.memory_space<vmem_shared>> -> memref<400x16xf32, #tpu.memory_space<vmem_shared>>
      tpu.wait_dma2 semaphore(%run_scoped3A_318 : memref<!tpu.dma_semaphore, #tpu.memory_space<semaphore_mem>>) src(%arg16 : memref<400x16xf32, #tpu.memory_space<vmem>>) dst(%dma_wait3A_324 : memref<400x16xf32, #tpu.memory_space<vmem_shared>>)
      tpu.yield
    }) : () -> ()
    %mul3A_206 = arith.constant 6400 : i32
    %mul3A_207 = arith.muli %arg1, %mul3A_206 : i32
    %add3A_208 = arith.constant 4400 : i32
    %add3A_209 = arith.addi %mul3A_207, %add3A_208 : i32
    "tpu.region"() ({
      %run_scoped3A_318 = tpu.sem_alloc : memref<!tpu.dma_semaphore, #tpu.memory_space<semaphore_mem>>
      %dma_start3A = arith.constant 0 : i32
      %dma_start3A_319 = tpu.memref_slice %arg9[%add3A_209, %dma_start3A] : memref<102400x16xf32, #tpu.memory_space<vmem_shared>> -> memref<400x16xf32, #tpu.memory_space<vmem_shared>>
      %dma_start3A_320 = arith.constant 0 : i32
      %dma_start3A_321 = tpu.memref_slice %arg9[%add3A_209, %dma_start3A_320] : memref<102400x16xf32, #tpu.memory_space<vmem_shared>> -> memref<400x16xf32, #tpu.memory_space<vmem_shared>>
      tpu.enqueue_dma source(%arg16 : memref<400x16xf32, #tpu.memory_space<vmem>>) target(%dma_start3A_321 : memref<400x16xf32, #tpu.memory_space<vmem_shared>>) target_semaphore(%run_scoped3A_318 : memref<!tpu.dma_semaphore, #tpu.memory_space<semaphore_mem>>)
      %dma_wait3A = arith.constant 0 : i32
      %dma_wait3A_322 = tpu.memref_slice %arg9[%add3A_209, %dma_wait3A] : memref<102400x16xf32, #tpu.memory_space<vmem_shared>> -> memref<400x16xf32, #tpu.memory_space<vmem_shared>>
      %dma_wait3A_323 = arith.constant 0 : i32
      %dma_wait3A_324 = tpu.memref_slice %arg9[%add3A_209, %dma_wait3A_323] : memref<102400x16xf32, #tpu.memory_space<vmem_shared>> -> memref<400x16xf32, #tpu.memory_space<vmem_shared>>
      tpu.wait_dma2 semaphore(%run_scoped3A_318 : memref<!tpu.dma_semaphore, #tpu.memory_space<semaphore_mem>>) src(%arg16 : memref<400x16xf32, #tpu.memory_space<vmem>>) dst(%dma_wait3A_324 : memref<400x16xf32, #tpu.memory_space<vmem_shared>>)
      tpu.yield
    }) : () -> ()
    %mul3A_210 = arith.constant 6400 : i32
    %mul3A_211 = arith.muli %arg1, %mul3A_210 : i32
    %add3A_212 = arith.constant 4800 : i32
    %add3A_213 = arith.addi %mul3A_211, %add3A_212 : i32
    "tpu.region"() ({
      %run_scoped3A_318 = tpu.sem_alloc : memref<!tpu.dma_semaphore, #tpu.memory_space<semaphore_mem>>
      %dma_start3A = arith.constant 0 : i32
      %dma_start3A_319 = tpu.memref_slice %arg9[%add3A_213, %dma_start3A] : memref<102400x16xf32, #tpu.memory_space<vmem_shared>> -> memref<400x16xf32, #tpu.memory_space<vmem_shared>>
      %dma_start3A_320 = arith.constant 0 : i32
      %dma_start3A_321 = tpu.memref_slice %arg9[%add3A_213, %dma_start3A_320] : memref<102400x16xf32, #tpu.memory_space<vmem_shared>> -> memref<400x16xf32, #tpu.memory_space<vmem_shared>>
      tpu.enqueue_dma source(%arg16 : memref<400x16xf32, #tpu.memory_space<vmem>>) target(%dma_start3A_321 : memref<400x16xf32, #tpu.memory_space<vmem_shared>>) target_semaphore(%run_scoped3A_318 : memref<!tpu.dma_semaphore, #tpu.memory_space<semaphore_mem>>)
      %dma_wait3A = arith.constant 0 : i32
      %dma_wait3A_322 = tpu.memref_slice %arg9[%add3A_213, %dma_wait3A] : memref<102400x16xf32, #tpu.memory_space<vmem_shared>> -> memref<400x16xf32, #tpu.memory_space<vmem_shared>>
      %dma_wait3A_323 = arith.constant 0 : i32
      %dma_wait3A_324 = tpu.memref_slice %arg9[%add3A_213, %dma_wait3A_323] : memref<102400x16xf32, #tpu.memory_space<vmem_shared>> -> memref<400x16xf32, #tpu.memory_space<vmem_shared>>
      tpu.wait_dma2 semaphore(%run_scoped3A_318 : memref<!tpu.dma_semaphore, #tpu.memory_space<semaphore_mem>>) src(%arg16 : memref<400x16xf32, #tpu.memory_space<vmem>>) dst(%dma_wait3A_324 : memref<400x16xf32, #tpu.memory_space<vmem_shared>>)
      tpu.yield
    }) : () -> ()
    %mul3A_214 = arith.constant 6400 : i32
    %mul3A_215 = arith.muli %arg1, %mul3A_214 : i32
    %add3A_216 = arith.constant 5200 : i32
    %add3A_217 = arith.addi %mul3A_215, %add3A_216 : i32
    "tpu.region"() ({
      %run_scoped3A_318 = tpu.sem_alloc : memref<!tpu.dma_semaphore, #tpu.memory_space<semaphore_mem>>
      %dma_start3A = arith.constant 0 : i32
      %dma_start3A_319 = tpu.memref_slice %arg9[%add3A_217, %dma_start3A] : memref<102400x16xf32, #tpu.memory_space<vmem_shared>> -> memref<400x16xf32, #tpu.memory_space<vmem_shared>>
      %dma_start3A_320 = arith.constant 0 : i32
      %dma_start3A_321 = tpu.memref_slice %arg9[%add3A_217, %dma_start3A_320] : memref<102400x16xf32, #tpu.memory_space<vmem_shared>> -> memref<400x16xf32, #tpu.memory_space<vmem_shared>>
      tpu.enqueue_dma source(%arg16 : memref<400x16xf32, #tpu.memory_space<vmem>>) target(%dma_start3A_321 : memref<400x16xf32, #tpu.memory_space<vmem_shared>>) target_semaphore(%run_scoped3A_318 : memref<!tpu.dma_semaphore, #tpu.memory_space<semaphore_mem>>)
      %dma_wait3A = arith.constant 0 : i32
      %dma_wait3A_322 = tpu.memref_slice %arg9[%add3A_217, %dma_wait3A] : memref<102400x16xf32, #tpu.memory_space<vmem_shared>> -> memref<400x16xf32, #tpu.memory_space<vmem_shared>>
      %dma_wait3A_323 = arith.constant 0 : i32
      %dma_wait3A_324 = tpu.memref_slice %arg9[%add3A_217, %dma_wait3A_323] : memref<102400x16xf32, #tpu.memory_space<vmem_shared>> -> memref<400x16xf32, #tpu.memory_space<vmem_shared>>
      tpu.wait_dma2 semaphore(%run_scoped3A_318 : memref<!tpu.dma_semaphore, #tpu.memory_space<semaphore_mem>>) src(%arg16 : memref<400x16xf32, #tpu.memory_space<vmem>>) dst(%dma_wait3A_324 : memref<400x16xf32, #tpu.memory_space<vmem_shared>>)
      tpu.yield
    }) : () -> ()
    %mul3A_218 = arith.constant 6400 : i32
    %mul3A_219 = arith.muli %arg1, %mul3A_218 : i32
    %add3A_220 = arith.constant 5600 : i32
    %add3A_221 = arith.addi %mul3A_219, %add3A_220 : i32
    "tpu.region"() ({
      %run_scoped3A_318 = tpu.sem_alloc : memref<!tpu.dma_semaphore, #tpu.memory_space<semaphore_mem>>
      %dma_start3A = arith.constant 0 : i32
      %dma_start3A_319 = tpu.memref_slice %arg9[%add3A_221, %dma_start3A] : memref<102400x16xf32, #tpu.memory_space<vmem_shared>> -> memref<400x16xf32, #tpu.memory_space<vmem_shared>>
      %dma_start3A_320 = arith.constant 0 : i32
      %dma_start3A_321 = tpu.memref_slice %arg9[%add3A_221, %dma_start3A_320] : memref<102400x16xf32, #tpu.memory_space<vmem_shared>> -> memref<400x16xf32, #tpu.memory_space<vmem_shared>>
      tpu.enqueue_dma source(%arg16 : memref<400x16xf32, #tpu.memory_space<vmem>>) target(%dma_start3A_321 : memref<400x16xf32, #tpu.memory_space<vmem_shared>>) target_semaphore(%run_scoped3A_318 : memref<!tpu.dma_semaphore, #tpu.memory_space<semaphore_mem>>)
      %dma_wait3A = arith.constant 0 : i32
      %dma_wait3A_322 = tpu.memref_slice %arg9[%add3A_221, %dma_wait3A] : memref<102400x16xf32, #tpu.memory_space<vmem_shared>> -> memref<400x16xf32, #tpu.memory_space<vmem_shared>>
      %dma_wait3A_323 = arith.constant 0 : i32
      %dma_wait3A_324 = tpu.memref_slice %arg9[%add3A_221, %dma_wait3A_323] : memref<102400x16xf32, #tpu.memory_space<vmem_shared>> -> memref<400x16xf32, #tpu.memory_space<vmem_shared>>
      tpu.wait_dma2 semaphore(%run_scoped3A_318 : memref<!tpu.dma_semaphore, #tpu.memory_space<semaphore_mem>>) src(%arg16 : memref<400x16xf32, #tpu.memory_space<vmem>>) dst(%dma_wait3A_324 : memref<400x16xf32, #tpu.memory_space<vmem_shared>>)
      tpu.yield
    }) : () -> ()
    %mul3A_222 = arith.constant 6400 : i32
    %mul3A_223 = arith.muli %arg1, %mul3A_222 : i32
    %add3A_224 = arith.constant 6000 : i32
    %add3A_225 = arith.addi %mul3A_223, %add3A_224 : i32
    "tpu.region"() ({
      %run_scoped3A_318 = tpu.sem_alloc : memref<!tpu.dma_semaphore, #tpu.memory_space<semaphore_mem>>
      %dma_start3A = arith.constant 0 : i32
      %dma_start3A_319 = tpu.memref_slice %arg9[%add3A_225, %dma_start3A] : memref<102400x16xf32, #tpu.memory_space<vmem_shared>> -> memref<400x16xf32, #tpu.memory_space<vmem_shared>>
      %dma_start3A_320 = arith.constant 0 : i32
      %dma_start3A_321 = tpu.memref_slice %arg9[%add3A_225, %dma_start3A_320] : memref<102400x16xf32, #tpu.memory_space<vmem_shared>> -> memref<400x16xf32, #tpu.memory_space<vmem_shared>>
      tpu.enqueue_dma source(%arg16 : memref<400x16xf32, #tpu.memory_space<vmem>>) target(%dma_start3A_321 : memref<400x16xf32, #tpu.memory_space<vmem_shared>>) target_semaphore(%run_scoped3A_318 : memref<!tpu.dma_semaphore, #tpu.memory_space<semaphore_mem>>)
      %dma_wait3A = arith.constant 0 : i32
      %dma_wait3A_322 = tpu.memref_slice %arg9[%add3A_225, %dma_wait3A] : memref<102400x16xf32, #tpu.memory_space<vmem_shared>> -> memref<400x16xf32, #tpu.memory_space<vmem_shared>>
      %dma_wait3A_323 = arith.constant 0 : i32
      %dma_wait3A_324 = tpu.memref_slice %arg9[%add3A_225, %dma_wait3A_323] : memref<102400x16xf32, #tpu.memory_space<vmem_shared>> -> memref<400x16xf32, #tpu.memory_space<vmem_shared>>
      tpu.wait_dma2 semaphore(%run_scoped3A_318 : memref<!tpu.dma_semaphore, #tpu.memory_space<semaphore_mem>>) src(%arg16 : memref<400x16xf32, #tpu.memory_space<vmem>>) dst(%dma_wait3A_324 : memref<400x16xf32, #tpu.memory_space<vmem_shared>>)
      tpu.yield
    }) : () -> ()
    %barrier3A_226 = arith.constant 0 : index
    tpu.barrier barrier_id(%barrier3A_226)
    %scan3A_227 = arith.constant 0 : i32
    %scan3A_228 = arith.constant 0 : i32
    %scan3A_229 = arith.constant 392 : i32
    %scan3A_230 = arith.addi %scan3A_228, %scan3A_229 : i32
    %scan3A_231 = arith.constant 1 : i32
    scf.for %scan3A_318 = %scan3A_228 to %scan3A_230 step %scan3A_231  : i32 {
      %mul3A_319 = arith.constant 512 : i32
      %mul3A_320 = arith.muli %scan3A_318, %mul3A_319 : i32
      %add3A_321 = arith.addi %mul3A_7, %mul3A_320 : i32
      "tpu.region"() ({
        %run_scoped3A_336 = tpu.sem_alloc : memref<!tpu.dma_semaphore, #tpu.memory_space<semaphore_mem>>
        %dma_start3A_337 = tpu.memref_slice %arg6[%add3A_321] : memref<6422528xi32, #tpu.memory_space<hbm>> -> memref<256xi32, #tpu.memory_space<hbm>>
        %dma_start3A_338 = tpu.memref_slice %arg6[%add3A_321] : memref<6422528xi32, #tpu.memory_space<hbm>> -> memref<256xi32, #tpu.memory_space<hbm>>
        tpu.enqueue_dma source(%dma_start3A_338 : memref<256xi32, #tpu.memory_space<hbm>>) target(%arg10 : memref<256xi32, #tpu.memory_space<vmem>>) target_semaphore(%run_scoped3A_336 : memref<!tpu.dma_semaphore, #tpu.memory_space<semaphore_mem>>)
        %dma_wait3A_339 = tpu.memref_slice %arg6[%add3A_321] : memref<6422528xi32, #tpu.memory_space<hbm>> -> memref<256xi32, #tpu.memory_space<hbm>>
        %dma_wait3A_340 = tpu.memref_slice %arg6[%add3A_321] : memref<6422528xi32, #tpu.memory_space<hbm>> -> memref<256xi32, #tpu.memory_space<hbm>>
        tpu.wait_dma2 semaphore(%run_scoped3A_336 : memref<!tpu.dma_semaphore, #tpu.memory_space<semaphore_mem>>) src(%dma_wait3A_340 : memref<256xi32, #tpu.memory_space<hbm>>) dst(%arg10 : memref<256xi32, #tpu.memory_space<vmem>>)
        tpu.yield
      }) : () -> ()
      "tpu.region"() ({
        %run_scoped3A_336 = tpu.sem_alloc : memref<!tpu.dma_semaphore, #tpu.memory_space<semaphore_mem>>
        %dma_start3A_337 = tpu.memref_slice %arg7[%add3A_321] : memref<6422528xi32, #tpu.memory_space<hbm>> -> memref<256xi32, #tpu.memory_space<hbm>>
        %dma_start3A_338 = tpu.memref_slice %arg7[%add3A_321] : memref<6422528xi32, #tpu.memory_space<hbm>> -> memref<256xi32, #tpu.memory_space<hbm>>
        tpu.enqueue_dma source(%dma_start3A_338 : memref<256xi32, #tpu.memory_space<hbm>>) target(%arg11 : memref<256xi32, #tpu.memory_space<vmem>>) target_semaphore(%run_scoped3A_336 : memref<!tpu.dma_semaphore, #tpu.memory_space<semaphore_mem>>)
        %dma_wait3A_339 = tpu.memref_slice %arg7[%add3A_321] : memref<6422528xi32, #tpu.memory_space<hbm>> -> memref<256xi32, #tpu.memory_space<hbm>>
        %dma_wait3A_340 = tpu.memref_slice %arg7[%add3A_321] : memref<6422528xi32, #tpu.memory_space<hbm>> -> memref<256xi32, #tpu.memory_space<hbm>>
        tpu.wait_dma2 semaphore(%run_scoped3A_336 : memref<!tpu.dma_semaphore, #tpu.memory_space<semaphore_mem>>) src(%dma_wait3A_340 : memref<256xi32, #tpu.memory_space<hbm>>) dst(%arg11 : memref<256xi32, #tpu.memory_space<vmem>>)
        tpu.yield
      }) : () -> ()
      %dma_start3A = arith.constant 0 : i32
      %dma_start3A_322 = arith.constant 0 : i32
      %dma_start3A_323 = tpu.memref_slice %arg4[%dma_start3A, %dma_start3A_322] : memref<100000x32xf32, #tpu.memory_space<hbm>> -> memref<100000x32xf32, #tpu.memory_space<hbm>>
      tpu.enqueue_indirect_dma source(%dma_start3A_323 : memref<100000x32xf32, #tpu.memory_space<hbm>>) target(%arg12 : memref<256x32xf32, #tpu.memory_space<vmem>>) offsets(%arg10 : memref<256xi32, #tpu.memory_space<vmem>>) semaphore(%arg17 : memref<!tpu.dma_semaphore, #tpu.memory_space<semaphore_mem>>)
      %add3A_324 = arith.constant 256 : i32
      %add3A_325 = arith.addi %add3A_321, %add3A_324 : i32
      "tpu.region"() ({
        %run_scoped3A_336 = tpu.sem_alloc : memref<!tpu.dma_semaphore, #tpu.memory_space<semaphore_mem>>
        %dma_start3A_337 = tpu.memref_slice %arg6[%add3A_325] : memref<6422528xi32, #tpu.memory_space<hbm>> -> memref<256xi32, #tpu.memory_space<hbm>>
        %dma_start3A_338 = tpu.memref_slice %arg6[%add3A_325] : memref<6422528xi32, #tpu.memory_space<hbm>> -> memref<256xi32, #tpu.memory_space<hbm>>
        tpu.enqueue_dma source(%dma_start3A_338 : memref<256xi32, #tpu.memory_space<hbm>>) target(%arg13 : memref<256xi32, #tpu.memory_space<vmem>>) target_semaphore(%run_scoped3A_336 : memref<!tpu.dma_semaphore, #tpu.memory_space<semaphore_mem>>)
        %dma_wait3A_339 = tpu.memref_slice %arg6[%add3A_325] : memref<6422528xi32, #tpu.memory_space<hbm>> -> memref<256xi32, #tpu.memory_space<hbm>>
        %dma_wait3A_340 = tpu.memref_slice %arg6[%add3A_325] : memref<6422528xi32, #tpu.memory_space<hbm>> -> memref<256xi32, #tpu.memory_space<hbm>>
        tpu.wait_dma2 semaphore(%run_scoped3A_336 : memref<!tpu.dma_semaphore, #tpu.memory_space<semaphore_mem>>) src(%dma_wait3A_340 : memref<256xi32, #tpu.memory_space<hbm>>) dst(%arg13 : memref<256xi32, #tpu.memory_space<vmem>>)
        tpu.yield
      }) : () -> ()
      %add3A_326 = arith.constant 256 : i32
      %add3A_327 = arith.addi %add3A_321, %add3A_326 : i32
      "tpu.region"() ({
        %run_scoped3A_336 = tpu.sem_alloc : memref<!tpu.dma_semaphore, #tpu.memory_space<semaphore_mem>>
        %dma_start3A_337 = tpu.memref_slice %arg7[%add3A_327] : memref<6422528xi32, #tpu.memory_space<hbm>> -> memref<256xi32, #tpu.memory_space<hbm>>
        %dma_start3A_338 = tpu.memref_slice %arg7[%add3A_327] : memref<6422528xi32, #tpu.memory_space<hbm>> -> memref<256xi32, #tpu.memory_space<hbm>>
        tpu.enqueue_dma source(%dma_start3A_338 : memref<256xi32, #tpu.memory_space<hbm>>) target(%arg14 : memref<256xi32, #tpu.memory_space<vmem>>) target_semaphore(%run_scoped3A_336 : memref<!tpu.dma_semaphore, #tpu.memory_space<semaphore_mem>>)
        %dma_wait3A_339 = tpu.memref_slice %arg7[%add3A_327] : memref<6422528xi32, #tpu.memory_space<hbm>> -> memref<256xi32, #tpu.memory_space<hbm>>
        %dma_wait3A_340 = tpu.memref_slice %arg7[%add3A_327] : memref<6422528xi32, #tpu.memory_space<hbm>> -> memref<256xi32, #tpu.memory_space<hbm>>
        tpu.wait_dma2 semaphore(%run_scoped3A_336 : memref<!tpu.dma_semaphore, #tpu.memory_space<semaphore_mem>>) src(%dma_wait3A_340 : memref<256xi32, #tpu.memory_space<hbm>>) dst(%arg14 : memref<256xi32, #tpu.memory_space<vmem>>)
        tpu.yield
      }) : () -> ()
      %dma_start3A_328 = arith.constant 0 : i32
      %dma_start3A_329 = arith.constant 0 : i32
      %dma_start3A_330 = tpu.memref_slice %arg4[%dma_start3A_328, %dma_start3A_329] : memref<100000x32xf32, #tpu.memory_space<hbm>> -> memref<100000x32xf32, #tpu.memory_space<hbm>>
      tpu.enqueue_indirect_dma source(%dma_start3A_330 : memref<100000x32xf32, #tpu.memory_space<hbm>>) target(%arg15 : memref<256x32xf32, #tpu.memory_space<vmem>>) offsets(%arg13 : memref<256xi32, #tpu.memory_space<vmem>>) semaphore(%arg18 : memref<!tpu.dma_semaphore, #tpu.memory_space<semaphore_mem>>)
      %dma_wait3A = arith.constant 0 : i32
      %dma_wait3A_331 = arith.constant 0 : i32
      %dma_wait3A_332 = tpu.memref_slice %arg4[%dma_wait3A, %dma_wait3A_331] : memref<100000x32xf32, #tpu.memory_space<hbm>> -> memref<100000x32xf32, #tpu.memory_space<hbm>>
      tpu.wait_indirect_dma semaphore(%arg17 : memref<!tpu.dma_semaphore, #tpu.memory_space<semaphore_mem>>) src(%dma_wait3A_332 : memref<100000x32xf32, #tpu.memory_space<hbm>>) dst(%arg12 : memref<256x32xf32, #tpu.memory_space<vmem>>)
      %dma_wait3A_333 = arith.constant 0 : i32
      %dma_wait3A_334 = arith.constant 0 : i32
      %dma_wait3A_335 = tpu.memref_slice %arg4[%dma_wait3A_333, %dma_wait3A_334] : memref<100000x32xf32, #tpu.memory_space<hbm>> -> memref<100000x32xf32, #tpu.memory_space<hbm>>
      tpu.wait_indirect_dma semaphore(%arg18 : memref<!tpu.dma_semaphore, #tpu.memory_space<semaphore_mem>>) src(%dma_wait3A_335 : memref<100000x32xf32, #tpu.memory_space<hbm>>) dst(%arg15 : memref<256x32xf32, #tpu.memory_space<vmem>>)
    }
    %scan3A_232 = arith.constant 392 : i32
    %barrier3A_233 = arith.constant 0 : index
    tpu.barrier barrier_id(%barrier3A_233)
    %mul3A_234 = arith.constant 6400 : i32
    %mul3A_235 = arith.muli %arg1, %mul3A_234 : i32
    %mul3A_236 = arith.constant 6400 : i32
    %mul3A_237 = arith.muli %arg1, %mul3A_236 : i32
    %run_scoped3A_238 = arith.constant 2 : i32
    "tpu.region"() ({
      %run_scoped3A_318 = tpu.sem_alloc : memref<!tpu.dma_semaphore, #tpu.memory_space<semaphore_mem>>
      %dma_start3A = arith.constant 0 : i32
      %dma_start3A_319 = tpu.memref_slice %arg8[%run_scoped3A_238, %arg0, %mul3A_237, %dma_start3A] : memref<4x2x102400x16xf32, #tpu.memory_space<hbm>> -> memref<1x1x6400x16xf32, #tpu.memory_space<hbm>>
      %dma_start3A_320 = tpu.memref_squeeze %dma_start3A_319 : memref<1x1x6400x16xf32, #tpu.memory_space<hbm>> -> memref<6400x16xf32, #tpu.memory_space<hbm>>
      %dma_start3A_321 = arith.constant 0 : i32
      %dma_start3A_322 = tpu.memref_slice %arg9[%mul3A_235, %dma_start3A_321] : memref<102400x16xf32, #tpu.memory_space<vmem_shared>> -> memref<6400x16xf32, #tpu.memory_space<vmem_shared>>
      tpu.enqueue_dma source(%dma_start3A_322 : memref<6400x16xf32, #tpu.memory_space<vmem_shared>>) target(%dma_start3A_320 : memref<6400x16xf32, #tpu.memory_space<hbm>>) target_semaphore(%run_scoped3A_318 : memref<!tpu.dma_semaphore, #tpu.memory_space<semaphore_mem>>)
      %dma_wait3A = arith.constant 0 : i32
      %dma_wait3A_323 = tpu.memref_slice %arg8[%run_scoped3A_238, %arg0, %mul3A_237, %dma_wait3A] : memref<4x2x102400x16xf32, #tpu.memory_space<hbm>> -> memref<1x1x6400x16xf32, #tpu.memory_space<hbm>>
      %dma_wait3A_324 = tpu.memref_squeeze %dma_wait3A_323 : memref<1x1x6400x16xf32, #tpu.memory_space<hbm>> -> memref<6400x16xf32, #tpu.memory_space<hbm>>
      %dma_wait3A_325 = arith.constant 0 : i32
      %dma_wait3A_326 = tpu.memref_slice %arg9[%mul3A_235, %dma_wait3A_325] : memref<102400x16xf32, #tpu.memory_space<vmem_shared>> -> memref<6400x16xf32, #tpu.memory_space<vmem_shared>>
      tpu.wait_dma2 semaphore(%run_scoped3A_318 : memref<!tpu.dma_semaphore, #tpu.memory_space<semaphore_mem>>) src(%dma_wait3A_326 : memref<6400x16xf32, #tpu.memory_space<vmem_shared>>) dst(%dma_wait3A_324 : memref<6400x16xf32, #tpu.memory_space<hbm>>)
      tpu.yield
    }) : () -> ()
    %barrier3A_239 = arith.constant 0 : index
    tpu.barrier barrier_id(%barrier3A_239)
    %mul3A_240 = arith.constant 6400 : i32
    %mul3A_241 = arith.muli %arg1, %mul3A_240 : i32
    %add3A_242 = arith.constant 0 : i32
    %add3A_243 = arith.addi %mul3A_241, %add3A_242 : i32
    "tpu.region"() ({
      %run_scoped3A_318 = tpu.sem_alloc : memref<!tpu.dma_semaphore, #tpu.memory_space<semaphore_mem>>
      %dma_start3A = arith.constant 0 : i32
      %dma_start3A_319 = tpu.memref_slice %arg9[%add3A_243, %dma_start3A] : memref<102400x16xf32, #tpu.memory_space<vmem_shared>> -> memref<400x16xf32, #tpu.memory_space<vmem_shared>>
      %dma_start3A_320 = arith.constant 0 : i32
      %dma_start3A_321 = tpu.memref_slice %arg9[%add3A_243, %dma_start3A_320] : memref<102400x16xf32, #tpu.memory_space<vmem_shared>> -> memref<400x16xf32, #tpu.memory_space<vmem_shared>>
      tpu.enqueue_dma source(%arg16 : memref<400x16xf32, #tpu.memory_space<vmem>>) target(%dma_start3A_321 : memref<400x16xf32, #tpu.memory_space<vmem_shared>>) target_semaphore(%run_scoped3A_318 : memref<!tpu.dma_semaphore, #tpu.memory_space<semaphore_mem>>)
      %dma_wait3A = arith.constant 0 : i32
      %dma_wait3A_322 = tpu.memref_slice %arg9[%add3A_243, %dma_wait3A] : memref<102400x16xf32, #tpu.memory_space<vmem_shared>> -> memref<400x16xf32, #tpu.memory_space<vmem_shared>>
      %dma_wait3A_323 = arith.constant 0 : i32
      %dma_wait3A_324 = tpu.memref_slice %arg9[%add3A_243, %dma_wait3A_323] : memref<102400x16xf32, #tpu.memory_space<vmem_shared>> -> memref<400x16xf32, #tpu.memory_space<vmem_shared>>
      tpu.wait_dma2 semaphore(%run_scoped3A_318 : memref<!tpu.dma_semaphore, #tpu.memory_space<semaphore_mem>>) src(%arg16 : memref<400x16xf32, #tpu.memory_space<vmem>>) dst(%dma_wait3A_324 : memref<400x16xf32, #tpu.memory_space<vmem_shared>>)
      tpu.yield
    }) : () -> ()
    %mul3A_244 = arith.constant 6400 : i32
    %mul3A_245 = arith.muli %arg1, %mul3A_244 : i32
    %add3A_246 = arith.constant 400 : i32
    %add3A_247 = arith.addi %mul3A_245, %add3A_246 : i32
    "tpu.region"() ({
      %run_scoped3A_318 = tpu.sem_alloc : memref<!tpu.dma_semaphore, #tpu.memory_space<semaphore_mem>>
      %dma_start3A = arith.constant 0 : i32
      %dma_start3A_319 = tpu.memref_slice %arg9[%add3A_247, %dma_start3A] : memref<102400x16xf32, #tpu.memory_space<vmem_shared>> -> memref<400x16xf32, #tpu.memory_space<vmem_shared>>
      %dma_start3A_320 = arith.constant 0 : i32
      %dma_start3A_321 = tpu.memref_slice %arg9[%add3A_247, %dma_start3A_320] : memref<102400x16xf32, #tpu.memory_space<vmem_shared>> -> memref<400x16xf32, #tpu.memory_space<vmem_shared>>
      tpu.enqueue_dma source(%arg16 : memref<400x16xf32, #tpu.memory_space<vmem>>) target(%dma_start3A_321 : memref<400x16xf32, #tpu.memory_space<vmem_shared>>) target_semaphore(%run_scoped3A_318 : memref<!tpu.dma_semaphore, #tpu.memory_space<semaphore_mem>>)
      %dma_wait3A = arith.constant 0 : i32
      %dma_wait3A_322 = tpu.memref_slice %arg9[%add3A_247, %dma_wait3A] : memref<102400x16xf32, #tpu.memory_space<vmem_shared>> -> memref<400x16xf32, #tpu.memory_space<vmem_shared>>
      %dma_wait3A_323 = arith.constant 0 : i32
      %dma_wait3A_324 = tpu.memref_slice %arg9[%add3A_247, %dma_wait3A_323] : memref<102400x16xf32, #tpu.memory_space<vmem_shared>> -> memref<400x16xf32, #tpu.memory_space<vmem_shared>>
      tpu.wait_dma2 semaphore(%run_scoped3A_318 : memref<!tpu.dma_semaphore, #tpu.memory_space<semaphore_mem>>) src(%arg16 : memref<400x16xf32, #tpu.memory_space<vmem>>) dst(%dma_wait3A_324 : memref<400x16xf32, #tpu.memory_space<vmem_shared>>)
      tpu.yield
    }) : () -> ()
    %mul3A_248 = arith.constant 6400 : i32
    %mul3A_249 = arith.muli %arg1, %mul3A_248 : i32
    %add3A_250 = arith.constant 800 : i32
    %add3A_251 = arith.addi %mul3A_249, %add3A_250 : i32
    "tpu.region"() ({
      %run_scoped3A_318 = tpu.sem_alloc : memref<!tpu.dma_semaphore, #tpu.memory_space<semaphore_mem>>
      %dma_start3A = arith.constant 0 : i32
      %dma_start3A_319 = tpu.memref_slice %arg9[%add3A_251, %dma_start3A] : memref<102400x16xf32, #tpu.memory_space<vmem_shared>> -> memref<400x16xf32, #tpu.memory_space<vmem_shared>>
      %dma_start3A_320 = arith.constant 0 : i32
      %dma_start3A_321 = tpu.memref_slice %arg9[%add3A_251, %dma_start3A_320] : memref<102400x16xf32, #tpu.memory_space<vmem_shared>> -> memref<400x16xf32, #tpu.memory_space<vmem_shared>>
      tpu.enqueue_dma source(%arg16 : memref<400x16xf32, #tpu.memory_space<vmem>>) target(%dma_start3A_321 : memref<400x16xf32, #tpu.memory_space<vmem_shared>>) target_semaphore(%run_scoped3A_318 : memref<!tpu.dma_semaphore, #tpu.memory_space<semaphore_mem>>)
      %dma_wait3A = arith.constant 0 : i32
      %dma_wait3A_322 = tpu.memref_slice %arg9[%add3A_251, %dma_wait3A] : memref<102400x16xf32, #tpu.memory_space<vmem_shared>> -> memref<400x16xf32, #tpu.memory_space<vmem_shared>>
      %dma_wait3A_323 = arith.constant 0 : i32
      %dma_wait3A_324 = tpu.memref_slice %arg9[%add3A_251, %dma_wait3A_323] : memref<102400x16xf32, #tpu.memory_space<vmem_shared>> -> memref<400x16xf32, #tpu.memory_space<vmem_shared>>
      tpu.wait_dma2 semaphore(%run_scoped3A_318 : memref<!tpu.dma_semaphore, #tpu.memory_space<semaphore_mem>>) src(%arg16 : memref<400x16xf32, #tpu.memory_space<vmem>>) dst(%dma_wait3A_324 : memref<400x16xf32, #tpu.memory_space<vmem_shared>>)
      tpu.yield
    }) : () -> ()
    %mul3A_252 = arith.constant 6400 : i32
    %mul3A_253 = arith.muli %arg1, %mul3A_252 : i32
    %add3A_254 = arith.constant 1200 : i32
    %add3A_255 = arith.addi %mul3A_253, %add3A_254 : i32
    "tpu.region"() ({
      %run_scoped3A_318 = tpu.sem_alloc : memref<!tpu.dma_semaphore, #tpu.memory_space<semaphore_mem>>
      %dma_start3A = arith.constant 0 : i32
      %dma_start3A_319 = tpu.memref_slice %arg9[%add3A_255, %dma_start3A] : memref<102400x16xf32, #tpu.memory_space<vmem_shared>> -> memref<400x16xf32, #tpu.memory_space<vmem_shared>>
      %dma_start3A_320 = arith.constant 0 : i32
      %dma_start3A_321 = tpu.memref_slice %arg9[%add3A_255, %dma_start3A_320] : memref<102400x16xf32, #tpu.memory_space<vmem_shared>> -> memref<400x16xf32, #tpu.memory_space<vmem_shared>>
      tpu.enqueue_dma source(%arg16 : memref<400x16xf32, #tpu.memory_space<vmem>>) target(%dma_start3A_321 : memref<400x16xf32, #tpu.memory_space<vmem_shared>>) target_semaphore(%run_scoped3A_318 : memref<!tpu.dma_semaphore, #tpu.memory_space<semaphore_mem>>)
      %dma_wait3A = arith.constant 0 : i32
      %dma_wait3A_322 = tpu.memref_slice %arg9[%add3A_255, %dma_wait3A] : memref<102400x16xf32, #tpu.memory_space<vmem_shared>> -> memref<400x16xf32, #tpu.memory_space<vmem_shared>>
      %dma_wait3A_323 = arith.constant 0 : i32
      %dma_wait3A_324 = tpu.memref_slice %arg9[%add3A_255, %dma_wait3A_323] : memref<102400x16xf32, #tpu.memory_space<vmem_shared>> -> memref<400x16xf32, #tpu.memory_space<vmem_shared>>
      tpu.wait_dma2 semaphore(%run_scoped3A_318 : memref<!tpu.dma_semaphore, #tpu.memory_space<semaphore_mem>>) src(%arg16 : memref<400x16xf32, #tpu.memory_space<vmem>>) dst(%dma_wait3A_324 : memref<400x16xf32, #tpu.memory_space<vmem_shared>>)
      tpu.yield
    }) : () -> ()
    %mul3A_256 = arith.constant 6400 : i32
    %mul3A_257 = arith.muli %arg1, %mul3A_256 : i32
    %add3A_258 = arith.constant 1600 : i32
    %add3A_259 = arith.addi %mul3A_257, %add3A_258 : i32
    "tpu.region"() ({
      %run_scoped3A_318 = tpu.sem_alloc : memref<!tpu.dma_semaphore, #tpu.memory_space<semaphore_mem>>
      %dma_start3A = arith.constant 0 : i32
      %dma_start3A_319 = tpu.memref_slice %arg9[%add3A_259, %dma_start3A] : memref<102400x16xf32, #tpu.memory_space<vmem_shared>> -> memref<400x16xf32, #tpu.memory_space<vmem_shared>>
      %dma_start3A_320 = arith.constant 0 : i32
      %dma_start3A_321 = tpu.memref_slice %arg9[%add3A_259, %dma_start3A_320] : memref<102400x16xf32, #tpu.memory_space<vmem_shared>> -> memref<400x16xf32, #tpu.memory_space<vmem_shared>>
      tpu.enqueue_dma source(%arg16 : memref<400x16xf32, #tpu.memory_space<vmem>>) target(%dma_start3A_321 : memref<400x16xf32, #tpu.memory_space<vmem_shared>>) target_semaphore(%run_scoped3A_318 : memref<!tpu.dma_semaphore, #tpu.memory_space<semaphore_mem>>)
      %dma_wait3A = arith.constant 0 : i32
      %dma_wait3A_322 = tpu.memref_slice %arg9[%add3A_259, %dma_wait3A] : memref<102400x16xf32, #tpu.memory_space<vmem_shared>> -> memref<400x16xf32, #tpu.memory_space<vmem_shared>>
      %dma_wait3A_323 = arith.constant 0 : i32
      %dma_wait3A_324 = tpu.memref_slice %arg9[%add3A_259, %dma_wait3A_323] : memref<102400x16xf32, #tpu.memory_space<vmem_shared>> -> memref<400x16xf32, #tpu.memory_space<vmem_shared>>
      tpu.wait_dma2 semaphore(%run_scoped3A_318 : memref<!tpu.dma_semaphore, #tpu.memory_space<semaphore_mem>>) src(%arg16 : memref<400x16xf32, #tpu.memory_space<vmem>>) dst(%dma_wait3A_324 : memref<400x16xf32, #tpu.memory_space<vmem_shared>>)
      tpu.yield
    }) : () -> ()
    %mul3A_260 = arith.constant 6400 : i32
    %mul3A_261 = arith.muli %arg1, %mul3A_260 : i32
    %add3A_262 = arith.constant 2000 : i32
    %add3A_263 = arith.addi %mul3A_261, %add3A_262 : i32
    "tpu.region"() ({
      %run_scoped3A_318 = tpu.sem_alloc : memref<!tpu.dma_semaphore, #tpu.memory_space<semaphore_mem>>
      %dma_start3A = arith.constant 0 : i32
      %dma_start3A_319 = tpu.memref_slice %arg9[%add3A_263, %dma_start3A] : memref<102400x16xf32, #tpu.memory_space<vmem_shared>> -> memref<400x16xf32, #tpu.memory_space<vmem_shared>>
      %dma_start3A_320 = arith.constant 0 : i32
      %dma_start3A_321 = tpu.memref_slice %arg9[%add3A_263, %dma_start3A_320] : memref<102400x16xf32, #tpu.memory_space<vmem_shared>> -> memref<400x16xf32, #tpu.memory_space<vmem_shared>>
      tpu.enqueue_dma source(%arg16 : memref<400x16xf32, #tpu.memory_space<vmem>>) target(%dma_start3A_321 : memref<400x16xf32, #tpu.memory_space<vmem_shared>>) target_semaphore(%run_scoped3A_318 : memref<!tpu.dma_semaphore, #tpu.memory_space<semaphore_mem>>)
      %dma_wait3A = arith.constant 0 : i32
      %dma_wait3A_322 = tpu.memref_slice %arg9[%add3A_263, %dma_wait3A] : memref<102400x16xf32, #tpu.memory_space<vmem_shared>> -> memref<400x16xf32, #tpu.memory_space<vmem_shared>>
      %dma_wait3A_323 = arith.constant 0 : i32
      %dma_wait3A_324 = tpu.memref_slice %arg9[%add3A_263, %dma_wait3A_323] : memref<102400x16xf32, #tpu.memory_space<vmem_shared>> -> memref<400x16xf32, #tpu.memory_space<vmem_shared>>
      tpu.wait_dma2 semaphore(%run_scoped3A_318 : memref<!tpu.dma_semaphore, #tpu.memory_space<semaphore_mem>>) src(%arg16 : memref<400x16xf32, #tpu.memory_space<vmem>>) dst(%dma_wait3A_324 : memref<400x16xf32, #tpu.memory_space<vmem_shared>>)
      tpu.yield
    }) : () -> ()
    %mul3A_264 = arith.constant 6400 : i32
    %mul3A_265 = arith.muli %arg1, %mul3A_264 : i32
    %add3A_266 = arith.constant 2400 : i32
    %add3A_267 = arith.addi %mul3A_265, %add3A_266 : i32
    "tpu.region"() ({
      %run_scoped3A_318 = tpu.sem_alloc : memref<!tpu.dma_semaphore, #tpu.memory_space<semaphore_mem>>
      %dma_start3A = arith.constant 0 : i32
      %dma_start3A_319 = tpu.memref_slice %arg9[%add3A_267, %dma_start3A] : memref<102400x16xf32, #tpu.memory_space<vmem_shared>> -> memref<400x16xf32, #tpu.memory_space<vmem_shared>>
      %dma_start3A_320 = arith.constant 0 : i32
      %dma_start3A_321 = tpu.memref_slice %arg9[%add3A_267, %dma_start3A_320] : memref<102400x16xf32, #tpu.memory_space<vmem_shared>> -> memref<400x16xf32, #tpu.memory_space<vmem_shared>>
      tpu.enqueue_dma source(%arg16 : memref<400x16xf32, #tpu.memory_space<vmem>>) target(%dma_start3A_321 : memref<400x16xf32, #tpu.memory_space<vmem_shared>>) target_semaphore(%run_scoped3A_318 : memref<!tpu.dma_semaphore, #tpu.memory_space<semaphore_mem>>)
      %dma_wait3A = arith.constant 0 : i32
      %dma_wait3A_322 = tpu.memref_slice %arg9[%add3A_267, %dma_wait3A] : memref<102400x16xf32, #tpu.memory_space<vmem_shared>> -> memref<400x16xf32, #tpu.memory_space<vmem_shared>>
      %dma_wait3A_323 = arith.constant 0 : i32
      %dma_wait3A_324 = tpu.memref_slice %arg9[%add3A_267, %dma_wait3A_323] : memref<102400x16xf32, #tpu.memory_space<vmem_shared>> -> memref<400x16xf32, #tpu.memory_space<vmem_shared>>
      tpu.wait_dma2 semaphore(%run_scoped3A_318 : memref<!tpu.dma_semaphore, #tpu.memory_space<semaphore_mem>>) src(%arg16 : memref<400x16xf32, #tpu.memory_space<vmem>>) dst(%dma_wait3A_324 : memref<400x16xf32, #tpu.memory_space<vmem_shared>>)
      tpu.yield
    }) : () -> ()
    %mul3A_268 = arith.constant 6400 : i32
    %mul3A_269 = arith.muli %arg1, %mul3A_268 : i32
    %add3A_270 = arith.constant 2800 : i32
    %add3A_271 = arith.addi %mul3A_269, %add3A_270 : i32
    "tpu.region"() ({
      %run_scoped3A_318 = tpu.sem_alloc : memref<!tpu.dma_semaphore, #tpu.memory_space<semaphore_mem>>
      %dma_start3A = arith.constant 0 : i32
      %dma_start3A_319 = tpu.memref_slice %arg9[%add3A_271, %dma_start3A] : memref<102400x16xf32, #tpu.memory_space<vmem_shared>> -> memref<400x16xf32, #tpu.memory_space<vmem_shared>>
      %dma_start3A_320 = arith.constant 0 : i32
      %dma_start3A_321 = tpu.memref_slice %arg9[%add3A_271, %dma_start3A_320] : memref<102400x16xf32, #tpu.memory_space<vmem_shared>> -> memref<400x16xf32, #tpu.memory_space<vmem_shared>>
      tpu.enqueue_dma source(%arg16 : memref<400x16xf32, #tpu.memory_space<vmem>>) target(%dma_start3A_321 : memref<400x16xf32, #tpu.memory_space<vmem_shared>>) target_semaphore(%run_scoped3A_318 : memref<!tpu.dma_semaphore, #tpu.memory_space<semaphore_mem>>)
      %dma_wait3A = arith.constant 0 : i32
      %dma_wait3A_322 = tpu.memref_slice %arg9[%add3A_271, %dma_wait3A] : memref<102400x16xf32, #tpu.memory_space<vmem_shared>> -> memref<400x16xf32, #tpu.memory_space<vmem_shared>>
      %dma_wait3A_323 = arith.constant 0 : i32
      %dma_wait3A_324 = tpu.memref_slice %arg9[%add3A_271, %dma_wait3A_323] : memref<102400x16xf32, #tpu.memory_space<vmem_shared>> -> memref<400x16xf32, #tpu.memory_space<vmem_shared>>
      tpu.wait_dma2 semaphore(%run_scoped3A_318 : memref<!tpu.dma_semaphore, #tpu.memory_space<semaphore_mem>>) src(%arg16 : memref<400x16xf32, #tpu.memory_space<vmem>>) dst(%dma_wait3A_324 : memref<400x16xf32, #tpu.memory_space<vmem_shared>>)
      tpu.yield
    }) : () -> ()
    %mul3A_272 = arith.constant 6400 : i32
    %mul3A_273 = arith.muli %arg1, %mul3A_272 : i32
    %add3A_274 = arith.constant 3200 : i32
    %add3A_275 = arith.addi %mul3A_273, %add3A_274 : i32
    "tpu.region"() ({
      %run_scoped3A_318 = tpu.sem_alloc : memref<!tpu.dma_semaphore, #tpu.memory_space<semaphore_mem>>
      %dma_start3A = arith.constant 0 : i32
      %dma_start3A_319 = tpu.memref_slice %arg9[%add3A_275, %dma_start3A] : memref<102400x16xf32, #tpu.memory_space<vmem_shared>> -> memref<400x16xf32, #tpu.memory_space<vmem_shared>>
      %dma_start3A_320 = arith.constant 0 : i32
      %dma_start3A_321 = tpu.memref_slice %arg9[%add3A_275, %dma_start3A_320] : memref<102400x16xf32, #tpu.memory_space<vmem_shared>> -> memref<400x16xf32, #tpu.memory_space<vmem_shared>>
      tpu.enqueue_dma source(%arg16 : memref<400x16xf32, #tpu.memory_space<vmem>>) target(%dma_start3A_321 : memref<400x16xf32, #tpu.memory_space<vmem_shared>>) target_semaphore(%run_scoped3A_318 : memref<!tpu.dma_semaphore, #tpu.memory_space<semaphore_mem>>)
      %dma_wait3A = arith.constant 0 : i32
      %dma_wait3A_322 = tpu.memref_slice %arg9[%add3A_275, %dma_wait3A] : memref<102400x16xf32, #tpu.memory_space<vmem_shared>> -> memref<400x16xf32, #tpu.memory_space<vmem_shared>>
      %dma_wait3A_323 = arith.constant 0 : i32
      %dma_wait3A_324 = tpu.memref_slice %arg9[%add3A_275, %dma_wait3A_323] : memref<102400x16xf32, #tpu.memory_space<vmem_shared>> -> memref<400x16xf32, #tpu.memory_space<vmem_shared>>
      tpu.wait_dma2 semaphore(%run_scoped3A_318 : memref<!tpu.dma_semaphore, #tpu.memory_space<semaphore_mem>>) src(%arg16 : memref<400x16xf32, #tpu.memory_space<vmem>>) dst(%dma_wait3A_324 : memref<400x16xf32, #tpu.memory_space<vmem_shared>>)
      tpu.yield
    }) : () -> ()
    %mul3A_276 = arith.constant 6400 : i32
    %mul3A_277 = arith.muli %arg1, %mul3A_276 : i32
    %add3A_278 = arith.constant 3600 : i32
    %add3A_279 = arith.addi %mul3A_277, %add3A_278 : i32
    "tpu.region"() ({
      %run_scoped3A_318 = tpu.sem_alloc : memref<!tpu.dma_semaphore, #tpu.memory_space<semaphore_mem>>
      %dma_start3A = arith.constant 0 : i32
      %dma_start3A_319 = tpu.memref_slice %arg9[%add3A_279, %dma_start3A] : memref<102400x16xf32, #tpu.memory_space<vmem_shared>> -> memref<400x16xf32, #tpu.memory_space<vmem_shared>>
      %dma_start3A_320 = arith.constant 0 : i32
      %dma_start3A_321 = tpu.memref_slice %arg9[%add3A_279, %dma_start3A_320] : memref<102400x16xf32, #tpu.memory_space<vmem_shared>> -> memref<400x16xf32, #tpu.memory_space<vmem_shared>>
      tpu.enqueue_dma source(%arg16 : memref<400x16xf32, #tpu.memory_space<vmem>>) target(%dma_start3A_321 : memref<400x16xf32, #tpu.memory_space<vmem_shared>>) target_semaphore(%run_scoped3A_318 : memref<!tpu.dma_semaphore, #tpu.memory_space<semaphore_mem>>)
      %dma_wait3A = arith.constant 0 : i32
      %dma_wait3A_322 = tpu.memref_slice %arg9[%add3A_279, %dma_wait3A] : memref<102400x16xf32, #tpu.memory_space<vmem_shared>> -> memref<400x16xf32, #tpu.memory_space<vmem_shared>>
      %dma_wait3A_323 = arith.constant 0 : i32
      %dma_wait3A_324 = tpu.memref_slice %arg9[%add3A_279, %dma_wait3A_323] : memref<102400x16xf32, #tpu.memory_space<vmem_shared>> -> memref<400x16xf32, #tpu.memory_space<vmem_shared>>
      tpu.wait_dma2 semaphore(%run_scoped3A_318 : memref<!tpu.dma_semaphore, #tpu.memory_space<semaphore_mem>>) src(%arg16 : memref<400x16xf32, #tpu.memory_space<vmem>>) dst(%dma_wait3A_324 : memref<400x16xf32, #tpu.memory_space<vmem_shared>>)
      tpu.yield
    }) : () -> ()
    %mul3A_280 = arith.constant 6400 : i32
    %mul3A_281 = arith.muli %arg1, %mul3A_280 : i32
    %add3A_282 = arith.constant 4000 : i32
    %add3A_283 = arith.addi %mul3A_281, %add3A_282 : i32
    "tpu.region"() ({
      %run_scoped3A_318 = tpu.sem_alloc : memref<!tpu.dma_semaphore, #tpu.memory_space<semaphore_mem>>
      %dma_start3A = arith.constant 0 : i32
      %dma_start3A_319 = tpu.memref_slice %arg9[%add3A_283, %dma_start3A] : memref<102400x16xf32, #tpu.memory_space<vmem_shared>> -> memref<400x16xf32, #tpu.memory_space<vmem_shared>>
      %dma_start3A_320 = arith.constant 0 : i32
      %dma_start3A_321 = tpu.memref_slice %arg9[%add3A_283, %dma_start3A_320] : memref<102400x16xf32, #tpu.memory_space<vmem_shared>> -> memref<400x16xf32, #tpu.memory_space<vmem_shared>>
      tpu.enqueue_dma source(%arg16 : memref<400x16xf32, #tpu.memory_space<vmem>>) target(%dma_start3A_321 : memref<400x16xf32, #tpu.memory_space<vmem_shared>>) target_semaphore(%run_scoped3A_318 : memref<!tpu.dma_semaphore, #tpu.memory_space<semaphore_mem>>)
      %dma_wait3A = arith.constant 0 : i32
      %dma_wait3A_322 = tpu.memref_slice %arg9[%add3A_283, %dma_wait3A] : memref<102400x16xf32, #tpu.memory_space<vmem_shared>> -> memref<400x16xf32, #tpu.memory_space<vmem_shared>>
      %dma_wait3A_323 = arith.constant 0 : i32
      %dma_wait3A_324 = tpu.memref_slice %arg9[%add3A_283, %dma_wait3A_323] : memref<102400x16xf32, #tpu.memory_space<vmem_shared>> -> memref<400x16xf32, #tpu.memory_space<vmem_shared>>
      tpu.wait_dma2 semaphore(%run_scoped3A_318 : memref<!tpu.dma_semaphore, #tpu.memory_space<semaphore_mem>>) src(%arg16 : memref<400x16xf32, #tpu.memory_space<vmem>>) dst(%dma_wait3A_324 : memref<400x16xf32, #tpu.memory_space<vmem_shared>>)
      tpu.yield
    }) : () -> ()
    %mul3A_284 = arith.constant 6400 : i32
    %mul3A_285 = arith.muli %arg1, %mul3A_284 : i32
    %add3A_286 = arith.constant 4400 : i32
    %add3A_287 = arith.addi %mul3A_285, %add3A_286 : i32
    "tpu.region"() ({
      %run_scoped3A_318 = tpu.sem_alloc : memref<!tpu.dma_semaphore, #tpu.memory_space<semaphore_mem>>
      %dma_start3A = arith.constant 0 : i32
      %dma_start3A_319 = tpu.memref_slice %arg9[%add3A_287, %dma_start3A] : memref<102400x16xf32, #tpu.memory_space<vmem_shared>> -> memref<400x16xf32, #tpu.memory_space<vmem_shared>>
      %dma_start3A_320 = arith.constant 0 : i32
      %dma_start3A_321 = tpu.memref_slice %arg9[%add3A_287, %dma_start3A_320] : memref<102400x16xf32, #tpu.memory_space<vmem_shared>> -> memref<400x16xf32, #tpu.memory_space<vmem_shared>>
      tpu.enqueue_dma source(%arg16 : memref<400x16xf32, #tpu.memory_space<vmem>>) target(%dma_start3A_321 : memref<400x16xf32, #tpu.memory_space<vmem_shared>>) target_semaphore(%run_scoped3A_318 : memref<!tpu.dma_semaphore, #tpu.memory_space<semaphore_mem>>)
      %dma_wait3A = arith.constant 0 : i32
      %dma_wait3A_322 = tpu.memref_slice %arg9[%add3A_287, %dma_wait3A] : memref<102400x16xf32, #tpu.memory_space<vmem_shared>> -> memref<400x16xf32, #tpu.memory_space<vmem_shared>>
      %dma_wait3A_323 = arith.constant 0 : i32
      %dma_wait3A_324 = tpu.memref_slice %arg9[%add3A_287, %dma_wait3A_323] : memref<102400x16xf32, #tpu.memory_space<vmem_shared>> -> memref<400x16xf32, #tpu.memory_space<vmem_shared>>
      tpu.wait_dma2 semaphore(%run_scoped3A_318 : memref<!tpu.dma_semaphore, #tpu.memory_space<semaphore_mem>>) src(%arg16 : memref<400x16xf32, #tpu.memory_space<vmem>>) dst(%dma_wait3A_324 : memref<400x16xf32, #tpu.memory_space<vmem_shared>>)
      tpu.yield
    }) : () -> ()
    %mul3A_288 = arith.constant 6400 : i32
    %mul3A_289 = arith.muli %arg1, %mul3A_288 : i32
    %add3A_290 = arith.constant 4800 : i32
    %add3A_291 = arith.addi %mul3A_289, %add3A_290 : i32
    "tpu.region"() ({
      %run_scoped3A_318 = tpu.sem_alloc : memref<!tpu.dma_semaphore, #tpu.memory_space<semaphore_mem>>
      %dma_start3A = arith.constant 0 : i32
      %dma_start3A_319 = tpu.memref_slice %arg9[%add3A_291, %dma_start3A] : memref<102400x16xf32, #tpu.memory_space<vmem_shared>> -> memref<400x16xf32, #tpu.memory_space<vmem_shared>>
      %dma_start3A_320 = arith.constant 0 : i32
      %dma_start3A_321 = tpu.memref_slice %arg9[%add3A_291, %dma_start3A_320] : memref<102400x16xf32, #tpu.memory_space<vmem_shared>> -> memref<400x16xf32, #tpu.memory_space<vmem_shared>>
      tpu.enqueue_dma source(%arg16 : memref<400x16xf32, #tpu.memory_space<vmem>>) target(%dma_start3A_321 : memref<400x16xf32, #tpu.memory_space<vmem_shared>>) target_semaphore(%run_scoped3A_318 : memref<!tpu.dma_semaphore, #tpu.memory_space<semaphore_mem>>)
      %dma_wait3A = arith.constant 0 : i32
      %dma_wait3A_322 = tpu.memref_slice %arg9[%add3A_291, %dma_wait3A] : memref<102400x16xf32, #tpu.memory_space<vmem_shared>> -> memref<400x16xf32, #tpu.memory_space<vmem_shared>>
      %dma_wait3A_323 = arith.constant 0 : i32
      %dma_wait3A_324 = tpu.memref_slice %arg9[%add3A_291, %dma_wait3A_323] : memref<102400x16xf32, #tpu.memory_space<vmem_shared>> -> memref<400x16xf32, #tpu.memory_space<vmem_shared>>
      tpu.wait_dma2 semaphore(%run_scoped3A_318 : memref<!tpu.dma_semaphore, #tpu.memory_space<semaphore_mem>>) src(%arg16 : memref<400x16xf32, #tpu.memory_space<vmem>>) dst(%dma_wait3A_324 : memref<400x16xf32, #tpu.memory_space<vmem_shared>>)
      tpu.yield
    }) : () -> ()
    %mul3A_292 = arith.constant 6400 : i32
    %mul3A_293 = arith.muli %arg1, %mul3A_292 : i32
    %add3A_294 = arith.constant 5200 : i32
    %add3A_295 = arith.addi %mul3A_293, %add3A_294 : i32
    "tpu.region"() ({
      %run_scoped3A_318 = tpu.sem_alloc : memref<!tpu.dma_semaphore, #tpu.memory_space<semaphore_mem>>
      %dma_start3A = arith.constant 0 : i32
      %dma_start3A_319 = tpu.memref_slice %arg9[%add3A_295, %dma_start3A] : memref<102400x16xf32, #tpu.memory_space<vmem_shared>> -> memref<400x16xf32, #tpu.memory_space<vmem_shared>>
      %dma_start3A_320 = arith.constant 0 : i32
      %dma_start3A_321 = tpu.memref_slice %arg9[%add3A_295, %dma_start3A_320] : memref<102400x16xf32, #tpu.memory_space<vmem_shared>> -> memref<400x16xf32, #tpu.memory_space<vmem_shared>>
      tpu.enqueue_dma source(%arg16 : memref<400x16xf32, #tpu.memory_space<vmem>>) target(%dma_start3A_321 : memref<400x16xf32, #tpu.memory_space<vmem_shared>>) target_semaphore(%run_scoped3A_318 : memref<!tpu.dma_semaphore, #tpu.memory_space<semaphore_mem>>)
      %dma_wait3A = arith.constant 0 : i32
      %dma_wait3A_322 = tpu.memref_slice %arg9[%add3A_295, %dma_wait3A] : memref<102400x16xf32, #tpu.memory_space<vmem_shared>> -> memref<400x16xf32, #tpu.memory_space<vmem_shared>>
      %dma_wait3A_323 = arith.constant 0 : i32
      %dma_wait3A_324 = tpu.memref_slice %arg9[%add3A_295, %dma_wait3A_323] : memref<102400x16xf32, #tpu.memory_space<vmem_shared>> -> memref<400x16xf32, #tpu.memory_space<vmem_shared>>
      tpu.wait_dma2 semaphore(%run_scoped3A_318 : memref<!tpu.dma_semaphore, #tpu.memory_space<semaphore_mem>>) src(%arg16 : memref<400x16xf32, #tpu.memory_space<vmem>>) dst(%dma_wait3A_324 : memref<400x16xf32, #tpu.memory_space<vmem_shared>>)
      tpu.yield
    }) : () -> ()
    %mul3A_296 = arith.constant 6400 : i32
    %mul3A_297 = arith.muli %arg1, %mul3A_296 : i32
    %add3A_298 = arith.constant 5600 : i32
    %add3A_299 = arith.addi %mul3A_297, %add3A_298 : i32
    "tpu.region"() ({
      %run_scoped3A_318 = tpu.sem_alloc : memref<!tpu.dma_semaphore, #tpu.memory_space<semaphore_mem>>
      %dma_start3A = arith.constant 0 : i32
      %dma_start3A_319 = tpu.memref_slice %arg9[%add3A_299, %dma_start3A] : memref<102400x16xf32, #tpu.memory_space<vmem_shared>> -> memref<400x16xf32, #tpu.memory_space<vmem_shared>>
      %dma_start3A_320 = arith.constant 0 : i32
      %dma_start3A_321 = tpu.memref_slice %arg9[%add3A_299, %dma_start3A_320] : memref<102400x16xf32, #tpu.memory_space<vmem_shared>> -> memref<400x16xf32, #tpu.memory_space<vmem_shared>>
      tpu.enqueue_dma source(%arg16 : memref<400x16xf32, #tpu.memory_space<vmem>>) target(%dma_start3A_321 : memref<400x16xf32, #tpu.memory_space<vmem_shared>>) target_semaphore(%run_scoped3A_318 : memref<!tpu.dma_semaphore, #tpu.memory_space<semaphore_mem>>)
      %dma_wait3A = arith.constant 0 : i32
      %dma_wait3A_322 = tpu.memref_slice %arg9[%add3A_299, %dma_wait3A] : memref<102400x16xf32, #tpu.memory_space<vmem_shared>> -> memref<400x16xf32, #tpu.memory_space<vmem_shared>>
      %dma_wait3A_323 = arith.constant 0 : i32
      %dma_wait3A_324 = tpu.memref_slice %arg9[%add3A_299, %dma_wait3A_323] : memref<102400x16xf32, #tpu.memory_space<vmem_shared>> -> memref<400x16xf32, #tpu.memory_space<vmem_shared>>
      tpu.wait_dma2 semaphore(%run_scoped3A_318 : memref<!tpu.dma_semaphore, #tpu.memory_space<semaphore_mem>>) src(%arg16 : memref<400x16xf32, #tpu.memory_space<vmem>>) dst(%dma_wait3A_324 : memref<400x16xf32, #tpu.memory_space<vmem_shared>>)
      tpu.yield
    }) : () -> ()
    %mul3A_300 = arith.constant 6400 : i32
    %mul3A_301 = arith.muli %arg1, %mul3A_300 : i32
    %add3A_302 = arith.constant 6000 : i32
    %add3A_303 = arith.addi %mul3A_301, %add3A_302 : i32
    "tpu.region"() ({
      %run_scoped3A_318 = tpu.sem_alloc : memref<!tpu.dma_semaphore, #tpu.memory_space<semaphore_mem>>
      %dma_start3A = arith.constant 0 : i32
      %dma_start3A_319 = tpu.memref_slice %arg9[%add3A_303, %dma_start3A] : memref<102400x16xf32, #tpu.memory_space<vmem_shared>> -> memref<400x16xf32, #tpu.memory_space<vmem_shared>>
      %dma_start3A_320 = arith.constant 0 : i32
      %dma_start3A_321 = tpu.memref_slice %arg9[%add3A_303, %dma_start3A_320] : memref<102400x16xf32, #tpu.memory_space<vmem_shared>> -> memref<400x16xf32, #tpu.memory_space<vmem_shared>>
      tpu.enqueue_dma source(%arg16 : memref<400x16xf32, #tpu.memory_space<vmem>>) target(%dma_start3A_321 : memref<400x16xf32, #tpu.memory_space<vmem_shared>>) target_semaphore(%run_scoped3A_318 : memref<!tpu.dma_semaphore, #tpu.memory_space<semaphore_mem>>)
      %dma_wait3A = arith.constant 0 : i32
      %dma_wait3A_322 = tpu.memref_slice %arg9[%add3A_303, %dma_wait3A] : memref<102400x16xf32, #tpu.memory_space<vmem_shared>> -> memref<400x16xf32, #tpu.memory_space<vmem_shared>>
      %dma_wait3A_323 = arith.constant 0 : i32
      %dma_wait3A_324 = tpu.memref_slice %arg9[%add3A_303, %dma_wait3A_323] : memref<102400x16xf32, #tpu.memory_space<vmem_shared>> -> memref<400x16xf32, #tpu.memory_space<vmem_shared>>
      tpu.wait_dma2 semaphore(%run_scoped3A_318 : memref<!tpu.dma_semaphore, #tpu.memory_space<semaphore_mem>>) src(%arg16 : memref<400x16xf32, #tpu.memory_space<vmem>>) dst(%dma_wait3A_324 : memref<400x16xf32, #tpu.memory_space<vmem_shared>>)
      tpu.yield
    }) : () -> ()
    %barrier3A_304 = arith.constant 0 : index
    tpu.barrier barrier_id(%barrier3A_304)
    %scan3A_305 = arith.constant 0 : i32
    %scan3A_306 = arith.constant 0 : i32
    %scan3A_307 = arith.constant 392 : i32
    %scan3A_308 = arith.addi %scan3A_306, %scan3A_307 : i32
    %scan3A_309 = arith.constant 1 : i32
    scf.for %scan3A_318 = %scan3A_306 to %scan3A_308 step %scan3A_309  : i32 {
      %mul3A_319 = arith.constant 512 : i32
      %mul3A_320 = arith.muli %scan3A_318, %mul3A_319 : i32
      %add3A_321 = arith.addi %mul3A_7, %mul3A_320 : i32
      "tpu.region"() ({
        %run_scoped3A_336 = tpu.sem_alloc : memref<!tpu.dma_semaphore, #tpu.memory_space<semaphore_mem>>
        %dma_start3A_337 = tpu.memref_slice %arg6[%add3A_321] : memref<6422528xi32, #tpu.memory_space<hbm>> -> memref<256xi32, #tpu.memory_space<hbm>>
        %dma_start3A_338 = tpu.memref_slice %arg6[%add3A_321] : memref<6422528xi32, #tpu.memory_space<hbm>> -> memref<256xi32, #tpu.memory_space<hbm>>
        tpu.enqueue_dma source(%dma_start3A_338 : memref<256xi32, #tpu.memory_space<hbm>>) target(%arg10 : memref<256xi32, #tpu.memory_space<vmem>>) target_semaphore(%run_scoped3A_336 : memref<!tpu.dma_semaphore, #tpu.memory_space<semaphore_mem>>)
        %dma_wait3A_339 = tpu.memref_slice %arg6[%add3A_321] : memref<6422528xi32, #tpu.memory_space<hbm>> -> memref<256xi32, #tpu.memory_space<hbm>>
        %dma_wait3A_340 = tpu.memref_slice %arg6[%add3A_321] : memref<6422528xi32, #tpu.memory_space<hbm>> -> memref<256xi32, #tpu.memory_space<hbm>>
        tpu.wait_dma2 semaphore(%run_scoped3A_336 : memref<!tpu.dma_semaphore, #tpu.memory_space<semaphore_mem>>) src(%dma_wait3A_340 : memref<256xi32, #tpu.memory_space<hbm>>) dst(%arg10 : memref<256xi32, #tpu.memory_space<vmem>>)
        tpu.yield
      }) : () -> ()
      "tpu.region"() ({
        %run_scoped3A_336 = tpu.sem_alloc : memref<!tpu.dma_semaphore, #tpu.memory_space<semaphore_mem>>
        %dma_start3A_337 = tpu.memref_slice %arg7[%add3A_321] : memref<6422528xi32, #tpu.memory_space<hbm>> -> memref<256xi32, #tpu.memory_space<hbm>>
        %dma_start3A_338 = tpu.memref_slice %arg7[%add3A_321] : memref<6422528xi32, #tpu.memory_space<hbm>> -> memref<256xi32, #tpu.memory_space<hbm>>
        tpu.enqueue_dma source(%dma_start3A_338 : memref<256xi32, #tpu.memory_space<hbm>>) target(%arg11 : memref<256xi32, #tpu.memory_space<vmem>>) target_semaphore(%run_scoped3A_336 : memref<!tpu.dma_semaphore, #tpu.memory_space<semaphore_mem>>)
        %dma_wait3A_339 = tpu.memref_slice %arg7[%add3A_321] : memref<6422528xi32, #tpu.memory_space<hbm>> -> memref<256xi32, #tpu.memory_space<hbm>>
        %dma_wait3A_340 = tpu.memref_slice %arg7[%add3A_321] : memref<6422528xi32, #tpu.memory_space<hbm>> -> memref<256xi32, #tpu.memory_space<hbm>>
        tpu.wait_dma2 semaphore(%run_scoped3A_336 : memref<!tpu.dma_semaphore, #tpu.memory_space<semaphore_mem>>) src(%dma_wait3A_340 : memref<256xi32, #tpu.memory_space<hbm>>) dst(%arg11 : memref<256xi32, #tpu.memory_space<vmem>>)
        tpu.yield
      }) : () -> ()
      %dma_start3A = arith.constant 0 : i32
      %dma_start3A_322 = arith.constant 0 : i32
      %dma_start3A_323 = tpu.memref_slice %arg5[%dma_start3A, %dma_start3A_322] : memref<100000x32xf32, #tpu.memory_space<hbm>> -> memref<100000x32xf32, #tpu.memory_space<hbm>>
      tpu.enqueue_indirect_dma source(%dma_start3A_323 : memref<100000x32xf32, #tpu.memory_space<hbm>>) target(%arg12 : memref<256x32xf32, #tpu.memory_space<vmem>>) offsets(%arg10 : memref<256xi32, #tpu.memory_space<vmem>>) semaphore(%arg17 : memref<!tpu.dma_semaphore, #tpu.memory_space<semaphore_mem>>)
      %add3A_324 = arith.constant 256 : i32
      %add3A_325 = arith.addi %add3A_321, %add3A_324 : i32
      "tpu.region"() ({
        %run_scoped3A_336 = tpu.sem_alloc : memref<!tpu.dma_semaphore, #tpu.memory_space<semaphore_mem>>
        %dma_start3A_337 = tpu.memref_slice %arg6[%add3A_325] : memref<6422528xi32, #tpu.memory_space<hbm>> -> memref<256xi32, #tpu.memory_space<hbm>>
        %dma_start3A_338 = tpu.memref_slice %arg6[%add3A_325] : memref<6422528xi32, #tpu.memory_space<hbm>> -> memref<256xi32, #tpu.memory_space<hbm>>
        tpu.enqueue_dma source(%dma_start3A_338 : memref<256xi32, #tpu.memory_space<hbm>>) target(%arg13 : memref<256xi32, #tpu.memory_space<vmem>>) target_semaphore(%run_scoped3A_336 : memref<!tpu.dma_semaphore, #tpu.memory_space<semaphore_mem>>)
        %dma_wait3A_339 = tpu.memref_slice %arg6[%add3A_325] : memref<6422528xi32, #tpu.memory_space<hbm>> -> memref<256xi32, #tpu.memory_space<hbm>>
        %dma_wait3A_340 = tpu.memref_slice %arg6[%add3A_325] : memref<6422528xi32, #tpu.memory_space<hbm>> -> memref<256xi32, #tpu.memory_space<hbm>>
        tpu.wait_dma2 semaphore(%run_scoped3A_336 : memref<!tpu.dma_semaphore, #tpu.memory_space<semaphore_mem>>) src(%dma_wait3A_340 : memref<256xi32, #tpu.memory_space<hbm>>) dst(%arg13 : memref<256xi32, #tpu.memory_space<vmem>>)
        tpu.yield
      }) : () -> ()
      %add3A_326 = arith.constant 256 : i32
      %add3A_327 = arith.addi %add3A_321, %add3A_326 : i32
      "tpu.region"() ({
        %run_scoped3A_336 = tpu.sem_alloc : memref<!tpu.dma_semaphore, #tpu.memory_space<semaphore_mem>>
        %dma_start3A_337 = tpu.memref_slice %arg7[%add3A_327] : memref<6422528xi32, #tpu.memory_space<hbm>> -> memref<256xi32, #tpu.memory_space<hbm>>
        %dma_start3A_338 = tpu.memref_slice %arg7[%add3A_327] : memref<6422528xi32, #tpu.memory_space<hbm>> -> memref<256xi32, #tpu.memory_space<hbm>>
        tpu.enqueue_dma source(%dma_start3A_338 : memref<256xi32, #tpu.memory_space<hbm>>) target(%arg14 : memref<256xi32, #tpu.memory_space<vmem>>) target_semaphore(%run_scoped3A_336 : memref<!tpu.dma_semaphore, #tpu.memory_space<semaphore_mem>>)
        %dma_wait3A_339 = tpu.memref_slice %arg7[%add3A_327] : memref<6422528xi32, #tpu.memory_space<hbm>> -> memref<256xi32, #tpu.memory_space<hbm>>
        %dma_wait3A_340 = tpu.memref_slice %arg7[%add3A_327] : memref<6422528xi32, #tpu.memory_space<hbm>> -> memref<256xi32, #tpu.memory_space<hbm>>
        tpu.wait_dma2 semaphore(%run_scoped3A_336 : memref<!tpu.dma_semaphore, #tpu.memory_space<semaphore_mem>>) src(%dma_wait3A_340 : memref<256xi32, #tpu.memory_space<hbm>>) dst(%arg14 : memref<256xi32, #tpu.memory_space<vmem>>)
        tpu.yield
      }) : () -> ()
      %dma_start3A_328 = arith.constant 0 : i32
      %dma_start3A_329 = arith.constant 0 : i32
      %dma_start3A_330 = tpu.memref_slice %arg5[%dma_start3A_328, %dma_start3A_329] : memref<100000x32xf32, #tpu.memory_space<hbm>> -> memref<100000x32xf32, #tpu.memory_space<hbm>>
      tpu.enqueue_indirect_dma source(%dma_start3A_330 : memref<100000x32xf32, #tpu.memory_space<hbm>>) target(%arg15 : memref<256x32xf32, #tpu.memory_space<vmem>>) offsets(%arg13 : memref<256xi32, #tpu.memory_space<vmem>>) semaphore(%arg18 : memref<!tpu.dma_semaphore, #tpu.memory_space<semaphore_mem>>)
      %dma_wait3A = arith.constant 0 : i32
      %dma_wait3A_331 = arith.constant 0 : i32
      %dma_wait3A_332 = tpu.memref_slice %arg5[%dma_wait3A, %dma_wait3A_331] : memref<100000x32xf32, #tpu.memory_space<hbm>> -> memref<100000x32xf32, #tpu.memory_space<hbm>>
      tpu.wait_indirect_dma semaphore(%arg17 : memref<!tpu.dma_semaphore, #tpu.memory_space<semaphore_mem>>) src(%dma_wait3A_332 : memref<100000x32xf32, #tpu.memory_space<hbm>>) dst(%arg12 : memref<256x32xf32, #tpu.memory_space<vmem>>)
      %dma_wait3A_333 = arith.constant 0 : i32
      %dma_wait3A_334 = arith.constant 0 : i32
      %dma_wait3A_335 = tpu.memref_slice %arg5[%dma_wait3A_333, %dma_wait3A_334] : memref<100000x32xf32, #tpu.memory_space<hbm>> -> memref<100000x32xf32, #tpu.memory_space<hbm>>
      tpu.wait_indirect_dma semaphore(%arg18 : memref<!tpu.dma_semaphore, #tpu.memory_space<semaphore_mem>>) src(%dma_wait3A_335 : memref<100000x32xf32, #tpu.memory_space<hbm>>) dst(%arg15 : memref<256x32xf32, #tpu.memory_space<vmem>>)
    }
    %scan3A_310 = arith.constant 392 : i32
    %barrier3A_311 = arith.constant 0 : index
    tpu.barrier barrier_id(%barrier3A_311)
    %mul3A_312 = arith.constant 6400 : i32
    %mul3A_313 = arith.muli %arg1, %mul3A_312 : i32
    %mul3A_314 = arith.constant 6400 : i32
    %mul3A_315 = arith.muli %arg1, %mul3A_314 : i32
    %run_scoped3A_316 = arith.constant 3 : i32
    "tpu.region"() ({
      %run_scoped3A_318 = tpu.sem_alloc : memref<!tpu.dma_semaphore, #tpu.memory_space<semaphore_mem>>
      %dma_start3A = arith.constant 0 : i32
      %dma_start3A_319 = tpu.memref_slice %arg8[%run_scoped3A_316, %arg0, %mul3A_315, %dma_start3A] : memref<4x2x102400x16xf32, #tpu.memory_space<hbm>> -> memref<1x1x6400x16xf32, #tpu.memory_space<hbm>>
      %dma_start3A_320 = tpu.memref_squeeze %dma_start3A_319 : memref<1x1x6400x16xf32, #tpu.memory_space<hbm>> -> memref<6400x16xf32, #tpu.memory_space<hbm>>
      %dma_start3A_321 = arith.constant 0 : i32
      %dma_start3A_322 = tpu.memref_slice %arg9[%mul3A_313, %dma_start3A_321] : memref<102400x16xf32, #tpu.memory_space<vmem_shared>> -> memref<6400x16xf32, #tpu.memory_space<vmem_shared>>
      tpu.enqueue_dma source(%dma_start3A_322 : memref<6400x16xf32, #tpu.memory_space<vmem_shared>>) target(%dma_start3A_320 : memref<6400x16xf32, #tpu.memory_space<hbm>>) target_semaphore(%run_scoped3A_318 : memref<!tpu.dma_semaphore, #tpu.memory_space<semaphore_mem>>)
      %dma_wait3A = arith.constant 0 : i32
      %dma_wait3A_323 = tpu.memref_slice %arg8[%run_scoped3A_316, %arg0, %mul3A_315, %dma_wait3A] : memref<4x2x102400x16xf32, #tpu.memory_space<hbm>> -> memref<1x1x6400x16xf32, #tpu.memory_space<hbm>>
      %dma_wait3A_324 = tpu.memref_squeeze %dma_wait3A_323 : memref<1x1x6400x16xf32, #tpu.memory_space<hbm>> -> memref<6400x16xf32, #tpu.memory_space<hbm>>
      %dma_wait3A_325 = arith.constant 0 : i32
      %dma_wait3A_326 = tpu.memref_slice %arg9[%mul3A_313, %dma_wait3A_325] : memref<102400x16xf32, #tpu.memory_space<vmem_shared>> -> memref<6400x16xf32, #tpu.memory_space<vmem_shared>>
      tpu.wait_dma2 semaphore(%run_scoped3A_318 : memref<!tpu.dma_semaphore, #tpu.memory_space<semaphore_mem>>) src(%dma_wait3A_326 : memref<6400x16xf32, #tpu.memory_space<vmem_shared>>) dst(%dma_wait3A_324 : memref<6400x16xf32, #tpu.memory_space<hbm>>)
      tpu.yield
    }) : () -> ()
    %barrier3A_317 = arith.constant 0 : index
    tpu.barrier barrier_id(%barrier3A_317)
    return
  }
}

#map = affine_map<(d0, d1) -> (0, 0)>
#map1 = affine_map<(d0, d1) -> (0)>
#map2 = affine_map<(d0, d1) -> (0, 0, 0, 0)>
module attributes {stable_mosaic.version = 14 : i64} {
  func.func @_agg_body(%arg0: i32, %arg1: i32, %arg2: memref<100000x32xf32, #tpu.memory_space<hbm>>, %arg3: memref<100000x32xf32, #tpu.memory_space<hbm>>, %arg4: memref<100000x32xf32, #tpu.memory_space<hbm>>, %arg5: memref<100000x32xf32, #tpu.memory_space<hbm>>, %arg6: memref<6422528xi32, #tpu.memory_space<hbm>>, %arg7: memref<6422528xi32, #tpu.memory_space<hbm>>, %arg8: memref<4x2x102400x16xf32, #tpu.memory_space<hbm>>, %arg9: memref<102400x16xf32, #tpu.memory_space<vmem_shared>>, %arg10: memref<256xi32, #tpu.memory_space<vmem>>, %arg11: memref<256xi32, #tpu.memory_space<vmem>>, %arg12: memref<256x32xf32, #tpu.memory_space<vmem>>, %arg13: memref<256xi32, #tpu.memory_space<vmem>>, %arg14: memref<256xi32, #tpu.memory_space<vmem>>, %arg15: memref<256x32xf32, #tpu.memory_space<vmem>>, %arg16: memref<400x16xf32, #tpu.memory_space<vmem>>, %arg17: memref<!tpu.dma_semaphore, #tpu.memory_space<semaphore_mem>>, %arg18: memref<!tpu.dma_semaphore, #tpu.memory_space<semaphore_mem>>, %arg19: memref<!tpu.dma_semaphore, #tpu.memory_space<semaphore_mem>>) attributes {dimension_semantics = [#tpu.dimension_semantics<core_parallel>, #tpu.dimension_semantics<subcore_parallel>], iteration_bounds = array<i64: 2, 16>, scalar_prefetch = 0 : i64, scratch_operands = 11 : i64, tpu.core_type = #tpu.core_type<sc_vector_subcore>, window_params = [{transform_indices = #map}, {transform_indices = #map}, {transform_indices = #map}, {transform_indices = #map}, {transform_indices = #map1}, {transform_indices = #map1}, {transform_indices = #map2}]} {
    %mul3A = arith.constant 16 : i32
    %mul3A_0 = arith.muli %arg0, %mul3A : i32
    %add3A = arith.addi %mul3A_0, %arg1 : i32
    %scan3A = arith.constant 0 : i32
    %scan3A_1 = arith.constant 0 : i32
    %scan3A_2 = arith.constant 400 : i32
    %scan3A_3 = arith.addi %scan3A_1, %scan3A_2 : i32
    %scan3A_4 = arith.constant 1 : i32
    scf.for %scan3A_318 = %scan3A_1 to %scan3A_3 step %scan3A_4  : i32 {
      %broadcast_in_dim3A = arith.constant 0.000000e+00 : f32
      %broadcast_in_dim3A_319 = vector.broadcast %broadcast_in_dim3A : f32 to vector<16xf32>
      %swap3A = arith.index_cast %scan3A_318 : i32 to index
      %swap3A_320 = arith.constant 0 : index
      %swap3A_321 = tpu.vector_load %arg16[%swap3A, %swap3A_320] {strides = array<i32>} : memref<400x16xf32, #tpu.memory_space<vmem>>, vector<1x16xf32>,
      %swap3A_322 = vector.shape_cast %swap3A_321 : vector<1x16xf32> to vector<16xf32>
      %swap3A_323 = vector.shape_cast %broadcast_in_dim3A_319 : vector<16xf32> to vector<1x16xf32>
      tpu.vector_store %arg16[%swap3A, %swap3A_320], %swap3A_323 {strides = array<i32>} : memref<400x16xf32, #tpu.memory_space<vmem>>, vector<1x16xf32>,
    }
    %scan3A_5 = arith.constant 400 : i32
    %mul3A_6 = arith.constant 200704 : i32
    %mul3A_7 = arith.muli %add3A, %mul3A_6 : i32
    %mul3A_8 = arith.constant 6400 : i32
    %mul3A_9 = arith.muli %arg1, %mul3A_8 : i32
    %add3A_10 = arith.constant 0 : i32
    %add3A_11 = arith.addi %mul3A_9, %add3A_10 : i32
    "tpu.region"() ({
      %run_scoped3A_318 = tpu.sem_alloc : memref<!tpu.dma_semaphore, #tpu.memory_space<semaphore_mem>>
      %dma_start3A = arith.constant 0 : i32
      %dma_start3A_319 = tpu.memref_slice %arg9[%add3A_11, %dma_start3A] : memref<102400x16xf32, #tpu.memory_space<vmem_shared>> -> memref<400x16xf32, #tpu.memory_space<vmem_shared>>
      %dma_start3A_320 = arith.constant 0 : i32
      %dma_start3A_321 = tpu.memref_slice %arg9[%add3A_11, %dma_start3A_320] : memref<102400x16xf32, #tpu.memory_space<vmem_shared>> -> memref<400x16xf32, #tpu.memory_space<vmem_shared>>
      tpu.enqueue_dma source(%arg16 : memref<400x16xf32, #tpu.memory_space<vmem>>) target(%dma_start3A_321 : memref<400x16xf32, #tpu.memory_space<vmem_shared>>) target_semaphore(%run_scoped3A_318 : memref<!tpu.dma_semaphore, #tpu.memory_space<semaphore_mem>>)
      %dma_wait3A = arith.constant 0 : i32
      %dma_wait3A_322 = tpu.memref_slice %arg9[%add3A_11, %dma_wait3A] : memref<102400x16xf32, #tpu.memory_space<vmem_shared>> -> memref<400x16xf32, #tpu.memory_space<vmem_shared>>
      %dma_wait3A_323 = arith.constant 0 : i32
      %dma_wait3A_324 = tpu.memref_slice %arg9[%add3A_11, %dma_wait3A_323] : memref<102400x16xf32, #tpu.memory_space<vmem_shared>> -> memref<400x16xf32, #tpu.memory_space<vmem_shared>>
      tpu.wait_dma2 semaphore(%run_scoped3A_318 : memref<!tpu.dma_semaphore, #tpu.memory_space<semaphore_mem>>) src(%arg16 : memref<400x16xf32, #tpu.memory_space<vmem>>) dst(%dma_wait3A_324 : memref<400x16xf32, #tpu.memory_space<vmem_shared>>)
      tpu.yield
    }) : () -> ()
    %mul3A_12 = arith.constant 6400 : i32
    %mul3A_13 = arith.muli %arg1, %mul3A_12 : i32
    %add3A_14 = arith.constant 400 : i32
    %add3A_15 = arith.addi %mul3A_13, %add3A_14 : i32
    "tpu.region"() ({
      %run_scoped3A_318 = tpu.sem_alloc : memref<!tpu.dma_semaphore, #tpu.memory_space<semaphore_mem>>
      %dma_start3A = arith.constant 0 : i32
      %dma_start3A_319 = tpu.memref_slice %arg9[%add3A_15, %dma_start3A] : memref<102400x16xf32, #tpu.memory_space<vmem_shared>> -> memref<400x16xf32, #tpu.memory_space<vmem_shared>>
      %dma_start3A_320 = arith.constant 0 : i32
      %dma_start3A_321 = tpu.memref_slice %arg9[%add3A_15, %dma_start3A_320] : memref<102400x16xf32, #tpu.memory_space<vmem_shared>> -> memref<400x16xf32, #tpu.memory_space<vmem_shared>>
      tpu.enqueue_dma source(%arg16 : memref<400x16xf32, #tpu.memory_space<vmem>>) target(%dma_start3A_321 : memref<400x16xf32, #tpu.memory_space<vmem_shared>>) target_semaphore(%run_scoped3A_318 : memref<!tpu.dma_semaphore, #tpu.memory_space<semaphore_mem>>)
      %dma_wait3A = arith.constant 0 : i32
      %dma_wait3A_322 = tpu.memref_slice %arg9[%add3A_15, %dma_wait3A] : memref<102400x16xf32, #tpu.memory_space<vmem_shared>> -> memref<400x16xf32, #tpu.memory_space<vmem_shared>>
      %dma_wait3A_323 = arith.constant 0 : i32
      %dma_wait3A_324 = tpu.memref_slice %arg9[%add3A_15, %dma_wait3A_323] : memref<102400x16xf32, #tpu.memory_space<vmem_shared>> -> memref<400x16xf32, #tpu.memory_space<vmem_shared>>
      tpu.wait_dma2 semaphore(%run_scoped3A_318 : memref<!tpu.dma_semaphore, #tpu.memory_space<semaphore_mem>>) src(%arg16 : memref<400x16xf32, #tpu.memory_space<vmem>>) dst(%dma_wait3A_324 : memref<400x16xf32, #tpu.memory_space<vmem_shared>>)
      tpu.yield
    }) : () -> ()
    %mul3A_16 = arith.constant 6400 : i32
    %mul3A_17 = arith.muli %arg1, %mul3A_16 : i32
    %add3A_18 = arith.constant 800 : i32
    %add3A_19 = arith.addi %mul3A_17, %add3A_18 : i32
    "tpu.region"() ({
      %run_scoped3A_318 = tpu.sem_alloc : memref<!tpu.dma_semaphore, #tpu.memory_space<semaphore_mem>>
      %dma_start3A = arith.constant 0 : i32
      %dma_start3A_319 = tpu.memref_slice %arg9[%add3A_19, %dma_start3A] : memref<102400x16xf32, #tpu.memory_space<vmem_shared>> -> memref<400x16xf32, #tpu.memory_space<vmem_shared>>
      %dma_start3A_320 = arith.constant 0 : i32
      %dma_start3A_321 = tpu.memref_slice %arg9[%add3A_19, %dma_start3A_320] : memref<102400x16xf32, #tpu.memory_space<vmem_shared>> -> memref<400x16xf32, #tpu.memory_space<vmem_shared>>
      tpu.enqueue_dma source(%arg16 : memref<400x16xf32, #tpu.memory_space<vmem>>) target(%dma_start3A_321 : memref<400x16xf32, #tpu.memory_space<vmem_shared>>) target_semaphore(%run_scoped3A_318 : memref<!tpu.dma_semaphore, #tpu.memory_space<semaphore_mem>>)
      %dma_wait3A = arith.constant 0 : i32
      %dma_wait3A_322 = tpu.memref_slice %arg9[%add3A_19, %dma_wait3A] : memref<102400x16xf32, #tpu.memory_space<vmem_shared>> -> memref<400x16xf32, #tpu.memory_space<vmem_shared>>
      %dma_wait3A_323 = arith.constant 0 : i32
      %dma_wait3A_324 = tpu.memref_slice %arg9[%add3A_19, %dma_wait3A_323] : memref<102400x16xf32, #tpu.memory_space<vmem_shared>> -> memref<400x16xf32, #tpu.memory_space<vmem_shared>>
      tpu.wait_dma2 semaphore(%run_scoped3A_318 : memref<!tpu.dma_semaphore, #tpu.memory_space<semaphore_mem>>) src(%arg16 : memref<400x16xf32, #tpu.memory_space<vmem>>) dst(%dma_wait3A_324 : memref<400x16xf32, #tpu.memory_space<vmem_shared>>)
      tpu.yield
    }) : () -> ()
    %mul3A_20 = arith.constant 6400 : i32
    %mul3A_21 = arith.muli %arg1, %mul3A_20 : i32
    %add3A_22 = arith.constant 1200 : i32
    %add3A_23 = arith.addi %mul3A_21, %add3A_22 : i32
    "tpu.region"() ({
      %run_scoped3A_318 = tpu.sem_alloc : memref<!tpu.dma_semaphore, #tpu.memory_space<semaphore_mem>>
      %dma_start3A = arith.constant 0 : i32
      %dma_start3A_319 = tpu.memref_slice %arg9[%add3A_23, %dma_start3A] : memref<102400x16xf32, #tpu.memory_space<vmem_shared>> -> memref<400x16xf32, #tpu.memory_space<vmem_shared>>
      %dma_start3A_320 = arith.constant 0 : i32
      %dma_start3A_321 = tpu.memref_slice %arg9[%add3A_23, %dma_start3A_320] : memref<102400x16xf32, #tpu.memory_space<vmem_shared>> -> memref<400x16xf32, #tpu.memory_space<vmem_shared>>
      tpu.enqueue_dma source(%arg16 : memref<400x16xf32, #tpu.memory_space<vmem>>) target(%dma_start3A_321 : memref<400x16xf32, #tpu.memory_space<vmem_shared>>) target_semaphore(%run_scoped3A_318 : memref<!tpu.dma_semaphore, #tpu.memory_space<semaphore_mem>>)
      %dma_wait3A = arith.constant 0 : i32
      %dma_wait3A_322 = tpu.memref_slice %arg9[%add3A_23, %dma_wait3A] : memref<102400x16xf32, #tpu.memory_space<vmem_shared>> -> memref<400x16xf32, #tpu.memory_space<vmem_shared>>
      %dma_wait3A_323 = arith.constant 0 : i32
      %dma_wait3A_324 = tpu.memref_slice %arg9[%add3A_23, %dma_wait3A_323] : memref<102400x16xf32, #tpu.memory_space<vmem_shared>> -> memref<400x16xf32, #tpu.memory_space<vmem_shared>>
      tpu.wait_dma2 semaphore(%run_scoped3A_318 : memref<!tpu.dma_semaphore, #tpu.memory_space<semaphore_mem>>) src(%arg16 : memref<400x16xf32, #tpu.memory_space<vmem>>) dst(%dma_wait3A_324 : memref<400x16xf32, #tpu.memory_space<vmem_shared>>)
      tpu.yield
    }) : () -> ()
    %mul3A_24 = arith.constant 6400 : i32
    %mul3A_25 = arith.muli %arg1, %mul3A_24 : i32
    %add3A_26 = arith.constant 1600 : i32
    %add3A_27 = arith.addi %mul3A_25, %add3A_26 : i32
    "tpu.region"() ({
      %run_scoped3A_318 = tpu.sem_alloc : memref<!tpu.dma_semaphore, #tpu.memory_space<semaphore_mem>>
      %dma_start3A = arith.constant 0 : i32
      %dma_start3A_319 = tpu.memref_slice %arg9[%add3A_27, %dma_start3A] : memref<102400x16xf32, #tpu.memory_space<vmem_shared>> -> memref<400x16xf32, #tpu.memory_space<vmem_shared>>
      %dma_start3A_320 = arith.constant 0 : i32
      %dma_start3A_321 = tpu.memref_slice %arg9[%add3A_27, %dma_start3A_320] : memref<102400x16xf32, #tpu.memory_space<vmem_shared>> -> memref<400x16xf32, #tpu.memory_space<vmem_shared>>
      tpu.enqueue_dma source(%arg16 : memref<400x16xf32, #tpu.memory_space<vmem>>) target(%dma_start3A_321 : memref<400x16xf32, #tpu.memory_space<vmem_shared>>) target_semaphore(%run_scoped3A_318 : memref<!tpu.dma_semaphore, #tpu.memory_space<semaphore_mem>>)
      %dma_wait3A = arith.constant 0 : i32
      %dma_wait3A_322 = tpu.memref_slice %arg9[%add3A_27, %dma_wait3A] : memref<102400x16xf32, #tpu.memory_space<vmem_shared>> -> memref<400x16xf32, #tpu.memory_space<vmem_shared>>
      %dma_wait3A_323 = arith.constant 0 : i32
      %dma_wait3A_324 = tpu.memref_slice %arg9[%add3A_27, %dma_wait3A_323] : memref<102400x16xf32, #tpu.memory_space<vmem_shared>> -> memref<400x16xf32, #tpu.memory_space<vmem_shared>>
      tpu.wait_dma2 semaphore(%run_scoped3A_318 : memref<!tpu.dma_semaphore, #tpu.memory_space<semaphore_mem>>) src(%arg16 : memref<400x16xf32, #tpu.memory_space<vmem>>) dst(%dma_wait3A_324 : memref<400x16xf32, #tpu.memory_space<vmem_shared>>)
      tpu.yield
    }) : () -> ()
    %mul3A_28 = arith.constant 6400 : i32
    %mul3A_29 = arith.muli %arg1, %mul3A_28 : i32
    %add3A_30 = arith.constant 2000 : i32
    %add3A_31 = arith.addi %mul3A_29, %add3A_30 : i32
    "tpu.region"() ({
      %run_scoped3A_318 = tpu.sem_alloc : memref<!tpu.dma_semaphore, #tpu.memory_space<semaphore_mem>>
      %dma_start3A = arith.constant 0 : i32
      %dma_start3A_319 = tpu.memref_slice %arg9[%add3A_31, %dma_start3A] : memref<102400x16xf32, #tpu.memory_space<vmem_shared>> -> memref<400x16xf32, #tpu.memory_space<vmem_shared>>
      %dma_start3A_320 = arith.constant 0 : i32
      %dma_start3A_321 = tpu.memref_slice %arg9[%add3A_31, %dma_start3A_320] : memref<102400x16xf32, #tpu.memory_space<vmem_shared>> -> memref<400x16xf32, #tpu.memory_space<vmem_shared>>
      tpu.enqueue_dma source(%arg16 : memref<400x16xf32, #tpu.memory_space<vmem>>) target(%dma_start3A_321 : memref<400x16xf32, #tpu.memory_space<vmem_shared>>) target_semaphore(%run_scoped3A_318 : memref<!tpu.dma_semaphore, #tpu.memory_space<semaphore_mem>>)
      %dma_wait3A = arith.constant 0 : i32
      %dma_wait3A_322 = tpu.memref_slice %arg9[%add3A_31, %dma_wait3A] : memref<102400x16xf32, #tpu.memory_space<vmem_shared>> -> memref<400x16xf32, #tpu.memory_space<vmem_shared>>
      %dma_wait3A_323 = arith.constant 0 : i32
      %dma_wait3A_324 = tpu.memref_slice %arg9[%add3A_31, %dma_wait3A_323] : memref<102400x16xf32, #tpu.memory_space<vmem_shared>> -> memref<400x16xf32, #tpu.memory_space<vmem_shared>>
      tpu.wait_dma2 semaphore(%run_scoped3A_318 : memref<!tpu.dma_semaphore, #tpu.memory_space<semaphore_mem>>) src(%arg16 : memref<400x16xf32, #tpu.memory_space<vmem>>) dst(%dma_wait3A_324 : memref<400x16xf32, #tpu.memory_space<vmem_shared>>)
      tpu.yield
    }) : () -> ()
    %mul3A_32 = arith.constant 6400 : i32
    %mul3A_33 = arith.muli %arg1, %mul3A_32 : i32
    %add3A_34 = arith.constant 2400 : i32
    %add3A_35 = arith.addi %mul3A_33, %add3A_34 : i32
    "tpu.region"() ({
      %run_scoped3A_318 = tpu.sem_alloc : memref<!tpu.dma_semaphore, #tpu.memory_space<semaphore_mem>>
      %dma_start3A = arith.constant 0 : i32
      %dma_start3A_319 = tpu.memref_slice %arg9[%add3A_35, %dma_start3A] : memref<102400x16xf32, #tpu.memory_space<vmem_shared>> -> memref<400x16xf32, #tpu.memory_space<vmem_shared>>
      %dma_start3A_320 = arith.constant 0 : i32
      %dma_start3A_321 = tpu.memref_slice %arg9[%add3A_35, %dma_start3A_320] : memref<102400x16xf32, #tpu.memory_space<vmem_shared>> -> memref<400x16xf32, #tpu.memory_space<vmem_shared>>
      tpu.enqueue_dma source(%arg16 : memref<400x16xf32, #tpu.memory_space<vmem>>) target(%dma_start3A_321 : memref<400x16xf32, #tpu.memory_space<vmem_shared>>) target_semaphore(%run_scoped3A_318 : memref<!tpu.dma_semaphore, #tpu.memory_space<semaphore_mem>>)
      %dma_wait3A = arith.constant 0 : i32
      %dma_wait3A_322 = tpu.memref_slice %arg9[%add3A_35, %dma_wait3A] : memref<102400x16xf32, #tpu.memory_space<vmem_shared>> -> memref<400x16xf32, #tpu.memory_space<vmem_shared>>
      %dma_wait3A_323 = arith.constant 0 : i32
      %dma_wait3A_324 = tpu.memref_slice %arg9[%add3A_35, %dma_wait3A_323] : memref<102400x16xf32, #tpu.memory_space<vmem_shared>> -> memref<400x16xf32, #tpu.memory_space<vmem_shared>>
      tpu.wait_dma2 semaphore(%run_scoped3A_318 : memref<!tpu.dma_semaphore, #tpu.memory_space<semaphore_mem>>) src(%arg16 : memref<400x16xf32, #tpu.memory_space<vmem>>) dst(%dma_wait3A_324 : memref<400x16xf32, #tpu.memory_space<vmem_shared>>)
      tpu.yield
    }) : () -> ()
    %mul3A_36 = arith.constant 6400 : i32
    %mul3A_37 = arith.muli %arg1, %mul3A_36 : i32
    %add3A_38 = arith.constant 2800 : i32
    %add3A_39 = arith.addi %mul3A_37, %add3A_38 : i32
    "tpu.region"() ({
      %run_scoped3A_318 = tpu.sem_alloc : memref<!tpu.dma_semaphore, #tpu.memory_space<semaphore_mem>>
      %dma_start3A = arith.constant 0 : i32
      %dma_start3A_319 = tpu.memref_slice %arg9[%add3A_39, %dma_start3A] : memref<102400x16xf32, #tpu.memory_space<vmem_shared>> -> memref<400x16xf32, #tpu.memory_space<vmem_shared>>
      %dma_start3A_320 = arith.constant 0 : i32
      %dma_start3A_321 = tpu.memref_slice %arg9[%add3A_39, %dma_start3A_320] : memref<102400x16xf32, #tpu.memory_space<vmem_shared>> -> memref<400x16xf32, #tpu.memory_space<vmem_shared>>
      tpu.enqueue_dma source(%arg16 : memref<400x16xf32, #tpu.memory_space<vmem>>) target(%dma_start3A_321 : memref<400x16xf32, #tpu.memory_space<vmem_shared>>) target_semaphore(%run_scoped3A_318 : memref<!tpu.dma_semaphore, #tpu.memory_space<semaphore_mem>>)
      %dma_wait3A = arith.constant 0 : i32
      %dma_wait3A_322 = tpu.memref_slice %arg9[%add3A_39, %dma_wait3A] : memref<102400x16xf32, #tpu.memory_space<vmem_shared>> -> memref<400x16xf32, #tpu.memory_space<vmem_shared>>
      %dma_wait3A_323 = arith.constant 0 : i32
      %dma_wait3A_324 = tpu.memref_slice %arg9[%add3A_39, %dma_wait3A_323] : memref<102400x16xf32, #tpu.memory_space<vmem_shared>> -> memref<400x16xf32, #tpu.memory_space<vmem_shared>>
      tpu.wait_dma2 semaphore(%run_scoped3A_318 : memref<!tpu.dma_semaphore, #tpu.memory_space<semaphore_mem>>) src(%arg16 : memref<400x16xf32, #tpu.memory_space<vmem>>) dst(%dma_wait3A_324 : memref<400x16xf32, #tpu.memory_space<vmem_shared>>)
      tpu.yield
    }) : () -> ()
    %mul3A_40 = arith.constant 6400 : i32
    %mul3A_41 = arith.muli %arg1, %mul3A_40 : i32
    %add3A_42 = arith.constant 3200 : i32
    %add3A_43 = arith.addi %mul3A_41, %add3A_42 : i32
    "tpu.region"() ({
      %run_scoped3A_318 = tpu.sem_alloc : memref<!tpu.dma_semaphore, #tpu.memory_space<semaphore_mem>>
      %dma_start3A = arith.constant 0 : i32
      %dma_start3A_319 = tpu.memref_slice %arg9[%add3A_43, %dma_start3A] : memref<102400x16xf32, #tpu.memory_space<vmem_shared>> -> memref<400x16xf32, #tpu.memory_space<vmem_shared>>
      %dma_start3A_320 = arith.constant 0 : i32
      %dma_start3A_321 = tpu.memref_slice %arg9[%add3A_43, %dma_start3A_320] : memref<102400x16xf32, #tpu.memory_space<vmem_shared>> -> memref<400x16xf32, #tpu.memory_space<vmem_shared>>
      tpu.enqueue_dma source(%arg16 : memref<400x16xf32, #tpu.memory_space<vmem>>) target(%dma_start3A_321 : memref<400x16xf32, #tpu.memory_space<vmem_shared>>) target_semaphore(%run_scoped3A_318 : memref<!tpu.dma_semaphore, #tpu.memory_space<semaphore_mem>>)
      %dma_wait3A = arith.constant 0 : i32
      %dma_wait3A_322 = tpu.memref_slice %arg9[%add3A_43, %dma_wait3A] : memref<102400x16xf32, #tpu.memory_space<vmem_shared>> -> memref<400x16xf32, #tpu.memory_space<vmem_shared>>
      %dma_wait3A_323 = arith.constant 0 : i32
      %dma_wait3A_324 = tpu.memref_slice %arg9[%add3A_43, %dma_wait3A_323] : memref<102400x16xf32, #tpu.memory_space<vmem_shared>> -> memref<400x16xf32, #tpu.memory_space<vmem_shared>>
      tpu.wait_dma2 semaphore(%run_scoped3A_318 : memref<!tpu.dma_semaphore, #tpu.memory_space<semaphore_mem>>) src(%arg16 : memref<400x16xf32, #tpu.memory_space<vmem>>) dst(%dma_wait3A_324 : memref<400x16xf32, #tpu.memory_space<vmem_shared>>)
      tpu.yield
    }) : () -> ()
    %mul3A_44 = arith.constant 6400 : i32
    %mul3A_45 = arith.muli %arg1, %mul3A_44 : i32
    %add3A_46 = arith.constant 3600 : i32
    %add3A_47 = arith.addi %mul3A_45, %add3A_46 : i32
    "tpu.region"() ({
      %run_scoped3A_318 = tpu.sem_alloc : memref<!tpu.dma_semaphore, #tpu.memory_space<semaphore_mem>>
      %dma_start3A = arith.constant 0 : i32
      %dma_start3A_319 = tpu.memref_slice %arg9[%add3A_47, %dma_start3A] : memref<102400x16xf32, #tpu.memory_space<vmem_shared>> -> memref<400x16xf32, #tpu.memory_space<vmem_shared>>
      %dma_start3A_320 = arith.constant 0 : i32
      %dma_start3A_321 = tpu.memref_slice %arg9[%add3A_47, %dma_start3A_320] : memref<102400x16xf32, #tpu.memory_space<vmem_shared>> -> memref<400x16xf32, #tpu.memory_space<vmem_shared>>
      tpu.enqueue_dma source(%arg16 : memref<400x16xf32, #tpu.memory_space<vmem>>) target(%dma_start3A_321 : memref<400x16xf32, #tpu.memory_space<vmem_shared>>) target_semaphore(%run_scoped3A_318 : memref<!tpu.dma_semaphore, #tpu.memory_space<semaphore_mem>>)
      %dma_wait3A = arith.constant 0 : i32
      %dma_wait3A_322 = tpu.memref_slice %arg9[%add3A_47, %dma_wait3A] : memref<102400x16xf32, #tpu.memory_space<vmem_shared>> -> memref<400x16xf32, #tpu.memory_space<vmem_shared>>
      %dma_wait3A_323 = arith.constant 0 : i32
      %dma_wait3A_324 = tpu.memref_slice %arg9[%add3A_47, %dma_wait3A_323] : memref<102400x16xf32, #tpu.memory_space<vmem_shared>> -> memref<400x16xf32, #tpu.memory_space<vmem_shared>>
      tpu.wait_dma2 semaphore(%run_scoped3A_318 : memref<!tpu.dma_semaphore, #tpu.memory_space<semaphore_mem>>) src(%arg16 : memref<400x16xf32, #tpu.memory_space<vmem>>) dst(%dma_wait3A_324 : memref<400x16xf32, #tpu.memory_space<vmem_shared>>)
      tpu.yield
    }) : () -> ()
    %mul3A_48 = arith.constant 6400 : i32
    %mul3A_49 = arith.muli %arg1, %mul3A_48 : i32
    %add3A_50 = arith.constant 4000 : i32
    %add3A_51 = arith.addi %mul3A_49, %add3A_50 : i32
    "tpu.region"() ({
      %run_scoped3A_318 = tpu.sem_alloc : memref<!tpu.dma_semaphore, #tpu.memory_space<semaphore_mem>>
      %dma_start3A = arith.constant 0 : i32
      %dma_start3A_319 = tpu.memref_slice %arg9[%add3A_51, %dma_start3A] : memref<102400x16xf32, #tpu.memory_space<vmem_shared>> -> memref<400x16xf32, #tpu.memory_space<vmem_shared>>
      %dma_start3A_320 = arith.constant 0 : i32
      %dma_start3A_321 = tpu.memref_slice %arg9[%add3A_51, %dma_start3A_320] : memref<102400x16xf32, #tpu.memory_space<vmem_shared>> -> memref<400x16xf32, #tpu.memory_space<vmem_shared>>
      tpu.enqueue_dma source(%arg16 : memref<400x16xf32, #tpu.memory_space<vmem>>) target(%dma_start3A_321 : memref<400x16xf32, #tpu.memory_space<vmem_shared>>) target_semaphore(%run_scoped3A_318 : memref<!tpu.dma_semaphore, #tpu.memory_space<semaphore_mem>>)
      %dma_wait3A = arith.constant 0 : i32
      %dma_wait3A_322 = tpu.memref_slice %arg9[%add3A_51, %dma_wait3A] : memref<102400x16xf32, #tpu.memory_space<vmem_shared>> -> memref<400x16xf32, #tpu.memory_space<vmem_shared>>
      %dma_wait3A_323 = arith.constant 0 : i32
      %dma_wait3A_324 = tpu.memref_slice %arg9[%add3A_51, %dma_wait3A_323] : memref<102400x16xf32, #tpu.memory_space<vmem_shared>> -> memref<400x16xf32, #tpu.memory_space<vmem_shared>>
      tpu.wait_dma2 semaphore(%run_scoped3A_318 : memref<!tpu.dma_semaphore, #tpu.memory_space<semaphore_mem>>) src(%arg16 : memref<400x16xf32, #tpu.memory_space<vmem>>) dst(%dma_wait3A_324 : memref<400x16xf32, #tpu.memory_space<vmem_shared>>)
      tpu.yield
    }) : () -> ()
    %mul3A_52 = arith.constant 6400 : i32
    %mul3A_53 = arith.muli %arg1, %mul3A_52 : i32
    %add3A_54 = arith.constant 4400 : i32
    %add3A_55 = arith.addi %mul3A_53, %add3A_54 : i32
    "tpu.region"() ({
      %run_scoped3A_318 = tpu.sem_alloc : memref<!tpu.dma_semaphore, #tpu.memory_space<semaphore_mem>>
      %dma_start3A = arith.constant 0 : i32
      %dma_start3A_319 = tpu.memref_slice %arg9[%add3A_55, %dma_start3A] : memref<102400x16xf32, #tpu.memory_space<vmem_shared>> -> memref<400x16xf32, #tpu.memory_space<vmem_shared>>
      %dma_start3A_320 = arith.constant 0 : i32
      %dma_start3A_321 = tpu.memref_slice %arg9[%add3A_55, %dma_start3A_320] : memref<102400x16xf32, #tpu.memory_space<vmem_shared>> -> memref<400x16xf32, #tpu.memory_space<vmem_shared>>
      tpu.enqueue_dma source(%arg16 : memref<400x16xf32, #tpu.memory_space<vmem>>) target(%dma_start3A_321 : memref<400x16xf32, #tpu.memory_space<vmem_shared>>) target_semaphore(%run_scoped3A_318 : memref<!tpu.dma_semaphore, #tpu.memory_space<semaphore_mem>>)
      %dma_wait3A = arith.constant 0 : i32
      %dma_wait3A_322 = tpu.memref_slice %arg9[%add3A_55, %dma_wait3A] : memref<102400x16xf32, #tpu.memory_space<vmem_shared>> -> memref<400x16xf32, #tpu.memory_space<vmem_shared>>
      %dma_wait3A_323 = arith.constant 0 : i32
      %dma_wait3A_324 = tpu.memref_slice %arg9[%add3A_55, %dma_wait3A_323] : memref<102400x16xf32, #tpu.memory_space<vmem_shared>> -> memref<400x16xf32, #tpu.memory_space<vmem_shared>>
      tpu.wait_dma2 semaphore(%run_scoped3A_318 : memref<!tpu.dma_semaphore, #tpu.memory_space<semaphore_mem>>) src(%arg16 : memref<400x16xf32, #tpu.memory_space<vmem>>) dst(%dma_wait3A_324 : memref<400x16xf32, #tpu.memory_space<vmem_shared>>)
      tpu.yield
    }) : () -> ()
    %mul3A_56 = arith.constant 6400 : i32
    %mul3A_57 = arith.muli %arg1, %mul3A_56 : i32
    %add3A_58 = arith.constant 4800 : i32
    %add3A_59 = arith.addi %mul3A_57, %add3A_58 : i32
    "tpu.region"() ({
      %run_scoped3A_318 = tpu.sem_alloc : memref<!tpu.dma_semaphore, #tpu.memory_space<semaphore_mem>>
      %dma_start3A = arith.constant 0 : i32
      %dma_start3A_319 = tpu.memref_slice %arg9[%add3A_59, %dma_start3A] : memref<102400x16xf32, #tpu.memory_space<vmem_shared>> -> memref<400x16xf32, #tpu.memory_space<vmem_shared>>
      %dma_start3A_320 = arith.constant 0 : i32
      %dma_start3A_321 = tpu.memref_slice %arg9[%add3A_59, %dma_start3A_320] : memref<102400x16xf32, #tpu.memory_space<vmem_shared>> -> memref<400x16xf32, #tpu.memory_space<vmem_shared>>
      tpu.enqueue_dma source(%arg16 : memref<400x16xf32, #tpu.memory_space<vmem>>) target(%dma_start3A_321 : memref<400x16xf32, #tpu.memory_space<vmem_shared>>) target_semaphore(%run_scoped3A_318 : memref<!tpu.dma_semaphore, #tpu.memory_space<semaphore_mem>>)
      %dma_wait3A = arith.constant 0 : i32
      %dma_wait3A_322 = tpu.memref_slice %arg9[%add3A_59, %dma_wait3A] : memref<102400x16xf32, #tpu.memory_space<vmem_shared>> -> memref<400x16xf32, #tpu.memory_space<vmem_shared>>
      %dma_wait3A_323 = arith.constant 0 : i32
      %dma_wait3A_324 = tpu.memref_slice %arg9[%add3A_59, %dma_wait3A_323] : memref<102400x16xf32, #tpu.memory_space<vmem_shared>> -> memref<400x16xf32, #tpu.memory_space<vmem_shared>>
      tpu.wait_dma2 semaphore(%run_scoped3A_318 : memref<!tpu.dma_semaphore, #tpu.memory_space<semaphore_mem>>) src(%arg16 : memref<400x16xf32, #tpu.memory_space<vmem>>) dst(%dma_wait3A_324 : memref<400x16xf32, #tpu.memory_space<vmem_shared>>)
      tpu.yield
    }) : () -> ()
    %mul3A_60 = arith.constant 6400 : i32
    %mul3A_61 = arith.muli %arg1, %mul3A_60 : i32
    %add3A_62 = arith.constant 5200 : i32
    %add3A_63 = arith.addi %mul3A_61, %add3A_62 : i32
    "tpu.region"() ({
      %run_scoped3A_318 = tpu.sem_alloc : memref<!tpu.dma_semaphore, #tpu.memory_space<semaphore_mem>>
      %dma_start3A = arith.constant 0 : i32
      %dma_start3A_319 = tpu.memref_slice %arg9[%add3A_63, %dma_start3A] : memref<102400x16xf32, #tpu.memory_space<vmem_shared>> -> memref<400x16xf32, #tpu.memory_space<vmem_shared>>
      %dma_start3A_320 = arith.constant 0 : i32
      %dma_start3A_321 = tpu.memref_slice %arg9[%add3A_63, %dma_start3A_320] : memref<102400x16xf32, #tpu.memory_space<vmem_shared>> -> memref<400x16xf32, #tpu.memory_space<vmem_shared>>
      tpu.enqueue_dma source(%arg16 : memref<400x16xf32, #tpu.memory_space<vmem>>) target(%dma_start3A_321 : memref<400x16xf32, #tpu.memory_space<vmem_shared>>) target_semaphore(%run_scoped3A_318 : memref<!tpu.dma_semaphore, #tpu.memory_space<semaphore_mem>>)
      %dma_wait3A = arith.constant 0 : i32
      %dma_wait3A_322 = tpu.memref_slice %arg9[%add3A_63, %dma_wait3A] : memref<102400x16xf32, #tpu.memory_space<vmem_shared>> -> memref<400x16xf32, #tpu.memory_space<vmem_shared>>
      %dma_wait3A_323 = arith.constant 0 : i32
      %dma_wait3A_324 = tpu.memref_slice %arg9[%add3A_63, %dma_wait3A_323] : memref<102400x16xf32, #tpu.memory_space<vmem_shared>> -> memref<400x16xf32, #tpu.memory_space<vmem_shared>>
      tpu.wait_dma2 semaphore(%run_scoped3A_318 : memref<!tpu.dma_semaphore, #tpu.memory_space<semaphore_mem>>) src(%arg16 : memref<400x16xf32, #tpu.memory_space<vmem>>) dst(%dma_wait3A_324 : memref<400x16xf32, #tpu.memory_space<vmem_shared>>)
      tpu.yield
    }) : () -> ()
    %mul3A_64 = arith.constant 6400 : i32
    %mul3A_65 = arith.muli %arg1, %mul3A_64 : i32
    %add3A_66 = arith.constant 5600 : i32
    %add3A_67 = arith.addi %mul3A_65, %add3A_66 : i32
    "tpu.region"() ({
      %run_scoped3A_318 = tpu.sem_alloc : memref<!tpu.dma_semaphore, #tpu.memory_space<semaphore_mem>>
      %dma_start3A = arith.constant 0 : i32
      %dma_start3A_319 = tpu.memref_slice %arg9[%add3A_67, %dma_start3A] : memref<102400x16xf32, #tpu.memory_space<vmem_shared>> -> memref<400x16xf32, #tpu.memory_space<vmem_shared>>
      %dma_start3A_320 = arith.constant 0 : i32
      %dma_start3A_321 = tpu.memref_slice %arg9[%add3A_67, %dma_start3A_320] : memref<102400x16xf32, #tpu.memory_space<vmem_shared>> -> memref<400x16xf32, #tpu.memory_space<vmem_shared>>
      tpu.enqueue_dma source(%arg16 : memref<400x16xf32, #tpu.memory_space<vmem>>) target(%dma_start3A_321 : memref<400x16xf32, #tpu.memory_space<vmem_shared>>) target_semaphore(%run_scoped3A_318 : memref<!tpu.dma_semaphore, #tpu.memory_space<semaphore_mem>>)
      %dma_wait3A = arith.constant 0 : i32
      %dma_wait3A_322 = tpu.memref_slice %arg9[%add3A_67, %dma_wait3A] : memref<102400x16xf32, #tpu.memory_space<vmem_shared>> -> memref<400x16xf32, #tpu.memory_space<vmem_shared>>
      %dma_wait3A_323 = arith.constant 0 : i32
      %dma_wait3A_324 = tpu.memref_slice %arg9[%add3A_67, %dma_wait3A_323] : memref<102400x16xf32, #tpu.memory_space<vmem_shared>> -> memref<400x16xf32, #tpu.memory_space<vmem_shared>>
      tpu.wait_dma2 semaphore(%run_scoped3A_318 : memref<!tpu.dma_semaphore, #tpu.memory_space<semaphore_mem>>) src(%arg16 : memref<400x16xf32, #tpu.memory_space<vmem>>) dst(%dma_wait3A_324 : memref<400x16xf32, #tpu.memory_space<vmem_shared>>)
      tpu.yield
    }) : () -> ()
    %mul3A_68 = arith.constant 6400 : i32
    %mul3A_69 = arith.muli %arg1, %mul3A_68 : i32
    %add3A_70 = arith.constant 6000 : i32
    %add3A_71 = arith.addi %mul3A_69, %add3A_70 : i32
    "tpu.region"() ({
      %run_scoped3A_318 = tpu.sem_alloc : memref<!tpu.dma_semaphore, #tpu.memory_space<semaphore_mem>>
      %dma_start3A = arith.constant 0 : i32
      %dma_start3A_319 = tpu.memref_slice %arg9[%add3A_71, %dma_start3A] : memref<102400x16xf32, #tpu.memory_space<vmem_shared>> -> memref<400x16xf32, #tpu.memory_space<vmem_shared>>
      %dma_start3A_320 = arith.constant 0 : i32
      %dma_start3A_321 = tpu.memref_slice %arg9[%add3A_71, %dma_start3A_320] : memref<102400x16xf32, #tpu.memory_space<vmem_shared>> -> memref<400x16xf32, #tpu.memory_space<vmem_shared>>
      tpu.enqueue_dma source(%arg16 : memref<400x16xf32, #tpu.memory_space<vmem>>) target(%dma_start3A_321 : memref<400x16xf32, #tpu.memory_space<vmem_shared>>) target_semaphore(%run_scoped3A_318 : memref<!tpu.dma_semaphore, #tpu.memory_space<semaphore_mem>>)
      %dma_wait3A = arith.constant 0 : i32
      %dma_wait3A_322 = tpu.memref_slice %arg9[%add3A_71, %dma_wait3A] : memref<102400x16xf32, #tpu.memory_space<vmem_shared>> -> memref<400x16xf32, #tpu.memory_space<vmem_shared>>
      %dma_wait3A_323 = arith.constant 0 : i32
      %dma_wait3A_324 = tpu.memref_slice %arg9[%add3A_71, %dma_wait3A_323] : memref<102400x16xf32, #tpu.memory_space<vmem_shared>> -> memref<400x16xf32, #tpu.memory_space<vmem_shared>>
      tpu.wait_dma2 semaphore(%run_scoped3A_318 : memref<!tpu.dma_semaphore, #tpu.memory_space<semaphore_mem>>) src(%arg16 : memref<400x16xf32, #tpu.memory_space<vmem>>) dst(%dma_wait3A_324 : memref<400x16xf32, #tpu.memory_space<vmem_shared>>)
      tpu.yield
    }) : () -> ()
    %barrier3A = arith.constant 0 : index
    tpu.barrier barrier_id(%barrier3A)
    %scan3A_72 = arith.constant 0 : i32
    %scan3A_73 = arith.constant 0 : i32
    %scan3A_74 = arith.constant 392 : i32
    %scan3A_75 = arith.addi %scan3A_73, %scan3A_74 : i32
    %scan3A_76 = arith.constant 1 : i32
    scf.for %scan3A_318 = %scan3A_73 to %scan3A_75 step %scan3A_76  : i32 {
      %mul3A_319 = arith.constant 512 : i32
      %mul3A_320 = arith.muli %scan3A_318, %mul3A_319 : i32
      %add3A_321 = arith.addi %mul3A_7, %mul3A_320 : i32
      "tpu.region"() ({
        %run_scoped3A_336 = tpu.sem_alloc : memref<!tpu.dma_semaphore, #tpu.memory_space<semaphore_mem>>
        %dma_start3A_337 = tpu.memref_slice %arg6[%add3A_321] : memref<6422528xi32, #tpu.memory_space<hbm>> -> memref<256xi32, #tpu.memory_space<hbm>>
        %dma_start3A_338 = tpu.memref_slice %arg6[%add3A_321] : memref<6422528xi32, #tpu.memory_space<hbm>> -> memref<256xi32, #tpu.memory_space<hbm>>
        tpu.enqueue_dma source(%dma_start3A_338 : memref<256xi32, #tpu.memory_space<hbm>>) target(%arg10 : memref<256xi32, #tpu.memory_space<vmem>>) target_semaphore(%run_scoped3A_336 : memref<!tpu.dma_semaphore, #tpu.memory_space<semaphore_mem>>)
        %dma_wait3A_339 = tpu.memref_slice %arg6[%add3A_321] : memref<6422528xi32, #tpu.memory_space<hbm>> -> memref<256xi32, #tpu.memory_space<hbm>>
        %dma_wait3A_340 = tpu.memref_slice %arg6[%add3A_321] : memref<6422528xi32, #tpu.memory_space<hbm>> -> memref<256xi32, #tpu.memory_space<hbm>>
        tpu.wait_dma2 semaphore(%run_scoped3A_336 : memref<!tpu.dma_semaphore, #tpu.memory_space<semaphore_mem>>) src(%dma_wait3A_340 : memref<256xi32, #tpu.memory_space<hbm>>) dst(%arg10 : memref<256xi32, #tpu.memory_space<vmem>>)
        tpu.yield
      }) : () -> ()
      "tpu.region"() ({
        %run_scoped3A_336 = tpu.sem_alloc : memref<!tpu.dma_semaphore, #tpu.memory_space<semaphore_mem>>
        %dma_start3A_337 = tpu.memref_slice %arg7[%add3A_321] : memref<6422528xi32, #tpu.memory_space<hbm>> -> memref<256xi32, #tpu.memory_space<hbm>>
        %dma_start3A_338 = tpu.memref_slice %arg7[%add3A_321] : memref<6422528xi32, #tpu.memory_space<hbm>> -> memref<256xi32, #tpu.memory_space<hbm>>
        tpu.enqueue_dma source(%dma_start3A_338 : memref<256xi32, #tpu.memory_space<hbm>>) target(%arg11 : memref<256xi32, #tpu.memory_space<vmem>>) target_semaphore(%run_scoped3A_336 : memref<!tpu.dma_semaphore, #tpu.memory_space<semaphore_mem>>)
        %dma_wait3A_339 = tpu.memref_slice %arg7[%add3A_321] : memref<6422528xi32, #tpu.memory_space<hbm>> -> memref<256xi32, #tpu.memory_space<hbm>>
        %dma_wait3A_340 = tpu.memref_slice %arg7[%add3A_321] : memref<6422528xi32, #tpu.memory_space<hbm>> -> memref<256xi32, #tpu.memory_space<hbm>>
        tpu.wait_dma2 semaphore(%run_scoped3A_336 : memref<!tpu.dma_semaphore, #tpu.memory_space<semaphore_mem>>) src(%dma_wait3A_340 : memref<256xi32, #tpu.memory_space<hbm>>) dst(%arg11 : memref<256xi32, #tpu.memory_space<vmem>>)
        tpu.yield
      }) : () -> ()
      %dma_start3A = arith.constant 0 : i32
      %dma_start3A_322 = arith.constant 0 : i32
      %dma_start3A_323 = tpu.memref_slice %arg2[%dma_start3A, %dma_start3A_322] : memref<100000x32xf32, #tpu.memory_space<hbm>> -> memref<100000x32xf32, #tpu.memory_space<hbm>>
      tpu.enqueue_indirect_dma source(%dma_start3A_323 : memref<100000x32xf32, #tpu.memory_space<hbm>>) target(%arg12 : memref<256x32xf32, #tpu.memory_space<vmem>>) offsets(%arg10 : memref<256xi32, #tpu.memory_space<vmem>>) semaphore(%arg17 : memref<!tpu.dma_semaphore, #tpu.memory_space<semaphore_mem>>)
      %add3A_324 = arith.constant 256 : i32
      %add3A_325 = arith.addi %add3A_321, %add3A_324 : i32
      "tpu.region"() ({
        %run_scoped3A_336 = tpu.sem_alloc : memref<!tpu.dma_semaphore, #tpu.memory_space<semaphore_mem>>
        %dma_start3A_337 = tpu.memref_slice %arg6[%add3A_325] : memref<6422528xi32, #tpu.memory_space<hbm>> -> memref<256xi32, #tpu.memory_space<hbm>>
        %dma_start3A_338 = tpu.memref_slice %arg6[%add3A_325] : memref<6422528xi32, #tpu.memory_space<hbm>> -> memref<256xi32, #tpu.memory_space<hbm>>
        tpu.enqueue_dma source(%dma_start3A_338 : memref<256xi32, #tpu.memory_space<hbm>>) target(%arg13 : memref<256xi32, #tpu.memory_space<vmem>>) target_semaphore(%run_scoped3A_336 : memref<!tpu.dma_semaphore, #tpu.memory_space<semaphore_mem>>)
        %dma_wait3A_339 = tpu.memref_slice %arg6[%add3A_325] : memref<6422528xi32, #tpu.memory_space<hbm>> -> memref<256xi32, #tpu.memory_space<hbm>>
        %dma_wait3A_340 = tpu.memref_slice %arg6[%add3A_325] : memref<6422528xi32, #tpu.memory_space<hbm>> -> memref<256xi32, #tpu.memory_space<hbm>>
        tpu.wait_dma2 semaphore(%run_scoped3A_336 : memref<!tpu.dma_semaphore, #tpu.memory_space<semaphore_mem>>) src(%dma_wait3A_340 : memref<256xi32, #tpu.memory_space<hbm>>) dst(%arg13 : memref<256xi32, #tpu.memory_space<vmem>>)
        tpu.yield
      }) : () -> ()
      %add3A_326 = arith.constant 256 : i32
      %add3A_327 = arith.addi %add3A_321, %add3A_326 : i32
      "tpu.region"() ({
        %run_scoped3A_336 = tpu.sem_alloc : memref<!tpu.dma_semaphore, #tpu.memory_space<semaphore_mem>>
        %dma_start3A_337 = tpu.memref_slice %arg7[%add3A_327] : memref<6422528xi32, #tpu.memory_space<hbm>> -> memref<256xi32, #tpu.memory_space<hbm>>
        %dma_start3A_338 = tpu.memref_slice %arg7[%add3A_327] : memref<6422528xi32, #tpu.memory_space<hbm>> -> memref<256xi32, #tpu.memory_space<hbm>>
        tpu.enqueue_dma source(%dma_start3A_338 : memref<256xi32, #tpu.memory_space<hbm>>) target(%arg14 : memref<256xi32, #tpu.memory_space<vmem>>) target_semaphore(%run_scoped3A_336 : memref<!tpu.dma_semaphore, #tpu.memory_space<semaphore_mem>>)
        %dma_wait3A_339 = tpu.memref_slice %arg7[%add3A_327] : memref<6422528xi32, #tpu.memory_space<hbm>> -> memref<256xi32, #tpu.memory_space<hbm>>
        %dma_wait3A_340 = tpu.memref_slice %arg7[%add3A_327] : memref<6422528xi32, #tpu.memory_space<hbm>> -> memref<256xi32, #tpu.memory_space<hbm>>
        tpu.wait_dma2 semaphore(%run_scoped3A_336 : memref<!tpu.dma_semaphore, #tpu.memory_space<semaphore_mem>>) src(%dma_wait3A_340 : memref<256xi32, #tpu.memory_space<hbm>>) dst(%arg14 : memref<256xi32, #tpu.memory_space<vmem>>)
        tpu.yield
      }) : () -> ()
      %dma_start3A_328 = arith.constant 0 : i32
      %dma_start3A_329 = arith.constant 0 : i32
      %dma_start3A_330 = tpu.memref_slice %arg2[%dma_start3A_328, %dma_start3A_329] : memref<100000x32xf32, #tpu.memory_space<hbm>> -> memref<100000x32xf32, #tpu.memory_space<hbm>>
      tpu.enqueue_indirect_dma source(%dma_start3A_330 : memref<100000x32xf32, #tpu.memory_space<hbm>>) target(%arg15 : memref<256x32xf32, #tpu.memory_space<vmem>>) offsets(%arg13 : memref<256xi32, #tpu.memory_space<vmem>>) semaphore(%arg18 : memref<!tpu.dma_semaphore, #tpu.memory_space<semaphore_mem>>)
      %dma_wait3A = arith.constant 0 : i32
      %dma_wait3A_331 = arith.constant 0 : i32
      %dma_wait3A_332 = tpu.memref_slice %arg2[%dma_wait3A, %dma_wait3A_331] : memref<100000x32xf32, #tpu.memory_space<hbm>> -> memref<100000x32xf32, #tpu.memory_space<hbm>>
      tpu.wait_indirect_dma semaphore(%arg17 : memref<!tpu.dma_semaphore, #tpu.memory_space<semaphore_mem>>) src(%dma_wait3A_332 : memref<100000x32xf32, #tpu.memory_space<hbm>>) dst(%arg12 : memref<256x32xf32, #tpu.memory_space<vmem>>)
      %dma_wait3A_333 = arith.constant 0 : i32
      %dma_wait3A_334 = arith.constant 0 : i32
      %dma_wait3A_335 = tpu.memref_slice %arg2[%dma_wait3A_333, %dma_wait3A_334] : memref<100000x32xf32, #tpu.memory_space<hbm>> -> memref<100000x32xf32, #tpu.memory_space<hbm>>
      tpu.wait_indirect_dma semaphore(%arg18 : memref<!tpu.dma_semaphore, #tpu.memory_space<semaphore_mem>>) src(%dma_wait3A_335 : memref<100000x32xf32, #tpu.memory_space<hbm>>) dst(%arg15 : memref<256x32xf32, #tpu.memory_space<vmem>>)
    }
    %scan3A_77 = arith.constant 392 : i32
    %barrier3A_78 = arith.constant 0 : index
    tpu.barrier barrier_id(%barrier3A_78)
    %mul3A_79 = arith.constant 6400 : i32
    %mul3A_80 = arith.muli %arg1, %mul3A_79 : i32
    %mul3A_81 = arith.constant 6400 : i32
    %mul3A_82 = arith.muli %arg1, %mul3A_81 : i32
    %run_scoped3A = arith.constant 0 : i32
    "tpu.region"() ({
      %run_scoped3A_318 = tpu.sem_alloc : memref<!tpu.dma_semaphore, #tpu.memory_space<semaphore_mem>>
      %dma_start3A = arith.constant 0 : i32
      %dma_start3A_319 = tpu.memref_slice %arg8[%run_scoped3A, %arg0, %mul3A_82, %dma_start3A] : memref<4x2x102400x16xf32, #tpu.memory_space<hbm>> -> memref<1x1x6400x16xf32, #tpu.memory_space<hbm>>
      %dma_start3A_320 = tpu.memref_squeeze %dma_start3A_319 : memref<1x1x6400x16xf32, #tpu.memory_space<hbm>> -> memref<6400x16xf32, #tpu.memory_space<hbm>>
      %dma_start3A_321 = arith.constant 0 : i32
      %dma_start3A_322 = tpu.memref_slice %arg9[%mul3A_80, %dma_start3A_321] : memref<102400x16xf32, #tpu.memory_space<vmem_shared>> -> memref<6400x16xf32, #tpu.memory_space<vmem_shared>>
      tpu.enqueue_dma source(%dma_start3A_322 : memref<6400x16xf32, #tpu.memory_space<vmem_shared>>) target(%dma_start3A_320 : memref<6400x16xf32, #tpu.memory_space<hbm>>) target_semaphore(%run_scoped3A_318 : memref<!tpu.dma_semaphore, #tpu.memory_space<semaphore_mem>>)
      %dma_wait3A = arith.constant 0 : i32
      %dma_wait3A_323 = tpu.memref_slice %arg8[%run_scoped3A, %arg0, %mul3A_82, %dma_wait3A] : memref<4x2x102400x16xf32, #tpu.memory_space<hbm>> -> memref<1x1x6400x16xf32, #tpu.memory_space<hbm>>
      %dma_wait3A_324 = tpu.memref_squeeze %dma_wait3A_323 : memref<1x1x6400x16xf32, #tpu.memory_space<hbm>> -> memref<6400x16xf32, #tpu.memory_space<hbm>>
      %dma_wait3A_325 = arith.constant 0 : i32
      %dma_wait3A_326 = tpu.memref_slice %arg9[%mul3A_80, %dma_wait3A_325] : memref<102400x16xf32, #tpu.memory_space<vmem_shared>> -> memref<6400x16xf32, #tpu.memory_space<vmem_shared>>
      tpu.wait_dma2 semaphore(%run_scoped3A_318 : memref<!tpu.dma_semaphore, #tpu.memory_space<semaphore_mem>>) src(%dma_wait3A_326 : memref<6400x16xf32, #tpu.memory_space<vmem_shared>>) dst(%dma_wait3A_324 : memref<6400x16xf32, #tpu.memory_space<hbm>>)
      tpu.yield
    }) : () -> ()
    %barrier3A_83 = arith.constant 0 : index
    tpu.barrier barrier_id(%barrier3A_83)
    %mul3A_84 = arith.constant 6400 : i32
    %mul3A_85 = arith.muli %arg1, %mul3A_84 : i32
    %add3A_86 = arith.constant 0 : i32
    %add3A_87 = arith.addi %mul3A_85, %add3A_86 : i32
    "tpu.region"() ({
      %run_scoped3A_318 = tpu.sem_alloc : memref<!tpu.dma_semaphore, #tpu.memory_space<semaphore_mem>>
      %dma_start3A = arith.constant 0 : i32
      %dma_start3A_319 = tpu.memref_slice %arg9[%add3A_87, %dma_start3A] : memref<102400x16xf32, #tpu.memory_space<vmem_shared>> -> memref<400x16xf32, #tpu.memory_space<vmem_shared>>
      %dma_start3A_320 = arith.constant 0 : i32
      %dma_start3A_321 = tpu.memref_slice %arg9[%add3A_87, %dma_start3A_320] : memref<102400x16xf32, #tpu.memory_space<vmem_shared>> -> memref<400x16xf32, #tpu.memory_space<vmem_shared>>
      tpu.enqueue_dma source(%arg16 : memref<400x16xf32, #tpu.memory_space<vmem>>) target(%dma_start3A_321 : memref<400x16xf32, #tpu.memory_space<vmem_shared>>) target_semaphore(%run_scoped3A_318 : memref<!tpu.dma_semaphore, #tpu.memory_space<semaphore_mem>>)
      %dma_wait3A = arith.constant 0 : i32
      %dma_wait3A_322 = tpu.memref_slice %arg9[%add3A_87, %dma_wait3A] : memref<102400x16xf32, #tpu.memory_space<vmem_shared>> -> memref<400x16xf32, #tpu.memory_space<vmem_shared>>
      %dma_wait3A_323 = arith.constant 0 : i32
      %dma_wait3A_324 = tpu.memref_slice %arg9[%add3A_87, %dma_wait3A_323] : memref<102400x16xf32, #tpu.memory_space<vmem_shared>> -> memref<400x16xf32, #tpu.memory_space<vmem_shared>>
      tpu.wait_dma2 semaphore(%run_scoped3A_318 : memref<!tpu.dma_semaphore, #tpu.memory_space<semaphore_mem>>) src(%arg16 : memref<400x16xf32, #tpu.memory_space<vmem>>) dst(%dma_wait3A_324 : memref<400x16xf32, #tpu.memory_space<vmem_shared>>)
      tpu.yield
    }) : () -> ()
    %mul3A_88 = arith.constant 6400 : i32
    %mul3A_89 = arith.muli %arg1, %mul3A_88 : i32
    %add3A_90 = arith.constant 400 : i32
    %add3A_91 = arith.addi %mul3A_89, %add3A_90 : i32
    "tpu.region"() ({
      %run_scoped3A_318 = tpu.sem_alloc : memref<!tpu.dma_semaphore, #tpu.memory_space<semaphore_mem>>
      %dma_start3A = arith.constant 0 : i32
      %dma_start3A_319 = tpu.memref_slice %arg9[%add3A_91, %dma_start3A] : memref<102400x16xf32, #tpu.memory_space<vmem_shared>> -> memref<400x16xf32, #tpu.memory_space<vmem_shared>>
      %dma_start3A_320 = arith.constant 0 : i32
      %dma_start3A_321 = tpu.memref_slice %arg9[%add3A_91, %dma_start3A_320] : memref<102400x16xf32, #tpu.memory_space<vmem_shared>> -> memref<400x16xf32, #tpu.memory_space<vmem_shared>>
      tpu.enqueue_dma source(%arg16 : memref<400x16xf32, #tpu.memory_space<vmem>>) target(%dma_start3A_321 : memref<400x16xf32, #tpu.memory_space<vmem_shared>>) target_semaphore(%run_scoped3A_318 : memref<!tpu.dma_semaphore, #tpu.memory_space<semaphore_mem>>)
      %dma_wait3A = arith.constant 0 : i32
      %dma_wait3A_322 = tpu.memref_slice %arg9[%add3A_91, %dma_wait3A] : memref<102400x16xf32, #tpu.memory_space<vmem_shared>> -> memref<400x16xf32, #tpu.memory_space<vmem_shared>>
      %dma_wait3A_323 = arith.constant 0 : i32
      %dma_wait3A_324 = tpu.memref_slice %arg9[%add3A_91, %dma_wait3A_323] : memref<102400x16xf32, #tpu.memory_space<vmem_shared>> -> memref<400x16xf32, #tpu.memory_space<vmem_shared>>
      tpu.wait_dma2 semaphore(%run_scoped3A_318 : memref<!tpu.dma_semaphore, #tpu.memory_space<semaphore_mem>>) src(%arg16 : memref<400x16xf32, #tpu.memory_space<vmem>>) dst(%dma_wait3A_324 : memref<400x16xf32, #tpu.memory_space<vmem_shared>>)
      tpu.yield
    }) : () -> ()
    %mul3A_92 = arith.constant 6400 : i32
    %mul3A_93 = arith.muli %arg1, %mul3A_92 : i32
    %add3A_94 = arith.constant 800 : i32
    %add3A_95 = arith.addi %mul3A_93, %add3A_94 : i32
    "tpu.region"() ({
      %run_scoped3A_318 = tpu.sem_alloc : memref<!tpu.dma_semaphore, #tpu.memory_space<semaphore_mem>>
      %dma_start3A = arith.constant 0 : i32
      %dma_start3A_319 = tpu.memref_slice %arg9[%add3A_95, %dma_start3A] : memref<102400x16xf32, #tpu.memory_space<vmem_shared>> -> memref<400x16xf32, #tpu.memory_space<vmem_shared>>
      %dma_start3A_320 = arith.constant 0 : i32
      %dma_start3A_321 = tpu.memref_slice %arg9[%add3A_95, %dma_start3A_320] : memref<102400x16xf32, #tpu.memory_space<vmem_shared>> -> memref<400x16xf32, #tpu.memory_space<vmem_shared>>
      tpu.enqueue_dma source(%arg16 : memref<400x16xf32, #tpu.memory_space<vmem>>) target(%dma_start3A_321 : memref<400x16xf32, #tpu.memory_space<vmem_shared>>) target_semaphore(%run_scoped3A_318 : memref<!tpu.dma_semaphore, #tpu.memory_space<semaphore_mem>>)
      %dma_wait3A = arith.constant 0 : i32
      %dma_wait3A_322 = tpu.memref_slice %arg9[%add3A_95, %dma_wait3A] : memref<102400x16xf32, #tpu.memory_space<vmem_shared>> -> memref<400x16xf32, #tpu.memory_space<vmem_shared>>
      %dma_wait3A_323 = arith.constant 0 : i32
      %dma_wait3A_324 = tpu.memref_slice %arg9[%add3A_95, %dma_wait3A_323] : memref<102400x16xf32, #tpu.memory_space<vmem_shared>> -> memref<400x16xf32, #tpu.memory_space<vmem_shared>>
      tpu.wait_dma2 semaphore(%run_scoped3A_318 : memref<!tpu.dma_semaphore, #tpu.memory_space<semaphore_mem>>) src(%arg16 : memref<400x16xf32, #tpu.memory_space<vmem>>) dst(%dma_wait3A_324 : memref<400x16xf32, #tpu.memory_space<vmem_shared>>)
      tpu.yield
    }) : () -> ()
    %mul3A_96 = arith.constant 6400 : i32
    %mul3A_97 = arith.muli %arg1, %mul3A_96 : i32
    %add3A_98 = arith.constant 1200 : i32
    %add3A_99 = arith.addi %mul3A_97, %add3A_98 : i32
    "tpu.region"() ({
      %run_scoped3A_318 = tpu.sem_alloc : memref<!tpu.dma_semaphore, #tpu.memory_space<semaphore_mem>>
      %dma_start3A = arith.constant 0 : i32
      %dma_start3A_319 = tpu.memref_slice %arg9[%add3A_99, %dma_start3A] : memref<102400x16xf32, #tpu.memory_space<vmem_shared>> -> memref<400x16xf32, #tpu.memory_space<vmem_shared>>
      %dma_start3A_320 = arith.constant 0 : i32
      %dma_start3A_321 = tpu.memref_slice %arg9[%add3A_99, %dma_start3A_320] : memref<102400x16xf32, #tpu.memory_space<vmem_shared>> -> memref<400x16xf32, #tpu.memory_space<vmem_shared>>
      tpu.enqueue_dma source(%arg16 : memref<400x16xf32, #tpu.memory_space<vmem>>) target(%dma_start3A_321 : memref<400x16xf32, #tpu.memory_space<vmem_shared>>) target_semaphore(%run_scoped3A_318 : memref<!tpu.dma_semaphore, #tpu.memory_space<semaphore_mem>>)
      %dma_wait3A = arith.constant 0 : i32
      %dma_wait3A_322 = tpu.memref_slice %arg9[%add3A_99, %dma_wait3A] : memref<102400x16xf32, #tpu.memory_space<vmem_shared>> -> memref<400x16xf32, #tpu.memory_space<vmem_shared>>
      %dma_wait3A_323 = arith.constant 0 : i32
      %dma_wait3A_324 = tpu.memref_slice %arg9[%add3A_99, %dma_wait3A_323] : memref<102400x16xf32, #tpu.memory_space<vmem_shared>> -> memref<400x16xf32, #tpu.memory_space<vmem_shared>>
      tpu.wait_dma2 semaphore(%run_scoped3A_318 : memref<!tpu.dma_semaphore, #tpu.memory_space<semaphore_mem>>) src(%arg16 : memref<400x16xf32, #tpu.memory_space<vmem>>) dst(%dma_wait3A_324 : memref<400x16xf32, #tpu.memory_space<vmem_shared>>)
      tpu.yield
    }) : () -> ()
    %mul3A_100 = arith.constant 6400 : i32
    %mul3A_101 = arith.muli %arg1, %mul3A_100 : i32
    %add3A_102 = arith.constant 1600 : i32
    %add3A_103 = arith.addi %mul3A_101, %add3A_102 : i32
    "tpu.region"() ({
      %run_scoped3A_318 = tpu.sem_alloc : memref<!tpu.dma_semaphore, #tpu.memory_space<semaphore_mem>>
      %dma_start3A = arith.constant 0 : i32
      %dma_start3A_319 = tpu.memref_slice %arg9[%add3A_103, %dma_start3A] : memref<102400x16xf32, #tpu.memory_space<vmem_shared>> -> memref<400x16xf32, #tpu.memory_space<vmem_shared>>
      %dma_start3A_320 = arith.constant 0 : i32
      %dma_start3A_321 = tpu.memref_slice %arg9[%add3A_103, %dma_start3A_320] : memref<102400x16xf32, #tpu.memory_space<vmem_shared>> -> memref<400x16xf32, #tpu.memory_space<vmem_shared>>
      tpu.enqueue_dma source(%arg16 : memref<400x16xf32, #tpu.memory_space<vmem>>) target(%dma_start3A_321 : memref<400x16xf32, #tpu.memory_space<vmem_shared>>) target_semaphore(%run_scoped3A_318 : memref<!tpu.dma_semaphore, #tpu.memory_space<semaphore_mem>>)
      %dma_wait3A = arith.constant 0 : i32
      %dma_wait3A_322 = tpu.memref_slice %arg9[%add3A_103, %dma_wait3A] : memref<102400x16xf32, #tpu.memory_space<vmem_shared>> -> memref<400x16xf32, #tpu.memory_space<vmem_shared>>
      %dma_wait3A_323 = arith.constant 0 : i32
      %dma_wait3A_324 = tpu.memref_slice %arg9[%add3A_103, %dma_wait3A_323] : memref<102400x16xf32, #tpu.memory_space<vmem_shared>> -> memref<400x16xf32, #tpu.memory_space<vmem_shared>>
      tpu.wait_dma2 semaphore(%run_scoped3A_318 : memref<!tpu.dma_semaphore, #tpu.memory_space<semaphore_mem>>) src(%arg16 : memref<400x16xf32, #tpu.memory_space<vmem>>) dst(%dma_wait3A_324 : memref<400x16xf32, #tpu.memory_space<vmem_shared>>)
      tpu.yield
    }) : () -> ()
    %mul3A_104 = arith.constant 6400 : i32
    %mul3A_105 = arith.muli %arg1, %mul3A_104 : i32
    %add3A_106 = arith.constant 2000 : i32
    %add3A_107 = arith.addi %mul3A_105, %add3A_106 : i32
    "tpu.region"() ({
      %run_scoped3A_318 = tpu.sem_alloc : memref<!tpu.dma_semaphore, #tpu.memory_space<semaphore_mem>>
      %dma_start3A = arith.constant 0 : i32
      %dma_start3A_319 = tpu.memref_slice %arg9[%add3A_107, %dma_start3A] : memref<102400x16xf32, #tpu.memory_space<vmem_shared>> -> memref<400x16xf32, #tpu.memory_space<vmem_shared>>
      %dma_start3A_320 = arith.constant 0 : i32
      %dma_start3A_321 = tpu.memref_slice %arg9[%add3A_107, %dma_start3A_320] : memref<102400x16xf32, #tpu.memory_space<vmem_shared>> -> memref<400x16xf32, #tpu.memory_space<vmem_shared>>
      tpu.enqueue_dma source(%arg16 : memref<400x16xf32, #tpu.memory_space<vmem>>) target(%dma_start3A_321 : memref<400x16xf32, #tpu.memory_space<vmem_shared>>) target_semaphore(%run_scoped3A_318 : memref<!tpu.dma_semaphore, #tpu.memory_space<semaphore_mem>>)
      %dma_wait3A = arith.constant 0 : i32
      %dma_wait3A_322 = tpu.memref_slice %arg9[%add3A_107, %dma_wait3A] : memref<102400x16xf32, #tpu.memory_space<vmem_shared>> -> memref<400x16xf32, #tpu.memory_space<vmem_shared>>
      %dma_wait3A_323 = arith.constant 0 : i32
      %dma_wait3A_324 = tpu.memref_slice %arg9[%add3A_107, %dma_wait3A_323] : memref<102400x16xf32, #tpu.memory_space<vmem_shared>> -> memref<400x16xf32, #tpu.memory_space<vmem_shared>>
      tpu.wait_dma2 semaphore(%run_scoped3A_318 : memref<!tpu.dma_semaphore, #tpu.memory_space<semaphore_mem>>) src(%arg16 : memref<400x16xf32, #tpu.memory_space<vmem>>) dst(%dma_wait3A_324 : memref<400x16xf32, #tpu.memory_space<vmem_shared>>)
      tpu.yield
    }) : () -> ()
    %mul3A_108 = arith.constant 6400 : i32
    %mul3A_109 = arith.muli %arg1, %mul3A_108 : i32
    %add3A_110 = arith.constant 2400 : i32
    %add3A_111 = arith.addi %mul3A_109, %add3A_110 : i32
    "tpu.region"() ({
      %run_scoped3A_318 = tpu.sem_alloc : memref<!tpu.dma_semaphore, #tpu.memory_space<semaphore_mem>>
      %dma_start3A = arith.constant 0 : i32
      %dma_start3A_319 = tpu.memref_slice %arg9[%add3A_111, %dma_start3A] : memref<102400x16xf32, #tpu.memory_space<vmem_shared>> -> memref<400x16xf32, #tpu.memory_space<vmem_shared>>
      %dma_start3A_320 = arith.constant 0 : i32
      %dma_start3A_321 = tpu.memref_slice %arg9[%add3A_111, %dma_start3A_320] : memref<102400x16xf32, #tpu.memory_space<vmem_shared>> -> memref<400x16xf32, #tpu.memory_space<vmem_shared>>
      tpu.enqueue_dma source(%arg16 : memref<400x16xf32, #tpu.memory_space<vmem>>) target(%dma_start3A_321 : memref<400x16xf32, #tpu.memory_space<vmem_shared>>) target_semaphore(%run_scoped3A_318 : memref<!tpu.dma_semaphore, #tpu.memory_space<semaphore_mem>>)
      %dma_wait3A = arith.constant 0 : i32
      %dma_wait3A_322 = tpu.memref_slice %arg9[%add3A_111, %dma_wait3A] : memref<102400x16xf32, #tpu.memory_space<vmem_shared>> -> memref<400x16xf32, #tpu.memory_space<vmem_shared>>
      %dma_wait3A_323 = arith.constant 0 : i32
      %dma_wait3A_324 = tpu.memref_slice %arg9[%add3A_111, %dma_wait3A_323] : memref<102400x16xf32, #tpu.memory_space<vmem_shared>> -> memref<400x16xf32, #tpu.memory_space<vmem_shared>>
      tpu.wait_dma2 semaphore(%run_scoped3A_318 : memref<!tpu.dma_semaphore, #tpu.memory_space<semaphore_mem>>) src(%arg16 : memref<400x16xf32, #tpu.memory_space<vmem>>) dst(%dma_wait3A_324 : memref<400x16xf32, #tpu.memory_space<vmem_shared>>)
      tpu.yield
    }) : () -> ()
    %mul3A_112 = arith.constant 6400 : i32
    %mul3A_113 = arith.muli %arg1, %mul3A_112 : i32
    %add3A_114 = arith.constant 2800 : i32
    %add3A_115 = arith.addi %mul3A_113, %add3A_114 : i32
    "tpu.region"() ({
      %run_scoped3A_318 = tpu.sem_alloc : memref<!tpu.dma_semaphore, #tpu.memory_space<semaphore_mem>>
      %dma_start3A = arith.constant 0 : i32
      %dma_start3A_319 = tpu.memref_slice %arg9[%add3A_115, %dma_start3A] : memref<102400x16xf32, #tpu.memory_space<vmem_shared>> -> memref<400x16xf32, #tpu.memory_space<vmem_shared>>
      %dma_start3A_320 = arith.constant 0 : i32
      %dma_start3A_321 = tpu.memref_slice %arg9[%add3A_115, %dma_start3A_320] : memref<102400x16xf32, #tpu.memory_space<vmem_shared>> -> memref<400x16xf32, #tpu.memory_space<vmem_shared>>
      tpu.enqueue_dma source(%arg16 : memref<400x16xf32, #tpu.memory_space<vmem>>) target(%dma_start3A_321 : memref<400x16xf32, #tpu.memory_space<vmem_shared>>) target_semaphore(%run_scoped3A_318 : memref<!tpu.dma_semaphore, #tpu.memory_space<semaphore_mem>>)
      %dma_wait3A = arith.constant 0 : i32
      %dma_wait3A_322 = tpu.memref_slice %arg9[%add3A_115, %dma_wait3A] : memref<102400x16xf32, #tpu.memory_space<vmem_shared>> -> memref<400x16xf32, #tpu.memory_space<vmem_shared>>
      %dma_wait3A_323 = arith.constant 0 : i32
      %dma_wait3A_324 = tpu.memref_slice %arg9[%add3A_115, %dma_wait3A_323] : memref<102400x16xf32, #tpu.memory_space<vmem_shared>> -> memref<400x16xf32, #tpu.memory_space<vmem_shared>>
      tpu.wait_dma2 semaphore(%run_scoped3A_318 : memref<!tpu.dma_semaphore, #tpu.memory_space<semaphore_mem>>) src(%arg16 : memref<400x16xf32, #tpu.memory_space<vmem>>) dst(%dma_wait3A_324 : memref<400x16xf32, #tpu.memory_space<vmem_shared>>)
      tpu.yield
    }) : () -> ()
    %mul3A_116 = arith.constant 6400 : i32
    %mul3A_117 = arith.muli %arg1, %mul3A_116 : i32
    %add3A_118 = arith.constant 3200 : i32
    %add3A_119 = arith.addi %mul3A_117, %add3A_118 : i32
    "tpu.region"() ({
      %run_scoped3A_318 = tpu.sem_alloc : memref<!tpu.dma_semaphore, #tpu.memory_space<semaphore_mem>>
      %dma_start3A = arith.constant 0 : i32
      %dma_start3A_319 = tpu.memref_slice %arg9[%add3A_119, %dma_start3A] : memref<102400x16xf32, #tpu.memory_space<vmem_shared>> -> memref<400x16xf32, #tpu.memory_space<vmem_shared>>
      %dma_start3A_320 = arith.constant 0 : i32
      %dma_start3A_321 = tpu.memref_slice %arg9[%add3A_119, %dma_start3A_320] : memref<102400x16xf32, #tpu.memory_space<vmem_shared>> -> memref<400x16xf32, #tpu.memory_space<vmem_shared>>
      tpu.enqueue_dma source(%arg16 : memref<400x16xf32, #tpu.memory_space<vmem>>) target(%dma_start3A_321 : memref<400x16xf32, #tpu.memory_space<vmem_shared>>) target_semaphore(%run_scoped3A_318 : memref<!tpu.dma_semaphore, #tpu.memory_space<semaphore_mem>>)
      %dma_wait3A = arith.constant 0 : i32
      %dma_wait3A_322 = tpu.memref_slice %arg9[%add3A_119, %dma_wait3A] : memref<102400x16xf32, #tpu.memory_space<vmem_shared>> -> memref<400x16xf32, #tpu.memory_space<vmem_shared>>
      %dma_wait3A_323 = arith.constant 0 : i32
      %dma_wait3A_324 = tpu.memref_slice %arg9[%add3A_119, %dma_wait3A_323] : memref<102400x16xf32, #tpu.memory_space<vmem_shared>> -> memref<400x16xf32, #tpu.memory_space<vmem_shared>>
      tpu.wait_dma2 semaphore(%run_scoped3A_318 : memref<!tpu.dma_semaphore, #tpu.memory_space<semaphore_mem>>) src(%arg16 : memref<400x16xf32, #tpu.memory_space<vmem>>) dst(%dma_wait3A_324 : memref<400x16xf32, #tpu.memory_space<vmem_shared>>)
      tpu.yield
    }) : () -> ()
    %mul3A_120 = arith.constant 6400 : i32
    %mul3A_121 = arith.muli %arg1, %mul3A_120 : i32
    %add3A_122 = arith.constant 3600 : i32
    %add3A_123 = arith.addi %mul3A_121, %add3A_122 : i32
    "tpu.region"() ({
      %run_scoped3A_318 = tpu.sem_alloc : memref<!tpu.dma_semaphore, #tpu.memory_space<semaphore_mem>>
      %dma_start3A = arith.constant 0 : i32
      %dma_start3A_319 = tpu.memref_slice %arg9[%add3A_123, %dma_start3A] : memref<102400x16xf32, #tpu.memory_space<vmem_shared>> -> memref<400x16xf32, #tpu.memory_space<vmem_shared>>
      %dma_start3A_320 = arith.constant 0 : i32
      %dma_start3A_321 = tpu.memref_slice %arg9[%add3A_123, %dma_start3A_320] : memref<102400x16xf32, #tpu.memory_space<vmem_shared>> -> memref<400x16xf32, #tpu.memory_space<vmem_shared>>
      tpu.enqueue_dma source(%arg16 : memref<400x16xf32, #tpu.memory_space<vmem>>) target(%dma_start3A_321 : memref<400x16xf32, #tpu.memory_space<vmem_shared>>) target_semaphore(%run_scoped3A_318 : memref<!tpu.dma_semaphore, #tpu.memory_space<semaphore_mem>>)
      %dma_wait3A = arith.constant 0 : i32
      %dma_wait3A_322 = tpu.memref_slice %arg9[%add3A_123, %dma_wait3A] : memref<102400x16xf32, #tpu.memory_space<vmem_shared>> -> memref<400x16xf32, #tpu.memory_space<vmem_shared>>
      %dma_wait3A_323 = arith.constant 0 : i32
      %dma_wait3A_324 = tpu.memref_slice %arg9[%add3A_123, %dma_wait3A_323] : memref<102400x16xf32, #tpu.memory_space<vmem_shared>> -> memref<400x16xf32, #tpu.memory_space<vmem_shared>>
      tpu.wait_dma2 semaphore(%run_scoped3A_318 : memref<!tpu.dma_semaphore, #tpu.memory_space<semaphore_mem>>) src(%arg16 : memref<400x16xf32, #tpu.memory_space<vmem>>) dst(%dma_wait3A_324 : memref<400x16xf32, #tpu.memory_space<vmem_shared>>)
      tpu.yield
    }) : () -> ()
    %mul3A_124 = arith.constant 6400 : i32
    %mul3A_125 = arith.muli %arg1, %mul3A_124 : i32
    %add3A_126 = arith.constant 4000 : i32
    %add3A_127 = arith.addi %mul3A_125, %add3A_126 : i32
    "tpu.region"() ({
      %run_scoped3A_318 = tpu.sem_alloc : memref<!tpu.dma_semaphore, #tpu.memory_space<semaphore_mem>>
      %dma_start3A = arith.constant 0 : i32
      %dma_start3A_319 = tpu.memref_slice %arg9[%add3A_127, %dma_start3A] : memref<102400x16xf32, #tpu.memory_space<vmem_shared>> -> memref<400x16xf32, #tpu.memory_space<vmem_shared>>
      %dma_start3A_320 = arith.constant 0 : i32
      %dma_start3A_321 = tpu.memref_slice %arg9[%add3A_127, %dma_start3A_320] : memref<102400x16xf32, #tpu.memory_space<vmem_shared>> -> memref<400x16xf32, #tpu.memory_space<vmem_shared>>
      tpu.enqueue_dma source(%arg16 : memref<400x16xf32, #tpu.memory_space<vmem>>) target(%dma_start3A_321 : memref<400x16xf32, #tpu.memory_space<vmem_shared>>) target_semaphore(%run_scoped3A_318 : memref<!tpu.dma_semaphore, #tpu.memory_space<semaphore_mem>>)
      %dma_wait3A = arith.constant 0 : i32
      %dma_wait3A_322 = tpu.memref_slice %arg9[%add3A_127, %dma_wait3A] : memref<102400x16xf32, #tpu.memory_space<vmem_shared>> -> memref<400x16xf32, #tpu.memory_space<vmem_shared>>
      %dma_wait3A_323 = arith.constant 0 : i32
      %dma_wait3A_324 = tpu.memref_slice %arg9[%add3A_127, %dma_wait3A_323] : memref<102400x16xf32, #tpu.memory_space<vmem_shared>> -> memref<400x16xf32, #tpu.memory_space<vmem_shared>>
      tpu.wait_dma2 semaphore(%run_scoped3A_318 : memref<!tpu.dma_semaphore, #tpu.memory_space<semaphore_mem>>) src(%arg16 : memref<400x16xf32, #tpu.memory_space<vmem>>) dst(%dma_wait3A_324 : memref<400x16xf32, #tpu.memory_space<vmem_shared>>)
      tpu.yield
    }) : () -> ()
    %mul3A_128 = arith.constant 6400 : i32
    %mul3A_129 = arith.muli %arg1, %mul3A_128 : i32
    %add3A_130 = arith.constant 4400 : i32
    %add3A_131 = arith.addi %mul3A_129, %add3A_130 : i32
    "tpu.region"() ({
      %run_scoped3A_318 = tpu.sem_alloc : memref<!tpu.dma_semaphore, #tpu.memory_space<semaphore_mem>>
      %dma_start3A = arith.constant 0 : i32
      %dma_start3A_319 = tpu.memref_slice %arg9[%add3A_131, %dma_start3A] : memref<102400x16xf32, #tpu.memory_space<vmem_shared>> -> memref<400x16xf32, #tpu.memory_space<vmem_shared>>
      %dma_start3A_320 = arith.constant 0 : i32
      %dma_start3A_321 = tpu.memref_slice %arg9[%add3A_131, %dma_start3A_320] : memref<102400x16xf32, #tpu.memory_space<vmem_shared>> -> memref<400x16xf32, #tpu.memory_space<vmem_shared>>
      tpu.enqueue_dma source(%arg16 : memref<400x16xf32, #tpu.memory_space<vmem>>) target(%dma_start3A_321 : memref<400x16xf32, #tpu.memory_space<vmem_shared>>) target_semaphore(%run_scoped3A_318 : memref<!tpu.dma_semaphore, #tpu.memory_space<semaphore_mem>>)
      %dma_wait3A = arith.constant 0 : i32
      %dma_wait3A_322 = tpu.memref_slice %arg9[%add3A_131, %dma_wait3A] : memref<102400x16xf32, #tpu.memory_space<vmem_shared>> -> memref<400x16xf32, #tpu.memory_space<vmem_shared>>
      %dma_wait3A_323 = arith.constant 0 : i32
      %dma_wait3A_324 = tpu.memref_slice %arg9[%add3A_131, %dma_wait3A_323] : memref<102400x16xf32, #tpu.memory_space<vmem_shared>> -> memref<400x16xf32, #tpu.memory_space<vmem_shared>>
      tpu.wait_dma2 semaphore(%run_scoped3A_318 : memref<!tpu.dma_semaphore, #tpu.memory_space<semaphore_mem>>) src(%arg16 : memref<400x16xf32, #tpu.memory_space<vmem>>) dst(%dma_wait3A_324 : memref<400x16xf32, #tpu.memory_space<vmem_shared>>)
      tpu.yield
    }) : () -> ()
    %mul3A_132 = arith.constant 6400 : i32
    %mul3A_133 = arith.muli %arg1, %mul3A_132 : i32
    %add3A_134 = arith.constant 4800 : i32
    %add3A_135 = arith.addi %mul3A_133, %add3A_134 : i32
    "tpu.region"() ({
      %run_scoped3A_318 = tpu.sem_alloc : memref<!tpu.dma_semaphore, #tpu.memory_space<semaphore_mem>>
      %dma_start3A = arith.constant 0 : i32
      %dma_start3A_319 = tpu.memref_slice %arg9[%add3A_135, %dma_start3A] : memref<102400x16xf32, #tpu.memory_space<vmem_shared>> -> memref<400x16xf32, #tpu.memory_space<vmem_shared>>
      %dma_start3A_320 = arith.constant 0 : i32
      %dma_start3A_321 = tpu.memref_slice %arg9[%add3A_135, %dma_start3A_320] : memref<102400x16xf32, #tpu.memory_space<vmem_shared>> -> memref<400x16xf32, #tpu.memory_space<vmem_shared>>
      tpu.enqueue_dma source(%arg16 : memref<400x16xf32, #tpu.memory_space<vmem>>) target(%dma_start3A_321 : memref<400x16xf32, #tpu.memory_space<vmem_shared>>) target_semaphore(%run_scoped3A_318 : memref<!tpu.dma_semaphore, #tpu.memory_space<semaphore_mem>>)
      %dma_wait3A = arith.constant 0 : i32
      %dma_wait3A_322 = tpu.memref_slice %arg9[%add3A_135, %dma_wait3A] : memref<102400x16xf32, #tpu.memory_space<vmem_shared>> -> memref<400x16xf32, #tpu.memory_space<vmem_shared>>
      %dma_wait3A_323 = arith.constant 0 : i32
      %dma_wait3A_324 = tpu.memref_slice %arg9[%add3A_135, %dma_wait3A_323] : memref<102400x16xf32, #tpu.memory_space<vmem_shared>> -> memref<400x16xf32, #tpu.memory_space<vmem_shared>>
      tpu.wait_dma2 semaphore(%run_scoped3A_318 : memref<!tpu.dma_semaphore, #tpu.memory_space<semaphore_mem>>) src(%arg16 : memref<400x16xf32, #tpu.memory_space<vmem>>) dst(%dma_wait3A_324 : memref<400x16xf32, #tpu.memory_space<vmem_shared>>)
      tpu.yield
    }) : () -> ()
    %mul3A_136 = arith.constant 6400 : i32
    %mul3A_137 = arith.muli %arg1, %mul3A_136 : i32
    %add3A_138 = arith.constant 5200 : i32
    %add3A_139 = arith.addi %mul3A_137, %add3A_138 : i32
    "tpu.region"() ({
      %run_scoped3A_318 = tpu.sem_alloc : memref<!tpu.dma_semaphore, #tpu.memory_space<semaphore_mem>>
      %dma_start3A = arith.constant 0 : i32
      %dma_start3A_319 = tpu.memref_slice %arg9[%add3A_139, %dma_start3A] : memref<102400x16xf32, #tpu.memory_space<vmem_shared>> -> memref<400x16xf32, #tpu.memory_space<vmem_shared>>
      %dma_start3A_320 = arith.constant 0 : i32
      %dma_start3A_321 = tpu.memref_slice %arg9[%add3A_139, %dma_start3A_320] : memref<102400x16xf32, #tpu.memory_space<vmem_shared>> -> memref<400x16xf32, #tpu.memory_space<vmem_shared>>
      tpu.enqueue_dma source(%arg16 : memref<400x16xf32, #tpu.memory_space<vmem>>) target(%dma_start3A_321 : memref<400x16xf32, #tpu.memory_space<vmem_shared>>) target_semaphore(%run_scoped3A_318 : memref<!tpu.dma_semaphore, #tpu.memory_space<semaphore_mem>>)
      %dma_wait3A = arith.constant 0 : i32
      %dma_wait3A_322 = tpu.memref_slice %arg9[%add3A_139, %dma_wait3A] : memref<102400x16xf32, #tpu.memory_space<vmem_shared>> -> memref<400x16xf32, #tpu.memory_space<vmem_shared>>
      %dma_wait3A_323 = arith.constant 0 : i32
      %dma_wait3A_324 = tpu.memref_slice %arg9[%add3A_139, %dma_wait3A_323] : memref<102400x16xf32, #tpu.memory_space<vmem_shared>> -> memref<400x16xf32, #tpu.memory_space<vmem_shared>>
      tpu.wait_dma2 semaphore(%run_scoped3A_318 : memref<!tpu.dma_semaphore, #tpu.memory_space<semaphore_mem>>) src(%arg16 : memref<400x16xf32, #tpu.memory_space<vmem>>) dst(%dma_wait3A_324 : memref<400x16xf32, #tpu.memory_space<vmem_shared>>)
      tpu.yield
    }) : () -> ()
    %mul3A_140 = arith.constant 6400 : i32
    %mul3A_141 = arith.muli %arg1, %mul3A_140 : i32
    %add3A_142 = arith.constant 5600 : i32
    %add3A_143 = arith.addi %mul3A_141, %add3A_142 : i32
    "tpu.region"() ({
      %run_scoped3A_318 = tpu.sem_alloc : memref<!tpu.dma_semaphore, #tpu.memory_space<semaphore_mem>>
      %dma_start3A = arith.constant 0 : i32
      %dma_start3A_319 = tpu.memref_slice %arg9[%add3A_143, %dma_start3A] : memref<102400x16xf32, #tpu.memory_space<vmem_shared>> -> memref<400x16xf32, #tpu.memory_space<vmem_shared>>
      %dma_start3A_320 = arith.constant 0 : i32
      %dma_start3A_321 = tpu.memref_slice %arg9[%add3A_143, %dma_start3A_320] : memref<102400x16xf32, #tpu.memory_space<vmem_shared>> -> memref<400x16xf32, #tpu.memory_space<vmem_shared>>
      tpu.enqueue_dma source(%arg16 : memref<400x16xf32, #tpu.memory_space<vmem>>) target(%dma_start3A_321 : memref<400x16xf32, #tpu.memory_space<vmem_shared>>) target_semaphore(%run_scoped3A_318 : memref<!tpu.dma_semaphore, #tpu.memory_space<semaphore_mem>>)
      %dma_wait3A = arith.constant 0 : i32
      %dma_wait3A_322 = tpu.memref_slice %arg9[%add3A_143, %dma_wait3A] : memref<102400x16xf32, #tpu.memory_space<vmem_shared>> -> memref<400x16xf32, #tpu.memory_space<vmem_shared>>
      %dma_wait3A_323 = arith.constant 0 : i32
      %dma_wait3A_324 = tpu.memref_slice %arg9[%add3A_143, %dma_wait3A_323] : memref<102400x16xf32, #tpu.memory_space<vmem_shared>> -> memref<400x16xf32, #tpu.memory_space<vmem_shared>>
      tpu.wait_dma2 semaphore(%run_scoped3A_318 : memref<!tpu.dma_semaphore, #tpu.memory_space<semaphore_mem>>) src(%arg16 : memref<400x16xf32, #tpu.memory_space<vmem>>) dst(%dma_wait3A_324 : memref<400x16xf32, #tpu.memory_space<vmem_shared>>)
      tpu.yield
    }) : () -> ()
    %mul3A_144 = arith.constant 6400 : i32
    %mul3A_145 = arith.muli %arg1, %mul3A_144 : i32
    %add3A_146 = arith.constant 6000 : i32
    %add3A_147 = arith.addi %mul3A_145, %add3A_146 : i32
    "tpu.region"() ({
      %run_scoped3A_318 = tpu.sem_alloc : memref<!tpu.dma_semaphore, #tpu.memory_space<semaphore_mem>>
      %dma_start3A = arith.constant 0 : i32
      %dma_start3A_319 = tpu.memref_slice %arg9[%add3A_147, %dma_start3A] : memref<102400x16xf32, #tpu.memory_space<vmem_shared>> -> memref<400x16xf32, #tpu.memory_space<vmem_shared>>
      %dma_start3A_320 = arith.constant 0 : i32
      %dma_start3A_321 = tpu.memref_slice %arg9[%add3A_147, %dma_start3A_320] : memref<102400x16xf32, #tpu.memory_space<vmem_shared>> -> memref<400x16xf32, #tpu.memory_space<vmem_shared>>
      tpu.enqueue_dma source(%arg16 : memref<400x16xf32, #tpu.memory_space<vmem>>) target(%dma_start3A_321 : memref<400x16xf32, #tpu.memory_space<vmem_shared>>) target_semaphore(%run_scoped3A_318 : memref<!tpu.dma_semaphore, #tpu.memory_space<semaphore_mem>>)
      %dma_wait3A = arith.constant 0 : i32
      %dma_wait3A_322 = tpu.memref_slice %arg9[%add3A_147, %dma_wait3A] : memref<102400x16xf32, #tpu.memory_space<vmem_shared>> -> memref<400x16xf32, #tpu.memory_space<vmem_shared>>
      %dma_wait3A_323 = arith.constant 0 : i32
      %dma_wait3A_324 = tpu.memref_slice %arg9[%add3A_147, %dma_wait3A_323] : memref<102400x16xf32, #tpu.memory_space<vmem_shared>> -> memref<400x16xf32, #tpu.memory_space<vmem_shared>>
      tpu.wait_dma2 semaphore(%run_scoped3A_318 : memref<!tpu.dma_semaphore, #tpu.memory_space<semaphore_mem>>) src(%arg16 : memref<400x16xf32, #tpu.memory_space<vmem>>) dst(%dma_wait3A_324 : memref<400x16xf32, #tpu.memory_space<vmem_shared>>)
      tpu.yield
    }) : () -> ()
    %barrier3A_148 = arith.constant 0 : index
    tpu.barrier barrier_id(%barrier3A_148)
    %scan3A_149 = arith.constant 0 : i32
    %scan3A_150 = arith.constant 0 : i32
    %scan3A_151 = arith.constant 392 : i32
    %scan3A_152 = arith.addi %scan3A_150, %scan3A_151 : i32
    %scan3A_153 = arith.constant 1 : i32
    scf.for %scan3A_318 = %scan3A_150 to %scan3A_152 step %scan3A_153  : i32 {
      %mul3A_319 = arith.constant 512 : i32
      %mul3A_320 = arith.muli %scan3A_318, %mul3A_319 : i32
      %add3A_321 = arith.addi %mul3A_7, %mul3A_320 : i32
      "tpu.region"() ({
        %run_scoped3A_336 = tpu.sem_alloc : memref<!tpu.dma_semaphore, #tpu.memory_space<semaphore_mem>>
        %dma_start3A_337 = tpu.memref_slice %arg6[%add3A_321] : memref<6422528xi32, #tpu.memory_space<hbm>> -> memref<256xi32, #tpu.memory_space<hbm>>
        %dma_start3A_338 = tpu.memref_slice %arg6[%add3A_321] : memref<6422528xi32, #tpu.memory_space<hbm>> -> memref<256xi32, #tpu.memory_space<hbm>>
        tpu.enqueue_dma source(%dma_start3A_338 : memref<256xi32, #tpu.memory_space<hbm>>) target(%arg10 : memref<256xi32, #tpu.memory_space<vmem>>) target_semaphore(%run_scoped3A_336 : memref<!tpu.dma_semaphore, #tpu.memory_space<semaphore_mem>>)
        %dma_wait3A_339 = tpu.memref_slice %arg6[%add3A_321] : memref<6422528xi32, #tpu.memory_space<hbm>> -> memref<256xi32, #tpu.memory_space<hbm>>
        %dma_wait3A_340 = tpu.memref_slice %arg6[%add3A_321] : memref<6422528xi32, #tpu.memory_space<hbm>> -> memref<256xi32, #tpu.memory_space<hbm>>
        tpu.wait_dma2 semaphore(%run_scoped3A_336 : memref<!tpu.dma_semaphore, #tpu.memory_space<semaphore_mem>>) src(%dma_wait3A_340 : memref<256xi32, #tpu.memory_space<hbm>>) dst(%arg10 : memref<256xi32, #tpu.memory_space<vmem>>)
        tpu.yield
      }) : () -> ()
      "tpu.region"() ({
        %run_scoped3A_336 = tpu.sem_alloc : memref<!tpu.dma_semaphore, #tpu.memory_space<semaphore_mem>>
        %dma_start3A_337 = tpu.memref_slice %arg7[%add3A_321] : memref<6422528xi32, #tpu.memory_space<hbm>> -> memref<256xi32, #tpu.memory_space<hbm>>
        %dma_start3A_338 = tpu.memref_slice %arg7[%add3A_321] : memref<6422528xi32, #tpu.memory_space<hbm>> -> memref<256xi32, #tpu.memory_space<hbm>>
        tpu.enqueue_dma source(%dma_start3A_338 : memref<256xi32, #tpu.memory_space<hbm>>) target(%arg11 : memref<256xi32, #tpu.memory_space<vmem>>) target_semaphore(%run_scoped3A_336 : memref<!tpu.dma_semaphore, #tpu.memory_space<semaphore_mem>>)
        %dma_wait3A_339 = tpu.memref_slice %arg7[%add3A_321] : memref<6422528xi32, #tpu.memory_space<hbm>> -> memref<256xi32, #tpu.memory_space<hbm>>
        %dma_wait3A_340 = tpu.memref_slice %arg7[%add3A_321] : memref<6422528xi32, #tpu.memory_space<hbm>> -> memref<256xi32, #tpu.memory_space<hbm>>
        tpu.wait_dma2 semaphore(%run_scoped3A_336 : memref<!tpu.dma_semaphore, #tpu.memory_space<semaphore_mem>>) src(%dma_wait3A_340 : memref<256xi32, #tpu.memory_space<hbm>>) dst(%arg11 : memref<256xi32, #tpu.memory_space<vmem>>)
        tpu.yield
      }) : () -> ()
      %dma_start3A = arith.constant 0 : i32
      %dma_start3A_322 = arith.constant 0 : i32
      %dma_start3A_323 = tpu.memref_slice %arg3[%dma_start3A, %dma_start3A_322] : memref<100000x32xf32, #tpu.memory_space<hbm>> -> memref<100000x32xf32, #tpu.memory_space<hbm>>
      tpu.enqueue_indirect_dma source(%dma_start3A_323 : memref<100000x32xf32, #tpu.memory_space<hbm>>) target(%arg12 : memref<256x32xf32, #tpu.memory_space<vmem>>) offsets(%arg10 : memref<256xi32, #tpu.memory_space<vmem>>) semaphore(%arg17 : memref<!tpu.dma_semaphore, #tpu.memory_space<semaphore_mem>>)
      %add3A_324 = arith.constant 256 : i32
      %add3A_325 = arith.addi %add3A_321, %add3A_324 : i32
      "tpu.region"() ({
        %run_scoped3A_336 = tpu.sem_alloc : memref<!tpu.dma_semaphore, #tpu.memory_space<semaphore_mem>>
        %dma_start3A_337 = tpu.memref_slice %arg6[%add3A_325] : memref<6422528xi32, #tpu.memory_space<hbm>> -> memref<256xi32, #tpu.memory_space<hbm>>
        %dma_start3A_338 = tpu.memref_slice %arg6[%add3A_325] : memref<6422528xi32, #tpu.memory_space<hbm>> -> memref<256xi32, #tpu.memory_space<hbm>>
        tpu.enqueue_dma source(%dma_start3A_338 : memref<256xi32, #tpu.memory_space<hbm>>) target(%arg13 : memref<256xi32, #tpu.memory_space<vmem>>) target_semaphore(%run_scoped3A_336 : memref<!tpu.dma_semaphore, #tpu.memory_space<semaphore_mem>>)
        %dma_wait3A_339 = tpu.memref_slice %arg6[%add3A_325] : memref<6422528xi32, #tpu.memory_space<hbm>> -> memref<256xi32, #tpu.memory_space<hbm>>
        %dma_wait3A_340 = tpu.memref_slice %arg6[%add3A_325] : memref<6422528xi32, #tpu.memory_space<hbm>> -> memref<256xi32, #tpu.memory_space<hbm>>
        tpu.wait_dma2 semaphore(%run_scoped3A_336 : memref<!tpu.dma_semaphore, #tpu.memory_space<semaphore_mem>>) src(%dma_wait3A_340 : memref<256xi32, #tpu.memory_space<hbm>>) dst(%arg13 : memref<256xi32, #tpu.memory_space<vmem>>)
        tpu.yield
      }) : () -> ()
      %add3A_326 = arith.constant 256 : i32
      %add3A_327 = arith.addi %add3A_321, %add3A_326 : i32
      "tpu.region"() ({
        %run_scoped3A_336 = tpu.sem_alloc : memref<!tpu.dma_semaphore, #tpu.memory_space<semaphore_mem>>
        %dma_start3A_337 = tpu.memref_slice %arg7[%add3A_327] : memref<6422528xi32, #tpu.memory_space<hbm>> -> memref<256xi32, #tpu.memory_space<hbm>>
        %dma_start3A_338 = tpu.memref_slice %arg7[%add3A_327] : memref<6422528xi32, #tpu.memory_space<hbm>> -> memref<256xi32, #tpu.memory_space<hbm>>
        tpu.enqueue_dma source(%dma_start3A_338 : memref<256xi32, #tpu.memory_space<hbm>>) target(%arg14 : memref<256xi32, #tpu.memory_space<vmem>>) target_semaphore(%run_scoped3A_336 : memref<!tpu.dma_semaphore, #tpu.memory_space<semaphore_mem>>)
        %dma_wait3A_339 = tpu.memref_slice %arg7[%add3A_327] : memref<6422528xi32, #tpu.memory_space<hbm>> -> memref<256xi32, #tpu.memory_space<hbm>>
        %dma_wait3A_340 = tpu.memref_slice %arg7[%add3A_327] : memref<6422528xi32, #tpu.memory_space<hbm>> -> memref<256xi32, #tpu.memory_space<hbm>>
        tpu.wait_dma2 semaphore(%run_scoped3A_336 : memref<!tpu.dma_semaphore, #tpu.memory_space<semaphore_mem>>) src(%dma_wait3A_340 : memref<256xi32, #tpu.memory_space<hbm>>) dst(%arg14 : memref<256xi32, #tpu.memory_space<vmem>>)
        tpu.yield
      }) : () -> ()
      %dma_start3A_328 = arith.constant 0 : i32
      %dma_start3A_329 = arith.constant 0 : i32
      %dma_start3A_330 = tpu.memref_slice %arg3[%dma_start3A_328, %dma_start3A_329] : memref<100000x32xf32, #tpu.memory_space<hbm>> -> memref<100000x32xf32, #tpu.memory_space<hbm>>
      tpu.enqueue_indirect_dma source(%dma_start3A_330 : memref<100000x32xf32, #tpu.memory_space<hbm>>) target(%arg15 : memref<256x32xf32, #tpu.memory_space<vmem>>) offsets(%arg13 : memref<256xi32, #tpu.memory_space<vmem>>) semaphore(%arg18 : memref<!tpu.dma_semaphore, #tpu.memory_space<semaphore_mem>>)
      %dma_wait3A = arith.constant 0 : i32
      %dma_wait3A_331 = arith.constant 0 : i32
      %dma_wait3A_332 = tpu.memref_slice %arg3[%dma_wait3A, %dma_wait3A_331] : memref<100000x32xf32, #tpu.memory_space<hbm>> -> memref<100000x32xf32, #tpu.memory_space<hbm>>
      tpu.wait_indirect_dma semaphore(%arg17 : memref<!tpu.dma_semaphore, #tpu.memory_space<semaphore_mem>>) src(%dma_wait3A_332 : memref<100000x32xf32, #tpu.memory_space<hbm>>) dst(%arg12 : memref<256x32xf32, #tpu.memory_space<vmem>>)
      %dma_wait3A_333 = arith.constant 0 : i32
      %dma_wait3A_334 = arith.constant 0 : i32
      %dma_wait3A_335 = tpu.memref_slice %arg3[%dma_wait3A_333, %dma_wait3A_334] : memref<100000x32xf32, #tpu.memory_space<hbm>> -> memref<100000x32xf32, #tpu.memory_space<hbm>>
      tpu.wait_indirect_dma semaphore(%arg18 : memref<!tpu.dma_semaphore, #tpu.memory_space<semaphore_mem>>) src(%dma_wait3A_335 : memref<100000x32xf32, #tpu.memory_space<hbm>>) dst(%arg15 : memref<256x32xf32, #tpu.memory_space<vmem>>)
    }
    %scan3A_154 = arith.constant 392 : i32
    %barrier3A_155 = arith.constant 0 : index
    tpu.barrier barrier_id(%barrier3A_155)
    %mul3A_156 = arith.constant 6400 : i32
    %mul3A_157 = arith.muli %arg1, %mul3A_156 : i32
    %mul3A_158 = arith.constant 6400 : i32
    %mul3A_159 = arith.muli %arg1, %mul3A_158 : i32
    %run_scoped3A_160 = arith.constant 1 : i32
    "tpu.region"() ({
      %run_scoped3A_318 = tpu.sem_alloc : memref<!tpu.dma_semaphore, #tpu.memory_space<semaphore_mem>>
      %dma_start3A = arith.constant 0 : i32
      %dma_start3A_319 = tpu.memref_slice %arg8[%run_scoped3A_160, %arg0, %mul3A_159, %dma_start3A] : memref<4x2x102400x16xf32, #tpu.memory_space<hbm>> -> memref<1x1x6400x16xf32, #tpu.memory_space<hbm>>
      %dma_start3A_320 = tpu.memref_squeeze %dma_start3A_319 : memref<1x1x6400x16xf32, #tpu.memory_space<hbm>> -> memref<6400x16xf32, #tpu.memory_space<hbm>>
      %dma_start3A_321 = arith.constant 0 : i32
      %dma_start3A_322 = tpu.memref_slice %arg9[%mul3A_157, %dma_start3A_321] : memref<102400x16xf32, #tpu.memory_space<vmem_shared>> -> memref<6400x16xf32, #tpu.memory_space<vmem_shared>>
      tpu.enqueue_dma source(%dma_start3A_322 : memref<6400x16xf32, #tpu.memory_space<vmem_shared>>) target(%dma_start3A_320 : memref<6400x16xf32, #tpu.memory_space<hbm>>) target_semaphore(%run_scoped3A_318 : memref<!tpu.dma_semaphore, #tpu.memory_space<semaphore_mem>>)
      %dma_wait3A = arith.constant 0 : i32
      %dma_wait3A_323 = tpu.memref_slice %arg8[%run_scoped3A_160, %arg0, %mul3A_159, %dma_wait3A] : memref<4x2x102400x16xf32, #tpu.memory_space<hbm>> -> memref<1x1x6400x16xf32, #tpu.memory_space<hbm>>
      %dma_wait3A_324 = tpu.memref_squeeze %dma_wait3A_323 : memref<1x1x6400x16xf32, #tpu.memory_space<hbm>> -> memref<6400x16xf32, #tpu.memory_space<hbm>>
      %dma_wait3A_325 = arith.constant 0 : i32
      %dma_wait3A_326 = tpu.memref_slice %arg9[%mul3A_157, %dma_wait3A_325] : memref<102400x16xf32, #tpu.memory_space<vmem_shared>> -> memref<6400x16xf32, #tpu.memory_space<vmem_shared>>
      tpu.wait_dma2 semaphore(%run_scoped3A_318 : memref<!tpu.dma_semaphore, #tpu.memory_space<semaphore_mem>>) src(%dma_wait3A_326 : memref<6400x16xf32, #tpu.memory_space<vmem_shared>>) dst(%dma_wait3A_324 : memref<6400x16xf32, #tpu.memory_space<hbm>>)
      tpu.yield
    }) : () -> ()
    %barrier3A_161 = arith.constant 0 : index
    tpu.barrier barrier_id(%barrier3A_161)
    %mul3A_162 = arith.constant 6400 : i32
    %mul3A_163 = arith.muli %arg1, %mul3A_162 : i32
    %add3A_164 = arith.constant 0 : i32
    %add3A_165 = arith.addi %mul3A_163, %add3A_164 : i32
    "tpu.region"() ({
      %run_scoped3A_318 = tpu.sem_alloc : memref<!tpu.dma_semaphore, #tpu.memory_space<semaphore_mem>>
      %dma_start3A = arith.constant 0 : i32
      %dma_start3A_319 = tpu.memref_slice %arg9[%add3A_165, %dma_start3A] : memref<102400x16xf32, #tpu.memory_space<vmem_shared>> -> memref<400x16xf32, #tpu.memory_space<vmem_shared>>
      %dma_start3A_320 = arith.constant 0 : i32
      %dma_start3A_321 = tpu.memref_slice %arg9[%add3A_165, %dma_start3A_320] : memref<102400x16xf32, #tpu.memory_space<vmem_shared>> -> memref<400x16xf32, #tpu.memory_space<vmem_shared>>
      tpu.enqueue_dma source(%arg16 : memref<400x16xf32, #tpu.memory_space<vmem>>) target(%dma_start3A_321 : memref<400x16xf32, #tpu.memory_space<vmem_shared>>) target_semaphore(%run_scoped3A_318 : memref<!tpu.dma_semaphore, #tpu.memory_space<semaphore_mem>>)
      %dma_wait3A = arith.constant 0 : i32
      %dma_wait3A_322 = tpu.memref_slice %arg9[%add3A_165, %dma_wait3A] : memref<102400x16xf32, #tpu.memory_space<vmem_shared>> -> memref<400x16xf32, #tpu.memory_space<vmem_shared>>
      %dma_wait3A_323 = arith.constant 0 : i32
      %dma_wait3A_324 = tpu.memref_slice %arg9[%add3A_165, %dma_wait3A_323] : memref<102400x16xf32, #tpu.memory_space<vmem_shared>> -> memref<400x16xf32, #tpu.memory_space<vmem_shared>>
      tpu.wait_dma2 semaphore(%run_scoped3A_318 : memref<!tpu.dma_semaphore, #tpu.memory_space<semaphore_mem>>) src(%arg16 : memref<400x16xf32, #tpu.memory_space<vmem>>) dst(%dma_wait3A_324 : memref<400x16xf32, #tpu.memory_space<vmem_shared>>)
      tpu.yield
    }) : () -> ()
    %mul3A_166 = arith.constant 6400 : i32
    %mul3A_167 = arith.muli %arg1, %mul3A_166 : i32
    %add3A_168 = arith.constant 400 : i32
    %add3A_169 = arith.addi %mul3A_167, %add3A_168 : i32
    "tpu.region"() ({
      %run_scoped3A_318 = tpu.sem_alloc : memref<!tpu.dma_semaphore, #tpu.memory_space<semaphore_mem>>
      %dma_start3A = arith.constant 0 : i32
      %dma_start3A_319 = tpu.memref_slice %arg9[%add3A_169, %dma_start3A] : memref<102400x16xf32, #tpu.memory_space<vmem_shared>> -> memref<400x16xf32, #tpu.memory_space<vmem_shared>>
      %dma_start3A_320 = arith.constant 0 : i32
      %dma_start3A_321 = tpu.memref_slice %arg9[%add3A_169, %dma_start3A_320] : memref<102400x16xf32, #tpu.memory_space<vmem_shared>> -> memref<400x16xf32, #tpu.memory_space<vmem_shared>>
      tpu.enqueue_dma source(%arg16 : memref<400x16xf32, #tpu.memory_space<vmem>>) target(%dma_start3A_321 : memref<400x16xf32, #tpu.memory_space<vmem_shared>>) target_semaphore(%run_scoped3A_318 : memref<!tpu.dma_semaphore, #tpu.memory_space<semaphore_mem>>)
      %dma_wait3A = arith.constant 0 : i32
      %dma_wait3A_322 = tpu.memref_slice %arg9[%add3A_169, %dma_wait3A] : memref<102400x16xf32, #tpu.memory_space<vmem_shared>> -> memref<400x16xf32, #tpu.memory_space<vmem_shared>>
      %dma_wait3A_323 = arith.constant 0 : i32
      %dma_wait3A_324 = tpu.memref_slice %arg9[%add3A_169, %dma_wait3A_323] : memref<102400x16xf32, #tpu.memory_space<vmem_shared>> -> memref<400x16xf32, #tpu.memory_space<vmem_shared>>
      tpu.wait_dma2 semaphore(%run_scoped3A_318 : memref<!tpu.dma_semaphore, #tpu.memory_space<semaphore_mem>>) src(%arg16 : memref<400x16xf32, #tpu.memory_space<vmem>>) dst(%dma_wait3A_324 : memref<400x16xf32, #tpu.memory_space<vmem_shared>>)
      tpu.yield
    }) : () -> ()
    %mul3A_170 = arith.constant 6400 : i32
    %mul3A_171 = arith.muli %arg1, %mul3A_170 : i32
    %add3A_172 = arith.constant 800 : i32
    %add3A_173 = arith.addi %mul3A_171, %add3A_172 : i32
    "tpu.region"() ({
      %run_scoped3A_318 = tpu.sem_alloc : memref<!tpu.dma_semaphore, #tpu.memory_space<semaphore_mem>>
      %dma_start3A = arith.constant 0 : i32
      %dma_start3A_319 = tpu.memref_slice %arg9[%add3A_173, %dma_start3A] : memref<102400x16xf32, #tpu.memory_space<vmem_shared>> -> memref<400x16xf32, #tpu.memory_space<vmem_shared>>
      %dma_start3A_320 = arith.constant 0 : i32
      %dma_start3A_321 = tpu.memref_slice %arg9[%add3A_173, %dma_start3A_320] : memref<102400x16xf32, #tpu.memory_space<vmem_shared>> -> memref<400x16xf32, #tpu.memory_space<vmem_shared>>
      tpu.enqueue_dma source(%arg16 : memref<400x16xf32, #tpu.memory_space<vmem>>) target(%dma_start3A_321 : memref<400x16xf32, #tpu.memory_space<vmem_shared>>) target_semaphore(%run_scoped3A_318 : memref<!tpu.dma_semaphore, #tpu.memory_space<semaphore_mem>>)
      %dma_wait3A = arith.constant 0 : i32
      %dma_wait3A_322 = tpu.memref_slice %arg9[%add3A_173, %dma_wait3A] : memref<102400x16xf32, #tpu.memory_space<vmem_shared>> -> memref<400x16xf32, #tpu.memory_space<vmem_shared>>
      %dma_wait3A_323 = arith.constant 0 : i32
      %dma_wait3A_324 = tpu.memref_slice %arg9[%add3A_173, %dma_wait3A_323] : memref<102400x16xf32, #tpu.memory_space<vmem_shared>> -> memref<400x16xf32, #tpu.memory_space<vmem_shared>>
      tpu.wait_dma2 semaphore(%run_scoped3A_318 : memref<!tpu.dma_semaphore, #tpu.memory_space<semaphore_mem>>) src(%arg16 : memref<400x16xf32, #tpu.memory_space<vmem>>) dst(%dma_wait3A_324 : memref<400x16xf32, #tpu.memory_space<vmem_shared>>)
      tpu.yield
    }) : () -> ()
    %mul3A_174 = arith.constant 6400 : i32
    %mul3A_175 = arith.muli %arg1, %mul3A_174 : i32
    %add3A_176 = arith.constant 1200 : i32
    %add3A_177 = arith.addi %mul3A_175, %add3A_176 : i32
    "tpu.region"() ({
      %run_scoped3A_318 = tpu.sem_alloc : memref<!tpu.dma_semaphore, #tpu.memory_space<semaphore_mem>>
      %dma_start3A = arith.constant 0 : i32
      %dma_start3A_319 = tpu.memref_slice %arg9[%add3A_177, %dma_start3A] : memref<102400x16xf32, #tpu.memory_space<vmem_shared>> -> memref<400x16xf32, #tpu.memory_space<vmem_shared>>
      %dma_start3A_320 = arith.constant 0 : i32
      %dma_start3A_321 = tpu.memref_slice %arg9[%add3A_177, %dma_start3A_320] : memref<102400x16xf32, #tpu.memory_space<vmem_shared>> -> memref<400x16xf32, #tpu.memory_space<vmem_shared>>
      tpu.enqueue_dma source(%arg16 : memref<400x16xf32, #tpu.memory_space<vmem>>) target(%dma_start3A_321 : memref<400x16xf32, #tpu.memory_space<vmem_shared>>) target_semaphore(%run_scoped3A_318 : memref<!tpu.dma_semaphore, #tpu.memory_space<semaphore_mem>>)
      %dma_wait3A = arith.constant 0 : i32
      %dma_wait3A_322 = tpu.memref_slice %arg9[%add3A_177, %dma_wait3A] : memref<102400x16xf32, #tpu.memory_space<vmem_shared>> -> memref<400x16xf32, #tpu.memory_space<vmem_shared>>
      %dma_wait3A_323 = arith.constant 0 : i32
      %dma_wait3A_324 = tpu.memref_slice %arg9[%add3A_177, %dma_wait3A_323] : memref<102400x16xf32, #tpu.memory_space<vmem_shared>> -> memref<400x16xf32, #tpu.memory_space<vmem_shared>>
      tpu.wait_dma2 semaphore(%run_scoped3A_318 : memref<!tpu.dma_semaphore, #tpu.memory_space<semaphore_mem>>) src(%arg16 : memref<400x16xf32, #tpu.memory_space<vmem>>) dst(%dma_wait3A_324 : memref<400x16xf32, #tpu.memory_space<vmem_shared>>)
      tpu.yield
    }) : () -> ()
    %mul3A_178 = arith.constant 6400 : i32
    %mul3A_179 = arith.muli %arg1, %mul3A_178 : i32
    %add3A_180 = arith.constant 1600 : i32
    %add3A_181 = arith.addi %mul3A_179, %add3A_180 : i32
    "tpu.region"() ({
      %run_scoped3A_318 = tpu.sem_alloc : memref<!tpu.dma_semaphore, #tpu.memory_space<semaphore_mem>>
      %dma_start3A = arith.constant 0 : i32
      %dma_start3A_319 = tpu.memref_slice %arg9[%add3A_181, %dma_start3A] : memref<102400x16xf32, #tpu.memory_space<vmem_shared>> -> memref<400x16xf32, #tpu.memory_space<vmem_shared>>
      %dma_start3A_320 = arith.constant 0 : i32
      %dma_start3A_321 = tpu.memref_slice %arg9[%add3A_181, %dma_start3A_320] : memref<102400x16xf32, #tpu.memory_space<vmem_shared>> -> memref<400x16xf32, #tpu.memory_space<vmem_shared>>
      tpu.enqueue_dma source(%arg16 : memref<400x16xf32, #tpu.memory_space<vmem>>) target(%dma_start3A_321 : memref<400x16xf32, #tpu.memory_space<vmem_shared>>) target_semaphore(%run_scoped3A_318 : memref<!tpu.dma_semaphore, #tpu.memory_space<semaphore_mem>>)
      %dma_wait3A = arith.constant 0 : i32
      %dma_wait3A_322 = tpu.memref_slice %arg9[%add3A_181, %dma_wait3A] : memref<102400x16xf32, #tpu.memory_space<vmem_shared>> -> memref<400x16xf32, #tpu.memory_space<vmem_shared>>
      %dma_wait3A_323 = arith.constant 0 : i32
      %dma_wait3A_324 = tpu.memref_slice %arg9[%add3A_181, %dma_wait3A_323] : memref<102400x16xf32, #tpu.memory_space<vmem_shared>> -> memref<400x16xf32, #tpu.memory_space<vmem_shared>>
      tpu.wait_dma2 semaphore(%run_scoped3A_318 : memref<!tpu.dma_semaphore, #tpu.memory_space<semaphore_mem>>) src(%arg16 : memref<400x16xf32, #tpu.memory_space<vmem>>) dst(%dma_wait3A_324 : memref<400x16xf32, #tpu.memory_space<vmem_shared>>)
      tpu.yield
    }) : () -> ()
    %mul3A_182 = arith.constant 6400 : i32
    %mul3A_183 = arith.muli %arg1, %mul3A_182 : i32
    %add3A_184 = arith.constant 2000 : i32
    %add3A_185 = arith.addi %mul3A_183, %add3A_184 : i32
    "tpu.region"() ({
      %run_scoped3A_318 = tpu.sem_alloc : memref<!tpu.dma_semaphore, #tpu.memory_space<semaphore_mem>>
      %dma_start3A = arith.constant 0 : i32
      %dma_start3A_319 = tpu.memref_slice %arg9[%add3A_185, %dma_start3A] : memref<102400x16xf32, #tpu.memory_space<vmem_shared>> -> memref<400x16xf32, #tpu.memory_space<vmem_shared>>
      %dma_start3A_320 = arith.constant 0 : i32
      %dma_start3A_321 = tpu.memref_slice %arg9[%add3A_185, %dma_start3A_320] : memref<102400x16xf32, #tpu.memory_space<vmem_shared>> -> memref<400x16xf32, #tpu.memory_space<vmem_shared>>
      tpu.enqueue_dma source(%arg16 : memref<400x16xf32, #tpu.memory_space<vmem>>) target(%dma_start3A_321 : memref<400x16xf32, #tpu.memory_space<vmem_shared>>) target_semaphore(%run_scoped3A_318 : memref<!tpu.dma_semaphore, #tpu.memory_space<semaphore_mem>>)
      %dma_wait3A = arith.constant 0 : i32
      %dma_wait3A_322 = tpu.memref_slice %arg9[%add3A_185, %dma_wait3A] : memref<102400x16xf32, #tpu.memory_space<vmem_shared>> -> memref<400x16xf32, #tpu.memory_space<vmem_shared>>
      %dma_wait3A_323 = arith.constant 0 : i32
      %dma_wait3A_324 = tpu.memref_slice %arg9[%add3A_185, %dma_wait3A_323] : memref<102400x16xf32, #tpu.memory_space<vmem_shared>> -> memref<400x16xf32, #tpu.memory_space<vmem_shared>>
      tpu.wait_dma2 semaphore(%run_scoped3A_318 : memref<!tpu.dma_semaphore, #tpu.memory_space<semaphore_mem>>) src(%arg16 : memref<400x16xf32, #tpu.memory_space<vmem>>) dst(%dma_wait3A_324 : memref<400x16xf32, #tpu.memory_space<vmem_shared>>)
      tpu.yield
    }) : () -> ()
    %mul3A_186 = arith.constant 6400 : i32
    %mul3A_187 = arith.muli %arg1, %mul3A_186 : i32
    %add3A_188 = arith.constant 2400 : i32
    %add3A_189 = arith.addi %mul3A_187, %add3A_188 : i32
    "tpu.region"() ({
      %run_scoped3A_318 = tpu.sem_alloc : memref<!tpu.dma_semaphore, #tpu.memory_space<semaphore_mem>>
      %dma_start3A = arith.constant 0 : i32
      %dma_start3A_319 = tpu.memref_slice %arg9[%add3A_189, %dma_start3A] : memref<102400x16xf32, #tpu.memory_space<vmem_shared>> -> memref<400x16xf32, #tpu.memory_space<vmem_shared>>
      %dma_start3A_320 = arith.constant 0 : i32
      %dma_start3A_321 = tpu.memref_slice %arg9[%add3A_189, %dma_start3A_320] : memref<102400x16xf32, #tpu.memory_space<vmem_shared>> -> memref<400x16xf32, #tpu.memory_space<vmem_shared>>
      tpu.enqueue_dma source(%arg16 : memref<400x16xf32, #tpu.memory_space<vmem>>) target(%dma_start3A_321 : memref<400x16xf32, #tpu.memory_space<vmem_shared>>) target_semaphore(%run_scoped3A_318 : memref<!tpu.dma_semaphore, #tpu.memory_space<semaphore_mem>>)
      %dma_wait3A = arith.constant 0 : i32
      %dma_wait3A_322 = tpu.memref_slice %arg9[%add3A_189, %dma_wait3A] : memref<102400x16xf32, #tpu.memory_space<vmem_shared>> -> memref<400x16xf32, #tpu.memory_space<vmem_shared>>
      %dma_wait3A_323 = arith.constant 0 : i32
      %dma_wait3A_324 = tpu.memref_slice %arg9[%add3A_189, %dma_wait3A_323] : memref<102400x16xf32, #tpu.memory_space<vmem_shared>> -> memref<400x16xf32, #tpu.memory_space<vmem_shared>>
      tpu.wait_dma2 semaphore(%run_scoped3A_318 : memref<!tpu.dma_semaphore, #tpu.memory_space<semaphore_mem>>) src(%arg16 : memref<400x16xf32, #tpu.memory_space<vmem>>) dst(%dma_wait3A_324 : memref<400x16xf32, #tpu.memory_space<vmem_shared>>)
      tpu.yield
    }) : () -> ()
    %mul3A_190 = arith.constant 6400 : i32
    %mul3A_191 = arith.muli %arg1, %mul3A_190 : i32
    %add3A_192 = arith.constant 2800 : i32
    %add3A_193 = arith.addi %mul3A_191, %add3A_192 : i32
    "tpu.region"() ({
      %run_scoped3A_318 = tpu.sem_alloc : memref<!tpu.dma_semaphore, #tpu.memory_space<semaphore_mem>>
      %dma_start3A = arith.constant 0 : i32
      %dma_start3A_319 = tpu.memref_slice %arg9[%add3A_193, %dma_start3A] : memref<102400x16xf32, #tpu.memory_space<vmem_shared>> -> memref<400x16xf32, #tpu.memory_space<vmem_shared>>
      %dma_start3A_320 = arith.constant 0 : i32
      %dma_start3A_321 = tpu.memref_slice %arg9[%add3A_193, %dma_start3A_320] : memref<102400x16xf32, #tpu.memory_space<vmem_shared>> -> memref<400x16xf32, #tpu.memory_space<vmem_shared>>
      tpu.enqueue_dma source(%arg16 : memref<400x16xf32, #tpu.memory_space<vmem>>) target(%dma_start3A_321 : memref<400x16xf32, #tpu.memory_space<vmem_shared>>) target_semaphore(%run_scoped3A_318 : memref<!tpu.dma_semaphore, #tpu.memory_space<semaphore_mem>>)
      %dma_wait3A = arith.constant 0 : i32
      %dma_wait3A_322 = tpu.memref_slice %arg9[%add3A_193, %dma_wait3A] : memref<102400x16xf32, #tpu.memory_space<vmem_shared>> -> memref<400x16xf32, #tpu.memory_space<vmem_shared>>
      %dma_wait3A_323 = arith.constant 0 : i32
      %dma_wait3A_324 = tpu.memref_slice %arg9[%add3A_193, %dma_wait3A_323] : memref<102400x16xf32, #tpu.memory_space<vmem_shared>> -> memref<400x16xf32, #tpu.memory_space<vmem_shared>>
      tpu.wait_dma2 semaphore(%run_scoped3A_318 : memref<!tpu.dma_semaphore, #tpu.memory_space<semaphore_mem>>) src(%arg16 : memref<400x16xf32, #tpu.memory_space<vmem>>) dst(%dma_wait3A_324 : memref<400x16xf32, #tpu.memory_space<vmem_shared>>)
      tpu.yield
    }) : () -> ()
    %mul3A_194 = arith.constant 6400 : i32
    %mul3A_195 = arith.muli %arg1, %mul3A_194 : i32
    %add3A_196 = arith.constant 3200 : i32
    %add3A_197 = arith.addi %mul3A_195, %add3A_196 : i32
    "tpu.region"() ({
      %run_scoped3A_318 = tpu.sem_alloc : memref<!tpu.dma_semaphore, #tpu.memory_space<semaphore_mem>>
      %dma_start3A = arith.constant 0 : i32
      %dma_start3A_319 = tpu.memref_slice %arg9[%add3A_197, %dma_start3A] : memref<102400x16xf32, #tpu.memory_space<vmem_shared>> -> memref<400x16xf32, #tpu.memory_space<vmem_shared>>
      %dma_start3A_320 = arith.constant 0 : i32
      %dma_start3A_321 = tpu.memref_slice %arg9[%add3A_197, %dma_start3A_320] : memref<102400x16xf32, #tpu.memory_space<vmem_shared>> -> memref<400x16xf32, #tpu.memory_space<vmem_shared>>
      tpu.enqueue_dma source(%arg16 : memref<400x16xf32, #tpu.memory_space<vmem>>) target(%dma_start3A_321 : memref<400x16xf32, #tpu.memory_space<vmem_shared>>) target_semaphore(%run_scoped3A_318 : memref<!tpu.dma_semaphore, #tpu.memory_space<semaphore_mem>>)
      %dma_wait3A = arith.constant 0 : i32
      %dma_wait3A_322 = tpu.memref_slice %arg9[%add3A_197, %dma_wait3A] : memref<102400x16xf32, #tpu.memory_space<vmem_shared>> -> memref<400x16xf32, #tpu.memory_space<vmem_shared>>
      %dma_wait3A_323 = arith.constant 0 : i32
      %dma_wait3A_324 = tpu.memref_slice %arg9[%add3A_197, %dma_wait3A_323] : memref<102400x16xf32, #tpu.memory_space<vmem_shared>> -> memref<400x16xf32, #tpu.memory_space<vmem_shared>>
      tpu.wait_dma2 semaphore(%run_scoped3A_318 : memref<!tpu.dma_semaphore, #tpu.memory_space<semaphore_mem>>) src(%arg16 : memref<400x16xf32, #tpu.memory_space<vmem>>) dst(%dma_wait3A_324 : memref<400x16xf32, #tpu.memory_space<vmem_shared>>)
      tpu.yield
    }) : () -> ()
    %mul3A_198 = arith.constant 6400 : i32
    %mul3A_199 = arith.muli %arg1, %mul3A_198 : i32
    %add3A_200 = arith.constant 3600 : i32
    %add3A_201 = arith.addi %mul3A_199, %add3A_200 : i32
    "tpu.region"() ({
      %run_scoped3A_318 = tpu.sem_alloc : memref<!tpu.dma_semaphore, #tpu.memory_space<semaphore_mem>>
      %dma_start3A = arith.constant 0 : i32
      %dma_start3A_319 = tpu.memref_slice %arg9[%add3A_201, %dma_start3A] : memref<102400x16xf32, #tpu.memory_space<vmem_shared>> -> memref<400x16xf32, #tpu.memory_space<vmem_shared>>
      %dma_start3A_320 = arith.constant 0 : i32
      %dma_start3A_321 = tpu.memref_slice %arg9[%add3A_201, %dma_start3A_320] : memref<102400x16xf32, #tpu.memory_space<vmem_shared>> -> memref<400x16xf32, #tpu.memory_space<vmem_shared>>
      tpu.enqueue_dma source(%arg16 : memref<400x16xf32, #tpu.memory_space<vmem>>) target(%dma_start3A_321 : memref<400x16xf32, #tpu.memory_space<vmem_shared>>) target_semaphore(%run_scoped3A_318 : memref<!tpu.dma_semaphore, #tpu.memory_space<semaphore_mem>>)
      %dma_wait3A = arith.constant 0 : i32
      %dma_wait3A_322 = tpu.memref_slice %arg9[%add3A_201, %dma_wait3A] : memref<102400x16xf32, #tpu.memory_space<vmem_shared>> -> memref<400x16xf32, #tpu.memory_space<vmem_shared>>
      %dma_wait3A_323 = arith.constant 0 : i32
      %dma_wait3A_324 = tpu.memref_slice %arg9[%add3A_201, %dma_wait3A_323] : memref<102400x16xf32, #tpu.memory_space<vmem_shared>> -> memref<400x16xf32, #tpu.memory_space<vmem_shared>>
      tpu.wait_dma2 semaphore(%run_scoped3A_318 : memref<!tpu.dma_semaphore, #tpu.memory_space<semaphore_mem>>) src(%arg16 : memref<400x16xf32, #tpu.memory_space<vmem>>) dst(%dma_wait3A_324 : memref<400x16xf32, #tpu.memory_space<vmem_shared>>)
      tpu.yield
    }) : () -> ()
    %mul3A_202 = arith.constant 6400 : i32
    %mul3A_203 = arith.muli %arg1, %mul3A_202 : i32
    %add3A_204 = arith.constant 4000 : i32
    %add3A_205 = arith.addi %mul3A_203, %add3A_204 : i32
    "tpu.region"() ({
      %run_scoped3A_318 = tpu.sem_alloc : memref<!tpu.dma_semaphore, #tpu.memory_space<semaphore_mem>>
      %dma_start3A = arith.constant 0 : i32
      %dma_start3A_319 = tpu.memref_slice %arg9[%add3A_205, %dma_start3A] : memref<102400x16xf32, #tpu.memory_space<vmem_shared>> -> memref<400x16xf32, #tpu.memory_space<vmem_shared>>
      %dma_start3A_320 = arith.constant 0 : i32
      %dma_start3A_321 = tpu.memref_slice %arg9[%add3A_205, %dma_start3A_320] : memref<102400x16xf32, #tpu.memory_space<vmem_shared>> -> memref<400x16xf32, #tpu.memory_space<vmem_shared>>
      tpu.enqueue_dma source(%arg16 : memref<400x16xf32, #tpu.memory_space<vmem>>) target(%dma_start3A_321 : memref<400x16xf32, #tpu.memory_space<vmem_shared>>) target_semaphore(%run_scoped3A_318 : memref<!tpu.dma_semaphore, #tpu.memory_space<semaphore_mem>>)
      %dma_wait3A = arith.constant 0 : i32
      %dma_wait3A_322 = tpu.memref_slice %arg9[%add3A_205, %dma_wait3A] : memref<102400x16xf32, #tpu.memory_space<vmem_shared>> -> memref<400x16xf32, #tpu.memory_space<vmem_shared>>
      %dma_wait3A_323 = arith.constant 0 : i32
      %dma_wait3A_324 = tpu.memref_slice %arg9[%add3A_205, %dma_wait3A_323] : memref<102400x16xf32, #tpu.memory_space<vmem_shared>> -> memref<400x16xf32, #tpu.memory_space<vmem_shared>>
      tpu.wait_dma2 semaphore(%run_scoped3A_318 : memref<!tpu.dma_semaphore, #tpu.memory_space<semaphore_mem>>) src(%arg16 : memref<400x16xf32, #tpu.memory_space<vmem>>) dst(%dma_wait3A_324 : memref<400x16xf32, #tpu.memory_space<vmem_shared>>)
      tpu.yield
    }) : () -> ()
    %mul3A_206 = arith.constant 6400 : i32
    %mul3A_207 = arith.muli %arg1, %mul3A_206 : i32
    %add3A_208 = arith.constant 4400 : i32
    %add3A_209 = arith.addi %mul3A_207, %add3A_208 : i32
    "tpu.region"() ({
      %run_scoped3A_318 = tpu.sem_alloc : memref<!tpu.dma_semaphore, #tpu.memory_space<semaphore_mem>>
      %dma_start3A = arith.constant 0 : i32
      %dma_start3A_319 = tpu.memref_slice %arg9[%add3A_209, %dma_start3A] : memref<102400x16xf32, #tpu.memory_space<vmem_shared>> -> memref<400x16xf32, #tpu.memory_space<vmem_shared>>
      %dma_start3A_320 = arith.constant 0 : i32
      %dma_start3A_321 = tpu.memref_slice %arg9[%add3A_209, %dma_start3A_320] : memref<102400x16xf32, #tpu.memory_space<vmem_shared>> -> memref<400x16xf32, #tpu.memory_space<vmem_shared>>
      tpu.enqueue_dma source(%arg16 : memref<400x16xf32, #tpu.memory_space<vmem>>) target(%dma_start3A_321 : memref<400x16xf32, #tpu.memory_space<vmem_shared>>) target_semaphore(%run_scoped3A_318 : memref<!tpu.dma_semaphore, #tpu.memory_space<semaphore_mem>>)
      %dma_wait3A = arith.constant 0 : i32
      %dma_wait3A_322 = tpu.memref_slice %arg9[%add3A_209, %dma_wait3A] : memref<102400x16xf32, #tpu.memory_space<vmem_shared>> -> memref<400x16xf32, #tpu.memory_space<vmem_shared>>
      %dma_wait3A_323 = arith.constant 0 : i32
      %dma_wait3A_324 = tpu.memref_slice %arg9[%add3A_209, %dma_wait3A_323] : memref<102400x16xf32, #tpu.memory_space<vmem_shared>> -> memref<400x16xf32, #tpu.memory_space<vmem_shared>>
      tpu.wait_dma2 semaphore(%run_scoped3A_318 : memref<!tpu.dma_semaphore, #tpu.memory_space<semaphore_mem>>) src(%arg16 : memref<400x16xf32, #tpu.memory_space<vmem>>) dst(%dma_wait3A_324 : memref<400x16xf32, #tpu.memory_space<vmem_shared>>)
      tpu.yield
    }) : () -> ()
    %mul3A_210 = arith.constant 6400 : i32
    %mul3A_211 = arith.muli %arg1, %mul3A_210 : i32
    %add3A_212 = arith.constant 4800 : i32
    %add3A_213 = arith.addi %mul3A_211, %add3A_212 : i32
    "tpu.region"() ({
      %run_scoped3A_318 = tpu.sem_alloc : memref<!tpu.dma_semaphore, #tpu.memory_space<semaphore_mem>>
      %dma_start3A = arith.constant 0 : i32
      %dma_start3A_319 = tpu.memref_slice %arg9[%add3A_213, %dma_start3A] : memref<102400x16xf32, #tpu.memory_space<vmem_shared>> -> memref<400x16xf32, #tpu.memory_space<vmem_shared>>
      %dma_start3A_320 = arith.constant 0 : i32
      %dma_start3A_321 = tpu.memref_slice %arg9[%add3A_213, %dma_start3A_320] : memref<102400x16xf32, #tpu.memory_space<vmem_shared>> -> memref<400x16xf32, #tpu.memory_space<vmem_shared>>
      tpu.enqueue_dma source(%arg16 : memref<400x16xf32, #tpu.memory_space<vmem>>) target(%dma_start3A_321 : memref<400x16xf32, #tpu.memory_space<vmem_shared>>) target_semaphore(%run_scoped3A_318 : memref<!tpu.dma_semaphore, #tpu.memory_space<semaphore_mem>>)
      %dma_wait3A = arith.constant 0 : i32
      %dma_wait3A_322 = tpu.memref_slice %arg9[%add3A_213, %dma_wait3A] : memref<102400x16xf32, #tpu.memory_space<vmem_shared>> -> memref<400x16xf32, #tpu.memory_space<vmem_shared>>
      %dma_wait3A_323 = arith.constant 0 : i32
      %dma_wait3A_324 = tpu.memref_slice %arg9[%add3A_213, %dma_wait3A_323] : memref<102400x16xf32, #tpu.memory_space<vmem_shared>> -> memref<400x16xf32, #tpu.memory_space<vmem_shared>>
      tpu.wait_dma2 semaphore(%run_scoped3A_318 : memref<!tpu.dma_semaphore, #tpu.memory_space<semaphore_mem>>) src(%arg16 : memref<400x16xf32, #tpu.memory_space<vmem>>) dst(%dma_wait3A_324 : memref<400x16xf32, #tpu.memory_space<vmem_shared>>)
      tpu.yield
    }) : () -> ()
    %mul3A_214 = arith.constant 6400 : i32
    %mul3A_215 = arith.muli %arg1, %mul3A_214 : i32
    %add3A_216 = arith.constant 5200 : i32
    %add3A_217 = arith.addi %mul3A_215, %add3A_216 : i32
    "tpu.region"() ({
      %run_scoped3A_318 = tpu.sem_alloc : memref<!tpu.dma_semaphore, #tpu.memory_space<semaphore_mem>>
      %dma_start3A = arith.constant 0 : i32
      %dma_start3A_319 = tpu.memref_slice %arg9[%add3A_217, %dma_start3A] : memref<102400x16xf32, #tpu.memory_space<vmem_shared>> -> memref<400x16xf32, #tpu.memory_space<vmem_shared>>
      %dma_start3A_320 = arith.constant 0 : i32
      %dma_start3A_321 = tpu.memref_slice %arg9[%add3A_217, %dma_start3A_320] : memref<102400x16xf32, #tpu.memory_space<vmem_shared>> -> memref<400x16xf32, #tpu.memory_space<vmem_shared>>
      tpu.enqueue_dma source(%arg16 : memref<400x16xf32, #tpu.memory_space<vmem>>) target(%dma_start3A_321 : memref<400x16xf32, #tpu.memory_space<vmem_shared>>) target_semaphore(%run_scoped3A_318 : memref<!tpu.dma_semaphore, #tpu.memory_space<semaphore_mem>>)
      %dma_wait3A = arith.constant 0 : i32
      %dma_wait3A_322 = tpu.memref_slice %arg9[%add3A_217, %dma_wait3A] : memref<102400x16xf32, #tpu.memory_space<vmem_shared>> -> memref<400x16xf32, #tpu.memory_space<vmem_shared>>
      %dma_wait3A_323 = arith.constant 0 : i32
      %dma_wait3A_324 = tpu.memref_slice %arg9[%add3A_217, %dma_wait3A_323] : memref<102400x16xf32, #tpu.memory_space<vmem_shared>> -> memref<400x16xf32, #tpu.memory_space<vmem_shared>>
      tpu.wait_dma2 semaphore(%run_scoped3A_318 : memref<!tpu.dma_semaphore, #tpu.memory_space<semaphore_mem>>) src(%arg16 : memref<400x16xf32, #tpu.memory_space<vmem>>) dst(%dma_wait3A_324 : memref<400x16xf32, #tpu.memory_space<vmem_shared>>)
      tpu.yield
    }) : () -> ()
    %mul3A_218 = arith.constant 6400 : i32
    %mul3A_219 = arith.muli %arg1, %mul3A_218 : i32
    %add3A_220 = arith.constant 5600 : i32
    %add3A_221 = arith.addi %mul3A_219, %add3A_220 : i32
    "tpu.region"() ({
      %run_scoped3A_318 = tpu.sem_alloc : memref<!tpu.dma_semaphore, #tpu.memory_space<semaphore_mem>>
      %dma_start3A = arith.constant 0 : i32
      %dma_start3A_319 = tpu.memref_slice %arg9[%add3A_221, %dma_start3A] : memref<102400x16xf32, #tpu.memory_space<vmem_shared>> -> memref<400x16xf32, #tpu.memory_space<vmem_shared>>
      %dma_start3A_320 = arith.constant 0 : i32
      %dma_start3A_321 = tpu.memref_slice %arg9[%add3A_221, %dma_start3A_320] : memref<102400x16xf32, #tpu.memory_space<vmem_shared>> -> memref<400x16xf32, #tpu.memory_space<vmem_shared>>
      tpu.enqueue_dma source(%arg16 : memref<400x16xf32, #tpu.memory_space<vmem>>) target(%dma_start3A_321 : memref<400x16xf32, #tpu.memory_space<vmem_shared>>) target_semaphore(%run_scoped3A_318 : memref<!tpu.dma_semaphore, #tpu.memory_space<semaphore_mem>>)
      %dma_wait3A = arith.constant 0 : i32
      %dma_wait3A_322 = tpu.memref_slice %arg9[%add3A_221, %dma_wait3A] : memref<102400x16xf32, #tpu.memory_space<vmem_shared>> -> memref<400x16xf32, #tpu.memory_space<vmem_shared>>
      %dma_wait3A_323 = arith.constant 0 : i32
      %dma_wait3A_324 = tpu.memref_slice %arg9[%add3A_221, %dma_wait3A_323] : memref<102400x16xf32, #tpu.memory_space<vmem_shared>> -> memref<400x16xf32, #tpu.memory_space<vmem_shared>>
      tpu.wait_dma2 semaphore(%run_scoped3A_318 : memref<!tpu.dma_semaphore, #tpu.memory_space<semaphore_mem>>) src(%arg16 : memref<400x16xf32, #tpu.memory_space<vmem>>) dst(%dma_wait3A_324 : memref<400x16xf32, #tpu.memory_space<vmem_shared>>)
      tpu.yield
    }) : () -> ()
    %mul3A_222 = arith.constant 6400 : i32
    %mul3A_223 = arith.muli %arg1, %mul3A_222 : i32
    %add3A_224 = arith.constant 6000 : i32
    %add3A_225 = arith.addi %mul3A_223, %add3A_224 : i32
    "tpu.region"() ({
      %run_scoped3A_318 = tpu.sem_alloc : memref<!tpu.dma_semaphore, #tpu.memory_space<semaphore_mem>>
      %dma_start3A = arith.constant 0 : i32
      %dma_start3A_319 = tpu.memref_slice %arg9[%add3A_225, %dma_start3A] : memref<102400x16xf32, #tpu.memory_space<vmem_shared>> -> memref<400x16xf32, #tpu.memory_space<vmem_shared>>
      %dma_start3A_320 = arith.constant 0 : i32
      %dma_start3A_321 = tpu.memref_slice %arg9[%add3A_225, %dma_start3A_320] : memref<102400x16xf32, #tpu.memory_space<vmem_shared>> -> memref<400x16xf32, #tpu.memory_space<vmem_shared>>
      tpu.enqueue_dma source(%arg16 : memref<400x16xf32, #tpu.memory_space<vmem>>) target(%dma_start3A_321 : memref<400x16xf32, #tpu.memory_space<vmem_shared>>) target_semaphore(%run_scoped3A_318 : memref<!tpu.dma_semaphore, #tpu.memory_space<semaphore_mem>>)
      %dma_wait3A = arith.constant 0 : i32
      %dma_wait3A_322 = tpu.memref_slice %arg9[%add3A_225, %dma_wait3A] : memref<102400x16xf32, #tpu.memory_space<vmem_shared>> -> memref<400x16xf32, #tpu.memory_space<vmem_shared>>
      %dma_wait3A_323 = arith.constant 0 : i32
      %dma_wait3A_324 = tpu.memref_slice %arg9[%add3A_225, %dma_wait3A_323] : memref<102400x16xf32, #tpu.memory_space<vmem_shared>> -> memref<400x16xf32, #tpu.memory_space<vmem_shared>>
      tpu.wait_dma2 semaphore(%run_scoped3A_318 : memref<!tpu.dma_semaphore, #tpu.memory_space<semaphore_mem>>) src(%arg16 : memref<400x16xf32, #tpu.memory_space<vmem>>) dst(%dma_wait3A_324 : memref<400x16xf32, #tpu.memory_space<vmem_shared>>)
      tpu.yield
    }) : () -> ()
    %barrier3A_226 = arith.constant 0 : index
    tpu.barrier barrier_id(%barrier3A_226)
    %scan3A_227 = arith.constant 0 : i32
    %scan3A_228 = arith.constant 0 : i32
    %scan3A_229 = arith.constant 392 : i32
    %scan3A_230 = arith.addi %scan3A_228, %scan3A_229 : i32
    %scan3A_231 = arith.constant 1 : i32
    scf.for %scan3A_318 = %scan3A_228 to %scan3A_230 step %scan3A_231  : i32 {
      %mul3A_319 = arith.constant 512 : i32
      %mul3A_320 = arith.muli %scan3A_318, %mul3A_319 : i32
      %add3A_321 = arith.addi %mul3A_7, %mul3A_320 : i32
      "tpu.region"() ({
        %run_scoped3A_336 = tpu.sem_alloc : memref<!tpu.dma_semaphore, #tpu.memory_space<semaphore_mem>>
        %dma_start3A_337 = tpu.memref_slice %arg6[%add3A_321] : memref<6422528xi32, #tpu.memory_space<hbm>> -> memref<256xi32, #tpu.memory_space<hbm>>
        %dma_start3A_338 = tpu.memref_slice %arg6[%add3A_321] : memref<6422528xi32, #tpu.memory_space<hbm>> -> memref<256xi32, #tpu.memory_space<hbm>>
        tpu.enqueue_dma source(%dma_start3A_338 : memref<256xi32, #tpu.memory_space<hbm>>) target(%arg10 : memref<256xi32, #tpu.memory_space<vmem>>) target_semaphore(%run_scoped3A_336 : memref<!tpu.dma_semaphore, #tpu.memory_space<semaphore_mem>>)
        %dma_wait3A_339 = tpu.memref_slice %arg6[%add3A_321] : memref<6422528xi32, #tpu.memory_space<hbm>> -> memref<256xi32, #tpu.memory_space<hbm>>
        %dma_wait3A_340 = tpu.memref_slice %arg6[%add3A_321] : memref<6422528xi32, #tpu.memory_space<hbm>> -> memref<256xi32, #tpu.memory_space<hbm>>
        tpu.wait_dma2 semaphore(%run_scoped3A_336 : memref<!tpu.dma_semaphore, #tpu.memory_space<semaphore_mem>>) src(%dma_wait3A_340 : memref<256xi32, #tpu.memory_space<hbm>>) dst(%arg10 : memref<256xi32, #tpu.memory_space<vmem>>)
        tpu.yield
      }) : () -> ()
      "tpu.region"() ({
        %run_scoped3A_336 = tpu.sem_alloc : memref<!tpu.dma_semaphore, #tpu.memory_space<semaphore_mem>>
        %dma_start3A_337 = tpu.memref_slice %arg7[%add3A_321] : memref<6422528xi32, #tpu.memory_space<hbm>> -> memref<256xi32, #tpu.memory_space<hbm>>
        %dma_start3A_338 = tpu.memref_slice %arg7[%add3A_321] : memref<6422528xi32, #tpu.memory_space<hbm>> -> memref<256xi32, #tpu.memory_space<hbm>>
        tpu.enqueue_dma source(%dma_start3A_338 : memref<256xi32, #tpu.memory_space<hbm>>) target(%arg11 : memref<256xi32, #tpu.memory_space<vmem>>) target_semaphore(%run_scoped3A_336 : memref<!tpu.dma_semaphore, #tpu.memory_space<semaphore_mem>>)
        %dma_wait3A_339 = tpu.memref_slice %arg7[%add3A_321] : memref<6422528xi32, #tpu.memory_space<hbm>> -> memref<256xi32, #tpu.memory_space<hbm>>
        %dma_wait3A_340 = tpu.memref_slice %arg7[%add3A_321] : memref<6422528xi32, #tpu.memory_space<hbm>> -> memref<256xi32, #tpu.memory_space<hbm>>
        tpu.wait_dma2 semaphore(%run_scoped3A_336 : memref<!tpu.dma_semaphore, #tpu.memory_space<semaphore_mem>>) src(%dma_wait3A_340 : memref<256xi32, #tpu.memory_space<hbm>>) dst(%arg11 : memref<256xi32, #tpu.memory_space<vmem>>)
        tpu.yield
      }) : () -> ()
      %dma_start3A = arith.constant 0 : i32
      %dma_start3A_322 = arith.constant 0 : i32
      %dma_start3A_323 = tpu.memref_slice %arg4[%dma_start3A, %dma_start3A_322] : memref<100000x32xf32, #tpu.memory_space<hbm>> -> memref<100000x32xf32, #tpu.memory_space<hbm>>
      tpu.enqueue_indirect_dma source(%dma_start3A_323 : memref<100000x32xf32, #tpu.memory_space<hbm>>) target(%arg12 : memref<256x32xf32, #tpu.memory_space<vmem>>) offsets(%arg10 : memref<256xi32, #tpu.memory_space<vmem>>) semaphore(%arg17 : memref<!tpu.dma_semaphore, #tpu.memory_space<semaphore_mem>>)
      %add3A_324 = arith.constant 256 : i32
      %add3A_325 = arith.addi %add3A_321, %add3A_324 : i32
      "tpu.region"() ({
        %run_scoped3A_336 = tpu.sem_alloc : memref<!tpu.dma_semaphore, #tpu.memory_space<semaphore_mem>>
        %dma_start3A_337 = tpu.memref_slice %arg6[%add3A_325] : memref<6422528xi32, #tpu.memory_space<hbm>> -> memref<256xi32, #tpu.memory_space<hbm>>
        %dma_start3A_338 = tpu.memref_slice %arg6[%add3A_325] : memref<6422528xi32, #tpu.memory_space<hbm>> -> memref<256xi32, #tpu.memory_space<hbm>>
        tpu.enqueue_dma source(%dma_start3A_338 : memref<256xi32, #tpu.memory_space<hbm>>) target(%arg13 : memref<256xi32, #tpu.memory_space<vmem>>) target_semaphore(%run_scoped3A_336 : memref<!tpu.dma_semaphore, #tpu.memory_space<semaphore_mem>>)
        %dma_wait3A_339 = tpu.memref_slice %arg6[%add3A_325] : memref<6422528xi32, #tpu.memory_space<hbm>> -> memref<256xi32, #tpu.memory_space<hbm>>
        %dma_wait3A_340 = tpu.memref_slice %arg6[%add3A_325] : memref<6422528xi32, #tpu.memory_space<hbm>> -> memref<256xi32, #tpu.memory_space<hbm>>
        tpu.wait_dma2 semaphore(%run_scoped3A_336 : memref<!tpu.dma_semaphore, #tpu.memory_space<semaphore_mem>>) src(%dma_wait3A_340 : memref<256xi32, #tpu.memory_space<hbm>>) dst(%arg13 : memref<256xi32, #tpu.memory_space<vmem>>)
        tpu.yield
      }) : () -> ()
      %add3A_326 = arith.constant 256 : i32
      %add3A_327 = arith.addi %add3A_321, %add3A_326 : i32
      "tpu.region"() ({
        %run_scoped3A_336 = tpu.sem_alloc : memref<!tpu.dma_semaphore, #tpu.memory_space<semaphore_mem>>
        %dma_start3A_337 = tpu.memref_slice %arg7[%add3A_327] : memref<6422528xi32, #tpu.memory_space<hbm>> -> memref<256xi32, #tpu.memory_space<hbm>>
        %dma_start3A_338 = tpu.memref_slice %arg7[%add3A_327] : memref<6422528xi32, #tpu.memory_space<hbm>> -> memref<256xi32, #tpu.memory_space<hbm>>
        tpu.enqueue_dma source(%dma_start3A_338 : memref<256xi32, #tpu.memory_space<hbm>>) target(%arg14 : memref<256xi32, #tpu.memory_space<vmem>>) target_semaphore(%run_scoped3A_336 : memref<!tpu.dma_semaphore, #tpu.memory_space<semaphore_mem>>)
        %dma_wait3A_339 = tpu.memref_slice %arg7[%add3A_327] : memref<6422528xi32, #tpu.memory_space<hbm>> -> memref<256xi32, #tpu.memory_space<hbm>>
        %dma_wait3A_340 = tpu.memref_slice %arg7[%add3A_327] : memref<6422528xi32, #tpu.memory_space<hbm>> -> memref<256xi32, #tpu.memory_space<hbm>>
        tpu.wait_dma2 semaphore(%run_scoped3A_336 : memref<!tpu.dma_semaphore, #tpu.memory_space<semaphore_mem>>) src(%dma_wait3A_340 : memref<256xi32, #tpu.memory_space<hbm>>) dst(%arg14 : memref<256xi32, #tpu.memory_space<vmem>>)
        tpu.yield
      }) : () -> ()
      %dma_start3A_328 = arith.constant 0 : i32
      %dma_start3A_329 = arith.constant 0 : i32
      %dma_start3A_330 = tpu.memref_slice %arg4[%dma_start3A_328, %dma_start3A_329] : memref<100000x32xf32, #tpu.memory_space<hbm>> -> memref<100000x32xf32, #tpu.memory_space<hbm>>
      tpu.enqueue_indirect_dma source(%dma_start3A_330 : memref<100000x32xf32, #tpu.memory_space<hbm>>) target(%arg15 : memref<256x32xf32, #tpu.memory_space<vmem>>) offsets(%arg13 : memref<256xi32, #tpu.memory_space<vmem>>) semaphore(%arg18 : memref<!tpu.dma_semaphore, #tpu.memory_space<semaphore_mem>>)
      %dma_wait3A = arith.constant 0 : i32
      %dma_wait3A_331 = arith.constant 0 : i32
      %dma_wait3A_332 = tpu.memref_slice %arg4[%dma_wait3A, %dma_wait3A_331] : memref<100000x32xf32, #tpu.memory_space<hbm>> -> memref<100000x32xf32, #tpu.memory_space<hbm>>
      tpu.wait_indirect_dma semaphore(%arg17 : memref<!tpu.dma_semaphore, #tpu.memory_space<semaphore_mem>>) src(%dma_wait3A_332 : memref<100000x32xf32, #tpu.memory_space<hbm>>) dst(%arg12 : memref<256x32xf32, #tpu.memory_space<vmem>>)
      %dma_wait3A_333 = arith.constant 0 : i32
      %dma_wait3A_334 = arith.constant 0 : i32
      %dma_wait3A_335 = tpu.memref_slice %arg4[%dma_wait3A_333, %dma_wait3A_334] : memref<100000x32xf32, #tpu.memory_space<hbm>> -> memref<100000x32xf32, #tpu.memory_space<hbm>>
      tpu.wait_indirect_dma semaphore(%arg18 : memref<!tpu.dma_semaphore, #tpu.memory_space<semaphore_mem>>) src(%dma_wait3A_335 : memref<100000x32xf32, #tpu.memory_space<hbm>>) dst(%arg15 : memref<256x32xf32, #tpu.memory_space<vmem>>)
    }
    %scan3A_232 = arith.constant 392 : i32
    %barrier3A_233 = arith.constant 0 : index
    tpu.barrier barrier_id(%barrier3A_233)
    %mul3A_234 = arith.constant 6400 : i32
    %mul3A_235 = arith.muli %arg1, %mul3A_234 : i32
    %mul3A_236 = arith.constant 6400 : i32
    %mul3A_237 = arith.muli %arg1, %mul3A_236 : i32
    %run_scoped3A_238 = arith.constant 2 : i32
    "tpu.region"() ({
      %run_scoped3A_318 = tpu.sem_alloc : memref<!tpu.dma_semaphore, #tpu.memory_space<semaphore_mem>>
      %dma_start3A = arith.constant 0 : i32
      %dma_start3A_319 = tpu.memref_slice %arg8[%run_scoped3A_238, %arg0, %mul3A_237, %dma_start3A] : memref<4x2x102400x16xf32, #tpu.memory_space<hbm>> -> memref<1x1x6400x16xf32, #tpu.memory_space<hbm>>
      %dma_start3A_320 = tpu.memref_squeeze %dma_start3A_319 : memref<1x1x6400x16xf32, #tpu.memory_space<hbm>> -> memref<6400x16xf32, #tpu.memory_space<hbm>>
      %dma_start3A_321 = arith.constant 0 : i32
      %dma_start3A_322 = tpu.memref_slice %arg9[%mul3A_235, %dma_start3A_321] : memref<102400x16xf32, #tpu.memory_space<vmem_shared>> -> memref<6400x16xf32, #tpu.memory_space<vmem_shared>>
      tpu.enqueue_dma source(%dma_start3A_322 : memref<6400x16xf32, #tpu.memory_space<vmem_shared>>) target(%dma_start3A_320 : memref<6400x16xf32, #tpu.memory_space<hbm>>) target_semaphore(%run_scoped3A_318 : memref<!tpu.dma_semaphore, #tpu.memory_space<semaphore_mem>>)
      %dma_wait3A = arith.constant 0 : i32
      %dma_wait3A_323 = tpu.memref_slice %arg8[%run_scoped3A_238, %arg0, %mul3A_237, %dma_wait3A] : memref<4x2x102400x16xf32, #tpu.memory_space<hbm>> -> memref<1x1x6400x16xf32, #tpu.memory_space<hbm>>
      %dma_wait3A_324 = tpu.memref_squeeze %dma_wait3A_323 : memref<1x1x6400x16xf32, #tpu.memory_space<hbm>> -> memref<6400x16xf32, #tpu.memory_space<hbm>>
      %dma_wait3A_325 = arith.constant 0 : i32
      %dma_wait3A_326 = tpu.memref_slice %arg9[%mul3A_235, %dma_wait3A_325] : memref<102400x16xf32, #tpu.memory_space<vmem_shared>> -> memref<6400x16xf32, #tpu.memory_space<vmem_shared>>
      tpu.wait_dma2 semaphore(%run_scoped3A_318 : memref<!tpu.dma_semaphore, #tpu.memory_space<semaphore_mem>>) src(%dma_wait3A_326 : memref<6400x16xf32, #tpu.memory_space<vmem_shared>>) dst(%dma_wait3A_324 : memref<6400x16xf32, #tpu.memory_space<hbm>>)
      tpu.yield
    }) : () -> ()
    %barrier3A_239 = arith.constant 0 : index
    tpu.barrier barrier_id(%barrier3A_239)
    %mul3A_240 = arith.constant 6400 : i32
    %mul3A_241 = arith.muli %arg1, %mul3A_240 : i32
    %add3A_242 = arith.constant 0 : i32
    %add3A_243 = arith.addi %mul3A_241, %add3A_242 : i32
    "tpu.region"() ({
      %run_scoped3A_318 = tpu.sem_alloc : memref<!tpu.dma_semaphore, #tpu.memory_space<semaphore_mem>>
      %dma_start3A = arith.constant 0 : i32
      %dma_start3A_319 = tpu.memref_slice %arg9[%add3A_243, %dma_start3A] : memref<102400x16xf32, #tpu.memory_space<vmem_shared>> -> memref<400x16xf32, #tpu.memory_space<vmem_shared>>
      %dma_start3A_320 = arith.constant 0 : i32
      %dma_start3A_321 = tpu.memref_slice %arg9[%add3A_243, %dma_start3A_320] : memref<102400x16xf32, #tpu.memory_space<vmem_shared>> -> memref<400x16xf32, #tpu.memory_space<vmem_shared>>
      tpu.enqueue_dma source(%arg16 : memref<400x16xf32, #tpu.memory_space<vmem>>) target(%dma_start3A_321 : memref<400x16xf32, #tpu.memory_space<vmem_shared>>) target_semaphore(%run_scoped3A_318 : memref<!tpu.dma_semaphore, #tpu.memory_space<semaphore_mem>>)
      %dma_wait3A = arith.constant 0 : i32
      %dma_wait3A_322 = tpu.memref_slice %arg9[%add3A_243, %dma_wait3A] : memref<102400x16xf32, #tpu.memory_space<vmem_shared>> -> memref<400x16xf32, #tpu.memory_space<vmem_shared>>
      %dma_wait3A_323 = arith.constant 0 : i32
      %dma_wait3A_324 = tpu.memref_slice %arg9[%add3A_243, %dma_wait3A_323] : memref<102400x16xf32, #tpu.memory_space<vmem_shared>> -> memref<400x16xf32, #tpu.memory_space<vmem_shared>>
      tpu.wait_dma2 semaphore(%run_scoped3A_318 : memref<!tpu.dma_semaphore, #tpu.memory_space<semaphore_mem>>) src(%arg16 : memref<400x16xf32, #tpu.memory_space<vmem>>) dst(%dma_wait3A_324 : memref<400x16xf32, #tpu.memory_space<vmem_shared>>)
      tpu.yield
    }) : () -> ()
    %mul3A_244 = arith.constant 6400 : i32
    %mul3A_245 = arith.muli %arg1, %mul3A_244 : i32
    %add3A_246 = arith.constant 400 : i32
    %add3A_247 = arith.addi %mul3A_245, %add3A_246 : i32
    "tpu.region"() ({
      %run_scoped3A_318 = tpu.sem_alloc : memref<!tpu.dma_semaphore, #tpu.memory_space<semaphore_mem>>
      %dma_start3A = arith.constant 0 : i32
      %dma_start3A_319 = tpu.memref_slice %arg9[%add3A_247, %dma_start3A] : memref<102400x16xf32, #tpu.memory_space<vmem_shared>> -> memref<400x16xf32, #tpu.memory_space<vmem_shared>>
      %dma_start3A_320 = arith.constant 0 : i32
      %dma_start3A_321 = tpu.memref_slice %arg9[%add3A_247, %dma_start3A_320] : memref<102400x16xf32, #tpu.memory_space<vmem_shared>> -> memref<400x16xf32, #tpu.memory_space<vmem_shared>>
      tpu.enqueue_dma source(%arg16 : memref<400x16xf32, #tpu.memory_space<vmem>>) target(%dma_start3A_321 : memref<400x16xf32, #tpu.memory_space<vmem_shared>>) target_semaphore(%run_scoped3A_318 : memref<!tpu.dma_semaphore, #tpu.memory_space<semaphore_mem>>)
      %dma_wait3A = arith.constant 0 : i32
      %dma_wait3A_322 = tpu.memref_slice %arg9[%add3A_247, %dma_wait3A] : memref<102400x16xf32, #tpu.memory_space<vmem_shared>> -> memref<400x16xf32, #tpu.memory_space<vmem_shared>>
      %dma_wait3A_323 = arith.constant 0 : i32
      %dma_wait3A_324 = tpu.memref_slice %arg9[%add3A_247, %dma_wait3A_323] : memref<102400x16xf32, #tpu.memory_space<vmem_shared>> -> memref<400x16xf32, #tpu.memory_space<vmem_shared>>
      tpu.wait_dma2 semaphore(%run_scoped3A_318 : memref<!tpu.dma_semaphore, #tpu.memory_space<semaphore_mem>>) src(%arg16 : memref<400x16xf32, #tpu.memory_space<vmem>>) dst(%dma_wait3A_324 : memref<400x16xf32, #tpu.memory_space<vmem_shared>>)
      tpu.yield
    }) : () -> ()
    %mul3A_248 = arith.constant 6400 : i32
    %mul3A_249 = arith.muli %arg1, %mul3A_248 : i32
    %add3A_250 = arith.constant 800 : i32
    %add3A_251 = arith.addi %mul3A_249, %add3A_250 : i32
    "tpu.region"() ({
      %run_scoped3A_318 = tpu.sem_alloc : memref<!tpu.dma_semaphore, #tpu.memory_space<semaphore_mem>>
      %dma_start3A = arith.constant 0 : i32
      %dma_start3A_319 = tpu.memref_slice %arg9[%add3A_251, %dma_start3A] : memref<102400x16xf32, #tpu.memory_space<vmem_shared>> -> memref<400x16xf32, #tpu.memory_space<vmem_shared>>
      %dma_start3A_320 = arith.constant 0 : i32
      %dma_start3A_321 = tpu.memref_slice %arg9[%add3A_251, %dma_start3A_320] : memref<102400x16xf32, #tpu.memory_space<vmem_shared>> -> memref<400x16xf32, #tpu.memory_space<vmem_shared>>
      tpu.enqueue_dma source(%arg16 : memref<400x16xf32, #tpu.memory_space<vmem>>) target(%dma_start3A_321 : memref<400x16xf32, #tpu.memory_space<vmem_shared>>) target_semaphore(%run_scoped3A_318 : memref<!tpu.dma_semaphore, #tpu.memory_space<semaphore_mem>>)
      %dma_wait3A = arith.constant 0 : i32
      %dma_wait3A_322 = tpu.memref_slice %arg9[%add3A_251, %dma_wait3A] : memref<102400x16xf32, #tpu.memory_space<vmem_shared>> -> memref<400x16xf32, #tpu.memory_space<vmem_shared>>
      %dma_wait3A_323 = arith.constant 0 : i32
      %dma_wait3A_324 = tpu.memref_slice %arg9[%add3A_251, %dma_wait3A_323] : memref<102400x16xf32, #tpu.memory_space<vmem_shared>> -> memref<400x16xf32, #tpu.memory_space<vmem_shared>>
      tpu.wait_dma2 semaphore(%run_scoped3A_318 : memref<!tpu.dma_semaphore, #tpu.memory_space<semaphore_mem>>) src(%arg16 : memref<400x16xf32, #tpu.memory_space<vmem>>) dst(%dma_wait3A_324 : memref<400x16xf32, #tpu.memory_space<vmem_shared>>)
      tpu.yield
    }) : () -> ()
    %mul3A_252 = arith.constant 6400 : i32
    %mul3A_253 = arith.muli %arg1, %mul3A_252 : i32
    %add3A_254 = arith.constant 1200 : i32
    %add3A_255 = arith.addi %mul3A_253, %add3A_254 : i32
    "tpu.region"() ({
      %run_scoped3A_318 = tpu.sem_alloc : memref<!tpu.dma_semaphore, #tpu.memory_space<semaphore_mem>>
      %dma_start3A = arith.constant 0 : i32
      %dma_start3A_319 = tpu.memref_slice %arg9[%add3A_255, %dma_start3A] : memref<102400x16xf32, #tpu.memory_space<vmem_shared>> -> memref<400x16xf32, #tpu.memory_space<vmem_shared>>
      %dma_start3A_320 = arith.constant 0 : i32
      %dma_start3A_321 = tpu.memref_slice %arg9[%add3A_255, %dma_start3A_320] : memref<102400x16xf32, #tpu.memory_space<vmem_shared>> -> memref<400x16xf32, #tpu.memory_space<vmem_shared>>
      tpu.enqueue_dma source(%arg16 : memref<400x16xf32, #tpu.memory_space<vmem>>) target(%dma_start3A_321 : memref<400x16xf32, #tpu.memory_space<vmem_shared>>) target_semaphore(%run_scoped3A_318 : memref<!tpu.dma_semaphore, #tpu.memory_space<semaphore_mem>>)
      %dma_wait3A = arith.constant 0 : i32
      %dma_wait3A_322 = tpu.memref_slice %arg9[%add3A_255, %dma_wait3A] : memref<102400x16xf32, #tpu.memory_space<vmem_shared>> -> memref<400x16xf32, #tpu.memory_space<vmem_shared>>
      %dma_wait3A_323 = arith.constant 0 : i32
      %dma_wait3A_324 = tpu.memref_slice %arg9[%add3A_255, %dma_wait3A_323] : memref<102400x16xf32, #tpu.memory_space<vmem_shared>> -> memref<400x16xf32, #tpu.memory_space<vmem_shared>>
      tpu.wait_dma2 semaphore(%run_scoped3A_318 : memref<!tpu.dma_semaphore, #tpu.memory_space<semaphore_mem>>) src(%arg16 : memref<400x16xf32, #tpu.memory_space<vmem>>) dst(%dma_wait3A_324 : memref<400x16xf32, #tpu.memory_space<vmem_shared>>)
      tpu.yield
    }) : () -> ()
    %mul3A_256 = arith.constant 6400 : i32
    %mul3A_257 = arith.muli %arg1, %mul3A_256 : i32
    %add3A_258 = arith.constant 1600 : i32
    %add3A_259 = arith.addi %mul3A_257, %add3A_258 : i32
    "tpu.region"() ({
      %run_scoped3A_318 = tpu.sem_alloc : memref<!tpu.dma_semaphore, #tpu.memory_space<semaphore_mem>>
      %dma_start3A = arith.constant 0 : i32
      %dma_start3A_319 = tpu.memref_slice %arg9[%add3A_259, %dma_start3A] : memref<102400x16xf32, #tpu.memory_space<vmem_shared>> -> memref<400x16xf32, #tpu.memory_space<vmem_shared>>
      %dma_start3A_320 = arith.constant 0 : i32
      %dma_start3A_321 = tpu.memref_slice %arg9[%add3A_259, %dma_start3A_320] : memref<102400x16xf32, #tpu.memory_space<vmem_shared>> -> memref<400x16xf32, #tpu.memory_space<vmem_shared>>
      tpu.enqueue_dma source(%arg16 : memref<400x16xf32, #tpu.memory_space<vmem>>) target(%dma_start3A_321 : memref<400x16xf32, #tpu.memory_space<vmem_shared>>) target_semaphore(%run_scoped3A_318 : memref<!tpu.dma_semaphore, #tpu.memory_space<semaphore_mem>>)
      %dma_wait3A = arith.constant 0 : i32
      %dma_wait3A_322 = tpu.memref_slice %arg9[%add3A_259, %dma_wait3A] : memref<102400x16xf32, #tpu.memory_space<vmem_shared>> -> memref<400x16xf32, #tpu.memory_space<vmem_shared>>
      %dma_wait3A_323 = arith.constant 0 : i32
      %dma_wait3A_324 = tpu.memref_slice %arg9[%add3A_259, %dma_wait3A_323] : memref<102400x16xf32, #tpu.memory_space<vmem_shared>> -> memref<400x16xf32, #tpu.memory_space<vmem_shared>>
      tpu.wait_dma2 semaphore(%run_scoped3A_318 : memref<!tpu.dma_semaphore, #tpu.memory_space<semaphore_mem>>) src(%arg16 : memref<400x16xf32, #tpu.memory_space<vmem>>) dst(%dma_wait3A_324 : memref<400x16xf32, #tpu.memory_space<vmem_shared>>)
      tpu.yield
    }) : () -> ()
    %mul3A_260 = arith.constant 6400 : i32
    %mul3A_261 = arith.muli %arg1, %mul3A_260 : i32
    %add3A_262 = arith.constant 2000 : i32
    %add3A_263 = arith.addi %mul3A_261, %add3A_262 : i32
    "tpu.region"() ({
      %run_scoped3A_318 = tpu.sem_alloc : memref<!tpu.dma_semaphore, #tpu.memory_space<semaphore_mem>>
      %dma_start3A = arith.constant 0 : i32
      %dma_start3A_319 = tpu.memref_slice %arg9[%add3A_263, %dma_start3A] : memref<102400x16xf32, #tpu.memory_space<vmem_shared>> -> memref<400x16xf32, #tpu.memory_space<vmem_shared>>
      %dma_start3A_320 = arith.constant 0 : i32
      %dma_start3A_321 = tpu.memref_slice %arg9[%add3A_263, %dma_start3A_320] : memref<102400x16xf32, #tpu.memory_space<vmem_shared>> -> memref<400x16xf32, #tpu.memory_space<vmem_shared>>
      tpu.enqueue_dma source(%arg16 : memref<400x16xf32, #tpu.memory_space<vmem>>) target(%dma_start3A_321 : memref<400x16xf32, #tpu.memory_space<vmem_shared>>) target_semaphore(%run_scoped3A_318 : memref<!tpu.dma_semaphore, #tpu.memory_space<semaphore_mem>>)
      %dma_wait3A = arith.constant 0 : i32
      %dma_wait3A_322 = tpu.memref_slice %arg9[%add3A_263, %dma_wait3A] : memref<102400x16xf32, #tpu.memory_space<vmem_shared>> -> memref<400x16xf32, #tpu.memory_space<vmem_shared>>
      %dma_wait3A_323 = arith.constant 0 : i32
      %dma_wait3A_324 = tpu.memref_slice %arg9[%add3A_263, %dma_wait3A_323] : memref<102400x16xf32, #tpu.memory_space<vmem_shared>> -> memref<400x16xf32, #tpu.memory_space<vmem_shared>>
      tpu.wait_dma2 semaphore(%run_scoped3A_318 : memref<!tpu.dma_semaphore, #tpu.memory_space<semaphore_mem>>) src(%arg16 : memref<400x16xf32, #tpu.memory_space<vmem>>) dst(%dma_wait3A_324 : memref<400x16xf32, #tpu.memory_space<vmem_shared>>)
      tpu.yield
    }) : () -> ()
    %mul3A_264 = arith.constant 6400 : i32
    %mul3A_265 = arith.muli %arg1, %mul3A_264 : i32
    %add3A_266 = arith.constant 2400 : i32
    %add3A_267 = arith.addi %mul3A_265, %add3A_266 : i32
    "tpu.region"() ({
      %run_scoped3A_318 = tpu.sem_alloc : memref<!tpu.dma_semaphore, #tpu.memory_space<semaphore_mem>>
      %dma_start3A = arith.constant 0 : i32
      %dma_start3A_319 = tpu.memref_slice %arg9[%add3A_267, %dma_start3A] : memref<102400x16xf32, #tpu.memory_space<vmem_shared>> -> memref<400x16xf32, #tpu.memory_space<vmem_shared>>
      %dma_start3A_320 = arith.constant 0 : i32
      %dma_start3A_321 = tpu.memref_slice %arg9[%add3A_267, %dma_start3A_320] : memref<102400x16xf32, #tpu.memory_space<vmem_shared>> -> memref<400x16xf32, #tpu.memory_space<vmem_shared>>
      tpu.enqueue_dma source(%arg16 : memref<400x16xf32, #tpu.memory_space<vmem>>) target(%dma_start3A_321 : memref<400x16xf32, #tpu.memory_space<vmem_shared>>) target_semaphore(%run_scoped3A_318 : memref<!tpu.dma_semaphore, #tpu.memory_space<semaphore_mem>>)
      %dma_wait3A = arith.constant 0 : i32
      %dma_wait3A_322 = tpu.memref_slice %arg9[%add3A_267, %dma_wait3A] : memref<102400x16xf32, #tpu.memory_space<vmem_shared>> -> memref<400x16xf32, #tpu.memory_space<vmem_shared>>
      %dma_wait3A_323 = arith.constant 0 : i32
      %dma_wait3A_324 = tpu.memref_slice %arg9[%add3A_267, %dma_wait3A_323] : memref<102400x16xf32, #tpu.memory_space<vmem_shared>> -> memref<400x16xf32, #tpu.memory_space<vmem_shared>>
      tpu.wait_dma2 semaphore(%run_scoped3A_318 : memref<!tpu.dma_semaphore, #tpu.memory_space<semaphore_mem>>) src(%arg16 : memref<400x16xf32, #tpu.memory_space<vmem>>) dst(%dma_wait3A_324 : memref<400x16xf32, #tpu.memory_space<vmem_shared>>)
      tpu.yield
    }) : () -> ()
    %mul3A_268 = arith.constant 6400 : i32
    %mul3A_269 = arith.muli %arg1, %mul3A_268 : i32
    %add3A_270 = arith.constant 2800 : i32
    %add3A_271 = arith.addi %mul3A_269, %add3A_270 : i32
    "tpu.region"() ({
      %run_scoped3A_318 = tpu.sem_alloc : memref<!tpu.dma_semaphore, #tpu.memory_space<semaphore_mem>>
      %dma_start3A = arith.constant 0 : i32
      %dma_start3A_319 = tpu.memref_slice %arg9[%add3A_271, %dma_start3A] : memref<102400x16xf32, #tpu.memory_space<vmem_shared>> -> memref<400x16xf32, #tpu.memory_space<vmem_shared>>
      %dma_start3A_320 = arith.constant 0 : i32
      %dma_start3A_321 = tpu.memref_slice %arg9[%add3A_271, %dma_start3A_320] : memref<102400x16xf32, #tpu.memory_space<vmem_shared>> -> memref<400x16xf32, #tpu.memory_space<vmem_shared>>
      tpu.enqueue_dma source(%arg16 : memref<400x16xf32, #tpu.memory_space<vmem>>) target(%dma_start3A_321 : memref<400x16xf32, #tpu.memory_space<vmem_shared>>) target_semaphore(%run_scoped3A_318 : memref<!tpu.dma_semaphore, #tpu.memory_space<semaphore_mem>>)
      %dma_wait3A = arith.constant 0 : i32
      %dma_wait3A_322 = tpu.memref_slice %arg9[%add3A_271, %dma_wait3A] : memref<102400x16xf32, #tpu.memory_space<vmem_shared>> -> memref<400x16xf32, #tpu.memory_space<vmem_shared>>
      %dma_wait3A_323 = arith.constant 0 : i32
      %dma_wait3A_324 = tpu.memref_slice %arg9[%add3A_271, %dma_wait3A_323] : memref<102400x16xf32, #tpu.memory_space<vmem_shared>> -> memref<400x16xf32, #tpu.memory_space<vmem_shared>>
      tpu.wait_dma2 semaphore(%run_scoped3A_318 : memref<!tpu.dma_semaphore, #tpu.memory_space<semaphore_mem>>) src(%arg16 : memref<400x16xf32, #tpu.memory_space<vmem>>) dst(%dma_wait3A_324 : memref<400x16xf32, #tpu.memory_space<vmem_shared>>)
      tpu.yield
    }) : () -> ()
    %mul3A_272 = arith.constant 6400 : i32
    %mul3A_273 = arith.muli %arg1, %mul3A_272 : i32
    %add3A_274 = arith.constant 3200 : i32
    %add3A_275 = arith.addi %mul3A_273, %add3A_274 : i32
    "tpu.region"() ({
      %run_scoped3A_318 = tpu.sem_alloc : memref<!tpu.dma_semaphore, #tpu.memory_space<semaphore_mem>>
      %dma_start3A = arith.constant 0 : i32
      %dma_start3A_319 = tpu.memref_slice %arg9[%add3A_275, %dma_start3A] : memref<102400x16xf32, #tpu.memory_space<vmem_shared>> -> memref<400x16xf32, #tpu.memory_space<vmem_shared>>
      %dma_start3A_320 = arith.constant 0 : i32
      %dma_start3A_321 = tpu.memref_slice %arg9[%add3A_275, %dma_start3A_320] : memref<102400x16xf32, #tpu.memory_space<vmem_shared>> -> memref<400x16xf32, #tpu.memory_space<vmem_shared>>
      tpu.enqueue_dma source(%arg16 : memref<400x16xf32, #tpu.memory_space<vmem>>) target(%dma_start3A_321 : memref<400x16xf32, #tpu.memory_space<vmem_shared>>) target_semaphore(%run_scoped3A_318 : memref<!tpu.dma_semaphore, #tpu.memory_space<semaphore_mem>>)
      %dma_wait3A = arith.constant 0 : i32
      %dma_wait3A_322 = tpu.memref_slice %arg9[%add3A_275, %dma_wait3A] : memref<102400x16xf32, #tpu.memory_space<vmem_shared>> -> memref<400x16xf32, #tpu.memory_space<vmem_shared>>
      %dma_wait3A_323 = arith.constant 0 : i32
      %dma_wait3A_324 = tpu.memref_slice %arg9[%add3A_275, %dma_wait3A_323] : memref<102400x16xf32, #tpu.memory_space<vmem_shared>> -> memref<400x16xf32, #tpu.memory_space<vmem_shared>>
      tpu.wait_dma2 semaphore(%run_scoped3A_318 : memref<!tpu.dma_semaphore, #tpu.memory_space<semaphore_mem>>) src(%arg16 : memref<400x16xf32, #tpu.memory_space<vmem>>) dst(%dma_wait3A_324 : memref<400x16xf32, #tpu.memory_space<vmem_shared>>)
      tpu.yield
    }) : () -> ()
    %mul3A_276 = arith.constant 6400 : i32
    %mul3A_277 = arith.muli %arg1, %mul3A_276 : i32
    %add3A_278 = arith.constant 3600 : i32
    %add3A_279 = arith.addi %mul3A_277, %add3A_278 : i32
    "tpu.region"() ({
      %run_scoped3A_318 = tpu.sem_alloc : memref<!tpu.dma_semaphore, #tpu.memory_space<semaphore_mem>>
      %dma_start3A = arith.constant 0 : i32
      %dma_start3A_319 = tpu.memref_slice %arg9[%add3A_279, %dma_start3A] : memref<102400x16xf32, #tpu.memory_space<vmem_shared>> -> memref<400x16xf32, #tpu.memory_space<vmem_shared>>
      %dma_start3A_320 = arith.constant 0 : i32
      %dma_start3A_321 = tpu.memref_slice %arg9[%add3A_279, %dma_start3A_320] : memref<102400x16xf32, #tpu.memory_space<vmem_shared>> -> memref<400x16xf32, #tpu.memory_space<vmem_shared>>
      tpu.enqueue_dma source(%arg16 : memref<400x16xf32, #tpu.memory_space<vmem>>) target(%dma_start3A_321 : memref<400x16xf32, #tpu.memory_space<vmem_shared>>) target_semaphore(%run_scoped3A_318 : memref<!tpu.dma_semaphore, #tpu.memory_space<semaphore_mem>>)
      %dma_wait3A = arith.constant 0 : i32
      %dma_wait3A_322 = tpu.memref_slice %arg9[%add3A_279, %dma_wait3A] : memref<102400x16xf32, #tpu.memory_space<vmem_shared>> -> memref<400x16xf32, #tpu.memory_space<vmem_shared>>
      %dma_wait3A_323 = arith.constant 0 : i32
      %dma_wait3A_324 = tpu.memref_slice %arg9[%add3A_279, %dma_wait3A_323] : memref<102400x16xf32, #tpu.memory_space<vmem_shared>> -> memref<400x16xf32, #tpu.memory_space<vmem_shared>>
      tpu.wait_dma2 semaphore(%run_scoped3A_318 : memref<!tpu.dma_semaphore, #tpu.memory_space<semaphore_mem>>) src(%arg16 : memref<400x16xf32, #tpu.memory_space<vmem>>) dst(%dma_wait3A_324 : memref<400x16xf32, #tpu.memory_space<vmem_shared>>)
      tpu.yield
    }) : () -> ()
    %mul3A_280 = arith.constant 6400 : i32
    %mul3A_281 = arith.muli %arg1, %mul3A_280 : i32
    %add3A_282 = arith.constant 4000 : i32
    %add3A_283 = arith.addi %mul3A_281, %add3A_282 : i32
    "tpu.region"() ({
      %run_scoped3A_318 = tpu.sem_alloc : memref<!tpu.dma_semaphore, #tpu.memory_space<semaphore_mem>>
      %dma_start3A = arith.constant 0 : i32
      %dma_start3A_319 = tpu.memref_slice %arg9[%add3A_283, %dma_start3A] : memref<102400x16xf32, #tpu.memory_space<vmem_shared>> -> memref<400x16xf32, #tpu.memory_space<vmem_shared>>
      %dma_start3A_320 = arith.constant 0 : i32
      %dma_start3A_321 = tpu.memref_slice %arg9[%add3A_283, %dma_start3A_320] : memref<102400x16xf32, #tpu.memory_space<vmem_shared>> -> memref<400x16xf32, #tpu.memory_space<vmem_shared>>
      tpu.enqueue_dma source(%arg16 : memref<400x16xf32, #tpu.memory_space<vmem>>) target(%dma_start3A_321 : memref<400x16xf32, #tpu.memory_space<vmem_shared>>) target_semaphore(%run_scoped3A_318 : memref<!tpu.dma_semaphore, #tpu.memory_space<semaphore_mem>>)
      %dma_wait3A = arith.constant 0 : i32
      %dma_wait3A_322 = tpu.memref_slice %arg9[%add3A_283, %dma_wait3A] : memref<102400x16xf32, #tpu.memory_space<vmem_shared>> -> memref<400x16xf32, #tpu.memory_space<vmem_shared>>
      %dma_wait3A_323 = arith.constant 0 : i32
      %dma_wait3A_324 = tpu.memref_slice %arg9[%add3A_283, %dma_wait3A_323] : memref<102400x16xf32, #tpu.memory_space<vmem_shared>> -> memref<400x16xf32, #tpu.memory_space<vmem_shared>>
      tpu.wait_dma2 semaphore(%run_scoped3A_318 : memref<!tpu.dma_semaphore, #tpu.memory_space<semaphore_mem>>) src(%arg16 : memref<400x16xf32, #tpu.memory_space<vmem>>) dst(%dma_wait3A_324 : memref<400x16xf32, #tpu.memory_space<vmem_shared>>)
      tpu.yield
    }) : () -> ()
    %mul3A_284 = arith.constant 6400 : i32
    %mul3A_285 = arith.muli %arg1, %mul3A_284 : i32
    %add3A_286 = arith.constant 4400 : i32
    %add3A_287 = arith.addi %mul3A_285, %add3A_286 : i32
    "tpu.region"() ({
      %run_scoped3A_318 = tpu.sem_alloc : memref<!tpu.dma_semaphore, #tpu.memory_space<semaphore_mem>>
      %dma_start3A = arith.constant 0 : i32
      %dma_start3A_319 = tpu.memref_slice %arg9[%add3A_287, %dma_start3A] : memref<102400x16xf32, #tpu.memory_space<vmem_shared>> -> memref<400x16xf32, #tpu.memory_space<vmem_shared>>
      %dma_start3A_320 = arith.constant 0 : i32
      %dma_start3A_321 = tpu.memref_slice %arg9[%add3A_287, %dma_start3A_320] : memref<102400x16xf32, #tpu.memory_space<vmem_shared>> -> memref<400x16xf32, #tpu.memory_space<vmem_shared>>
      tpu.enqueue_dma source(%arg16 : memref<400x16xf32, #tpu.memory_space<vmem>>) target(%dma_start3A_321 : memref<400x16xf32, #tpu.memory_space<vmem_shared>>) target_semaphore(%run_scoped3A_318 : memref<!tpu.dma_semaphore, #tpu.memory_space<semaphore_mem>>)
      %dma_wait3A = arith.constant 0 : i32
      %dma_wait3A_322 = tpu.memref_slice %arg9[%add3A_287, %dma_wait3A] : memref<102400x16xf32, #tpu.memory_space<vmem_shared>> -> memref<400x16xf32, #tpu.memory_space<vmem_shared>>
      %dma_wait3A_323 = arith.constant 0 : i32
      %dma_wait3A_324 = tpu.memref_slice %arg9[%add3A_287, %dma_wait3A_323] : memref<102400x16xf32, #tpu.memory_space<vmem_shared>> -> memref<400x16xf32, #tpu.memory_space<vmem_shared>>
      tpu.wait_dma2 semaphore(%run_scoped3A_318 : memref<!tpu.dma_semaphore, #tpu.memory_space<semaphore_mem>>) src(%arg16 : memref<400x16xf32, #tpu.memory_space<vmem>>) dst(%dma_wait3A_324 : memref<400x16xf32, #tpu.memory_space<vmem_shared>>)
      tpu.yield
    }) : () -> ()
    %mul3A_288 = arith.constant 6400 : i32
    %mul3A_289 = arith.muli %arg1, %mul3A_288 : i32
    %add3A_290 = arith.constant 4800 : i32
    %add3A_291 = arith.addi %mul3A_289, %add3A_290 : i32
    "tpu.region"() ({
      %run_scoped3A_318 = tpu.sem_alloc : memref<!tpu.dma_semaphore, #tpu.memory_space<semaphore_mem>>
      %dma_start3A = arith.constant 0 : i32
      %dma_start3A_319 = tpu.memref_slice %arg9[%add3A_291, %dma_start3A] : memref<102400x16xf32, #tpu.memory_space<vmem_shared>> -> memref<400x16xf32, #tpu.memory_space<vmem_shared>>
      %dma_start3A_320 = arith.constant 0 : i32
      %dma_start3A_321 = tpu.memref_slice %arg9[%add3A_291, %dma_start3A_320] : memref<102400x16xf32, #tpu.memory_space<vmem_shared>> -> memref<400x16xf32, #tpu.memory_space<vmem_shared>>
      tpu.enqueue_dma source(%arg16 : memref<400x16xf32, #tpu.memory_space<vmem>>) target(%dma_start3A_321 : memref<400x16xf32, #tpu.memory_space<vmem_shared>>) target_semaphore(%run_scoped3A_318 : memref<!tpu.dma_semaphore, #tpu.memory_space<semaphore_mem>>)
      %dma_wait3A = arith.constant 0 : i32
      %dma_wait3A_322 = tpu.memref_slice %arg9[%add3A_291, %dma_wait3A] : memref<102400x16xf32, #tpu.memory_space<vmem_shared>> -> memref<400x16xf32, #tpu.memory_space<vmem_shared>>
      %dma_wait3A_323 = arith.constant 0 : i32
      %dma_wait3A_324 = tpu.memref_slice %arg9[%add3A_291, %dma_wait3A_323] : memref<102400x16xf32, #tpu.memory_space<vmem_shared>> -> memref<400x16xf32, #tpu.memory_space<vmem_shared>>
      tpu.wait_dma2 semaphore(%run_scoped3A_318 : memref<!tpu.dma_semaphore, #tpu.memory_space<semaphore_mem>>) src(%arg16 : memref<400x16xf32, #tpu.memory_space<vmem>>) dst(%dma_wait3A_324 : memref<400x16xf32, #tpu.memory_space<vmem_shared>>)
      tpu.yield
    }) : () -> ()
    %mul3A_292 = arith.constant 6400 : i32
    %mul3A_293 = arith.muli %arg1, %mul3A_292 : i32
    %add3A_294 = arith.constant 5200 : i32
    %add3A_295 = arith.addi %mul3A_293, %add3A_294 : i32
    "tpu.region"() ({
      %run_scoped3A_318 = tpu.sem_alloc : memref<!tpu.dma_semaphore, #tpu.memory_space<semaphore_mem>>
      %dma_start3A = arith.constant 0 : i32
      %dma_start3A_319 = tpu.memref_slice %arg9[%add3A_295, %dma_start3A] : memref<102400x16xf32, #tpu.memory_space<vmem_shared>> -> memref<400x16xf32, #tpu.memory_space<vmem_shared>>
      %dma_start3A_320 = arith.constant 0 : i32
      %dma_start3A_321 = tpu.memref_slice %arg9[%add3A_295, %dma_start3A_320] : memref<102400x16xf32, #tpu.memory_space<vmem_shared>> -> memref<400x16xf32, #tpu.memory_space<vmem_shared>>
      tpu.enqueue_dma source(%arg16 : memref<400x16xf32, #tpu.memory_space<vmem>>) target(%dma_start3A_321 : memref<400x16xf32, #tpu.memory_space<vmem_shared>>) target_semaphore(%run_scoped3A_318 : memref<!tpu.dma_semaphore, #tpu.memory_space<semaphore_mem>>)
      %dma_wait3A = arith.constant 0 : i32
      %dma_wait3A_322 = tpu.memref_slice %arg9[%add3A_295, %dma_wait3A] : memref<102400x16xf32, #tpu.memory_space<vmem_shared>> -> memref<400x16xf32, #tpu.memory_space<vmem_shared>>
      %dma_wait3A_323 = arith.constant 0 : i32
      %dma_wait3A_324 = tpu.memref_slice %arg9[%add3A_295, %dma_wait3A_323] : memref<102400x16xf32, #tpu.memory_space<vmem_shared>> -> memref<400x16xf32, #tpu.memory_space<vmem_shared>>
      tpu.wait_dma2 semaphore(%run_scoped3A_318 : memref<!tpu.dma_semaphore, #tpu.memory_space<semaphore_mem>>) src(%arg16 : memref<400x16xf32, #tpu.memory_space<vmem>>) dst(%dma_wait3A_324 : memref<400x16xf32, #tpu.memory_space<vmem_shared>>)
      tpu.yield
    }) : () -> ()
    %mul3A_296 = arith.constant 6400 : i32
    %mul3A_297 = arith.muli %arg1, %mul3A_296 : i32
    %add3A_298 = arith.constant 5600 : i32
    %add3A_299 = arith.addi %mul3A_297, %add3A_298 : i32
    "tpu.region"() ({
      %run_scoped3A_318 = tpu.sem_alloc : memref<!tpu.dma_semaphore, #tpu.memory_space<semaphore_mem>>
      %dma_start3A = arith.constant 0 : i32
      %dma_start3A_319 = tpu.memref_slice %arg9[%add3A_299, %dma_start3A] : memref<102400x16xf32, #tpu.memory_space<vmem_shared>> -> memref<400x16xf32, #tpu.memory_space<vmem_shared>>
      %dma_start3A_320 = arith.constant 0 : i32
      %dma_start3A_321 = tpu.memref_slice %arg9[%add3A_299, %dma_start3A_320] : memref<102400x16xf32, #tpu.memory_space<vmem_shared>> -> memref<400x16xf32, #tpu.memory_space<vmem_shared>>
      tpu.enqueue_dma source(%arg16 : memref<400x16xf32, #tpu.memory_space<vmem>>) target(%dma_start3A_321 : memref<400x16xf32, #tpu.memory_space<vmem_shared>>) target_semaphore(%run_scoped3A_318 : memref<!tpu.dma_semaphore, #tpu.memory_space<semaphore_mem>>)
      %dma_wait3A = arith.constant 0 : i32
      %dma_wait3A_322 = tpu.memref_slice %arg9[%add3A_299, %dma_wait3A] : memref<102400x16xf32, #tpu.memory_space<vmem_shared>> -> memref<400x16xf32, #tpu.memory_space<vmem_shared>>
      %dma_wait3A_323 = arith.constant 0 : i32
      %dma_wait3A_324 = tpu.memref_slice %arg9[%add3A_299, %dma_wait3A_323] : memref<102400x16xf32, #tpu.memory_space<vmem_shared>> -> memref<400x16xf32, #tpu.memory_space<vmem_shared>>
      tpu.wait_dma2 semaphore(%run_scoped3A_318 : memref<!tpu.dma_semaphore, #tpu.memory_space<semaphore_mem>>) src(%arg16 : memref<400x16xf32, #tpu.memory_space<vmem>>) dst(%dma_wait3A_324 : memref<400x16xf32, #tpu.memory_space<vmem_shared>>)
      tpu.yield
    }) : () -> ()
    %mul3A_300 = arith.constant 6400 : i32
    %mul3A_301 = arith.muli %arg1, %mul3A_300 : i32
    %add3A_302 = arith.constant 6000 : i32
    %add3A_303 = arith.addi %mul3A_301, %add3A_302 : i32
    "tpu.region"() ({
      %run_scoped3A_318 = tpu.sem_alloc : memref<!tpu.dma_semaphore, #tpu.memory_space<semaphore_mem>>
      %dma_start3A = arith.constant 0 : i32
      %dma_start3A_319 = tpu.memref_slice %arg9[%add3A_303, %dma_start3A] : memref<102400x16xf32, #tpu.memory_space<vmem_shared>> -> memref<400x16xf32, #tpu.memory_space<vmem_shared>>
      %dma_start3A_320 = arith.constant 0 : i32
      %dma_start3A_321 = tpu.memref_slice %arg9[%add3A_303, %dma_start3A_320] : memref<102400x16xf32, #tpu.memory_space<vmem_shared>> -> memref<400x16xf32, #tpu.memory_space<vmem_shared>>
      tpu.enqueue_dma source(%arg16 : memref<400x16xf32, #tpu.memory_space<vmem>>) target(%dma_start3A_321 : memref<400x16xf32, #tpu.memory_space<vmem_shared>>) target_semaphore(%run_scoped3A_318 : memref<!tpu.dma_semaphore, #tpu.memory_space<semaphore_mem>>)
      %dma_wait3A = arith.constant 0 : i32
      %dma_wait3A_322 = tpu.memref_slice %arg9[%add3A_303, %dma_wait3A] : memref<102400x16xf32, #tpu.memory_space<vmem_shared>> -> memref<400x16xf32, #tpu.memory_space<vmem_shared>>
      %dma_wait3A_323 = arith.constant 0 : i32
      %dma_wait3A_324 = tpu.memref_slice %arg9[%add3A_303, %dma_wait3A_323] : memref<102400x16xf32, #tpu.memory_space<vmem_shared>> -> memref<400x16xf32, #tpu.memory_space<vmem_shared>>
      tpu.wait_dma2 semaphore(%run_scoped3A_318 : memref<!tpu.dma_semaphore, #tpu.memory_space<semaphore_mem>>) src(%arg16 : memref<400x16xf32, #tpu.memory_space<vmem>>) dst(%dma_wait3A_324 : memref<400x16xf32, #tpu.memory_space<vmem_shared>>)
      tpu.yield
    }) : () -> ()
    %barrier3A_304 = arith.constant 0 : index
    tpu.barrier barrier_id(%barrier3A_304)
    %scan3A_305 = arith.constant 0 : i32
    %scan3A_306 = arith.constant 0 : i32
    %scan3A_307 = arith.constant 392 : i32
    %scan3A_308 = arith.addi %scan3A_306, %scan3A_307 : i32
    %scan3A_309 = arith.constant 1 : i32
    scf.for %scan3A_318 = %scan3A_306 to %scan3A_308 step %scan3A_309  : i32 {
      %mul3A_319 = arith.constant 512 : i32
      %mul3A_320 = arith.muli %scan3A_318, %mul3A_319 : i32
      %add3A_321 = arith.addi %mul3A_7, %mul3A_320 : i32
      "tpu.region"() ({
        %run_scoped3A_336 = tpu.sem_alloc : memref<!tpu.dma_semaphore, #tpu.memory_space<semaphore_mem>>
        %dma_start3A_337 = tpu.memref_slice %arg6[%add3A_321] : memref<6422528xi32, #tpu.memory_space<hbm>> -> memref<256xi32, #tpu.memory_space<hbm>>
        %dma_start3A_338 = tpu.memref_slice %arg6[%add3A_321] : memref<6422528xi32, #tpu.memory_space<hbm>> -> memref<256xi32, #tpu.memory_space<hbm>>
        tpu.enqueue_dma source(%dma_start3A_338 : memref<256xi32, #tpu.memory_space<hbm>>) target(%arg10 : memref<256xi32, #tpu.memory_space<vmem>>) target_semaphore(%run_scoped3A_336 : memref<!tpu.dma_semaphore, #tpu.memory_space<semaphore_mem>>)
        %dma_wait3A_339 = tpu.memref_slice %arg6[%add3A_321] : memref<6422528xi32, #tpu.memory_space<hbm>> -> memref<256xi32, #tpu.memory_space<hbm>>
        %dma_wait3A_340 = tpu.memref_slice %arg6[%add3A_321] : memref<6422528xi32, #tpu.memory_space<hbm>> -> memref<256xi32, #tpu.memory_space<hbm>>
        tpu.wait_dma2 semaphore(%run_scoped3A_336 : memref<!tpu.dma_semaphore, #tpu.memory_space<semaphore_mem>>) src(%dma_wait3A_340 : memref<256xi32, #tpu.memory_space<hbm>>) dst(%arg10 : memref<256xi32, #tpu.memory_space<vmem>>)
        tpu.yield
      }) : () -> ()
      "tpu.region"() ({
        %run_scoped3A_336 = tpu.sem_alloc : memref<!tpu.dma_semaphore, #tpu.memory_space<semaphore_mem>>
        %dma_start3A_337 = tpu.memref_slice %arg7[%add3A_321] : memref<6422528xi32, #tpu.memory_space<hbm>> -> memref<256xi32, #tpu.memory_space<hbm>>
        %dma_start3A_338 = tpu.memref_slice %arg7[%add3A_321] : memref<6422528xi32, #tpu.memory_space<hbm>> -> memref<256xi32, #tpu.memory_space<hbm>>
        tpu.enqueue_dma source(%dma_start3A_338 : memref<256xi32, #tpu.memory_space<hbm>>) target(%arg11 : memref<256xi32, #tpu.memory_space<vmem>>) target_semaphore(%run_scoped3A_336 : memref<!tpu.dma_semaphore, #tpu.memory_space<semaphore_mem>>)
        %dma_wait3A_339 = tpu.memref_slice %arg7[%add3A_321] : memref<6422528xi32, #tpu.memory_space<hbm>> -> memref<256xi32, #tpu.memory_space<hbm>>
        %dma_wait3A_340 = tpu.memref_slice %arg7[%add3A_321] : memref<6422528xi32, #tpu.memory_space<hbm>> -> memref<256xi32, #tpu.memory_space<hbm>>
        tpu.wait_dma2 semaphore(%run_scoped3A_336 : memref<!tpu.dma_semaphore, #tpu.memory_space<semaphore_mem>>) src(%dma_wait3A_340 : memref<256xi32, #tpu.memory_space<hbm>>) dst(%arg11 : memref<256xi32, #tpu.memory_space<vmem>>)
        tpu.yield
      }) : () -> ()
      %dma_start3A = arith.constant 0 : i32
      %dma_start3A_322 = arith.constant 0 : i32
      %dma_start3A_323 = tpu.memref_slice %arg5[%dma_start3A, %dma_start3A_322] : memref<100000x32xf32, #tpu.memory_space<hbm>> -> memref<100000x32xf32, #tpu.memory_space<hbm>>
      tpu.enqueue_indirect_dma source(%dma_start3A_323 : memref<100000x32xf32, #tpu.memory_space<hbm>>) target(%arg12 : memref<256x32xf32, #tpu.memory_space<vmem>>) offsets(%arg10 : memref<256xi32, #tpu.memory_space<vmem>>) semaphore(%arg17 : memref<!tpu.dma_semaphore, #tpu.memory_space<semaphore_mem>>)
      %add3A_324 = arith.constant 256 : i32
      %add3A_325 = arith.addi %add3A_321, %add3A_324 : i32
      "tpu.region"() ({
        %run_scoped3A_336 = tpu.sem_alloc : memref<!tpu.dma_semaphore, #tpu.memory_space<semaphore_mem>>
        %dma_start3A_337 = tpu.memref_slice %arg6[%add3A_325] : memref<6422528xi32, #tpu.memory_space<hbm>> -> memref<256xi32, #tpu.memory_space<hbm>>
        %dma_start3A_338 = tpu.memref_slice %arg6[%add3A_325] : memref<6422528xi32, #tpu.memory_space<hbm>> -> memref<256xi32, #tpu.memory_space<hbm>>
        tpu.enqueue_dma source(%dma_start3A_338 : memref<256xi32, #tpu.memory_space<hbm>>) target(%arg13 : memref<256xi32, #tpu.memory_space<vmem>>) target_semaphore(%run_scoped3A_336 : memref<!tpu.dma_semaphore, #tpu.memory_space<semaphore_mem>>)
        %dma_wait3A_339 = tpu.memref_slice %arg6[%add3A_325] : memref<6422528xi32, #tpu.memory_space<hbm>> -> memref<256xi32, #tpu.memory_space<hbm>>
        %dma_wait3A_340 = tpu.memref_slice %arg6[%add3A_325] : memref<6422528xi32, #tpu.memory_space<hbm>> -> memref<256xi32, #tpu.memory_space<hbm>>
        tpu.wait_dma2 semaphore(%run_scoped3A_336 : memref<!tpu.dma_semaphore, #tpu.memory_space<semaphore_mem>>) src(%dma_wait3A_340 : memref<256xi32, #tpu.memory_space<hbm>>) dst(%arg13 : memref<256xi32, #tpu.memory_space<vmem>>)
        tpu.yield
      }) : () -> ()
      %add3A_326 = arith.constant 256 : i32
      %add3A_327 = arith.addi %add3A_321, %add3A_326 : i32
      "tpu.region"() ({
        %run_scoped3A_336 = tpu.sem_alloc : memref<!tpu.dma_semaphore, #tpu.memory_space<semaphore_mem>>
        %dma_start3A_337 = tpu.memref_slice %arg7[%add3A_327] : memref<6422528xi32, #tpu.memory_space<hbm>> -> memref<256xi32, #tpu.memory_space<hbm>>
        %dma_start3A_338 = tpu.memref_slice %arg7[%add3A_327] : memref<6422528xi32, #tpu.memory_space<hbm>> -> memref<256xi32, #tpu.memory_space<hbm>>
        tpu.enqueue_dma source(%dma_start3A_338 : memref<256xi32, #tpu.memory_space<hbm>>) target(%arg14 : memref<256xi32, #tpu.memory_space<vmem>>) target_semaphore(%run_scoped3A_336 : memref<!tpu.dma_semaphore, #tpu.memory_space<semaphore_mem>>)
        %dma_wait3A_339 = tpu.memref_slice %arg7[%add3A_327] : memref<6422528xi32, #tpu.memory_space<hbm>> -> memref<256xi32, #tpu.memory_space<hbm>>
        %dma_wait3A_340 = tpu.memref_slice %arg7[%add3A_327] : memref<6422528xi32, #tpu.memory_space<hbm>> -> memref<256xi32, #tpu.memory_space<hbm>>
        tpu.wait_dma2 semaphore(%run_scoped3A_336 : memref<!tpu.dma_semaphore, #tpu.memory_space<semaphore_mem>>) src(%dma_wait3A_340 : memref<256xi32, #tpu.memory_space<hbm>>) dst(%arg14 : memref<256xi32, #tpu.memory_space<vmem>>)
        tpu.yield
      }) : () -> ()
      %dma_start3A_328 = arith.constant 0 : i32
      %dma_start3A_329 = arith.constant 0 : i32
      %dma_start3A_330 = tpu.memref_slice %arg5[%dma_start3A_328, %dma_start3A_329] : memref<100000x32xf32, #tpu.memory_space<hbm>> -> memref<100000x32xf32, #tpu.memory_space<hbm>>
      tpu.enqueue_indirect_dma source(%dma_start3A_330 : memref<100000x32xf32, #tpu.memory_space<hbm>>) target(%arg15 : memref<256x32xf32, #tpu.memory_space<vmem>>) offsets(%arg13 : memref<256xi32, #tpu.memory_space<vmem>>) semaphore(%arg18 : memref<!tpu.dma_semaphore, #tpu.memory_space<semaphore_mem>>)
      %dma_wait3A = arith.constant 0 : i32
      %dma_wait3A_331 = arith.constant 0 : i32
      %dma_wait3A_332 = tpu.memref_slice %arg5[%dma_wait3A, %dma_wait3A_331] : memref<100000x32xf32, #tpu.memory_space<hbm>> -> memref<100000x32xf32, #tpu.memory_space<hbm>>
      tpu.wait_indirect_dma semaphore(%arg17 : memref<!tpu.dma_semaphore, #tpu.memory_space<semaphore_mem>>) src(%dma_wait3A_332 : memref<100000x32xf32, #tpu.memory_space<hbm>>) dst(%arg12 : memref<256x32xf32, #tpu.memory_space<vmem>>)
      %dma_wait3A_333 = arith.constant 0 : i32
      %dma_wait3A_334 = arith.constant 0 : i32
      %dma_wait3A_335 = tpu.memref_slice %arg5[%dma_wait3A_333, %dma_wait3A_334] : memref<100000x32xf32, #tpu.memory_space<hbm>> -> memref<100000x32xf32, #tpu.memory_space<hbm>>
      tpu.wait_indirect_dma semaphore(%arg18 : memref<!tpu.dma_semaphore, #tpu.memory_space<semaphore_mem>>) src(%dma_wait3A_335 : memref<100000x32xf32, #tpu.memory_space<hbm>>) dst(%arg15 : memref<256x32xf32, #tpu.memory_space<vmem>>)
    }
    %scan3A_310 = arith.constant 392 : i32
    %barrier3A_311 = arith.constant 0 : index
    tpu.barrier barrier_id(%barrier3A_311)
    %mul3A_312 = arith.constant 6400 : i32
    %mul3A_313 = arith.muli %arg1, %mul3A_312 : i32
    %mul3A_314 = arith.constant 6400 : i32
    %mul3A_315 = arith.muli %arg1, %mul3A_314 : i32
    %run_scoped3A_316 = arith.constant 3 : i32
    "tpu.region"() ({
      %run_scoped3A_318 = tpu.sem_alloc : memref<!tpu.dma_semaphore, #tpu.memory_space<semaphore_mem>>
      %dma_start3A = arith.constant 0 : i32
      %dma_start3A_319 = tpu.memref_slice %arg8[%run_scoped3A_316, %arg0, %mul3A_315, %dma_start3A] : memref<4x2x102400x16xf32, #tpu.memory_space<hbm>> -> memref<1x1x6400x16xf32, #tpu.memory_space<hbm>>
      %dma_start3A_320 = tpu.memref_squeeze %dma_start3A_319 : memref<1x1x6400x16xf32, #tpu.memory_space<hbm>> -> memref<6400x16xf32, #tpu.memory_space<hbm>>
      %dma_start3A_321 = arith.constant 0 : i32
      %dma_start3A_322 = tpu.memref_slice %arg9[%mul3A_313, %dma_start3A_321] : memref<102400x16xf32, #tpu.memory_space<vmem_shared>> -> memref<6400x16xf32, #tpu.memory_space<vmem_shared>>
      tpu.enqueue_dma source(%dma_start3A_322 : memref<6400x16xf32, #tpu.memory_space<vmem_shared>>) target(%dma_start3A_320 : memref<6400x16xf32, #tpu.memory_space<hbm>>) target_semaphore(%run_scoped3A_318 : memref<!tpu.dma_semaphore, #tpu.memory_space<semaphore_mem>>)
      %dma_wait3A = arith.constant 0 : i32
      %dma_wait3A_323 = tpu.memref_slice %arg8[%run_scoped3A_316, %arg0, %mul3A_315, %dma_wait3A] : memref<4x2x102400x16xf32, #tpu.memory_space<hbm>> -> memref<1x1x6400x16xf32, #tpu.memory_space<hbm>>
      %dma_wait3A_324 = tpu.memref_squeeze %dma_wait3A_323 : memref<1x1x6400x16xf32, #tpu.memory_space<hbm>> -> memref<6400x16xf32, #tpu.memory_space<hbm>>
      %dma_wait3A_325 = arith.constant 0 : i32
      %dma_wait3A_326 = tpu.memref_slice %arg9[%mul3A_313, %dma_wait3A_325] : memref<102400x16xf32, #tpu.memory_space<vmem_shared>> -> memref<6400x16xf32, #tpu.memory_space<vmem_shared>>
      tpu.wait_dma2 semaphore(%run_scoped3A_318 : memref<!tpu.dma_semaphore, #tpu.memory_space<semaphore_mem>>) src(%dma_wait3A_326 : memref<6400x16xf32, #tpu.memory_space<vmem_shared>>) dst(%dma_wait3A_324 : memref<6400x16xf32, #tpu.memory_space<hbm>>)
      tpu.yield
    }) : () -> ()
    %barrier3A_317 = arith.constant 0 : index
    tpu.barrier barrier_id(%barrier3A_317)
    return
  }
}

module attributes {stable_mosaic.version = 14 : i64} {
  func.func @_enc1_body(%arg0: i32, %arg1: memref<1024x6xf32, #tpu.memory_space<vmem>>, %arg2: memref<6x64xf32, #tpu.memory_space<vmem>>, %arg3: memref<32x1024xf32, #tpu.memory_space<vmem>>, %arg4: memref<1024xf32, #tpu.memory_space<vmem>>, %arg5: memref<1024x16xf32, #tpu.memory_space<vmem>>, %arg6: memref<1024x16xf32, #tpu.memory_space<vmem>>, %arg7: memref<1024x16xf32, #tpu.memory_space<vmem>>, %arg8: memref<1024x16xf32, #tpu.memory_space<vmem>>) attributes {dimension_semantics = [#tpu.dimension_semantics<arbitrary>], iteration_bounds = array<i64: 98>, scalar_prefetch = 0 : i64, scratch_operands = 0 : i64, tpu.core_type = #tpu.core_type<tc>, window_params = [{transform_indices = @transform_0, window_bounds = array<i64: 1024, 6>}, {pipeline_mode = #tpu.pipeline_mode<synchronous>, transform_indices = @transform_1, window_bounds = array<i64: 6, 64>}, {transform_indices = @transform_2, window_bounds = array<i64: 32, 1024>}, {transform_indices = @transform_3, window_bounds = array<i64: 1024>}, {transform_indices = @transform_4, window_bounds = array<i64: 1024, 16>}, {transform_indices = @transform_5, window_bounds = array<i64: 1024, 16>}, {transform_indices = @transform_6, window_bounds = array<i64: 1024, 16>}, {transform_indices = @transform_7, window_bounds = array<i64: 1024, 16>}]} {
    %get3A = arith.constant 0 : index
    %get3A_0 = arith.constant 0 : index
    %get3A_1 = vector.load %arg3[%get3A, %get3A_0] : memref<32x1024xf32, #tpu.memory_space<vmem>>, vector<32x1024xf32>
    %reduce_sum3A = arith.constant dense<0.000000e+00> : vector<1024xf32>
    %reduce_sum3A_2 = vector.multi_reduction <add>, %get3A_1, %reduce_sum3A [0] : vector<32x1024xf32> to vector<1024xf32>
    %add3A = arith.constant 1.000000e+00 : f32
    %add3A_3 = vector.broadcast %add3A : f32 to vector<1024xf32>
    %add3A_4 = arith.addf %reduce_sum3A_2, %add3A_3 : vector<1024xf32>
    %rsqrt3A = math.rsqrt %add3A_4 : vector<1024xf32>
    %swap3A = arith.constant 0 : index
    %swap3A_5 = vector.load %arg4[%swap3A] : memref<1024xf32, #tpu.memory_space<vmem>>, vector<1024xf32>
    tpu.vector_store %arg4[%swap3A], %rsqrt3A {strides = array<i32>} : memref<1024xf32, #tpu.memory_space<vmem>>, vector<1024xf32>,
    %get3A_6 = arith.constant 0 : index
    %get3A_7 = arith.constant 0 : index
    %get3A_8 = vector.load %arg1[%get3A_6, %get3A_7] : memref<1024x6xf32, #tpu.memory_space<vmem>>, vector<1024x6xf32>
    %get3A_9 = arith.constant 0 : index
    %get3A_10 = arith.constant 0 : index
    %get3A_11 = vector.load %arg2[%get3A_9, %get3A_10] : memref<6x64xf32, #tpu.memory_space<vmem>>, vector<6x64xf32>
    %dot_general3A = arith.constant dense<0.000000e+00> : vector<1024x64xf32>
    %dot_general3A_12 = tpu.matmul %get3A_8, %get3A_11, %dot_general3A {dimension_numbers = #tpu.dot_dimension_numbers<[1], [0], [0], [1], [0, 0, 1, 1], [], []>, transpose_lhs_hint = false} : vector<1024x6xf32>, vector<6x64xf32>, vector<1024x64xf32> -> vector<1024x64xf32>
    %broadcast_in_dim3A = vector.shape_cast %rsqrt3A : vector<1024xf32> to vector<1024x1xf32>
    %mul3A = vector.broadcast %broadcast_in_dim3A : vector<1024x1xf32> to vector<1024x64xf32>
    %mul3A_13 = arith.mulf %dot_general3A_12, %mul3A : vector<1024x64xf32>
    %slice3A = vector.extract_strided_slice %mul3A_13 {offsets = [0, 0], sizes = [1024, 16], strides = [1, 1]} : vector<1024x64xf32> to vector<1024x16xf32>
    %swap3A_14 = arith.constant 0 : index
    %swap3A_15 = arith.constant 0 : index
    %swap3A_16 = vector.load %arg5[%swap3A_14, %swap3A_15] : memref<1024x16xf32, #tpu.memory_space<vmem>>, vector<1024x16xf32>
    tpu.vector_store %arg5[%swap3A_14, %swap3A_15], %slice3A {strides = array<i32>} : memref<1024x16xf32, #tpu.memory_space<vmem>>, vector<1024x16xf32>,
    %slice3A_17 = vector.extract_strided_slice %mul3A_13 {offsets = [0, 16], sizes = [1024, 16], strides = [1, 1]} : vector<1024x64xf32> to vector<1024x16xf32>
    %swap3A_18 = arith.constant 0 : index
    %swap3A_19 = arith.constant 0 : index
    %swap3A_20 = vector.load %arg6[%swap3A_18, %swap3A_19] : memref<1024x16xf32, #tpu.memory_space<vmem>>, vector<1024x16xf32>
    tpu.vector_store %arg6[%swap3A_18, %swap3A_19], %slice3A_17 {strides = array<i32>} : memref<1024x16xf32, #tpu.memory_space<vmem>>, vector<1024x16xf32>,
    %slice3A_21 = vector.extract_strided_slice %mul3A_13 {offsets = [0, 32], sizes = [1024, 16], strides = [1, 1]} : vector<1024x64xf32> to vector<1024x16xf32>
    %swap3A_22 = arith.constant 0 : index
    %swap3A_23 = arith.constant 0 : index
    %swap3A_24 = vector.load %arg7[%swap3A_22, %swap3A_23] : memref<1024x16xf32, #tpu.memory_space<vmem>>, vector<1024x16xf32>
    tpu.vector_store %arg7[%swap3A_22, %swap3A_23], %slice3A_21 {strides = array<i32>} : memref<1024x16xf32, #tpu.memory_space<vmem>>, vector<1024x16xf32>,
    %slice3A_25 = vector.extract_strided_slice %mul3A_13 {offsets = [0, 48], sizes = [1024, 16], strides = [1, 1]} : vector<1024x64xf32> to vector<1024x16xf32>
    %swap3A_26 = arith.constant 0 : index
    %swap3A_27 = arith.constant 0 : index
    %swap3A_28 = vector.load %arg8[%swap3A_26, %swap3A_27] : memref<1024x16xf32, #tpu.memory_space<vmem>>, vector<1024x16xf32>
    tpu.vector_store %arg8[%swap3A_26, %swap3A_27], %slice3A_25 {strides = array<i32>} : memref<1024x16xf32, #tpu.memory_space<vmem>>, vector<1024x16xf32>,
    return
  }
  func.func @transform_0(%arg0: i32) -> (i32, i32) {
    %c0_i32 = arith.constant 0 : i32
    %c0_i32_0 = arith.constant 0 : i32
    return %arg0, %c0_i32 : i32, i32
  }
  func.func @transform_1(%arg0: i32) -> (i32, i32) {
    %c0_i32 = arith.constant 0 : i32
    %c0_i32_0 = arith.constant 0 : i32
    %c0_i32_1 = arith.constant 0 : i32
    return %c0_i32, %c0_i32_0 : i32, i32
  }
  func.func @transform_2(%arg0: i32) -> (i32, i32) {
    %c0_i32 = arith.constant 0 : i32
    %c0_i32_0 = arith.constant 0 : i32
    return %c0_i32, %arg0 : i32, i32
  }
  func.func @transform_3(%arg0: i32) -> i32 {
    %c0_i32 = arith.constant 0 : i32
    return %arg0 : i32
  }
  func.func @transform_4(%arg0: i32) -> (i32, i32) {
    %c0_i32 = arith.constant 0 : i32
    %c0_i32_0 = arith.constant 0 : i32
    return %arg0, %c0_i32 : i32, i32
  }
  func.func @transform_5(%arg0: i32) -> (i32, i32) {
    %c0_i32 = arith.constant 0 : i32
    %c0_i32_0 = arith.constant 0 : i32
    return %arg0, %c0_i32 : i32, i32
  }
  func.func @transform_6(%arg0: i32) -> (i32, i32) {
    %c0_i32 = arith.constant 0 : i32
    %c0_i32_0 = arith.constant 0 : i32
    return %arg0, %c0_i32 : i32, i32
  }
  func.func @transform_7(%arg0: i32) -> (i32, i32) {
    %c0_i32 = arith.constant 0 : i32
    %c0_i32_0 = arith.constant 0 : i32
    return %arg0, %c0_i32 : i32, i32
  }
}

module attributes {stable_mosaic.version = 14 : i64} {
  func.func @_mid_body(%arg0: i32, %arg1: memref<4x2x1024x16xf32, #tpu.memory_space<vmem>>, %arg2: memref<1024x16xf32, #tpu.memory_space<vmem>>, %arg3: memref<1024x16xf32, #tpu.memory_space<vmem>>, %arg4: memref<1024x16xf32, #tpu.memory_space<vmem>>, %arg5: memref<1024x16xf32, #tpu.memory_space<vmem>>, %arg6: memref<1024xf32, #tpu.memory_space<vmem>>, %arg7: memref<1x64xf32, #tpu.memory_space<vmem>>, %arg8: memref<64x50xf32, #tpu.memory_space<vmem>>, %arg9: memref<1024x16xf32, #tpu.memory_space<vmem>>, %arg10: memref<1024x16xf32, #tpu.memory_space<vmem>>, %arg11: memref<1024x16xf32, #tpu.memory_space<vmem>>, %arg12: memref<1024x16xf32, #tpu.memory_space<vmem>>) attributes {dimension_semantics = [#tpu.dimension_semantics<arbitrary>], iteration_bounds = array<i64: 98>, scalar_prefetch = 0 : i64, scratch_operands = 0 : i64, tpu.core_type = #tpu.core_type<tc>, window_params = [{transform_indices = @transform_0, window_bounds = array<i64: 4, 2, 1024, 16>}, {transform_indices = @transform_1, window_bounds = array<i64: 1024, 16>}, {transform_indices = @transform_2, window_bounds = array<i64: 1024, 16>}, {transform_indices = @transform_3, window_bounds = array<i64: 1024, 16>}, {transform_indices = @transform_4, window_bounds = array<i64: 1024, 16>}, {transform_indices = @transform_5, window_bounds = array<i64: 1024>}, {pipeline_mode = #tpu.pipeline_mode<synchronous>, transform_indices = @transform_6, window_bounds = array<i64: 1, 64>}, {pipeline_mode = #tpu.pipeline_mode<synchronous>, transform_indices = @transform_7, window_bounds = array<i64: 64, 50>}, {transform_indices = @transform_8, window_bounds = array<i64: 1024, 16>}, {transform_indices = @transform_9, window_bounds = array<i64: 1024, 16>}, {transform_indices = @transform_10, window_bounds = array<i64: 1024, 16>}, {transform_indices = @transform_11, window_bounds = array<i64: 1024, 16>}]} {
    %get3A = arith.constant 0 : index
    %get3A_0 = vector.load %arg6[%get3A] : memref<1024xf32, #tpu.memory_space<vmem>>, vector<1024xf32>
    %get3A_1 = arith.constant 0 : index
    %get3A_2 = arith.constant 0 : index
    %get3A_3 = arith.constant 0 : index
    %get3A_4 = arith.constant 0 : index
    %get3A_5 = vector.load %arg1[%get3A_1, %get3A_2, %get3A_3, %get3A_4] : memref<4x2x1024x16xf32, #tpu.memory_space<vmem>>, vector<4x2x1024x16xf32>
    %get3A_6 = arith.constant 0 : index
    %get3A_7 = arith.constant 0 : index
    %get3A_8 = vector.load %arg7[%get3A_6, %get3A_7] : memref<1x64xf32, #tpu.memory_space<vmem>>, vector<1x64xf32>
    %get3A_9 = arith.constant 0 : index
    %get3A_10 = arith.constant 0 : index
    %get3A_11 = vector.load %arg8[%get3A_9, %get3A_10] : memref<64x50xf32, #tpu.memory_space<vmem>>, vector<64x50xf32>
    %broadcast_in_dim3A = arith.constant 0.000000e+00 : f32
    %broadcast_in_dim3A_12 = vector.broadcast %broadcast_in_dim3A : f32 to vector<1024x50xf32>
    %slice3A = vector.extract_strided_slice %get3A_5 {offsets = [0, 0, 0, 0], sizes = [1, 1, 1024, 16], strides = [1, 1, 1, 1]} : vector<4x2x1024x16xf32> to vector<1x1x1024x16xf32>
    %squeeze3A = vector.shape_cast %slice3A : vector<1x1x1024x16xf32> to vector<1024x16xf32>
    %slice3A_13 = vector.extract_strided_slice %get3A_5 {offsets = [0, 1, 0, 0], sizes = [1, 1, 1024, 16], strides = [1, 1, 1, 1]} : vector<4x2x1024x16xf32> to vector<1x1x1024x16xf32>
    %squeeze3A_14 = vector.shape_cast %slice3A_13 : vector<1x1x1024x16xf32> to vector<1024x16xf32>
    %add3A = arith.addf %squeeze3A, %squeeze3A_14 : vector<1024x16xf32>
    %get3A_15 = arith.constant 0 : index
    %get3A_16 = arith.constant 0 : index
    %get3A_17 = vector.load %arg2[%get3A_15, %get3A_16] : memref<1024x16xf32, #tpu.memory_space<vmem>>, vector<1024x16xf32>
    %add3A_18 = arith.addf %add3A, %get3A_17 : vector<1024x16xf32>
    %broadcast_in_dim3A_19 = vector.shape_cast %get3A_0 : vector<1024xf32> to vector<1024x1xf32>
    %mul3A = vector.broadcast %broadcast_in_dim3A_19 : vector<1024x1xf32> to vector<1024x16xf32>
    %mul3A_20 = arith.mulf %add3A_18, %mul3A : vector<1024x16xf32>
    %slice3A_21 = vector.extract_strided_slice %get3A_8 {offsets = [0, 0], sizes = [1, 16], strides = [1, 1]} : vector<1x64xf32> to vector<1x16xf32>
    %add3A_22 = vector.broadcast %slice3A_21 : vector<1x16xf32> to vector<1024x16xf32>
    %add3A_23 = arith.addf %mul3A_20, %add3A_22 : vector<1024x16xf32>
    %max3A = arith.constant 0.000000e+00 : f32
    %max3A_24 = vector.broadcast %max3A : f32 to vector<1024x16xf32>
    %max3A_25 = arith.maximumf %add3A_23, %max3A_24 : vector<1024x16xf32>
    %slice3A_26 = vector.extract_strided_slice %get3A_11 {offsets = [0, 0], sizes = [16, 50], strides = [1, 1]} : vector<64x50xf32> to vector<16x50xf32>
    %dot_general3A = arith.constant dense<0.000000e+00> : vector<1024x50xf32>
    %dot_general3A_27 = tpu.matmul %max3A_25, %slice3A_26, %dot_general3A {dimension_numbers = #tpu.dot_dimension_numbers<[1], [0], [0], [1], [0, 0, 1, 1], [], []>, transpose_lhs_hint = false} : vector<1024x16xf32>, vector<16x50xf32>, vector<1024x50xf32> -> vector<1024x50xf32>
    %add3A_28 = arith.addf %broadcast_in_dim3A_12, %dot_general3A_27 : vector<1024x50xf32>
    %slice3A_29 = vector.extract_strided_slice %get3A_5 {offsets = [1, 0, 0, 0], sizes = [1, 1, 1024, 16], strides = [1, 1, 1, 1]} : vector<4x2x1024x16xf32> to vector<1x1x1024x16xf32>
    %squeeze3A_30 = vector.shape_cast %slice3A_29 : vector<1x1x1024x16xf32> to vector<1024x16xf32>
    %slice3A_31 = vector.extract_strided_slice %get3A_5 {offsets = [1, 1, 0, 0], sizes = [1, 1, 1024, 16], strides = [1, 1, 1, 1]} : vector<4x2x1024x16xf32> to vector<1x1x1024x16xf32>
    %squeeze3A_32 = vector.shape_cast %slice3A_31 : vector<1x1x1024x16xf32> to vector<1024x16xf32>
    %add3A_33 = arith.addf %squeeze3A_30, %squeeze3A_32 : vector<1024x16xf32>
    %get3A_34 = arith.constant 0 : index
    %get3A_35 = arith.constant 0 : index
    %get3A_36 = vector.load %arg3[%get3A_34, %get3A_35] : memref<1024x16xf32, #tpu.memory_space<vmem>>, vector<1024x16xf32>
    %add3A_37 = arith.addf %add3A_33, %get3A_36 : vector<1024x16xf32>
    %broadcast_in_dim3A_38 = vector.shape_cast %get3A_0 : vector<1024xf32> to vector<1024x1xf32>
    %mul3A_39 = vector.broadcast %broadcast_in_dim3A_38 : vector<1024x1xf32> to vector<1024x16xf32>
    %mul3A_40 = arith.mulf %add3A_37, %mul3A_39 : vector<1024x16xf32>
    %slice3A_41 = vector.extract_strided_slice %get3A_8 {offsets = [0, 16], sizes = [1, 16], strides = [1, 1]} : vector<1x64xf32> to vector<1x16xf32>
    %add3A_42 = vector.broadcast %slice3A_41 : vector<1x16xf32> to vector<1024x16xf32>
    %add3A_43 = arith.addf %mul3A_40, %add3A_42 : vector<1024x16xf32>
    %max3A_44 = arith.constant 0.000000e+00 : f32
    %max3A_45 = vector.broadcast %max3A_44 : f32 to vector<1024x16xf32>
    %max3A_46 = arith.maximumf %add3A_43, %max3A_45 : vector<1024x16xf32>
    %slice3A_47 = vector.extract_strided_slice %get3A_11 {offsets = [16, 0], sizes = [16, 50], strides = [1, 1]} : vector<64x50xf32> to vector<16x50xf32>
    %dot_general3A_48 = arith.constant dense<0.000000e+00> : vector<1024x50xf32>
    %dot_general3A_49 = tpu.matmul %max3A_46, %slice3A_47, %dot_general3A_48 {dimension_numbers = #tpu.dot_dimension_numbers<[1], [0], [0], [1], [0, 0, 1, 1], [], []>, transpose_lhs_hint = false} : vector<1024x16xf32>, vector<16x50xf32>, vector<1024x50xf32> -> vector<1024x50xf32>
    %add3A_50 = arith.addf %add3A_28, %dot_general3A_49 : vector<1024x50xf32>
    %slice3A_51 = vector.extract_strided_slice %get3A_5 {offsets = [2, 0, 0, 0], sizes = [1, 1, 1024, 16], strides = [1, 1, 1, 1]} : vector<4x2x1024x16xf32> to vector<1x1x1024x16xf32>
    %squeeze3A_52 = vector.shape_cast %slice3A_51 : vector<1x1x1024x16xf32> to vector<1024x16xf32>
    %slice3A_53 = vector.extract_strided_slice %get3A_5 {offsets = [2, 1, 0, 0], sizes = [1, 1, 1024, 16], strides = [1, 1, 1, 1]} : vector<4x2x1024x16xf32> to vector<1x1x1024x16xf32>
    %squeeze3A_54 = vector.shape_cast %slice3A_53 : vector<1x1x1024x16xf32> to vector<1024x16xf32>
    %add3A_55 = arith.addf %squeeze3A_52, %squeeze3A_54 : vector<1024x16xf32>
    %get3A_56 = arith.constant 0 : index
    %get3A_57 = arith.constant 0 : index
    %get3A_58 = vector.load %arg4[%get3A_56, %get3A_57] : memref<1024x16xf32, #tpu.memory_space<vmem>>, vector<1024x16xf32>
    %add3A_59 = arith.addf %add3A_55, %get3A_58 : vector<1024x16xf32>
    %broadcast_in_dim3A_60 = vector.shape_cast %get3A_0 : vector<1024xf32> to vector<1024x1xf32>
    %mul3A_61 = vector.broadcast %broadcast_in_dim3A_60 : vector<1024x1xf32> to vector<1024x16xf32>
    %mul3A_62 = arith.mulf %add3A_59, %mul3A_61 : vector<1024x16xf32>
    %slice3A_63 = vector.extract_strided_slice %get3A_8 {offsets = [0, 32], sizes = [1, 16], strides = [1, 1]} : vector<1x64xf32> to vector<1x16xf32>
    %add3A_64 = vector.broadcast %slice3A_63 : vector<1x16xf32> to vector<1024x16xf32>
    %add3A_65 = arith.addf %mul3A_62, %add3A_64 : vector<1024x16xf32>
    %max3A_66 = arith.constant 0.000000e+00 : f32
    %max3A_67 = vector.broadcast %max3A_66 : f32 to vector<1024x16xf32>
    %max3A_68 = arith.maximumf %add3A_65, %max3A_67 : vector<1024x16xf32>
    %slice3A_69 = vector.extract_strided_slice %get3A_11 {offsets = [32, 0], sizes = [16, 50], strides = [1, 1]} : vector<64x50xf32> to vector<16x50xf32>
    %dot_general3A_70 = arith.constant dense<0.000000e+00> : vector<1024x50xf32>
    %dot_general3A_71 = tpu.matmul %max3A_68, %slice3A_69, %dot_general3A_70 {dimension_numbers = #tpu.dot_dimension_numbers<[1], [0], [0], [1], [0, 0, 1, 1], [], []>, transpose_lhs_hint = false} : vector<1024x16xf32>, vector<16x50xf32>, vector<1024x50xf32> -> vector<1024x50xf32>
    %add3A_72 = arith.addf %add3A_50, %dot_general3A_71 : vector<1024x50xf32>
    %slice3A_73 = vector.extract_strided_slice %get3A_5 {offsets = [3, 0, 0, 0], sizes = [1, 1, 1024, 16], strides = [1, 1, 1, 1]} : vector<4x2x1024x16xf32> to vector<1x1x1024x16xf32>
    %squeeze3A_74 = vector.shape_cast %slice3A_73 : vector<1x1x1024x16xf32> to vector<1024x16xf32>
    %slice3A_75 = vector.extract_strided_slice %get3A_5 {offsets = [3, 1, 0, 0], sizes = [1, 1, 1024, 16], strides = [1, 1, 1, 1]} : vector<4x2x1024x16xf32> to vector<1x1x1024x16xf32>
    %squeeze3A_76 = vector.shape_cast %slice3A_75 : vector<1x1x1024x16xf32> to vector<1024x16xf32>
    %add3A_77 = arith.addf %squeeze3A_74, %squeeze3A_76 : vector<1024x16xf32>
    %get3A_78 = arith.constant 0 : index
    %get3A_79 = arith.constant 0 : index
    %get3A_80 = vector.load %arg5[%get3A_78, %get3A_79] : memref<1024x16xf32, #tpu.memory_space<vmem>>, vector<1024x16xf32>
    %add3A_81 = arith.addf %add3A_77, %get3A_80 : vector<1024x16xf32>
    %broadcast_in_dim3A_82 = vector.shape_cast %get3A_0 : vector<1024xf32> to vector<1024x1xf32>
    %mul3A_83 = vector.broadcast %broadcast_in_dim3A_82 : vector<1024x1xf32> to vector<1024x16xf32>
    %mul3A_84 = arith.mulf %add3A_81, %mul3A_83 : vector<1024x16xf32>
    %slice3A_85 = vector.extract_strided_slice %get3A_8 {offsets = [0, 48], sizes = [1, 16], strides = [1, 1]} : vector<1x64xf32> to vector<1x16xf32>
    %add3A_86 = vector.broadcast %slice3A_85 : vector<1x16xf32> to vector<1024x16xf32>
    %add3A_87 = arith.addf %mul3A_84, %add3A_86 : vector<1024x16xf32>
    %max3A_88 = arith.constant 0.000000e+00 : f32
    %max3A_89 = vector.broadcast %max3A_88 : f32 to vector<1024x16xf32>
    %max3A_90 = arith.maximumf %add3A_87, %max3A_89 : vector<1024x16xf32>
    %slice3A_91 = vector.extract_strided_slice %get3A_11 {offsets = [48, 0], sizes = [16, 50], strides = [1, 1]} : vector<64x50xf32> to vector<16x50xf32>
    %dot_general3A_92 = arith.constant dense<0.000000e+00> : vector<1024x50xf32>
    %dot_general3A_93 = tpu.matmul %max3A_90, %slice3A_91, %dot_general3A_92 {dimension_numbers = #tpu.dot_dimension_numbers<[1], [0], [0], [1], [0, 0, 1, 1], [], []>, transpose_lhs_hint = false} : vector<1024x16xf32>, vector<16x50xf32>, vector<1024x50xf32> -> vector<1024x50xf32>
    %add3A_94 = arith.addf %add3A_72, %dot_general3A_93 : vector<1024x50xf32>
    %broadcast_in_dim3A_95 = vector.shape_cast %get3A_0 : vector<1024xf32> to vector<1024x1xf32>
    %mul3A_96 = vector.broadcast %broadcast_in_dim3A_95 : vector<1024x1xf32> to vector<1024x50xf32>
    %mul3A_97 = arith.mulf %add3A_94, %mul3A_96 : vector<1024x50xf32>
    %broadcast_in_dim3A_98 = arith.constant 0.000000e+00 : f32
    %broadcast_in_dim3A_99 = vector.broadcast %broadcast_in_dim3A_98 : f32 to vector<1024x14xf32>
    %concatenate3A = tpu.concatenate %mul3A_97, %broadcast_in_dim3A_99 in 1 : vector<1024x50xf32>, vector<1024x14xf32> -> vector<1024x64xf32>
    %slice3A_100 = vector.extract_strided_slice %concatenate3A {offsets = [0, 0], sizes = [1024, 16], strides = [1, 1]} : vector<1024x64xf32> to vector<1024x16xf32>
    %swap3A = arith.constant 0 : index
    %swap3A_101 = arith.constant 0 : index
    %swap3A_102 = vector.load %arg9[%swap3A, %swap3A_101] : memref<1024x16xf32, #tpu.memory_space<vmem>>, vector<1024x16xf32>
    tpu.vector_store %arg9[%swap3A, %swap3A_101], %slice3A_100 {strides = array<i32>} : memref<1024x16xf32, #tpu.memory_space<vmem>>, vector<1024x16xf32>,
    %slice3A_103 = vector.extract_strided_slice %concatenate3A {offsets = [0, 16], sizes = [1024, 16], strides = [1, 1]} : vector<1024x64xf32> to vector<1024x16xf32>
    %swap3A_104 = arith.constant 0 : index
    %swap3A_105 = arith.constant 0 : index
    %swap3A_106 = vector.load %arg10[%swap3A_104, %swap3A_105] : memref<1024x16xf32, #tpu.memory_space<vmem>>, vector<1024x16xf32>
    tpu.vector_store %arg10[%swap3A_104, %swap3A_105], %slice3A_103 {strides = array<i32>} : memref<1024x16xf32, #tpu.memory_space<vmem>>, vector<1024x16xf32>,
    %slice3A_107 = vector.extract_strided_slice %concatenate3A {offsets = [0, 32], sizes = [1024, 16], strides = [1, 1]} : vector<1024x64xf32> to vector<1024x16xf32>
    %swap3A_108 = arith.constant 0 : index
    %swap3A_109 = arith.constant 0 : index
    %swap3A_110 = vector.load %arg11[%swap3A_108, %swap3A_109] : memref<1024x16xf32, #tpu.memory_space<vmem>>, vector<1024x16xf32>
    tpu.vector_store %arg11[%swap3A_108, %swap3A_109], %slice3A_107 {strides = array<i32>} : memref<1024x16xf32, #tpu.memory_space<vmem>>, vector<1024x16xf32>,
    %slice3A_111 = vector.extract_strided_slice %concatenate3A {offsets = [0, 48], sizes = [1024, 16], strides = [1, 1]} : vector<1024x64xf32> to vector<1024x16xf32>
    %swap3A_112 = arith.constant 0 : index
    %swap3A_113 = arith.constant 0 : index
    %swap3A_114 = vector.load %arg12[%swap3A_112, %swap3A_113] : memref<1024x16xf32, #tpu.memory_space<vmem>>, vector<1024x16xf32>
    tpu.vector_store %arg12[%swap3A_112, %swap3A_113], %slice3A_111 {strides = array<i32>} : memref<1024x16xf32, #tpu.memory_space<vmem>>, vector<1024x16xf32>,
    return
  }
  func.func @transform_0(%arg0: i32) -> (i32, i32, i32, i32) {
    %c0_i32 = arith.constant 0 : i32
    %c0_i32_0 = arith.constant 0 : i32
    %c0_i32_1 = arith.constant 0 : i32
    %c0_i32_2 = arith.constant 0 : i32
    return %c0_i32, %c0_i32_0, %arg0, %c0_i32_1 : i32, i32, i32, i32
  }
  func.func @transform_1(%arg0: i32) -> (i32, i32) {
    %c0_i32 = arith.constant 0 : i32
    %c0_i32_0 = arith.constant 0 : i32
    return %arg0, %c0_i32 : i32, i32
  }
  func.func @transform_2(%arg0: i32) -> (i32, i32) {
    %c0_i32 = arith.constant 0 : i32
    %c0_i32_0 = arith.constant 0 : i32
    return %arg0, %c0_i32 : i32, i32
  }
  func.func @transform_3(%arg0: i32) -> (i32, i32) {
    %c0_i32 = arith.constant 0 : i32
    %c0_i32_0 = arith.constant 0 : i32
    return %arg0, %c0_i32 : i32, i32
  }
  func.func @transform_4(%arg0: i32) -> (i32, i32) {
    %c0_i32 = arith.constant 0 : i32
    %c0_i32_0 = arith.constant 0 : i32
    return %arg0, %c0_i32 : i32, i32
  }
  func.func @transform_5(%arg0: i32) -> i32 {
    %c0_i32 = arith.constant 0 : i32
    return %arg0 : i32
  }
  func.func @transform_6(%arg0: i32) -> (i32, i32) {
    %c0_i32 = arith.constant 0 : i32
    %c0_i32_0 = arith.constant 0 : i32
    %c0_i32_1 = arith.constant 0 : i32
    return %c0_i32, %c0_i32_0 : i32, i32
  }
  func.func @transform_7(%arg0: i32) -> (i32, i32) {
    %c0_i32 = arith.constant 0 : i32
    %c0_i32_0 = arith.constant 0 : i32
    %c0_i32_1 = arith.constant 0 : i32
    return %c0_i32, %c0_i32_0 : i32, i32
  }
  func.func @transform_8(%arg0: i32) -> (i32, i32) {
    %c0_i32 = arith.constant 0 : i32
    %c0_i32_0 = arith.constant 0 : i32
    return %arg0, %c0_i32 : i32, i32
  }
  func.func @transform_9(%arg0: i32) -> (i32, i32) {
    %c0_i32 = arith.constant 0 : i32
    %c0_i32_0 = arith.constant 0 : i32
    return %arg0, %c0_i32 : i32, i32
  }
  func.func @transform_10(%arg0: i32) -> (i32, i32) {
    %c0_i32 = arith.constant 0 : i32
    %c0_i32_0 = arith.constant 0 : i32
    return %arg0, %c0_i32 : i32, i32
  }
  func.func @transform_11(%arg0: i32) -> (i32, i32) {
    %c0_i32 = arith.constant 0 : i32
    %c0_i32_0 = arith.constant 0 : i32
    return %arg0, %c0_i32 : i32, i32
  }
}

module attributes {stable_mosaic.version = 14 : i64} {
  func.func @_fin_body(%arg0: i32, %arg1: memref<4x2x1024x16xf32, #tpu.memory_space<vmem>>, %arg2: memref<1024x16xf32, #tpu.memory_space<vmem>>, %arg3: memref<1024x16xf32, #tpu.memory_space<vmem>>, %arg4: memref<1024x16xf32, #tpu.memory_space<vmem>>, %arg5: memref<1024x16xf32, #tpu.memory_space<vmem>>, %arg6: memref<1024xf32, #tpu.memory_space<vmem>>, %arg7: memref<1x50xf32, #tpu.memory_space<vmem>>, %arg8: memref<1024x50xf32, #tpu.memory_space<vmem>>) attributes {dimension_semantics = [#tpu.dimension_semantics<arbitrary>], iteration_bounds = array<i64: 98>, scalar_prefetch = 0 : i64, scratch_operands = 0 : i64, tpu.core_type = #tpu.core_type<tc>, window_params = [{transform_indices = @transform_0, window_bounds = array<i64: 4, 2, 1024, 16>}, {transform_indices = @transform_1, window_bounds = array<i64: 1024, 16>}, {transform_indices = @transform_2, window_bounds = array<i64: 1024, 16>}, {transform_indices = @transform_3, window_bounds = array<i64: 1024, 16>}, {transform_indices = @transform_4, window_bounds = array<i64: 1024, 16>}, {transform_indices = @transform_5, window_bounds = array<i64: 1024>}, {pipeline_mode = #tpu.pipeline_mode<synchronous>, transform_indices = @transform_6, window_bounds = array<i64: 1, 50>}, {transform_indices = @transform_7, window_bounds = array<i64: 1024, 50>}]} {
    %get3A = arith.constant 0 : index
    %get3A_0 = vector.load %arg6[%get3A] : memref<1024xf32, #tpu.memory_space<vmem>>, vector<1024xf32>
    %get3A_1 = arith.constant 0 : index
    %get3A_2 = arith.constant 0 : index
    %get3A_3 = arith.constant 0 : index
    %get3A_4 = arith.constant 0 : index
    %get3A_5 = vector.load %arg1[%get3A_1, %get3A_2, %get3A_3, %get3A_4] : memref<4x2x1024x16xf32, #tpu.memory_space<vmem>>, vector<4x2x1024x16xf32>
    %slice3A = vector.extract_strided_slice %get3A_5 {offsets = [0, 0, 0, 0], sizes = [1, 1, 1024, 16], strides = [1, 1, 1, 1]} : vector<4x2x1024x16xf32> to vector<1x1x1024x16xf32>
    %squeeze3A = vector.shape_cast %slice3A : vector<1x1x1024x16xf32> to vector<1024x16xf32>
    %slice3A_6 = vector.extract_strided_slice %get3A_5 {offsets = [0, 1, 0, 0], sizes = [1, 1, 1024, 16], strides = [1, 1, 1, 1]} : vector<4x2x1024x16xf32> to vector<1x1x1024x16xf32>
    %squeeze3A_7 = vector.shape_cast %slice3A_6 : vector<1x1x1024x16xf32> to vector<1024x16xf32>
    %add3A = arith.addf %squeeze3A, %squeeze3A_7 : vector<1024x16xf32>
    %get3A_8 = arith.constant 0 : index
    %get3A_9 = arith.constant 0 : index
    %get3A_10 = vector.load %arg2[%get3A_8, %get3A_9] : memref<1024x16xf32, #tpu.memory_space<vmem>>, vector<1024x16xf32>
    %add3A_11 = arith.addf %add3A, %get3A_10 : vector<1024x16xf32>
    %broadcast_in_dim3A = vector.shape_cast %get3A_0 : vector<1024xf32> to vector<1024x1xf32>
    %mul3A = vector.broadcast %broadcast_in_dim3A : vector<1024x1xf32> to vector<1024x16xf32>
    %mul3A_12 = arith.mulf %add3A_11, %mul3A : vector<1024x16xf32>
    %slice3A_13 = vector.extract_strided_slice %get3A_5 {offsets = [1, 0, 0, 0], sizes = [1, 1, 1024, 16], strides = [1, 1, 1, 1]} : vector<4x2x1024x16xf32> to vector<1x1x1024x16xf32>
    %squeeze3A_14 = vector.shape_cast %slice3A_13 : vector<1x1x1024x16xf32> to vector<1024x16xf32>
    %slice3A_15 = vector.extract_strided_slice %get3A_5 {offsets = [1, 1, 0, 0], sizes = [1, 1, 1024, 16], strides = [1, 1, 1, 1]} : vector<4x2x1024x16xf32> to vector<1x1x1024x16xf32>
    %squeeze3A_16 = vector.shape_cast %slice3A_15 : vector<1x1x1024x16xf32> to vector<1024x16xf32>
    %add3A_17 = arith.addf %squeeze3A_14, %squeeze3A_16 : vector<1024x16xf32>
    %get3A_18 = arith.constant 0 : index
    %get3A_19 = arith.constant 0 : index
    %get3A_20 = vector.load %arg3[%get3A_18, %get3A_19] : memref<1024x16xf32, #tpu.memory_space<vmem>>, vector<1024x16xf32>
    %add3A_21 = arith.addf %add3A_17, %get3A_20 : vector<1024x16xf32>
    %broadcast_in_dim3A_22 = vector.shape_cast %get3A_0 : vector<1024xf32> to vector<1024x1xf32>
    %mul3A_23 = vector.broadcast %broadcast_in_dim3A_22 : vector<1024x1xf32> to vector<1024x16xf32>
    %mul3A_24 = arith.mulf %add3A_21, %mul3A_23 : vector<1024x16xf32>
    %slice3A_25 = vector.extract_strided_slice %get3A_5 {offsets = [2, 0, 0, 0], sizes = [1, 1, 1024, 16], strides = [1, 1, 1, 1]} : vector<4x2x1024x16xf32> to vector<1x1x1024x16xf32>
    %squeeze3A_26 = vector.shape_cast %slice3A_25 : vector<1x1x1024x16xf32> to vector<1024x16xf32>
    %slice3A_27 = vector.extract_strided_slice %get3A_5 {offsets = [2, 1, 0, 0], sizes = [1, 1, 1024, 16], strides = [1, 1, 1, 1]} : vector<4x2x1024x16xf32> to vector<1x1x1024x16xf32>
    %squeeze3A_28 = vector.shape_cast %slice3A_27 : vector<1x1x1024x16xf32> to vector<1024x16xf32>
    %add3A_29 = arith.addf %squeeze3A_26, %squeeze3A_28 : vector<1024x16xf32>
    %get3A_30 = arith.constant 0 : index
    %get3A_31 = arith.constant 0 : index
    %get3A_32 = vector.load %arg4[%get3A_30, %get3A_31] : memref<1024x16xf32, #tpu.memory_space<vmem>>, vector<1024x16xf32>
    %add3A_33 = arith.addf %add3A_29, %get3A_32 : vector<1024x16xf32>
    %broadcast_in_dim3A_34 = vector.shape_cast %get3A_0 : vector<1024xf32> to vector<1024x1xf32>
    %mul3A_35 = vector.broadcast %broadcast_in_dim3A_34 : vector<1024x1xf32> to vector<1024x16xf32>
    %mul3A_36 = arith.mulf %add3A_33, %mul3A_35 : vector<1024x16xf32>
    %slice3A_37 = vector.extract_strided_slice %get3A_5 {offsets = [3, 0, 0, 0], sizes = [1, 1, 1024, 16], strides = [1, 1, 1, 1]} : vector<4x2x1024x16xf32> to vector<1x1x1024x16xf32>
    %squeeze3A_38 = vector.shape_cast %slice3A_37 : vector<1x1x1024x16xf32> to vector<1024x16xf32>
    %slice3A_39 = vector.extract_strided_slice %get3A_5 {offsets = [3, 1, 0, 0], sizes = [1, 1, 1024, 16], strides = [1, 1, 1, 1]} : vector<4x2x1024x16xf32> to vector<1x1x1024x16xf32>
    %squeeze3A_40 = vector.shape_cast %slice3A_39 : vector<1x1x1024x16xf32> to vector<1024x16xf32>
    %add3A_41 = arith.addf %squeeze3A_38, %squeeze3A_40 : vector<1024x16xf32>
    %get3A_42 = arith.constant 0 : index
    %get3A_43 = arith.constant 0 : index
    %get3A_44 = vector.load %arg5[%get3A_42, %get3A_43] : memref<1024x16xf32, #tpu.memory_space<vmem>>, vector<1024x16xf32>
    %add3A_45 = arith.addf %add3A_41, %get3A_44 : vector<1024x16xf32>
    %broadcast_in_dim3A_46 = vector.shape_cast %get3A_0 : vector<1024xf32> to vector<1024x1xf32>
    %mul3A_47 = vector.broadcast %broadcast_in_dim3A_46 : vector<1024x1xf32> to vector<1024x16xf32>
    %mul3A_48 = arith.mulf %add3A_45, %mul3A_47 : vector<1024x16xf32>
    %concatenate3A = tpu.concatenate %mul3A_12, %mul3A_24, %mul3A_36, %mul3A_48 in 1 : vector<1024x16xf32>, vector<1024x16xf32>, vector<1024x16xf32>, vector<1024x16xf32> -> vector<1024x64xf32>
    %slice3A_49 = vector.extract_strided_slice %concatenate3A {offsets = [0, 0], sizes = [1024, 50], strides = [1, 1]} : vector<1024x64xf32> to vector<1024x50xf32>
    %get3A_50 = arith.constant 0 : index
    %get3A_51 = arith.constant 0 : index
    %get3A_52 = vector.load %arg7[%get3A_50, %get3A_51] : memref<1x50xf32, #tpu.memory_space<vmem>>, vector<1x50xf32>
    %add3A_53 = vector.broadcast %get3A_52 : vector<1x50xf32> to vector<1024x50xf32>
    %add3A_54 = arith.addf %slice3A_49, %add3A_53 : vector<1024x50xf32>
    %swap3A = arith.constant 0 : index
    %swap3A_55 = arith.constant 0 : index
    %swap3A_56 = vector.load %arg8[%swap3A, %swap3A_55] : memref<1024x50xf32, #tpu.memory_space<vmem>>, vector<1024x50xf32>
    tpu.vector_store %arg8[%swap3A, %swap3A_55], %add3A_54 {strides = array<i32>} : memref<1024x50xf32, #tpu.memory_space<vmem>>, vector<1024x50xf32>,
    return
  }
  func.func @transform_0(%arg0: i32) -> (i32, i32, i32, i32) {
    %c0_i32 = arith.constant 0 : i32
    %c0_i32_0 = arith.constant 0 : i32
    %c0_i32_1 = arith.constant 0 : i32
    %c0_i32_2 = arith.constant 0 : i32
    return %c0_i32, %c0_i32_0, %arg0, %c0_i32_1 : i32, i32, i32, i32
  }
  func.func @transform_1(%arg0: i32) -> (i32, i32) {
    %c0_i32 = arith.constant 0 : i32
    %c0_i32_0 = arith.constant 0 : i32
    return %arg0, %c0_i32 : i32, i32
  }
  func.func @transform_2(%arg0: i32) -> (i32, i32) {
    %c0_i32 = arith.constant 0 : i32
    %c0_i32_0 = arith.constant 0 : i32
    return %arg0, %c0_i32 : i32, i32
  }
  func.func @transform_3(%arg0: i32) -> (i32, i32) {
    %c0_i32 = arith.constant 0 : i32
    %c0_i32_0 = arith.constant 0 : i32
    return %arg0, %c0_i32 : i32, i32
  }
  func.func @transform_4(%arg0: i32) -> (i32, i32) {
    %c0_i32 = arith.constant 0 : i32
    %c0_i32_0 = arith.constant 0 : i32
    return %arg0, %c0_i32 : i32, i32
  }
  func.func @transform_5(%arg0: i32) -> i32 {
    %c0_i32 = arith.constant 0 : i32
    return %arg0 : i32
  }
  func.func @transform_6(%arg0: i32) -> (i32, i32) {
    %c0_i32 = arith.constant 0 : i32
    %c0_i32_0 = arith.constant 0 : i32
    %c0_i32_1 = arith.constant 0 : i32
    return %c0_i32, %c0_i32_0 : i32, i32
  }
  func.func @transform_7(%arg0: i32) -> (i32, i32) {
    %c0_i32 = arith.constant 0 : i32
    %c0_i32_0 = arith.constant 0 : i32
    return %arg0, %c0_i32 : i32, i32
  }
}

</mosaic_0001>

<sc_bundles>
// kernel: kernel.11.cloned.1.call-start
scs
__scs_entry_jumppad:
0x0: {  	(pc) =	sbr.rel $0x88, $3  }
0x1: {  	(tag) =	ssettag $0x0;
	lr =	simm.s32 $0x1  }
0x2: {  	[smem:$0x3F9B] =	sst lr;
	_ =	strace $0xD0000000  }
0x3: {  	_ = 	snop  }
0x4: {  	_ = 	snop  }
0x5: {  	_ = 	snop  }
0x6: {  	_ = 	snop  }
0x7: {  	_ = 	snop  }
__scs_overlays_trampoline_lowered:
0x8: {  	[smem:$0x3FAA] =	sst s0  }
0x9: {  	[smem:$0x3FAB] =	sst s1  }
0xa: {  	[smem:$0x3FAC] =	sst s2  }
0xb: {  	[smem:$0x3FAD] =	sst s3  }
0xc: {  	[smem:$0x3FAE] =	sst s4  }
0xd: {  	[smem:$0x3FAF] =	sst s5  }
0xe: {  	[smem:$0x3FB0] =	sst s6  }
0xf: {  	[smem:$0x3FB1] =	sst s7  }
0x10: {  	[smem:$0x3FB2] =	sst s8  }
0x11: {  	[smem:$0x3FB3] =	sst s9;
	s0 =	simm.s32 @!p0 $0x0  }
0x12: {  	s1 =	sld [smem:$0x3F99];
	s0 =	simm.s32 @p0 $0x1  }
0x13: {  	[smem:$0x3FB4] =	sst s0;
	s0 =	simm.s32 @!p1 $0x0  }
0x14: {  	s2 =	sld [smem:$0x3F98];
	s0 =	simm.s32 @p1 $0x1  }
0x15: {  	[smem:$0x3FB5] =	sst s0;
	s0 =	simm.s32 @!p2 $0x0  }
0x16: {  	s3 =	sld [smem:$0x3FDB];
	s0 =	simm.s32 @p2 $0x1  }
0x17: {  	s4 =	simm.s32 $0x1BF5;
	[smem:$0x3FB7] =	sst s0  }
0x18: {  	s0 =	sld [smem:$0x3F9A];
	_ =	swait.ge [sflag:s4], $0x0  }
0x19: {  	s7 =	sld [smem:$0x3F9B]  }
0x1a: {  	s8 =	sadd.s32 $0xFFFFE003, lr  }
0x1b: {  	s9 =	sadd.s32 $0xFFFFFEF7, lr;
	s5 =	simm.s32 $0xFFFFFFFF;
	p2 =	slt.u32 s8, $0xFFFFF086  }
0x1c: {  	p1 =	slt.u32 s9, $0xF7A;
	s5 =	simm.s32 @!p2 $0x0  }
0x1d: {  	s5 =	simm.s32 @p1 $0x1;
	p0 =	seq.s32 s7, s2  }
0x1e: {  	s7 =	smul.u32 @!p0 $0xF7A, s2;
	p2 =	seq.s32 @!p0 s5, $0x0  }
0x1f: {  	s9 =	smul.u32 $0xF7A, s1;
	s8 =	simm.s32 @!p0 $0x1BF5;
	p2 =	por !p2, p0  }
0x20: {  	[sflag:s8] =	ssyncset.s32 @!p0 $0xFFFFF086;
	s6 =	sadd.s32 @!p0 s3, s7;
	s7 =	simm.s32 @!p0 $0x108  }
0x21: {  	s3 =	sadd.s32 s3, s9;
	s6 =	sadd.s32 @!p0 $0x88, s6;
	s7 =	simm.s32 @p2 $0x1082  }
0x22: {  	[simem:s7], [sflag:s8] =	dma.local @!p0 [hbm:s6], $0xF7A  }
0x23: {  	s9 =	sor.u32 $0xD0000000, s2;
	s6 =	simm.s32 $0x108;
	_ =	swait.ge @!p0 [sflag:s8], $0x0  }
0x24: {  	s3 =	sadd.s32 $0x88, s3;
	s6 =	simm.s32 @!p1 $0x1082;
	[sflag:s4] =	ssyncset.s32 $0xFFFFF086  }
0x25: {  	[simem:s6], [sflag:s4] =	dma.local [hbm:s3], $0xF7A  }
0x26: {  	[smem:$0x3F9B] =	sst s1;
	(tag) =	ssettag s2;
	_ =	strace s9  }
0x27: {  	s1 =	sld [smem:$0x3FAB]  }
0x28: {  	s2 =	sld [smem:$0x3FAC]  }
0x29: {  	s4 =	sld [smem:$0x3FAE]  }
0x2a: {  	p0 =	seq.s32 s5, $0x0;
	s5 =	sld [smem:$0x3FAF]  }
0x2b: {  	s6 =	sld [smem:$0x3FB0]  }
0x2c: {  	s7 =	sld [smem:$0x3FB1]  }
0x2d: {  	s3 =	simm.s32 $0x108;
	s8 =	sld [smem:$0x3FB2]  }
0x2e: {  	s3 =	simm.s32 @!p0 $0x1082;
	s9 =	sld [smem:$0x3FB3]  }
0x2f: {  	lr =	sadd.s32 s0, s3;
	s0 =	sld [smem:$0x3FAA]  }
0x30: {  	s3 =	sld [smem:$0x3FAD]  }
0x31: {  	[smem:$0x3FB6] =	sst s10  }
0x32: {  	s10 =	sld [smem:$0x3FB4];
	_ =	sdelay $0x3  }
0x33: {  	p0 =	seq.s32 s10, $0x1;
	s10 =	sld [smem:$0x3FB6];
	_ =	sdelay $0x3  }
0x34: {  	[smem:$0x3FB6] =	sst s10  }
0x35: {  	s10 =	sld [smem:$0x3FB5];
	_ =	sdelay $0x3  }
0x36: {  	p1 =	seq.s32 s10, $0x1;
	s10 =	sld [smem:$0x3FB6];
	_ =	sdelay $0x3  }
0x37: {  	[smem:$0x3FB6] =	sst s10  }
0x38: {  	s10 =	sld [smem:$0x3FB7]  }
0x39: {  	_ = 	snop;
	(pc) =	sbr.ind lr, $3  }
0x3a: {  	_ = 	snop  }
0x3b: {  	_ = 	snop  }
0x3c: {  	p2 =	seq.s32 s10, $0x1;
	s10 =	sld [smem:$0x3FB6]  }
0x3d: {  	_ =	shalt  }
0x3e: {  	_ =	shalt  }
0x3f: {  	_ =	shalt  }
0x40: {  	_ =	shalt  }
0x41: {  	_ =	shalt  }
0x42: {  	_ =	shalt  }
0x43: {  	_ =	shalt  }
0x44: {  	_ =	shalt  }
0x45: {  	_ =	shalt  }
0x46: {  	_ =	shalt  }
0x47: {  	_ =	shalt  }
0x48: {  	_ =	shalt  }
0x49: {  	_ =	shalt  }
0x4a: {  	_ =	shalt  }
0x4b: {  	_ =	shalt  }
0x4c: {  	_ =	shalt  }
0x4d: {  	_ =	shalt  }
0x4e: {  	_ =	shalt  }
0x4f: {  	_ =	shalt  }
0x50: {  	_ =	shalt  }
0x51: {  	_ =	shalt  }
0x52: {  	_ =	shalt  }
0x53: {  	_ =	shalt  }
0x54: {  	_ =	shalt  }
0x55: {  	_ =	shalt  }
0x56: {  	_ =	shalt  }
0x57: {  	_ =	shalt  }
0x58: {  	_ =	shalt  }
0x59: {  	_ =	shalt  }
0x5a: {  	_ =	shalt  }
0x5b: {  	_ =	shalt  }
0x5c: {  	_ =	shalt  }
0x5d: {  	_ =	shalt  }
0x5e: {  	_ =	shalt  }
0x5f: {  	_ =	shalt  }
0x60: {  	_ =	shalt  }
0x61: {  	_ =	shalt  }
0x62: {  	_ =	shalt  }
0x63: {  	_ =	shalt  }
0x64: {  	_ =	shalt  }
0x65: {  	_ =	shalt  }
0x66: {  	_ =	shalt  }
0x67: {  	_ =	shalt  }
0x68: {  	_ =	shalt  }
0x69: {  	_ =	shalt  }
0x6a: {  	_ =	shalt  }
0x6b: {  	_ =	shalt  }
0x6c: {  	_ =	shalt  }
0x6d: {  	_ =	shalt  }
0x6e: {  	_ =	shalt  }
0x6f: {  	_ =	shalt  }
0x70: {  	_ =	shalt  }
0x71: {  	_ =	shalt  }
0x72: {  	_ =	shalt  }
0x73: {  	_ =	shalt  }
0x74: {  	_ =	shalt  }
0x75: {  	_ =	shalt  }
0x76: {  	_ =	shalt  }
0x77: {  	_ =	shalt  }
0x78: {  	_ =	shalt  }
0x79: {  	_ =	shalt  }
0x7a: {  	_ =	shalt  }
0x7b: {  	_ =	shalt  }
0x7c: {  	_ =	shalt  }
0x7d: {  	_ =	shalt  }
0x7e: {  	_ =	shalt  }
0x7f: {  	_ =	shalt  }
0x80: {  	_ =	shalt  }
0x81: {  	_ =	shalt  }
0x82: {  	_ =	shalt  }
0x83: {  	_ =	shalt  }
0x84: {  	_ =	shalt  }
0x85: {  	_ =	shalt  }
0x86: {  	_ =	shalt  }
0x87: {  	_ =	shalt  }
.Lfunc_end0:
.L_simem_size_0:
called_computation.1_lowered:
.L_overlay_start_0:
0x88: {  	s2 =	sld [smem:$0x3FD9]  }
0x89: {  	s3 =	sld [smem:$0x3FFE];
	_ =	sdelay $0x1  }
0x8a: {  	s1 =	srdreg.scid  }
0x8b: {  	s0 =	sand.u32 $0x1, s1  }
0x8c: {  	s17 =	sshll.u32 s0, $0xA;
	s2 =	sadd.s32 s3, s2  }
0x8d: {  	s2 =	sadd.s32 s2, s17  }
0x8e: {  	[smem:$0x3FC2] =	sst s2  }
0x8f: {  	_ = 	snop  }
0x90: {  	s2 =	sld [smem:$0x3FD0];
	(tm) =	ssettm $0x1  }
0x91: {  	s18 =	sld [smem:$0x3FFB];
	_ =	sdelay $0x3  }
0x92: {  	_ =	strace s18  }
0x93: {  	s3 =	sld [smem:$0x3FFC];
	_ =	sdelay $0x3  }
0x94: {  	_ =	strace s3  }
0x95: {  	s3 =	sld [smem:$0x3FFD];
	_ =	sdelay $0x3  }
0x96: {  	_ =	strace s3  }
0x97: {  	_ =	strace $0x8FFFFFFF  }
0x98: {  	s19 =	sld [smem:$0x3FDB];
	_ =	sdelay $0x1  }
0x99: {  	s4 =	simm.s32 $_scs_section_size  }
0x9a: {  	s5 =	simm.s32 $_size__tile_overlayer_lowered;
	s6 =	simm.s32 $_tile_overlayer_lowered  }
0x9b: {  	s22 =	simm.s32 $0x1BFF;
	s21 =	sshll.u32 s6, $0x1;
	s3 =	sadd.s32 s4, s19  }
0x9c: {  	s7 =	simm.s32 $0x0;
	s20 =	sshll.u32 s5, $0x1;
	s5 =	sadd.s32 s21, s3  }
0x9d: {  	[timem:s7], [sflag:s22] =	dma.local [hbm:s5], s20  }
0x9e: {  	_ =	swait.ge [sflag:s22], s20  }
0x9f: {  	s4 =	ssub.s32 $0x0, s20;
	[sflag:s22] =	ssyncset.done $0x0  }
0xa0: {  	[sflag:s22] =	ssyncadd.s32 s4;
	_ =	sdelay $0x1  }
0xa1: {  	s23 =	simm.s32 $0x1B8B  }
0xa2: {  	_ =	swait.ge [sflag:s23], $0x1  }
0xa3: {  	[sflag:s23] =	ssyncset.done $0x0  }
0xa4: {  	s25 =	simm.s32 $0x1B8E;
	s24 =	sld [smem:$0x3FFE];
	[sflag:s23] =	ssyncadd.s32 $0xFFFFFFFF  }
0xa5: {  	s26 =	simm.s32 $execute0_lowered;
	[smem:$0x3FD2] =	sst s25  }
0xa6: {  	s5 =	sshll.u32 s26, $0x1;
	_ =	strace $0x80000049;
	[dreg:$0x1] =	wrdreg $0xFFFFFFFF  }
0xa7: {  	s28 =	simm.s32 $_size_execute0_lowered;
	s3 =	sadd.s32 s3, s5;
	[dreg:$0x0] =	wrdreg $0x0  }
0xa8: {  	s5 =	sshll.u32 s28, $0x1;
	[dreg:$0x2] =	wrdreg s3  }
0xa9: {  	[dreg:$0x3] =	wrdreg s5  }
0xaa: {  	[dreg:$0x4] =	wrdreg $0xC0  }
0xab: {  	_ =	task [dreg:s7], $0x5FFFF  }
0xac: {  	[dreg:$0x1] =	wrdreg $0xFFFFFFFF  }
0xad: {  	[dreg:$0x0] =	wrdreg $0x60  }
0xae: {  	[dreg:$0x2] =	wrdreg s2  }
0xaf: {  	[dreg:$0x3] =	wrdreg s24  }
0xb0: {  	[dreg:$0x4] =	wrdreg $0x0  }
0xb1: {  	[dreg:$0x5] =	wrdreg $0x9  }
0xb2: {  	_ =	task.clear_ibuf [dreg:s7], $0x6FFFF;
	_ =	strace $0x90000049  }
0xb3: {  	s29 =	simm.s32 $0x9;
	_ =	strace $0x8000004B  }
0xb4: {  	_ =	swait.ge [sflag:s29], $0x1  }
0xb5: {  	[sflag:s29] =	ssyncadd.s32 $0xFFFFFFFF  }
0xb6: {  	_ =	strace $0x9000004B  }
0xb7: {  	_ =	sfence  }
0xb8: {  	s30 =	sld [smem:$0x0];
	_ =	sdelay $0x2  }
0xb9: {  	s31 =	sshll.u32 s1, $0xD;
	s1 =	sshrl.u32 s1, $0x2  }
0xba: {  	s3 =	sand.u32 $0x4000, s31;
	s1 =	sadd.s32 s1, s30  }
0xbb: {  	s0 =	sor.u32 s3, s0;
	s1 =	sshll.u32 s1, $0x11  }
0xbc: {  	s0 =	sor.u32 s1, s0  }
0xbd: {  	s0 =	sadd.s32 $0x8F2B, s0  }
0xbe: {  	[sflag:s0] =	ssyncadd.remote.s32 $0x1  }
0xbf: {  	_ =	sfence.sel $0xFFFF  }
0xc0: {  	[dreg:$0x0] =	wrdreg $0xFFFFFFFF;
	(pc) =	sbr.abs _section_cstart, $3  }
0xc1: {  	[dreg:$0x1] =	wrdreg $0xFFFFFFFF  }
0xc2: {  	_ =	task.clear_ibuf [dreg:s7], $0x2FFFF;
	_ =	strace $0x9FFFFFFF  }
0xc3: {  	(tm) =	ssettm $0x7FFFFFFF  }
tec
execute0_lowered:
.L_overlay_start_1:
0x0: {  	(tag) =	ssettag $0x1  }
0x1: {  	s0 =	rddreg [dreg:$0x0]  }
0x2: {  	s1 =	rddreg [dreg:$0x1];
	s5 =	stileid.u32  }
0x3: {  	s2 =	srdreg.scid;
	s9 =	smul.u32 $0x31000, s5  }
0x4: {  	s7 =	rddreg [dreg:$0x2];
	s10 =	smul.u32 $0x19000, s5  }
0x5: {  	s3 =	simm.s32 $0x0;
	s2 =	sand.u32 $0x1, s2;
	s12 =	smul.u32 $0x64000, s5  }
0x6: {  	s31 =	simm.s32 $0x1D400;
	s28 =	simm.s32 $0x1B300;
	s11 =	smul.u32 $0x190000, s2  }
0x7: {  	[smem:$0x7FF] =	sst s3;
	s4 =	sadd.s32 $0x1ED600, s1;
	s25 =	sshrl.u32 s12, $0x2  }
0x8: {  	s5 =	sadd.s32 $0x7600, s1;
	s24 =	sadd.s32 s10, s11;
	s11 =	sadd.s32 s25, s7  }
0x9: {  	s6 =	sadd.s32 $0x18BA00, s1;
	s8 =	smul.u32 $0x310000, s2;
	s26 =	sadd.s32 $0x1900, s11  }
0xa: {  	_ =	strace $0x8000004A;
	s12 =	sadd.s32 $0x3200, s11;
	[dreg:$0x4] =	wrdreg s26  }
0xb: {  	s2 =	ssub.s32 $0x2, s2;
	s13 =	sadd.s32 $0x4B00, s11;
	[dreg:$0x5] =	wrdreg s12  }
0xc: {  	s22 =	sshrl.u32 s2, $0x1;
	s14 =	sadd.s32 $0x6400, s11;
	[dreg:$0x6] =	wrdreg s13  }
0xd: {  	s8 =	sadd.s32 s9, s8;
	s15 =	sadd.s32 $0x7D00, s11;
	[dreg:$0x7] =	wrdreg s14  }
0xe: {  	s2 =	ssub.s32 s2, s22;
	s16 =	sadd.s32 $0x9600, s11;
	[dreg:$0x8] =	wrdreg s15  }
0xf: {  	s22 =	simm.s32 $0x19100;
	s17 =	sadd.s32 $0xAF00, s11;
	[dreg:$0x9] =	wrdreg s16  }
0x10: {  	s8 =	sshrl.u32 s8, $0x3;
	s18 =	sadd.s32 $0xC800, s11;
	[dreg:$0xa] =	wrdreg s17  }
0x11: {  	s9 =	sshrl.u32 s24, $0x3;
	s19 =	sadd.s32 $0xE100, s11;
	[dreg:$0xb] =	wrdreg s18  }
0x12: {  	s20 =	sadd.s32 $0xFA00, s11;
	s21 =	sadd.s32 $0x11300, s11;
	[dreg:$0xc] =	wrdreg s19  }
0x13: {  	s8 =	sadd.s32 s8, s1;
	s1 =	sadd.s32 s9, s1;
	[dreg:$0xd] =	wrdreg s20  }
0x14: {  	[dreg:$0xe] =	wrdreg s21;
	s18 =	sadd.s32 $0x12C00, s11;
	s19 =	sadd.s32 $0x14500, s11  }
0x15: {  	s20 =	sadd.s32 $0x15E00, s11;
	s21 =	sadd.s32 $0x17700, s11;
	s26 =	smax.u32 s2, $0x1  }
0x16: {  	s2 =	simm.s32 $0x19000;
	s9 =	simm.s32 $0x2;
	s23 =	sadd.s32 $0x9F0C00, s1  }
0x17: {  	s24 =	sadd.s32 $0xA54C00, s1;
	s25 =	sadd.s32 $0xAB8C00, s1;
	[dreg:$0x13] =	wrdreg s26  }
0x18: {  	s1 =	sadd.s32 $0xB1CC00, s1;
	s29 =	sadd.s32 $0x312400, s8;
	[dreg:$0xf] =	wrdreg s23  }
0x19: {  	s30 =	sadd.s32 $0xC7A00, s8;
	s26 =	simm.s32 $0x1B200;
	[dreg:$0x10] =	wrdreg s24  }
0x1a: {  	s8 =	simm.s32 $0x1;
	s24 =	sadd.s32 s10, s7;
	[dreg:$0x11] =	wrdreg s25  }
0x1b: {  	[dreg:$0x12] =	wrdreg s1;
	s1 =	simm.s32 $0x3;
	s23 =	simm.s32 $0x100  }
0x1c: {  	v0 =	vimm.f32 $0.0e+00;
	s25 =	simm.s32 $0x19200;
	s7 =	simm.s32 $0x1B400;
	s10 =	simm.s32 $0x0  }
.LBB2_1:
0x1d: {  	s11 =	simm.s32 $0x40;
	s12 =	simm.s32 $0x0  }
.LBB2_2:
0x1e: {  	p0 =	sne.s32 s11, $0x63C0;
	[tilespmem:s12+$0x1D400] =	vst v0;
	s12 =	smov.u32 s11;
	s11 =	sadd.s32 $0x40, s11  }
.Ltmp0:
0x1f: {  	(pc) =	sbr.rel @p0 .LBB2_2-.Ltmp0, $2  }
0x20: {  	_ =	sdelay $0x2  }
0x21: {  	s12 =	sshra.s32 s12, $0x2  }
0x22: {  	[tilespmem:s12+$0x1D400] =	vst v0  }
0x23: {  	[spmem:s24] =	stream.linear.scatter [tilespmem:s31], [sflag:$0x3], $0x1900, $0x38;
	[tilespmem:$0x1ED00] =	vst v63  }
0x24: {  	_ =	swait.ge [sflag:s1], $0x1900  }
0x25: {  	[sflag:s1] =	ssyncset.done $0x0  }
0x26: {  	s11 =	rddreg [dreg:$0x4];
	[sflag:s1] =	ssyncadd.s32 $0xFFFFE700  }
0x27: {  	[spmem:s11] =	stream.linear.scatter [tilespmem:s31], [sflag:$0x3], $0x1900, $0x38;
	[tilespmem:$0x1ED00] =	vst v63  }
0x28: {  	_ =	swait.ge [sflag:s1], $0x1900  }
0x29: {  	[sflag:s1] =	ssyncset.done $0x0  }
0x2a: {  	s17 =	rddreg [dreg:$0x5];
	[sflag:s1] =	ssyncadd.s32 $0xFFFFE700  }
0x2b: {  	[spmem:s17] =	stream.linear.scatter [tilespmem:s31], [sflag:$0x3], $0x1900, $0x38;
	[tilespmem:$0x1ED00] =	vst v63  }
0x2c: {  	_ =	swait.ge [sflag:s1], $0x1900  }
0x2d: {  	[sflag:s1] =	ssyncset.done $0x0  }
0x2e: {  	s12 =	rddreg [dreg:$0x6];
	[sflag:s1] =	ssyncadd.s32 $0xFFFFE700  }
0x2f: {  	[spmem:s12] =	stream.linear.scatter [tilespmem:s31], [sflag:$0x3], $0x1900, $0x38;
	[tilespmem:$0x1ED00] =	vst v63  }
0x30: {  	_ =	swait.ge [sflag:s1], $0x1900  }
0x31: {  	[sflag:s1] =	ssyncset.done $0x0  }
0x32: {  	s13 =	rddreg [dreg:$0x7];
	[sflag:s1] =	ssyncadd.s32 $0xFFFFE700  }
0x33: {  	[spmem:s13] =	stream.linear.scatter [tilespmem:s31], [sflag:$0x3], $0x1900, $0x38;
	[tilespmem:$0x1ED00] =	vst v63  }
0x34: {  	_ =	swait.ge [sflag:s1], $0x1900  }
0x35: {  	[sflag:s1] =	ssyncset.done $0x0  }
0x36: {  	s14 =	rddreg [dreg:$0x8];
	[sflag:s1] =	ssyncadd.s32 $0xFFFFE700  }
0x37: {  	[spmem:s14] =	stream.linear.scatter [tilespmem:s31], [sflag:$0x3], $0x1900, $0x38;
	[tilespmem:$0x1ED00] =	vst v63  }
0x38: {  	_ =	swait.ge [sflag:s1], $0x1900  }
0x39: {  	[sflag:s1] =	ssyncset.done $0x0  }
0x3a: {  	s15 =	rddreg [dreg:$0x9];
	[sflag:s1] =	ssyncadd.s32 $0xFFFFE700  }
0x3b: {  	[spmem:s15] =	stream.linear.scatter [tilespmem:s31], [sflag:$0x3], $0x1900, $0x38;
	[tilespmem:$0x1ED00] =	vst v63  }
0x3c: {  	_ =	swait.ge [sflag:s1], $0x1900  }
0x3d: {  	[sflag:s1] =	ssyncset.done $0x0  }
0x3e: {  	s16 =	rddreg [dreg:$0xa];
	[sflag:s1] =	ssyncadd.s32 $0xFFFFE700  }
0x3f: {  	[spmem:s16] =	stream.linear.scatter [tilespmem:s31], [sflag:$0x3], $0x1900, $0x38;
	[tilespmem:$0x1ED00] =	vst v63  }
0x40: {  	_ =	swait.ge [sflag:s1], $0x1900  }
0x41: {  	[sflag:s1] =	ssyncset.done $0x0  }
0x42: {  	s17 =	rddreg [dreg:$0xb];
	[sflag:s1] =	ssyncadd.s32 $0xFFFFE700  }
0x43: {  	[spmem:s17] =	stream.linear.scatter [tilespmem:s31], [sflag:$0x3], $0x1900, $0x38;
	[tilespmem:$0x1ED00] =	vst v63  }
0x44: {  	_ =	swait.ge [sflag:s1], $0x1900  }
0x45: {  	[sflag:s1] =	ssyncset.done $0x0  }
0x46: {  	s12 =	rddreg [dreg:$0xc];
	[sflag:s1] =	ssyncadd.s32 $0xFFFFE700  }
0x47: {  	[spmem:s12] =	stream.linear.scatter [tilespmem:s31], [sflag:$0x3], $0x1900, $0x38;
	[tilespmem:$0x1ED00] =	vst v63  }
0x48: {  	_ =	swait.ge [sflag:s1], $0x1900  }
0x49: {  	[sflag:s1] =	ssyncset.done $0x0  }
0x4a: {  	s13 =	rddreg [dreg:$0xd];
	[sflag:s1] =	ssyncadd.s32 $0xFFFFE700  }
0x4b: {  	[spmem:s13] =	stream.linear.scatter [tilespmem:s31], [sflag:$0x3], $0x1900, $0x38;
	[tilespmem:$0x1ED00] =	vst v63  }
0x4c: {  	_ =	swait.ge [sflag:s1], $0x1900  }
0x4d: {  	[sflag:s1] =	ssyncset.done $0x0  }
0x4e: {  	s14 =	rddreg [dreg:$0xe];
	[sflag:s1] =	ssyncadd.s32 $0xFFFFE700  }
0x4f: {  	[spmem:s14] =	stream.linear.scatter [tilespmem:s31], [sflag:$0x3], $0x1900, $0x38;
	[tilespmem:$0x1ED00] =	vst v63  }
0x50: {  	_ =	swait.ge [sflag:s1], $0x1900  }
0x51: {  	[sflag:s1] =	ssyncset.done $0x0  }
0x52: {  	[sflag:s1] =	ssyncadd.s32 $0xFFFFE700  }
0x53: {  	[spmem:s18] =	stream.linear.scatter [tilespmem:s31], [sflag:$0x3], $0x1900, $0x38;
	[tilespmem:$0x1ED00] =	vst v63  }
0x54: {  	_ =	swait.ge [sflag:s1], $0x1900  }
0x55: {  	[sflag:s1] =	ssyncset.done $0x0  }
0x56: {  	[sflag:s1] =	ssyncadd.s32 $0xFFFFE700  }
0x57: {  	[spmem:s19] =	stream.linear.scatter [tilespmem:s31], [sflag:$0x3], $0x1900, $0x38;
	[tilespmem:$0x1ED00] =	vst v63  }
0x58: {  	_ =	swait.ge [sflag:s1], $0x1900  }
0x59: {  	[sflag:s1] =	ssyncset.done $0x0  }
0x5a: {  	[sflag:s1] =	ssyncadd.s32 $0xFFFFE700  }
0x5b: {  	[spmem:s20] =	stream.linear.scatter [tilespmem:s31], [sflag:$0x3], $0x1900, $0x38;
	[tilespmem:$0x1ED00] =	vst v63  }
0x5c: {  	_ =	swait.ge [sflag:s1], $0x1900  }
0x5d: {  	[sflag:s1] =	ssyncset.done $0x0  }
0x5e: {  	[sflag:s1] =	ssyncadd.s32 $0xFFFFE700  }
0x5f: {  	[spmem:s21] =	stream.linear.scatter [tilespmem:s31], [sflag:$0x3], $0x1900, $0x38;
	[tilespmem:$0x1ED00] =	vst v63  }
0x60: {  	_ =	swait.ge [sflag:s1], $0x1900  }
0x61: {  	[sflag:s1] =	ssyncset.done $0x0  }
0x62: {  	[sflag:s1] =	ssyncadd.s32 $0xFFFFE700  }
0x63: {  	s15 =	sadd.s32 $0x0, s29;
	[bflag:$0x0] =	sbarrier.arrive $0xFFFF  }
0x64: {  	[tilespmem:s2], [sflag:$0x3] =	stream.linear.gather [hbm4b:s15+s3], $0x100, $0x38;
	[tilespmem:$0x1ED00] =	vst v63  }
0x65: {  	_ =	swait.ge [sflag:s1], $0x100  }
0x66: {  	[sflag:s1] =	ssyncset.done $0x0  }
0x67: {  	s16 =	sadd.s32 $0x0, s30;
	[sflag:s1] =	ssyncadd.s32 $0xFFFFFF00  }
0x68: {  	[tilespmem:s22], [sflag:$0x3] =	stream.linear.gather [hbm4b:s16+s3], $0x100, $0x38;
	[tilespmem:$0x1ED00] =	vst v63  }
0x69: {  	_ =	swait.ge [sflag:s1], $0x100  }
0x6a: {  	[sflag:s1] =	ssyncset.done $0x0  }
0x6b: {  	[sflag:s1] =	ssyncadd.s32 $0xFFFFFF00  }
0x6c: {  	[tilespmem:s25], [sflag:$0x1] =	stream.indirect.gather [hbm4b:s0+s23], $0x20, s2, s23, $0xb8;
	[tilespmem:$0x1ED00] =	vst v63  }
0x6d: {  	s11 =	sadd.s32 $0x20, s15  }
0x6e: {  	[tilespmem:s26], [sflag:$0x3] =	stream.linear.gather [hbm4b:s11+s3], $0x100, $0x38;
	[tilespmem:$0x1ED00] =	vst v63  }
0x6f: {  	_ =	swait.ge [sflag:s1], $0x100  }
0x70: {  	[sflag:s1] =	ssyncset.done $0x0  }
0x71: {  	s17 =	sadd.s32 $0x20, s16;
	[sflag:s1] =	ssyncadd.s32 $0xFFFFFF00  }
0x72: {  	[tilespmem:s28], [sflag:$0x3] =	stream.linear.gather [hbm4b:s17+s3], $0x100, $0x38;
	[tilespmem:$0x1ED00] =	vst v63  }
0x73: {  	_ =	swait.ge [sflag:s1], $0x100  }
0x74: {  	[sflag:s1] =	ssyncset.done $0x0  }
0x75: {  	[sflag:s1] =	ssyncadd.s32 $0xFFFFFF00  }
0x76: {  	[tilespmem:s7], [sflag:$0x2] =	stream.indirect.gather [hbm4b:s0+s23], $0x20, s26, s23, $0xb8;
	[tilespmem:$0x1ED00] =	vst v63  }
0x77: {  	_ =	swait.ge [sflag:s8], $0x2000  }
0x78: {  	[sflag:s8] =	ssyncset.done $0x0  }
0x79: {  	[sflag:s8] =	ssyncadd.s32 $0xFFFFE000  }
0x7a: {  	_ =	swait.ge [sflag:s9], $0x2000  }
0x7b: {  	s12 =	simm.s32 $0x80;
	s11 =	simm.s32 $0x40;
	[sflag:s9] =	ssyncset.done $0x0  }
.LBB2_4:
0x7c: {  	s13 =	sadd.s32 s11, s29  }
0x7d: {  	[sflag:s9] =	ssyncadd.s32 $0xFFFFE000;
	s14 =	smov.u32 s12;
	s15 =	sadd.s32 $0x40, s12  }
0x7e: {  	[tilespmem:s2], [sflag:$0x3] =	stream.linear.gather [hbm4b:s13+s3], $0x100, $0x38;
	[tilespmem:$0x1ED00] =	vst v63  }
0x7f: {  	p0 =	sne.s32 s12, $0x61C0;
	_ =	swait.ge [sflag:s1], $0x100  }
0x80: {  	[sflag:s1] =	ssyncset.done $0x0  }
0x81: {  	s12 =	sadd.s32 s11, s30;
	s11 =	smov.u32 s14;
	[sflag:s1] =	ssyncadd.s32 $0xFFFFFF00  }
0x82: {  	[tilespmem:s22], [sflag:$0x3] =	stream.linear.gather [hbm4b:s12+s3], $0x100, $0x38;
	[tilespmem:$0x1ED00] =	vst v63  }
0x83: {  	_ =	swait.ge [sflag:s1], $0x100  }
0x84: {  	[sflag:s1] =	ssyncset.done $0x0  }
0x85: {  	[sflag:s1] =	ssyncadd.s32 $0xFFFFFF00  }
0x86: {  	[tilespmem:s25], [sflag:$0x1] =	stream.indirect.gather [hbm4b:s0+s23], $0x20, s2, s23, $0xb8;
	[tilespmem:$0x1ED00] =	vst v63  }
0x87: {  	s13 =	sadd.s32 $0x20, s13  }
0x88: {  	[tilespmem:s26], [sflag:$0x3] =	stream.linear.gather [hbm4b:s13+s3], $0x100, $0x38;
	[tilespmem:$0x1ED00] =	vst v63  }
0x89: {  	_ =	swait.ge [sflag:s1], $0x100  }
0x8a: {  	[sflag:s1] =	ssyncset.done $0x0  }
0x8b: {  	s12 =	sadd.s32 $0x20, s12;
	[sflag:s1] =	ssyncadd.s32 $0xFFFFFF00  }
0x8c: {  	[tilespmem:s28], [sflag:$0x3] =	stream.linear.gather [hbm4b:s12+s3], $0x100, $0x38;
	[tilespmem:$0x1ED00] =	vst v63  }
0x8d: {  	_ =	swait.ge [sflag:s1], $0x100  }
0x8e: {  	[sflag:s1] =	ssyncset.done $0x0  }
0x8f: {  	[sflag:s1] =	ssyncadd.s32 $0xFFFFFF00  }
0x90: {  	[tilespmem:s7], [sflag:$0x2] =	stream.indirect.gather [hbm4b:s0+s23], $0x20, s26, s23, $0xb8;
	[tilespmem:$0x1ED00] =	vst v63  }
.Ltmp1:
0x91: {  	_ =	swait.ge [sflag:s8], $0x2000;
	(pc) =	sbr.rel @p0 .LBB2_4-.Ltmp1, $4  }
0x92: {  	[sflag:s8] =	ssyncset.done $0x0  }
0x93: {  	[sflag:s8] =	ssyncadd.s32 $0xFFFFE000  }
0x94: {  	_ =	swait.ge [sflag:s9], $0x2000  }
0x95: {  	s12 =	smov.u32 s15;
	[sflag:s9] =	ssyncset.done $0x0  }
0x96: {  	s12 =	sadd.s32 s11, s29;
	[sflag:s9] =	ssyncadd.s32 $0xFFFFE000  }
0x97: {  	[tilespmem:s2], [sflag:$0x3] =	stream.linear.gather [hbm4b:s12+s3], $0x100, $0x38;
	[tilespmem:$0x1ED00] =	vst v63  }
0x98: {  	_ =	swait.ge [sflag:s1], $0x100  }
0x99: {  	[sflag:s1] =	ssyncset.done $0x0  }
0x9a: {  	s15 =	sadd.s32 s11, s30;
	[sflag:s1] =	ssyncadd.s32 $0xFFFFFF00  }
0x9b: {  	[tilespmem:s22], [sflag:$0x3] =	stream.linear.gather [hbm4b:s15+s3], $0x100, $0x38;
	[tilespmem:$0x1ED00] =	vst v63  }
0x9c: {  	_ =	swait.ge [sflag:s1], $0x100  }
0x9d: {  	[sflag:s1] =	ssyncset.done $0x0  }
0x9e: {  	[sflag:s1] =	ssyncadd.s32 $0xFFFFFF00  }
0x9f: {  	[tilespmem:s25], [sflag:$0x1] =	stream.indirect.gather [hbm4b:s0+s23], $0x20, s2, s23, $0xb8;
	[tilespmem:$0x1ED00] =	vst v63  }
0xa0: {  	s12 =	sadd.s32 $0x20, s12  }
0xa1: {  	[tilespmem:s26], [sflag:$0x3] =	stream.linear.gather [hbm4b:s12+s3], $0x100, $0x38;
	[tilespmem:$0x1ED00] =	vst v63  }
0xa2: {  	_ =	swait.ge [sflag:s1], $0x100  }
0xa3: {  	[sflag:s1] =	ssyncset.done $0x0  }
0xa4: {  	s11 =	sadd.s32 $0x20, s15;
	[sflag:s1] =	ssyncadd.s32 $0xFFFFFF00  }
0xa5: {  	[tilespmem:s28], [sflag:$0x3] =	stream.linear.gather [hbm4b:s11+s3], $0x100, $0x38;
	[tilespmem:$0x1ED00] =	vst v63  }
0xa6: {  	_ =	swait.ge [sflag:s1], $0x100  }
0xa7: {  	[sflag:s1] =	ssyncset.done $0x0  }
0xa8: {  	[sflag:s1] =	ssyncadd.s32 $0xFFFFFF00  }
0xa9: {  	[tilespmem:s7], [sflag:$0x2] =	stream.indirect.gather [hbm4b:s0+s23], $0x20, s26, s23, $0xb8;
	[tilespmem:$0x1ED00] =	vst v63  }
0xaa: {  	_ =	swait.ge [sflag:s8], $0x2000  }
0xab: {  	[sflag:s8] =	ssyncset.done $0x0  }
0xac: {  	[sflag:s8] =	ssyncadd.s32 $0xFFFFE000  }
0xad: {  	_ =	swait.ge [sflag:s9], $0x2000  }
0xae: {  	[sflag:s9] =	ssyncset.done $0x0  }
0xaf: {  	s16 =	stileid.u32;
	[sflag:s9] =	ssyncadd.s32 $0xFFFFE000  }
0xb0: {  	s11 =	sshll.u32 s16, $0x6;
	[bflag:$0x0] =	sbarrier.arrive $0xFFFF  }
0xb1: {  	s12 =	sshrl.u32 s24, $0x3;
	s11 =	sor.u32 $0x1C03, s11;
	s13 =	rddreg [dreg:$0xf]  }
0xb2: {  	[hbm:s13], [sflag:s11] =	dma.local [spmem:s12], $0x3200  }
0xb3: {  	_ =	swait.ge [sflag:s1], $0x3200  }
0xb4: {  	[sflag:s1] =	ssyncset.done $0x0  }
0xb5: {  	[sflag:s1] =	ssyncadd.s32 $0xFFFFCE00  }
0xb6: {  	[bflag:$0x0] =	sbarrier.arrive $0xFFFF  }
0xb7: {  	[spmem:s24] =	stream.linear.scatter [tilespmem:s31], [sflag:$0x3], $0x1900, $0x38;
	[tilespmem:$0x1ED00] =	vst v63  }
0xb8: {  	_ =	swait.ge [sflag:s1], $0x1900  }
0xb9: {  	[sflag:s1] =	ssyncset.done $0x0  }
0xba: {  	s17 =	rddreg [dreg:$0x4];
	[sflag:s1] =	ssyncadd.s32 $0xFFFFE700  }
0xbb: {  	[spmem:s17] =	stream.linear.scatter [tilespmem:s31], [sflag:$0x3], $0x1900, $0x38;
	[tilespmem:$0x1ED00] =	vst v63  }
0xbc: {  	_ =	swait.ge [sflag:s1], $0x1900  }
0xbd: {  	[sflag:s1] =	ssyncset.done $0x0  }
0xbe: {  	s14 =	rddreg [dreg:$0x5];
	[sflag:s1] =	ssyncadd.s32 $0xFFFFE700  }
0xbf: {  	[spmem:s14] =	stream.linear.scatter [tilespmem:s31], [sflag:$0x3], $0x1900, $0x38;
	[tilespmem:$0x1ED00] =	vst v63  }
0xc0: {  	_ =	swait.ge [sflag:s1], $0x1900  }
0xc1: {  	[sflag:s1] =	ssyncset.done $0x0  }
0xc2: {  	s15 =	rddreg [dreg:$0x6];
	[sflag:s1] =	ssyncadd.s32 $0xFFFFE700  }
0xc3: {  	[spmem:s15] =	stream.linear.scatter [tilespmem:s31], [sflag:$0x3], $0x1900, $0x38;
	[tilespmem:$0x1ED00] =	vst v63  }
0xc4: {  	_ =	swait.ge [sflag:s1], $0x1900  }
0xc5: {  	[sflag:s1] =	ssyncset.done $0x0  }
0xc6: {  	s16 =	rddreg [dreg:$0x7];
	[sflag:s1] =	ssyncadd.s32 $0xFFFFE700  }
0xc7: {  	[spmem:s16] =	stream.linear.scatter [tilespmem:s31], [sflag:$0x3], $0x1900, $0x38;
	[tilespmem:$0x1ED00] =	vst v63  }
0xc8: {  	_ =	swait.ge [sflag:s1], $0x1900  }
0xc9: {  	[sflag:s1] =	ssyncset.done $0x0  }
0xca: {  	s17 =	rddreg [dreg:$0x8];
	[sflag:s1] =	ssyncadd.s32 $0xFFFFE700  }
0xcb: {  	[spmem:s17] =	stream.linear.scatter [tilespmem:s31], [sflag:$0x3], $0x1900, $0x38;
	[tilespmem:$0x1ED00] =	vst v63  }
0xcc: {  	_ =	swait.ge [sflag:s1], $0x1900  }
0xcd: {  	[sflag:s1] =	ssyncset.done $0x0  }
0xce: {  	s14 =	rddreg [dreg:$0x9];
	[sflag:s1] =	ssyncadd.s32 $0xFFFFE700  }
0xcf: {  	[spmem:s14] =	stream.linear.scatter [tilespmem:s31], [sflag:$0x3], $0x1900, $0x38;
	[tilespmem:$0x1ED00] =	vst v63  }
0xd0: {  	_ =	swait.ge [sflag:s1], $0x1900  }
0xd1: {  	[sflag:s1] =	ssyncset.done $0x0  }
0xd2: {  	s15 =	rddreg [dreg:$0xa];
	[sflag:s1] =	ssyncadd.s32 $0xFFFFE700  }
0xd3: {  	[spmem:s15] =	stream.linear.scatter [tilespmem:s31], [sflag:$0x3], $0x1900, $0x38;
	[tilespmem:$0x1ED00] =	vst v63  }
0xd4: {  	_ =	swait.ge [sflag:s1], $0x1900  }
0xd5: {  	[sflag:s1] =	ssyncset.done $0x0  }
0xd6: {  	s16 =	rddreg [dreg:$0xb];
	[sflag:s1] =	ssyncadd.s32 $0xFFFFE700  }
0xd7: {  	[spmem:s16] =	stream.linear.scatter [tilespmem:s31], [sflag:$0x3], $0x1900, $0x38;
	[tilespmem:$0x1ED00] =	vst v63  }
0xd8: {  	_ =	swait.ge [sflag:s1], $0x1900  }
0xd9: {  	[sflag:s1] =	ssyncset.done $0x0  }
0xda: {  	s17 =	rddreg [dreg:$0xc];
	[sflag:s1] =	ssyncadd.s32 $0xFFFFE700  }
0xdb: {  	[spmem:s17] =	stream.linear.scatter [tilespmem:s31], [sflag:$0x3], $0x1900, $0x38;
	[tilespmem:$0x1ED00] =	vst v63  }
0xdc: {  	_ =	swait.ge [sflag:s1], $0x1900  }
0xdd: {  	[sflag:s1] =	ssyncset.done $0x0  }
0xde: {  	s14 =	rddreg [dreg:$0xd];
	[sflag:s1] =	ssyncadd.s32 $0xFFFFE700  }
0xdf: {  	[spmem:s14] =	stream.linear.scatter [tilespmem:s31], [sflag:$0x3], $0x1900, $0x38;
	[tilespmem:$0x1ED00] =	vst v63  }
0xe0: {  	_ =	swait.ge [sflag:s1], $0x1900  }
0xe1: {  	[sflag:s1] =	ssyncset.done $0x0  }
0xe2: {  	s15 =	rddreg [dreg:$0xe];
	[sflag:s1] =	ssyncadd.s32 $0xFFFFE700  }
0xe3: {  	[spmem:s15] =	stream.linear.scatter [tilespmem:s31], [sflag:$0x3], $0x1900, $0x38;
	[tilespmem:$0x1ED00] =	vst v63  }
0xe4: {  	_ =	swait.ge [sflag:s1], $0x1900  }
0xe5: {  	[sflag:s1] =	ssyncset.done $0x0  }
0xe6: {  	[sflag:s1] =	ssyncadd.s32 $0xFFFFE700  }
0xe7: {  	[spmem:s18] =	stream.linear.scatter [tilespmem:s31], [sflag:$0x3], $0x1900, $0x38;
	[tilespmem:$0x1ED00] =	vst v63  }
0xe8: {  	_ =	swait.ge [sflag:s1], $0x1900  }
0xe9: {  	[sflag:s1] =	ssyncset.done $0x0  }
0xea: {  	[sflag:s1] =	ssyncadd.s32 $0xFFFFE700  }
0xeb: {  	[spmem:s19] =	stream.linear.scatter [tilespmem:s31], [sflag:$0x3], $0x1900, $0x38;
	[tilespmem:$0x1ED00] =	vst v63  }
0xec: {  	_ =	swait.ge [sflag:s1], $0x1900  }
0xed: {  	[sflag:s1] =	ssyncset.done $0x0  }
0xee: {  	[sflag:s1] =	ssyncadd.s32 $0xFFFFE700  }
0xef: {  	[spmem:s20] =	stream.linear.scatter [tilespmem:s31], [sflag:$0x3], $0x1900, $0x38;
	[tilespmem:$0x1ED00] =	vst v63  }
0xf0: {  	_ =	swait.ge [sflag:s1], $0x1900  }
0xf1: {  	[sflag:s1] =	ssyncset.done $0x0  }
0xf2: {  	[sflag:s1] =	ssyncadd.s32 $0xFFFFE700  }
0xf3: {  	[spmem:s21] =	stream.linear.scatter [tilespmem:s31], [sflag:$0x3], $0x1900, $0x38;
	[tilespmem:$0x1ED00] =	vst v63  }
0xf4: {  	_ =	swait.ge [sflag:s1], $0x1900  }
0xf5: {  	[sflag:s1] =	ssyncset.done $0x0  }
0xf6: {  	[sflag:s1] =	ssyncadd.s32 $0xFFFFE700  }
0xf7: {  	s16 =	sadd.s32 $0x0, s29;
	[bflag:$0x0] =	sbarrier.arrive $0xFFFF  }
0xf8: {  	[tilespmem:s2], [sflag:$0x3] =	stream.linear.gather [hbm4b:s16+s3], $0x100, $0x38;
	[tilespmem:$0x1ED00] =	vst v63  }
0xf9: {  	_ =	swait.ge [sflag:s1], $0x100  }
0xfa: {  	[sflag:s1] =	ssyncset.done $0x0  }
0xfb: {  	s14 =	sadd.s32 $0x0, s30;
	[sflag:s1] =	ssyncadd.s32 $0xFFFFFF00  }
0xfc: {  	[tilespmem:s22], [sflag:$0x3] =	stream.linear.gather [hbm4b:s14+s3], $0x100, $0x38;
	[tilespmem:$0x1ED00] =	vst v63  }
0xfd: {  	_ =	swait.ge [sflag:s1], $0x100  }
0xfe: {  	[sflag:s1] =	ssyncset.done $0x0  }
0xff: {  	[sflag:s1] =	ssyncadd.s32 $0xFFFFFF00  }
0x100: {  	[tilespmem:s25], [sflag:$0x1] =	stream.indirect.gather [hbm4b:s4+s23], $0x20, s2, s23, $0xb8;
	[tilespmem:$0x1ED00] =	vst v63  }
0x101: {  	s13 =	sadd.s32 $0x20, s16  }
0x102: {  	[tilespmem:s26], [sflag:$0x3] =	stream.linear.gather [hbm4b:s13+s3], $0x100, $0x38;
	[tilespmem:$0x1ED00] =	vst v63  }
0x103: {  	_ =	swait.ge [sflag:s1], $0x100  }
0x104: {  	[sflag:s1] =	ssyncset.done $0x0  }
0x105: {  	s17 =	sadd.s32 $0x20, s14;
	[sflag:s1] =	ssyncadd.s32 $0xFFFFFF00  }
0x106: {  	[tilespmem:s28], [sflag:$0x3] =	stream.linear.gather [hbm4b:s17+s3], $0x100, $0x38;
	[tilespmem:$0x1ED00] =	vst v63  }
0x107: {  	_ =	swait.ge [sflag:s1], $0x100  }
0x108: {  	[sflag:s1] =	ssyncset.done $0x0  }
0x109: {  	[sflag:s1] =	ssyncadd.s32 $0xFFFFFF00  }
0x10a: {  	[tilespmem:s7], [sflag:$0x2] =	stream.indirect.gather [hbm4b:s4+s23], $0x20, s26, s23, $0xb8;
	[tilespmem:$0x1ED00] =	vst v63  }
0x10b: {  	_ =	swait.ge [sflag:s8], $0x2000  }
0x10c: {  	[sflag:s8] =	ssyncset.done $0x0  }
0x10d: {  	[sflag:s8] =	ssyncadd.s32 $0xFFFFE000  }
0x10e: {  	_ =	swait.ge [sflag:s9], $0x2000  }
0x10f: {  	s14 =	simm.s32 $0x80;
	s13 =	simm.s32 $0x40;
	[sflag:s9] =	ssyncset.done $0x0  }
.LBB2_6:
0x110: {  	s15 =	sadd.s32 s13, s29  }
0x111: {  	[sflag:s9] =	ssyncadd.s32 $0xFFFFE000;
	s16 =	smov.u32 s14;
	s17 =	sadd.s32 $0x40, s14  }
0x112: {  	[tilespmem:s2], [sflag:$0x3] =	stream.linear.gather [hbm4b:s15+s3], $0x100, $0x38;
	[tilespmem:$0x1ED00] =	vst v63  }
0x113: {  	p0 =	sne.s32 s14, $0x61C0;
	_ =	swait.ge [sflag:s1], $0x100  }
0x114: {  	[sflag:s1] =	ssyncset.done $0x0  }
0x115: {  	s14 =	sadd.s32 s13, s30;
	s13 =	smov.u32 s16;
	[sflag:s1] =	ssyncadd.s32 $0xFFFFFF00  }
0x116: {  	[tilespmem:s22], [sflag:$0x3] =	stream.linear.gather [hbm4b:s14+s3], $0x100, $0x38;
	[tilespmem:$0x1ED00] =	vst v63  }
0x117: {  	_ =	swait.ge [sflag:s1], $0x100  }
0x118: {  	[sflag:s1] =	ssyncset.done $0x0  }
0x119: {  	[sflag:s1] =	ssyncadd.s32 $0xFFFFFF00  }
0x11a: {  	[tilespmem:s25], [sflag:$0x1] =	stream.indirect.gather [hbm4b:s4+s23], $0x20, s2, s23, $0xb8;
	[tilespmem:$0x1ED00] =	vst v63  }
0x11b: {  	s15 =	sadd.s32 $0x20, s15  }
0x11c: {  	[tilespmem:s26], [sflag:$0x3] =	stream.linear.gather [hbm4b:s15+s3], $0x100, $0x38;
	[tilespmem:$0x1ED00] =	vst v63  }
0x11d: {  	_ =	swait.ge [sflag:s1], $0x100  }
0x11e: {  	[sflag:s1] =	ssyncset.done $0x0  }
0x11f: {  	s14 =	sadd.s32 $0x20, s14;
	[sflag:s1] =	ssyncadd.s32 $0xFFFFFF00  }
0x120: {  	[tilespmem:s28], [sflag:$0x3] =	stream.linear.gather [hbm4b:s14+s3], $0x100, $0x38;
	[tilespmem:$0x1ED00] =	vst v63  }
0x121: {  	_ =	swait.ge [sflag:s1], $0x100  }
0x122: {  	[sflag:s1] =	ssyncset.done $0x0  }
0x123: {  	[sflag:s1] =	ssyncadd.s32 $0xFFFFFF00  }
0x124: {  	[tilespmem:s7], [sflag:$0x2] =	stream.indirect.gather [hbm4b:s4+s23], $0x20, s26, s23, $0xb8;
	[tilespmem:$0x1ED00] =	vst v63  }
.Ltmp2:
0x125: {  	_ =	swait.ge [sflag:s8], $0x2000;
	(pc) =	sbr.rel @p0 .LBB2_6-.Ltmp2, $4  }
0x126: {  	[sflag:s8] =	ssyncset.done $0x0  }
0x127: {  	[sflag:s8] =	ssyncadd.s32 $0xFFFFE000  }
0x128: {  	_ =	swait.ge [sflag:s9], $0x2000  }
0x129: {  	s14 =	smov.u32 s17;
	[sflag:s9] =	ssyncset.done $0x0  }
0x12a: {  	s14 =	sadd.s32 s13, s29;
	[sflag:s9] =	ssyncadd.s32 $0xFFFFE000  }
0x12b: {  	[tilespmem:s2], [sflag:$0x3] =	stream.linear.gather [hbm4b:s14+s3], $0x100, $0x38;
	[tilespmem:$0x1ED00] =	vst v63  }
0x12c: {  	_ =	swait.ge [sflag:s1], $0x100  }
0x12d: {  	[sflag:s1] =	ssyncset.done $0x0  }
0x12e: {  	s17 =	sadd.s32 s13, s30;
	[sflag:s1] =	ssyncadd.s32 $0xFFFFFF00  }
0x12f: {  	[tilespmem:s22], [sflag:$0x3] =	stream.linear.gather [hbm4b:s17+s3], $0x100, $0x38;
	[tilespmem:$0x1ED00] =	vst v63  }
0x130: {  	_ =	swait.ge [sflag:s1], $0x100  }
0x131: {  	[sflag:s1] =	ssyncset.done $0x0  }
0x132: {  	[sflag:s1] =	ssyncadd.s32 $0xFFFFFF00  }
0x133: {  	[tilespmem:s25], [sflag:$0x1] =	stream.indirect.gather [hbm4b:s4+s23], $0x20, s2, s23, $0xb8;
	[tilespmem:$0x1ED00] =	vst v63  }
0x134: {  	s14 =	sadd.s32 $0x20, s14  }
0x135: {  	[tilespmem:s26], [sflag:$0x3] =	stream.linear.gather [hbm4b:s14+s3], $0x100, $0x38;
	[tilespmem:$0x1ED00] =	vst v63  }
0x136: {  	_ =	swait.ge [sflag:s1], $0x100  }
0x137: {  	[sflag:s1] =	ssyncset.done $0x0  }
0x138: {  	s13 =	sadd.s32 $0x20, s17;
	[sflag:s1] =	ssyncadd.s32 $0xFFFFFF00  }
0x139: {  	[tilespmem:s28], [sflag:$0x3] =	stream.linear.gather [hbm4b:s13+s3], $0x100, $0x38;
	[tilespmem:$0x1ED00] =	vst v63  }
0x13a: {  	_ =	swait.ge [sflag:s1], $0x100  }
0x13b: {  	[sflag:s1] =	ssyncset.done $0x0  }
0x13c: {  	[sflag:s1] =	ssyncadd.s32 $0xFFFFFF00  }
0x13d: {  	[tilespmem:s7], [sflag:$0x2] =	stream.indirect.gather [hbm4b:s4+s23], $0x20, s26, s23, $0xb8;
	[tilespmem:$0x1ED00] =	vst v63  }
0x13e: {  	_ =	swait.ge [sflag:s8], $0x2000  }
0x13f: {  	[sflag:s8] =	ssyncset.done $0x0  }
0x140: {  	[sflag:s8] =	ssyncadd.s32 $0xFFFFE000  }
0x141: {  	_ =	swait.ge [sflag:s9], $0x2000  }
0x142: {  	[sflag:s9] =	ssyncset.done $0x0  }
0x143: {  	[sflag:s9] =	ssyncadd.s32 $0xFFFFE000  }
0x144: {  	[bflag:$0x0] =	sbarrier.arrive $0xFFFF  }
0x145: {  	s15 =	rddreg [dreg:$0x10]  }
0x146: {  	[hbm:s15], [sflag:s11] =	dma.local [spmem:s12], $0x3200  }
0x147: {  	_ =	swait.ge [sflag:s1], $0x3200  }
0x148: {  	[sflag:s1] =	ssyncset.done $0x0  }
0x149: {  	[sflag:s1] =	ssyncadd.s32 $0xFFFFCE00  }
0x14a: {  	[bflag:$0x0] =	sbarrier.arrive $0xFFFF  }
0x14b: {  	[spmem:s24] =	stream.linear.scatter [tilespmem:s31], [sflag:$0x3], $0x1900, $0x38;
	[tilespmem:$0x1ED00] =	vst v63  }
0x14c: {  	_ =	swait.ge [sflag:s1], $0x1900  }
0x14d: {  	[sflag:s1] =	ssyncset.done $0x0  }
0x14e: {  	s16 =	rddreg [dreg:$0x4];
	[sflag:s1] =	ssyncadd.s32 $0xFFFFE700  }
0x14f: {  	[spmem:s16] =	stream.linear.scatter [tilespmem:s31], [sflag:$0x3], $0x1900, $0x38;
	[tilespmem:$0x1ED00] =	vst v63  }
0x150: {  	_ =	swait.ge [sflag:s1], $0x1900  }
0x151: {  	[sflag:s1] =	ssyncset.done $0x0  }
0x152: {  	s17 =	rddreg [dreg:$0x5];
	[sflag:s1] =	ssyncadd.s32 $0xFFFFE700  }
0x153: {  	[spmem:s17] =	stream.linear.scatter [tilespmem:s31], [sflag:$0x3], $0x1900, $0x38;
	[tilespmem:$0x1ED00] =	vst v63  }
0x154: {  	_ =	swait.ge [sflag:s1], $0x1900  }
0x155: {  	[sflag:s1] =	ssyncset.done $0x0  }
0x156: {  	s14 =	rddreg [dreg:$0x6];
	[sflag:s1] =	ssyncadd.s32 $0xFFFFE700  }
0x157: {  	[spmem:s14] =	stream.linear.scatter [tilespmem:s31], [sflag:$0x3], $0x1900, $0x38;
	[tilespmem:$0x1ED00] =	vst v63  }
0x158: {  	_ =	swait.ge [sflag:s1], $0x1900  }
0x159: {  	[sflag:s1] =	ssyncset.done $0x0  }
0x15a: {  	s15 =	rddreg [dreg:$0x7];
	[sflag:s1] =	ssyncadd.s32 $0xFFFFE700  }
0x15b: {  	[spmem:s15] =	stream.linear.scatter [tilespmem:s31], [sflag:$0x3], $0x1900, $0x38;
	[tilespmem:$0x1ED00] =	vst v63  }
0x15c: {  	_ =	swait.ge [sflag:s1], $0x1900  }
0x15d: {  	[sflag:s1] =	ssyncset.done $0x0  }
0x15e: {  	s16 =	rddreg [dreg:$0x8];
	[sflag:s1] =	ssyncadd.s32 $0xFFFFE700  }
0x15f: {  	[spmem:s16] =	stream.linear.scatter [tilespmem:s31], [sflag:$0x3], $0x1900, $0x38;
	[tilespmem:$0x1ED00] =	vst v63  }
0x160: {  	_ =	swait.ge [sflag:s1], $0x1900  }
0x161: {  	[sflag:s1] =	ssyncset.done $0x0  }
0x162: {  	s17 =	rddreg [dreg:$0x9];
	[sflag:s1] =	ssyncadd.s32 $0xFFFFE700  }
0x163: {  	[spmem:s17] =	stream.linear.scatter [tilespmem:s31], [sflag:$0x3], $0x1900, $0x38;
	[tilespmem:$0x1ED00] =	vst v63  }
0x164: {  	_ =	swait.ge [sflag:s1], $0x1900  }
0x165: {  	[sflag:s1] =	ssyncset.done $0x0  }
0x166: {  	s14 =	rddreg [dreg:$0xa];
	[sflag:s1] =	ssyncadd.s32 $0xFFFFE700  }
0x167: {  	[spmem:s14] =	stream.linear.scatter [tilespmem:s31], [sflag:$0x3], $0x1900, $0x38;
	[tilespmem:$0x1ED00] =	vst v63  }
0x168: {  	_ =	swait.ge [sflag:s1], $0x1900  }
0x169: {  	[sflag:s1] =	ssyncset.done $0x0  }
0x16a: {  	s15 =	rddreg [dreg:$0xb];
	[sflag:s1] =	ssyncadd.s32 $0xFFFFE700  }
0x16b: {  	[spmem:s15] =	stream.linear.scatter [tilespmem:s31], [sflag:$0x3], $0x1900, $0x38;
	[tilespmem:$0x1ED00] =	vst v63  }
0x16c: {  	_ =	swait.ge [sflag:s1], $0x1900  }
0x16d: {  	[sflag:s1] =	ssyncset.done $0x0  }
0x16e: {  	s16 =	rddreg [dreg:$0xc];
	[sflag:s1] =	ssyncadd.s32 $0xFFFFE700  }
0x16f: {  	[spmem:s16] =	stream.linear.scatter [tilespmem:s31], [sflag:$0x3], $0x1900, $0x38;
	[tilespmem:$0x1ED00] =	vst v63  }
0x170: {  	_ =	swait.ge [sflag:s1], $0x1900  }
0x171: {  	[sflag:s1] =	ssyncset.done $0x0  }
0x172: {  	s17 =	rddreg [dreg:$0xd];
	[sflag:s1] =	ssyncadd.s32 $0xFFFFE700  }
0x173: {  	[spmem:s17] =	stream.linear.scatter [tilespmem:s31], [sflag:$0x3], $0x1900, $0x38;
	[tilespmem:$0x1ED00] =	vst v63  }
0x174: {  	_ =	swait.ge [sflag:s1], $0x1900  }
0x175: {  	[sflag:s1] =	ssyncset.done $0x0  }
0x176: {  	s14 =	rddreg [dreg:$0xe];
	[sflag:s1] =	ssyncadd.s32 $0xFFFFE700  }
0x177: {  	[spmem:s14] =	stream.linear.scatter [tilespmem:s31], [sflag:$0x3], $0x1900, $0x38;
	[tilespmem:$0x1ED00] =	vst v63  }
0x178: {  	_ =	swait.ge [sflag:s1], $0x1900  }
0x179: {  	[sflag:s1] =	ssyncset.done $0x0  }
0x17a: {  	[sflag:s1] =	ssyncadd.s32 $0xFFFFE700  }
0x17b: {  	[spmem:s18] =	stream.linear.scatter [tilespmem:s31], [sflag:$0x3], $0x1900, $0x38;
	[tilespmem:$0x1ED00] =	vst v63  }
0x17c: {  	_ =	swait.ge [sflag:s1], $0x1900  }
0x17d: {  	[sflag:s1] =	ssyncset.done $0x0  }
0x17e: {  	[sflag:s1] =	ssyncadd.s32 $0xFFFFE700  }
0x17f: {  	[spmem:s19] =	stream.linear.scatter [tilespmem:s31], [sflag:$0x3], $0x1900, $0x38;
	[tilespmem:$0x1ED00] =	vst v63  }
0x180: {  	_ =	swait.ge [sflag:s1], $0x1900  }
0x181: {  	[sflag:s1] =	ssyncset.done $0x0  }
0x182: {  	[sflag:s1] =	ssyncadd.s32 $0xFFFFE700  }
0x183: {  	[spmem:s20] =	stream.linear.scatter [tilespmem:s31], [sflag:$0x3], $0x1900, $0x38;
	[tilespmem:$0x1ED00] =	vst v63  }
0x184: {  	_ =	swait.ge [sflag:s1], $0x1900  }
0x185: {  	[sflag:s1] =	ssyncset.done $0x0  }
0x186: {  	[sflag:s1] =	ssyncadd.s32 $0xFFFFE700  }
0x187: {  	[spmem:s21] =	stream.linear.scatter [tilespmem:s31], [sflag:$0x3], $0x1900, $0x38;
	[tilespmem:$0x1ED00] =	vst v63  }
0x188: {  	_ =	swait.ge [sflag:s1], $0x1900  }
0x189: {  	[sflag:s1] =	ssyncset.done $0x0  }
0x18a: {  	[sflag:s1] =	ssyncadd.s32 $0xFFFFE700  }
0x18b: {  	s15 =	sadd.s32 $0x0, s29;
	[bflag:$0x0] =	sbarrier.arrive $0xFFFF  }
0x18c: {  	[tilespmem:s2], [sflag:$0x3] =	stream.linear.gather [hbm4b:s15+s3], $0x100, $0x38;
	[tilespmem:$0x1ED00] =	vst v63  }
0x18d: {  	_ =	swait.ge [sflag:s1], $0x100  }
0x18e: {  	[sflag:s1] =	ssyncset.done $0x0  }
0x18f: {  	s16 =	sadd.s32 $0x0, s30;
	[sflag:s1] =	ssyncadd.s32 $0xFFFFFF00  }
0x190: {  	[tilespmem:s22], [sflag:$0x3] =	stream.linear.gather [hbm4b:s16+s3], $0x100, $0x38;
	[tilespmem:$0x1ED00] =	vst v63  }
0x191: {  	_ =	swait.ge [sflag:s1], $0x100  }
0x192: {  	[sflag:s1] =	ssyncset.done $0x0  }
0x193: {  	[sflag:s1] =	ssyncadd.s32 $0xFFFFFF00  }
0x194: {  	[tilespmem:s25], [sflag:$0x1] =	stream.indirect.gather [hbm4b:s5+s23], $0x20, s2, s23, $0xb8;
	[tilespmem:$0x1ED00] =	vst v63  }
0x195: {  	s13 =	sadd.s32 $0x20, s15  }
0x196: {  	[tilespmem:s26], [sflag:$0x3] =	stream.linear.gather [hbm4b:s13+s3], $0x100, $0x38;
	[tilespmem:$0x1ED00] =	vst v63  }
0x197: {  	_ =	swait.ge [sflag:s1], $0x100  }
0x198: {  	[sflag:s1] =	ssyncset.done $0x0  }
0x199: {  	s17 =	sadd.s32 $0x20, s16;
	[sflag:s1] =	ssyncadd.s32 $0xFFFFFF00  }
0x19a: {  	[tilespmem:s28], [sflag:$0x3] =	stream.linear.gather [hbm4b:s17+s3], $0x100, $0x38;
	[tilespmem:$0x1ED00] =	vst v63  }
0x19b: {  	_ =	swait.ge [sflag:s1], $0x100  }
0x19c: {  	[sflag:s1] =	ssyncset.done $0x0  }
0x19d: {  	[sflag:s1] =	ssyncadd.s32 $0xFFFFFF00  }
0x19e: {  	[tilespmem:s7], [sflag:$0x2] =	stream.indirect.gather [hbm4b:s5+s23], $0x20, s26, s23, $0xb8;
	[tilespmem:$0x1ED00] =	vst v63  }
0x19f: {  	_ =	swait.ge [sflag:s8], $0x2000  }
0x1a0: {  	[sflag:s8] =	ssyncset.done $0x0  }
0x1a1: {  	[sflag:s8] =	ssyncadd.s32 $0xFFFFE000  }
0x1a2: {  	_ =	swait.ge [sflag:s9], $0x2000  }
0x1a3: {  	s14 =	simm.s32 $0x80;
	s13 =	simm.s32 $0x40;
	[sflag:s9] =	ssyncset.done $0x0  }
.LBB2_8:
0x1a4: {  	s15 =	sadd.s32 s13, s29  }
0x1a5: {  	[sflag:s9] =	ssyncadd.s32 $0xFFFFE000;
	s16 =	smov.u32 s14;
	s17 =	sadd.s32 $0x40, s14  }
0x1a6: {  	[tilespmem:s2], [sflag:$0x3] =	stream.linear.gather [hbm4b:s15+s3], $0x100, $0x38;
	[tilespmem:$0x1ED00] =	vst v63  }
0x1a7: {  	p0 =	sne.s32 s14, $0x61C0;
	_ =	swait.ge [sflag:s1], $0x100  }
0x1a8: {  	[sflag:s1] =	ssyncset.done $0x0  }
0x1a9: {  	s14 =	sadd.s32 s13, s30;
	s13 =	smov.u32 s16;
	[sflag:s1] =	ssyncadd.s32 $0xFFFFFF00  }
0x1aa: {  	[tilespmem:s22], [sflag:$0x3] =	stream.linear.gather [hbm4b:s14+s3], $0x100, $0x38;
	[tilespmem:$0x1ED00] =	vst v63  }
0x1ab: {  	_ =	swait.ge [sflag:s1], $0x100  }
0x1ac: {  	[sflag:s1] =	ssyncset.done $0x0  }
0x1ad: {  	[sflag:s1] =	ssyncadd.s32 $0xFFFFFF00  }
0x1ae: {  	[tilespmem:s25], [sflag:$0x1] =	stream.indirect.gather [hbm4b:s5+s23], $0x20, s2, s23, $0xb8;
	[tilespmem:$0x1ED00] =	vst v63  }
0x1af: {  	s15 =	sadd.s32 $0x20, s15  }
0x1b0: {  	[tilespmem:s26], [sflag:$0x3] =	stream.linear.gather [hbm4b:s15+s3], $0x100, $0x38;
	[tilespmem:$0x1ED00] =	vst v63  }
0x1b1: {  	_ =	swait.ge [sflag:s1], $0x100  }
0x1b2: {  	[sflag:s1] =	ssyncset.done $0x0  }
0x1b3: {  	s14 =	sadd.s32 $0x20, s14;
	[sflag:s1] =	ssyncadd.s32 $0xFFFFFF00  }
0x1b4: {  	[tilespmem:s28], [sflag:$0x3] =	stream.linear.gather [hbm4b:s14+s3], $0x100, $0x38;
	[tilespmem:$0x1ED00] =	vst v63  }
0x1b5: {  	_ =	swait.ge [sflag:s1], $0x100  }
0x1b6: {  	[sflag:s1] =	ssyncset.done $0x0  }
0x1b7: {  	[sflag:s1] =	ssyncadd.s32 $0xFFFFFF00  }
0x1b8: {  	[tilespmem:s7], [sflag:$0x2] =	stream.indirect.gather [hbm4b:s5+s23], $0x20, s26, s23, $0xb8;
	[tilespmem:$0x1ED00] =	vst v63  }
.Ltmp3:
0x1b9: {  	_ =	swait.ge [sflag:s8], $0x2000;
	(pc) =	sbr.rel @p0 .LBB2_8-.Ltmp3, $4  }
0x1ba: {  	[sflag:s8] =	ssyncset.done $0x0  }
0x1bb: {  	[sflag:s8] =	ssyncadd.s32 $0xFFFFE000  }
0x1bc: {  	_ =	swait.ge [sflag:s9], $0x2000  }
0x1bd: {  	s14 =	smov.u32 s17;
	[sflag:s9] =	ssyncset.done $0x0  }
0x1be: {  	s14 =	sadd.s32 s13, s29;
	[sflag:s9] =	ssyncadd.s32 $0xFFFFE000  }
0x1bf: {  	[tilespmem:s2], [sflag:$0x3] =	stream.linear.gather [hbm4b:s14+s3], $0x100, $0x38;
	[tilespmem:$0x1ED00] =	vst v63  }
0x1c0: {  	_ =	swait.ge [sflag:s1], $0x100  }
0x1c1: {  	[sflag:s1] =	ssyncset.done $0x0  }
0x1c2: {  	s17 =	sadd.s32 s13, s30;
	[sflag:s1] =	ssyncadd.s32 $0xFFFFFF00  }
0x1c3: {  	[tilespmem:s22], [sflag:$0x3] =	stream.linear.gather [hbm4b:s17+s3], $0x100, $0x38;
	[tilespmem:$0x1ED00] =	vst v63  }
0x1c4: {  	_ =	swait.ge [sflag:s1], $0x100  }
0x1c5: {  	[sflag:s1] =	ssyncset.done $0x0  }
0x1c6: {  	[sflag:s1] =	ssyncadd.s32 $0xFFFFFF00  }
0x1c7: {  	[tilespmem:s25], [sflag:$0x1] =	stream.indirect.gather [hbm4b:s5+s23], $0x20, s2, s23, $0xb8;
	[tilespmem:$0x1ED00] =	vst v63  }
0x1c8: {  	s14 =	sadd.s32 $0x20, s14  }
0x1c9: {  	[tilespmem:s26], [sflag:$0x3] =	stream.linear.gather [hbm4b:s14+s3], $0x100, $0x38;
	[tilespmem:$0x1ED00] =	vst v63  }
0x1ca: {  	_ =	swait.ge [sflag:s1], $0x100  }
0x1cb: {  	[sflag:s1] =	ssyncset.done $0x0  }
0x1cc: {  	s13 =	sadd.s32 $0x20, s17;
	[sflag:s1] =	ssyncadd.s32 $0xFFFFFF00  }
0x1cd: {  	[tilespmem:s28], [sflag:$0x3] =	stream.linear.gather [hbm4b:s13+s3], $0x100, $0x38;
	[tilespmem:$0x1ED00] =	vst v63  }
0x1ce: {  	_ =	swait.ge [sflag:s1], $0x100  }
0x1cf: {  	[sflag:s1] =	ssyncset.done $0x0  }
0x1d0: {  	[sflag:s1] =	ssyncadd.s32 $0xFFFFFF00  }
0x1d1: {  	[tilespmem:s7], [sflag:$0x2] =	stream.indirect.gather [hbm4b:s5+s23], $0x20, s26, s23, $0xb8;
	[tilespmem:$0x1ED00] =	vst v63  }
0x1d2: {  	_ =	swait.ge [sflag:s8], $0x2000  }
0x1d3: {  	[sflag:s8] =	ssyncset.done $0x0  }
0x1d4: {  	[sflag:s8] =	ssyncadd.s32 $0xFFFFE000  }
0x1d5: {  	_ =	swait.ge [sflag:s9], $0x2000  }
0x1d6: {  	[sflag:s9] =	ssyncset.done $0x0  }
0x1d7: {  	[sflag:s9] =	ssyncadd.s32 $0xFFFFE000  }
0x1d8: {  	[bflag:$0x0] =	sbarrier.arrive $0xFFFF  }
0x1d9: {  	s15 =	rddreg [dreg:$0x11]  }
0x1da: {  	[hbm:s15], [sflag:s11] =	dma.local [spmem:s12], $0x3200  }
0x1db: {  	_ =	swait.ge [sflag:s1], $0x3200  }
0x1dc: {  	[sflag:s1] =	ssyncset.done $0x0  }
0x1dd: {  	[sflag:s1] =	ssyncadd.s32 $0xFFFFCE00  }
0x1de: {  	[bflag:$0x0] =	sbarrier.arrive $0xFFFF  }
0x1df: {  	[spmem:s24] =	stream.linear.scatter [tilespmem:s31], [sflag:$0x3], $0x1900, $0x38;
	[tilespmem:$0x1ED00] =	vst v63  }
0x1e0: {  	_ =	swait.ge [sflag:s1], $0x1900  }
0x1e1: {  	[sflag:s1] =	ssyncset.done $0x0  }
0x1e2: {  	s16 =	rddreg [dreg:$0x4];
	[sflag:s1] =	ssyncadd.s32 $0xFFFFE700  }
0x1e3: {  	[spmem:s16] =	stream.linear.scatter [tilespmem:s31], [sflag:$0x3], $0x1900, $0x38;
	[tilespmem:$0x1ED00] =	vst v63  }
0x1e4: {  	_ =	swait.ge [sflag:s1], $0x1900  }
0x1e5: {  	[sflag:s1] =	ssyncset.done $0x0  }
0x1e6: {  	s17 =	rddreg [dreg:$0x5];
	[sflag:s1] =	ssyncadd.s32 $0xFFFFE700  }
0x1e7: {  	[spmem:s17] =	stream.linear.scatter [tilespmem:s31], [sflag:$0x3], $0x1900, $0x38;
	[tilespmem:$0x1ED00] =	vst v63  }
0x1e8: {  	_ =	swait.ge [sflag:s1], $0x1900  }
0x1e9: {  	[sflag:s1] =	ssyncset.done $0x0  }
0x1ea: {  	s14 =	rddreg [dreg:$0x6];
	[sflag:s1] =	ssyncadd.s32 $0xFFFFE700  }
0x1eb: {  	[spmem:s14] =	stream.linear.scatter [tilespmem:s31], [sflag:$0x3], $0x1900, $0x38;
	[tilespmem:$0x1ED00] =	vst v63  }
0x1ec: {  	_ =	swait.ge [sflag:s1], $0x1900  }
0x1ed: {  	[sflag:s1] =	ssyncset.done $0x0  }
0x1ee: {  	s15 =	rddreg [dreg:$0x7];
	[sflag:s1] =	ssyncadd.s32 $0xFFFFE700  }
0x1ef: {  	[spmem:s15] =	stream.linear.scatter [tilespmem:s31], [sflag:$0x3], $0x1900, $0x38;
	[tilespmem:$0x1ED00] =	vst v63  }
0x1f0: {  	_ =	swait.ge [sflag:s1], $0x1900  }
0x1f1: {  	[sflag:s1] =	ssyncset.done $0x0  }
0x1f2: {  	s16 =	rddreg [dreg:$0x8];
	[sflag:s1] =	ssyncadd.s32 $0xFFFFE700  }
0x1f3: {  	[spmem:s16] =	stream.linear.scatter [tilespmem:s31], [sflag:$0x3], $0x1900, $0x38;
	[tilespmem:$0x1ED00] =	vst v63  }
0x1f4: {  	_ =	swait.ge [sflag:s1], $0x1900  }
0x1f5: {  	[sflag:s1] =	ssyncset.done $0x0  }
0x1f6: {  	s17 =	rddreg [dreg:$0x9];
	[sflag:s1] =	ssyncadd.s32 $0xFFFFE700  }
0x1f7: {  	[spmem:s17] =	stream.linear.scatter [tilespmem:s31], [sflag:$0x3], $0x1900, $0x38;
	[tilespmem:$0x1ED00] =	vst v63  }
0x1f8: {  	_ =	swait.ge [sflag:s1], $0x1900  }
0x1f9: {  	[sflag:s1] =	ssyncset.done $0x0  }
0x1fa: {  	s14 =	rddreg [dreg:$0xa];
	[sflag:s1] =	ssyncadd.s32 $0xFFFFE700  }
0x1fb: {  	[spmem:s14] =	stream.linear.scatter [tilespmem:s31], [sflag:$0x3], $0x1900, $0x38;
	[tilespmem:$0x1ED00] =	vst v63  }
0x1fc: {  	_ =	swait.ge [sflag:s1], $0x1900  }
0x1fd: {  	[sflag:s1] =	ssyncset.done $0x0  }
0x1fe: {  	s15 =	rddreg [dreg:$0xb];
	[sflag:s1] =	ssyncadd.s32 $0xFFFFE700  }
0x1ff: {  	[spmem:s15] =	stream.linear.scatter [tilespmem:s31], [sflag:$0x3], $0x1900, $0x38;
	[tilespmem:$0x1ED00] =	vst v63  }
0x200: {  	_ =	swait.ge [sflag:s1], $0x1900  }
0x201: {  	[sflag:s1] =	ssyncset.done $0x0  }
0x202: {  	s16 =	rddreg [dreg:$0xc];
	[sflag:s1] =	ssyncadd.s32 $0xFFFFE700  }
0x203: {  	[spmem:s16] =	stream.linear.scatter [tilespmem:s31], [sflag:$0x3], $0x1900, $0x38;
	[tilespmem:$0x1ED00] =	vst v63  }
0x204: {  	_ =	swait.ge [sflag:s1], $0x1900  }
0x205: {  	[sflag:s1] =	ssyncset.done $0x0  }
0x206: {  	s17 =	rddreg [dreg:$0xd];
	[sflag:s1] =	ssyncadd.s32 $0xFFFFE700  }
0x207: {  	[spmem:s17] =	stream.linear.scatter [tilespmem:s31], [sflag:$0x3], $0x1900, $0x38;
	[tilespmem:$0x1ED00] =	vst v63  }
0x208: {  	_ =	swait.ge [sflag:s1], $0x1900  }
0x209: {  	[sflag:s1] =	ssyncset.done $0x0  }
0x20a: {  	s14 =	rddreg [dreg:$0xe];
	[sflag:s1] =	ssyncadd.s32 $0xFFFFE700  }
0x20b: {  	[spmem:s14] =	stream.linear.scatter [tilespmem:s31], [sflag:$0x3], $0x1900, $0x38;
	[tilespmem:$0x1ED00] =	vst v63  }
0x20c: {  	_ =	swait.ge [sflag:s1], $0x1900  }
0x20d: {  	[sflag:s1] =	ssyncset.done $0x0  }
0x20e: {  	[sflag:s1] =	ssyncadd.s32 $0xFFFFE700  }
0x20f: {  	[spmem:s18] =	stream.linear.scatter [tilespmem:s31], [sflag:$0x3], $0x1900, $0x38;
	[tilespmem:$0x1ED00] =	vst v63  }
0x210: {  	_ =	swait.ge [sflag:s1], $0x1900  }
0x211: {  	[sflag:s1] =	ssyncset.done $0x0  }
0x212: {  	[sflag:s1] =	ssyncadd.s32 $0xFFFFE700  }
0x213: {  	[spmem:s19] =	stream.linear.scatter [tilespmem:s31], [sflag:$0x3], $0x1900, $0x38;
	[tilespmem:$0x1ED00] =	vst v63  }
0x214: {  	_ =	swait.ge [sflag:s1], $0x1900  }
0x215: {  	[sflag:s1] =	ssyncset.done $0x0  }
0x216: {  	[sflag:s1] =	ssyncadd.s32 $0xFFFFE700  }
0x217: {  	[spmem:s20] =	stream.linear.scatter [tilespmem:s31], [sflag:$0x3], $0x1900, $0x38;
	[tilespmem:$0x1ED00] =	vst v63  }
0x218: {  	_ =	swait.ge [sflag:s1], $0x1900  }
0x219: {  	[sflag:s1] =	ssyncset.done $0x0  }
0x21a: {  	[sflag:s1] =	ssyncadd.s32 $0xFFFFE700  }
0x21b: {  	[spmem:s21] =	stream.linear.scatter [tilespmem:s31], [sflag:$0x3], $0x1900, $0x38;
	[tilespmem:$0x1ED00] =	vst v63  }
0x21c: {  	_ =	swait.ge [sflag:s1], $0x1900  }
0x21d: {  	[sflag:s1] =	ssyncset.done $0x0  }
0x21e: {  	[sflag:s1] =	ssyncadd.s32 $0xFFFFE700  }
0x21f: {  	s15 =	sadd.s32 $0x0, s29;
	[bflag:$0x0] =	sbarrier.arrive $0xFFFF  }
0x220: {  	[tilespmem:s2], [sflag:$0x3] =	stream.linear.gather [hbm4b:s15+s3], $0x100, $0x38;
	[tilespmem:$0x1ED00] =	vst v63  }
0x221: {  	_ =	swait.ge [sflag:s1], $0x100  }
0x222: {  	[sflag:s1] =	ssyncset.done $0x0  }
0x223: {  	s16 =	sadd.s32 $0x0, s30;
	[sflag:s1] =	ssyncadd.s32 $0xFFFFFF00  }
0x224: {  	[tilespmem:s22], [sflag:$0x3] =	stream.linear.gather [hbm4b:s16+s3], $0x100, $0x38;
	[tilespmem:$0x1ED00] =	vst v63  }
0x225: {  	_ =	swait.ge [sflag:s1], $0x100  }
0x226: {  	[sflag:s1] =	ssyncset.done $0x0  }
0x227: {  	[sflag:s1] =	ssyncadd.s32 $0xFFFFFF00  }
0x228: {  	[tilespmem:s25], [sflag:$0x1] =	stream.indirect.gather [hbm4b:s6+s23], $0x20, s2, s23, $0xb8;
	[tilespmem:$0x1ED00] =	vst v63  }
0x229: {  	s13 =	sadd.s32 $0x20, s15  }
0x22a: {  	[tilespmem:s26], [sflag:$0x3] =	stream.linear.gather [hbm4b:s13+s3], $0x100, $0x38;
	[tilespmem:$0x1ED00] =	vst v63  }
0x22b: {  	_ =	swait.ge [sflag:s1], $0x100  }
0x22c: {  	[sflag:s1] =	ssyncset.done $0x0  }
0x22d: {  	s17 =	sadd.s32 $0x20, s16;
	[sflag:s1] =	ssyncadd.s32 $0xFFFFFF00  }
0x22e: {  	[tilespmem:s28], [sflag:$0x3] =	stream.linear.gather [hbm4b:s17+s3], $0x100, $0x38;
	[tilespmem:$0x1ED00] =	vst v63  }
0x22f: {  	_ =	swait.ge [sflag:s1], $0x100  }
0x230: {  	[sflag:s1] =	ssyncset.done $0x0  }
0x231: {  	[sflag:s1] =	ssyncadd.s32 $0xFFFFFF00  }
0x232: {  	[tilespmem:s7], [sflag:$0x2] =	stream.indirect.gather [hbm4b:s6+s23], $0x20, s26, s23, $0xb8;
	[tilespmem:$0x1ED00] =	vst v63  }
0x233: {  	_ =	swait.ge [sflag:s8], $0x2000  }
0x234: {  	[sflag:s8] =	ssyncset.done $0x0  }
0x235: {  	[sflag:s8] =	ssyncadd.s32 $0xFFFFE000  }
0x236: {  	_ =	swait.ge [sflag:s9], $0x2000  }
0x237: {  	s14 =	simm.s32 $0x80;
	s13 =	simm.s32 $0x40;
	[sflag:s9] =	ssyncset.done $0x0  }
.LBB2_10:
0x238: {  	s15 =	sadd.s32 s13, s29  }
0x239: {  	[sflag:s9] =	ssyncadd.s32 $0xFFFFE000;
	s16 =	smov.u32 s14;
	s17 =	sadd.s32 $0x40, s14  }
0x23a: {  	[tilespmem:s2], [sflag:$0x3] =	stream.linear.gather [hbm4b:s15+s3], $0x100, $0x38;
	[tilespmem:$0x1ED00] =	vst v63  }
0x23b: {  	p0 =	sne.s32 s14, $0x61C0;
	_ =	swait.ge [sflag:s1], $0x100  }
0x23c: {  	[sflag:s1] =	ssyncset.done $0x0  }
0x23d: {  	s14 =	sadd.s32 s13, s30;
	s13 =	smov.u32 s16;
	[sflag:s1] =	ssyncadd.s32 $0xFFFFFF00  }
0x23e: {  	[tilespmem:s22], [sflag:$0x3] =	stream.linear.gather [hbm4b:s14+s3], $0x100, $0x38;
	[tilespmem:$0x1ED00] =	vst v63  }
0x23f: {  	_ =	swait.ge [sflag:s1], $0x100  }
0x240: {  	[sflag:s1] =	ssyncset.done $0x0  }
0x241: {  	[sflag:s1] =	ssyncadd.s32 $0xFFFFFF00  }
0x242: {  	[tilespmem:s25], [sflag:$0x1] =	stream.indirect.gather [hbm4b:s6+s23], $0x20, s2, s23, $0xb8;
	[tilespmem:$0x1ED00] =	vst v63  }
0x243: {  	s15 =	sadd.s32 $0x20, s15  }
0x244: {  	[tilespmem:s26], [sflag:$0x3] =	stream.linear.gather [hbm4b:s15+s3], $0x100, $0x38;
	[tilespmem:$0x1ED00] =	vst v63  }
0x245: {  	_ =	swait.ge [sflag:s1], $0x100  }
0x246: {  	[sflag:s1] =	ssyncset.done $0x0  }
0x247: {  	s14 =	sadd.s32 $0x20, s14;
	[sflag:s1] =	ssyncadd.s32 $0xFFFFFF00  }
0x248: {  	[tilespmem:s28], [sflag:$0x3] =	stream.linear.gather [hbm4b:s14+s3], $0x100, $0x38;
	[tilespmem:$0x1ED00] =	vst v63  }
0x249: {  	_ =	swait.ge [sflag:s1], $0x100  }
0x24a: {  	[sflag:s1] =	ssyncset.done $0x0  }
0x24b: {  	[sflag:s1] =	ssyncadd.s32 $0xFFFFFF00  }
0x24c: {  	[tilespmem:s7], [sflag:$0x2] =	stream.indirect.gather [hbm4b:s6+s23], $0x20, s26, s23, $0xb8;
	[tilespmem:$0x1ED00] =	vst v63  }
.Ltmp4:
0x24d: {  	_ =	swait.ge [sflag:s8], $0x2000;
	(pc) =	sbr.rel @p0 .LBB2_10-.Ltmp4, $4  }
0x24e: {  	[sflag:s8] =	ssyncset.done $0x0  }
0x24f: {  	[sflag:s8] =	ssyncadd.s32 $0xFFFFE000  }
0x250: {  	_ =	swait.ge [sflag:s9], $0x2000  }
0x251: {  	s14 =	smov.u32 s17;
	[sflag:s9] =	ssyncset.done $0x0  }
0x252: {  	s14 =	sadd.s32 s13, s29;
	[sflag:s9] =	ssyncadd.s32 $0xFFFFE000  }
0x253: {  	[tilespmem:s2], [sflag:$0x3] =	stream.linear.gather [hbm4b:s14+s3], $0x100, $0x38;
	[tilespmem:$0x1ED00] =	vst v63  }
0x254: {  	_ =	swait.ge [sflag:s1], $0x100  }
0x255: {  	[sflag:s1] =	ssyncset.done $0x0  }
0x256: {  	s15 =	sadd.s32 s13, s30;
	[sflag:s1] =	ssyncadd.s32 $0xFFFFFF00  }
0x257: {  	[tilespmem:s22], [sflag:$0x3] =	stream.linear.gather [hbm4b:s15+s3], $0x100, $0x38;
	[tilespmem:$0x1ED00] =	vst v63  }
0x258: {  	_ =	swait.ge [sflag:s1], $0x100  }
0x259: {  	[sflag:s1] =	ssyncset.done $0x0  }
0x25a: {  	[sflag:s1] =	ssyncadd.s32 $0xFFFFFF00  }
0x25b: {  	[tilespmem:s25], [sflag:$0x1] =	stream.indirect.gather [hbm4b:s6+s23], $0x20, s2, s23, $0xb8;
	[tilespmem:$0x1ED00] =	vst v63  }
0x25c: {  	s14 =	sadd.s32 $0x20, s14  }
0x25d: {  	[tilespmem:s26], [sflag:$0x3] =	stream.linear.gather [hbm4b:s14+s3], $0x100, $0x38;
	[tilespmem:$0x1ED00] =	vst v63  }
0x25e: {  	_ =	swait.ge [sflag:s1], $0x100  }
0x25f: {  	[sflag:s1] =	ssyncset.done $0x0  }
0x260: {  	s13 =	sadd.s32 $0x20, s15;
	[sflag:s1] =	ssyncadd.s32 $0xFFFFFF00  }
0x261: {  	[tilespmem:s28], [sflag:$0x3] =	stream.linear.gather [hbm4b:s13+s3], $0x100, $0x38;
	[tilespmem:$0x1ED00] =	vst v63  }
0x262: {  	_ =	swait.ge [sflag:s1], $0x100  }
0x263: {  	[sflag:s1] =	ssyncset.done $0x0  }
0x264: {  	[sflag:s1] =	ssyncadd.s32 $0xFFFFFF00  }
0x265: {  	[tilespmem:s7], [sflag:$0x2] =	stream.indirect.gather [hbm4b:s6+s23], $0x20, s26, s23, $0xb8;
	[tilespmem:$0x1ED00] =	vst v63  }
0x266: {  	_ =	swait.ge [sflag:s8], $0x2000  }
0x267: {  	[sflag:s8] =	ssyncset.done $0x0  }
0x268: {  	[sflag:s8] =	ssyncadd.s32 $0xFFFFE000  }
0x269: {  	_ =	swait.ge [sflag:s9], $0x2000  }
0x26a: {  	[sflag:s9] =	ssyncset.done $0x0  }
0x26b: {  	[sflag:s9] =	ssyncadd.s32 $0xFFFFE000  }
0x26c: {  	[bflag:$0x0] =	sbarrier.arrive $0xFFFF  }
0x26d: {  	s16 =	rddreg [dreg:$0x12]  }
0x26e: {  	[hbm:s16], [sflag:s11] =	dma.local [spmem:s12], $0x3200  }
0x26f: {  	_ =	swait.ge [sflag:s1], $0x3200  }
0x270: {  	s10 =	sadd.s32 $0x1, s10;
	s17 =	rddreg [dreg:$0x13]  }
0x271: {  	p0 =	sne.s32 s10, s17  }
.Ltmp5:
0x272: {  	_ = 	snop;
	(pc) =	sbr.rel @p0 .LBB2_1-.Ltmp5, $3  }
0x273: {  	[sflag:s1] =	ssyncset.done $0x0  }
0x274: {  	[sflag:s1] =	ssyncadd.s32 $0xFFFFCE00  }
0x275: {  	[bflag:$0x0] =	sbarrier.arrive $0xFFFF;
	_ =	sdelay $0x1  }
0x276: {  	_ =	sfence.sel $0x180000  }
0x277: {  	[bflag:$0x0] =	sbarrier.arrive $0xFFFF  }
0x278: {  	_ =	strace $0x9000004A  }
0x279: {  	s0 =	stileid.u32;
	[bflag:$0x2] =	sbarrier.arrive $0xFFFF  }
0x27a: {  	p0 =	sne.s32 s0, $0x0;
	s0 =	rddreg [dreg:$0x3]  }
0x27b: {  	s0 =	sadd.s32 @!p0 $0x100000, s0  }
0x27c: {  	[sflag:s0] =	ssyncadd.tile.s32 @!p0 $0x1;
	_ =	shalt  }
.Lfunc_end2:
_tile_overlayer_lowered:
.L_overlay_start_2:
0x27d: {  	(tag) =	ssettag $0x2  }
0x27e: {  	s0 =	rddreg [dreg:$0x0];
	s2 =	stileid.u32  }
0x27f: {  	s1 =	rddreg [dreg:$0x1];
	p0 =	sne.s32 s2, $0x0  }
0x280: {  	s3 =	rddreg [dreg:$0x2];
	[bflag:$0x3] =	sbarrier.arrive $0xFFFF;
	s2 =	simm.s32 @!p0 $0x1C03  }
0x281: {  	[timem:s3], [sflag:s2] =	dma.local @!p0 [hbm:s0], s1  }
0x282: {  	s0 =	simm.s32 @!p0 $0x3  }
0x283: {  	_ =	swait.ge @!p0 [sflag:s0], s1  }
0x284: {  	s1 =	ssub.s32 @!p0 $0x0, s1;
	[sflag:s0] =	ssyncset.done @!p0 $0x0  }
0x285: {  	[sflag:s0] =	ssyncadd.s32 @!p0 s1  }
0x286: {  	[bflag:$0x3] =	sbarrier.arrive $0xFFFF  }
0x287: {  	_ =	shalt  }

// kernel: kernel.14.cloned.1.call-start
scs
__scs_entry_jumppad:
0x0: {  	(pc) =	sbr.rel $0x88, $3  }
0x1: {  	(tag) =	ssettag $0x0;
	lr =	simm.s32 $0x1  }
0x2: {  	[smem:$0x3F9B] =	sst lr;
	_ =	strace $0xD0000000  }
0x3: {  	_ = 	snop  }
0x4: {  	_ = 	snop  }
0x5: {  	_ = 	snop  }
0x6: {  	_ = 	snop  }
0x7: {  	_ = 	snop  }
__scs_overlays_trampoline_lowered:
0x8: {  	[smem:$0x3FAA] =	sst s0  }
0x9: {  	[smem:$0x3FAB] =	sst s1  }
0xa: {  	[smem:$0x3FAC] =	sst s2  }
0xb: {  	[smem:$0x3FAD] =	sst s3  }
0xc: {  	[smem:$0x3FAE] =	sst s4  }
0xd: {  	[smem:$0x3FAF] =	sst s5  }
0xe: {  	[smem:$0x3FB0] =	sst s6  }
0xf: {  	[smem:$0x3FB1] =	sst s7  }
0x10: {  	[smem:$0x3FB2] =	sst s8  }
0x11: {  	[smem:$0x3FB3] =	sst s9;
	s0 =	simm.s32 @!p0 $0x0  }
0x12: {  	s1 =	sld [smem:$0x3F99];
	s0 =	simm.s32 @p0 $0x1  }
0x13: {  	[smem:$0x3FB4] =	sst s0;
	s0 =	simm.s32 @!p1 $0x0  }
0x14: {  	s2 =	sld [smem:$0x3F98];
	s0 =	simm.s32 @p1 $0x1  }
0x15: {  	[smem:$0x3FB5] =	sst s0;
	s0 =	simm.s32 @!p2 $0x0  }
0x16: {  	s3 =	sld [smem:$0x3FDB];
	s0 =	simm.s32 @p2 $0x1  }
0x17: {  	s4 =	simm.s32 $0x1BF5;
	[smem:$0x3FB7] =	sst s0  }
0x18: {  	s0 =	sld [smem:$0x3F9A];
	_ =	swait.ge [sflag:s4], $0x0  }
0x19: {  	s7 =	sld [smem:$0x3F9B]  }
0x1a: {  	s8 =	sadd.s32 $0xFFFFE003, lr  }
0x1b: {  	s9 =	sadd.s32 $0xFFFFFEF7, lr;
	s5 =	simm.s32 $0xFFFFFFFF;
	p2 =	slt.u32 s8, $0xFFFFF086  }
0x1c: {  	p1 =	slt.u32 s9, $0xF7A;
	s5 =	simm.s32 @!p2 $0x0  }
0x1d: {  	s5 =	simm.s32 @p1 $0x1;
	p0 =	seq.s32 s7, s2  }
0x1e: {  	s7 =	smul.u32 @!p0 $0xF7A, s2;
	p2 =	seq.s32 @!p0 s5, $0x0  }
0x1f: {  	s9 =	smul.u32 $0xF7A, s1;
	s8 =	simm.s32 @!p0 $0x1BF5;
	p2 =	por !p2, p0  }
0x20: {  	[sflag:s8] =	ssyncset.s32 @!p0 $0xFFFFF086;
	s6 =	sadd.s32 @!p0 s3, s7;
	s7 =	simm.s32 @!p0 $0x108  }
0x21: {  	s3 =	sadd.s32 s3, s9;
	s6 =	sadd.s32 @!p0 $0x88, s6;
	s7 =	simm.s32 @p2 $0x1082  }
0x22: {  	[simem:s7], [sflag:s8] =	dma.local @!p0 [hbm:s6], $0xF7A  }
0x23: {  	s9 =	sor.u32 $0xD0000000, s2;
	s6 =	simm.s32 $0x108;
	_ =	swait.ge @!p0 [sflag:s8], $0x0  }
0x24: {  	s3 =	sadd.s32 $0x88, s3;
	s6 =	simm.s32 @!p1 $0x1082;
	[sflag:s4] =	ssyncset.s32 $0xFFFFF086  }
0x25: {  	[simem:s6], [sflag:s4] =	dma.local [hbm:s3], $0xF7A  }
0x26: {  	[smem:$0x3F9B] =	sst s1;
	(tag) =	ssettag s2;
	_ =	strace s9  }
0x27: {  	s1 =	sld [smem:$0x3FAB]  }
0x28: {  	s2 =	sld [smem:$0x3FAC]  }
0x29: {  	s4 =	sld [smem:$0x3FAE]  }
0x2a: {  	p0 =	seq.s32 s5, $0x0;
	s5 =	sld [smem:$0x3FAF]  }
0x2b: {  	s6 =	sld [smem:$0x3FB0]  }
0x2c: {  	s7 =	sld [smem:$0x3FB1]  }
0x2d: {  	s3 =	simm.s32 $0x108;
	s8 =	sld [smem:$0x3FB2]  }
0x2e: {  	s3 =	simm.s32 @!p0 $0x1082;
	s9 =	sld [smem:$0x3FB3]  }
0x2f: {  	lr =	sadd.s32 s0, s3;
	s0 =	sld [smem:$0x3FAA]  }
0x30: {  	s3 =	sld [smem:$0x3FAD]  }
0x31: {  	[smem:$0x3FB6] =	sst s10  }
0x32: {  	s10 =	sld [smem:$0x3FB4];
	_ =	sdelay $0x3  }
0x33: {  	p0 =	seq.s32 s10, $0x1;
	s10 =	sld [smem:$0x3FB6];
	_ =	sdelay $0x3  }
0x34: {  	[smem:$0x3FB6] =	sst s10  }
0x35: {  	s10 =	sld [smem:$0x3FB5];
	_ =	sdelay $0x3  }
0x36: {  	p1 =	seq.s32 s10, $0x1;
	s10 =	sld [smem:$0x3FB6];
	_ =	sdelay $0x3  }
0x37: {  	[smem:$0x3FB6] =	sst s10  }
0x38: {  	s10 =	sld [smem:$0x3FB7]  }
0x39: {  	_ = 	snop;
	(pc) =	sbr.ind lr, $3  }
0x3a: {  	_ = 	snop  }
0x3b: {  	_ = 	snop  }
0x3c: {  	p2 =	seq.s32 s10, $0x1;
	s10 =	sld [smem:$0x3FB6]  }
0x3d: {  	_ =	shalt  }
0x3e: {  	_ =	shalt  }
0x3f: {  	_ =	shalt  }
0x40: {  	_ =	shalt  }
0x41: {  	_ =	shalt  }
0x42: {  	_ =	shalt  }
0x43: {  	_ =	shalt  }
0x44: {  	_ =	shalt  }
0x45: {  	_ =	shalt  }
0x46: {  	_ =	shalt  }
0x47: {  	_ =	shalt  }
0x48: {  	_ =	shalt  }
0x49: {  	_ =	shalt  }
0x4a: {  	_ =	shalt  }
0x4b: {  	_ =	shalt  }
0x4c: {  	_ =	shalt  }
0x4d: {  	_ =	shalt  }
0x4e: {  	_ =	shalt  }
0x4f: {  	_ =	shalt  }
0x50: {  	_ =	shalt  }
0x51: {  	_ =	shalt  }
0x52: {  	_ =	shalt  }
0x53: {  	_ =	shalt  }
0x54: {  	_ =	shalt  }
0x55: {  	_ =	shalt  }
0x56: {  	_ =	shalt  }
0x57: {  	_ =	shalt  }
0x58: {  	_ =	shalt  }
0x59: {  	_ =	shalt  }
0x5a: {  	_ =	shalt  }
0x5b: {  	_ =	shalt  }
0x5c: {  	_ =	shalt  }
0x5d: {  	_ =	shalt  }
0x5e: {  	_ =	shalt  }
0x5f: {  	_ =	shalt  }
0x60: {  	_ =	shalt  }
0x61: {  	_ =	shalt  }
0x62: {  	_ =	shalt  }
0x63: {  	_ =	shalt  }
0x64: {  	_ =	shalt  }
0x65: {  	_ =	shalt  }
0x66: {  	_ =	shalt  }
0x67: {  	_ =	shalt  }
0x68: {  	_ =	shalt  }
0x69: {  	_ =	shalt  }
0x6a: {  	_ =	shalt  }
0x6b: {  	_ =	shalt  }
0x6c: {  	_ =	shalt  }
0x6d: {  	_ =	shalt  }
0x6e: {  	_ =	shalt  }
0x6f: {  	_ =	shalt  }
0x70: {  	_ =	shalt  }
0x71: {  	_ =	shalt  }
0x72: {  	_ =	shalt  }
0x73: {  	_ =	shalt  }
0x74: {  	_ =	shalt  }
0x75: {  	_ =	shalt  }
0x76: {  	_ =	shalt  }
0x77: {  	_ =	shalt  }
0x78: {  	_ =	shalt  }
0x79: {  	_ =	shalt  }
0x7a: {  	_ =	shalt  }
0x7b: {  	_ =	shalt  }
0x7c: {  	_ =	shalt  }
0x7d: {  	_ =	shalt  }
0x7e: {  	_ =	shalt  }
0x7f: {  	_ =	shalt  }
0x80: {  	_ =	shalt  }
0x81: {  	_ =	shalt  }
0x82: {  	_ =	shalt  }
0x83: {  	_ =	shalt  }
0x84: {  	_ =	shalt  }
0x85: {  	_ =	shalt  }
0x86: {  	_ =	shalt  }
0x87: {  	_ =	shalt  }
.Lfunc_end0:
.L_simem_size_0:
called_computation.2_lowered:
.L_overlay_start_0:
0x88: {  	s2 =	sld [smem:$0x3FD9]  }
0x89: {  	s3 =	sld [smem:$0x3FFE];
	_ =	sdelay $0x1  }
0x8a: {  	s1 =	srdreg.scid  }
0x8b: {  	s0 =	sand.u32 $0x1, s1  }
0x8c: {  	s17 =	sshll.u32 s0, $0xA;
	s2 =	sadd.s32 s3, s2  }
0x8d: {  	s2 =	sadd.s32 s2, s17  }
0x8e: {  	[smem:$0x3FC2] =	sst s2  }
0x8f: {  	_ = 	snop  }
0x90: {  	s2 =	sld [smem:$0x3FD0];
	(tm) =	ssettm $0x1  }
0x91: {  	s18 =	sld [smem:$0x3FFB];
	_ =	sdelay $0x3  }
0x92: {  	_ =	strace s18  }
0x93: {  	s3 =	sld [smem:$0x3FFC];
	_ =	sdelay $0x3  }
0x94: {  	_ =	strace s3  }
0x95: {  	s3 =	sld [smem:$0x3FFD];
	_ =	sdelay $0x3  }
0x96: {  	_ =	strace s3  }
0x97: {  	_ =	strace $0x8FFFFFFF  }
0x98: {  	s19 =	sld [smem:$0x3FDB];
	_ =	sdelay $0x1  }
0x99: {  	s4 =	simm.s32 $_scs_section_size  }
0x9a: {  	s5 =	simm.s32 $_size__tile_overlayer_lowered;
	s6 =	simm.s32 $_tile_overlayer_lowered  }
0x9b: {  	s22 =	simm.s32 $0x1BFF;
	s21 =	sshll.u32 s6, $0x1;
	s3 =	sadd.s32 s4, s19  }
0x9c: {  	s7 =	simm.s32 $0x0;
	s20 =	sshll.u32 s5, $0x1;
	s5 =	sadd.s32 s21, s3  }
0x9d: {  	[timem:s7], [sflag:s22] =	dma.local [hbm:s5], s20  }
0x9e: {  	_ =	swait.ge [sflag:s22], s20  }
0x9f: {  	s4 =	ssub.s32 $0x0, s20;
	[sflag:s22] =	ssyncset.done $0x0  }
0xa0: {  	[sflag:s22] =	ssyncadd.s32 s4;
	_ =	sdelay $0x1  }
0xa1: {  	s23 =	simm.s32 $0x1B8B  }
0xa2: {  	_ =	swait.ge [sflag:s23], $0x1  }
0xa3: {  	[sflag:s23] =	ssyncset.done $0x0  }
0xa4: {  	s25 =	simm.s32 $0x1B8E;
	s24 =	sld [smem:$0x3FFE];
	[sflag:s23] =	ssyncadd.s32 $0xFFFFFFFF  }
0xa5: {  	s26 =	simm.s32 $execute0_lowered;
	[smem:$0x3FD2] =	sst s25  }
0xa6: {  	s5 =	sshll.u32 s26, $0x1;
	_ =	strace $0x8000004C;
	[dreg:$0x1] =	wrdreg $0xFFFFFFFF  }
0xa7: {  	s28 =	simm.s32 $_size_execute0_lowered;
	s3 =	sadd.s32 s3, s5;
	[dreg:$0x0] =	wrdreg $0x0  }
0xa8: {  	s5 =	sshll.u32 s28, $0x1;
	[dreg:$0x2] =	wrdreg s3  }
0xa9: {  	[dreg:$0x3] =	wrdreg s5  }
0xaa: {  	[dreg:$0x4] =	wrdreg $0xC0  }
0xab: {  	_ =	task [dreg:s7], $0x5FFFF  }
0xac: {  	[dreg:$0x1] =	wrdreg $0xFFFFFFFF  }
0xad: {  	[dreg:$0x0] =	wrdreg $0x60  }
0xae: {  	[dreg:$0x2] =	wrdreg s2  }
0xaf: {  	[dreg:$0x3] =	wrdreg s24  }
0xb0: {  	[dreg:$0x4] =	wrdreg $0x0  }
0xb1: {  	[dreg:$0x5] =	wrdreg $0x9  }
0xb2: {  	_ =	task.clear_ibuf [dreg:s7], $0x6FFFF;
	_ =	strace $0x9000004C  }
0xb3: {  	s29 =	simm.s32 $0x9;
	_ =	strace $0x8000004E  }
0xb4: {  	_ =	swait.ge [sflag:s29], $0x1  }
0xb5: {  	[sflag:s29] =	ssyncadd.s32 $0xFFFFFFFF  }
0xb6: {  	_ =	strace $0x9000004E  }
0xb7: {  	_ =	sfence  }
0xb8: {  	s30 =	sld [smem:$0x0];
	_ =	sdelay $0x2  }
0xb9: {  	s31 =	sshll.u32 s1, $0xD;
	s1 =	sshrl.u32 s1, $0x2  }
0xba: {  	s3 =	sand.u32 $0x4000, s31;
	s1 =	sadd.s32 s1, s30  }
0xbb: {  	s0 =	sor.u32 s3, s0;
	s1 =	sshll.u32 s1, $0x11  }
0xbc: {  	s0 =	sor.u32 s1, s0  }
0xbd: {  	s0 =	sadd.s32 $0x8F2B, s0  }
0xbe: {  	[sflag:s0] =	ssyncadd.remote.s32 $0x1  }
0xbf: {  	_ =	sfence.sel $0xFFFF  }
0xc0: {  	[dreg:$0x0] =	wrdreg $0xFFFFFFFF;
	(pc) =	sbr.abs _section_cstart, $3  }
0xc1: {  	[dreg:$0x1] =	wrdreg $0xFFFFFFFF  }
0xc2: {  	_ =	task.clear_ibuf [dreg:s7], $0x2FFFF;
	_ =	strace $0x9FFFFFFF  }
0xc3: {  	(tm) =	ssettm $0x7FFFFFFF  }
tec
execute0_lowered:
.L_overlay_start_1:
0x0: {  	(tag) =	ssettag $0x1  }
0x1: {  	s0 =	rddreg [dreg:$0x0]  }
0x2: {  	s1 =	rddreg [dreg:$0x1];
	s5 =	stileid.u32  }
0x3: {  	s2 =	srdreg.scid;
	s9 =	smul.u32 $0x31000, s5  }
0x4: {  	s7 =	rddreg [dreg:$0x2];
	s10 =	smul.u32 $0x19000, s5  }
0x5: {  	s3 =	simm.s32 $0x0;
	s2 =	sand.u32 $0x1, s2;
	s12 =	smul.u32 $0x64000, s5  }
0x6: {  	s31 =	simm.s32 $0x1D400;
	s28 =	simm.s32 $0x1B300;
	s11 =	smul.u32 $0x190000, s2  }
0x7: {  	[smem:$0x7FF] =	sst s3;
	s4 =	sadd.s32 $0x5BEA00, s1;
	s25 =	sshrl.u32 s12, $0x2  }
0x8: {  	s5 =	sadd.s32 $0x7600, s1;
	s24 =	sadd.s32 s10, s11;
	s11 =	sadd.s32 s25, s7  }
0x9: {  	s6 =	sadd.s32 $0x3D6400, s1;
	s8 =	smul.u32 $0x310000, s2;
	s26 =	sadd.s32 $0x1900, s11  }
0xa: {  	_ =	strace $0x8000004D;
	s12 =	sadd.s32 $0x3200, s11;
	[dreg:$0x4] =	wrdreg s26  }
0xb: {  	s2 =	ssub.s32 $0x2, s2;
	s13 =	sadd.s32 $0x4B00, s11;
	[dreg:$0x5] =	wrdreg s12  }
0xc: {  	s22 =	sshrl.u32 s2, $0x1;
	s14 =	sadd.s32 $0x6400, s11;
	[dreg:$0x6] =	wrdreg s13  }
0xd: {  	s8 =	sadd.s32 s9, s8;
	s15 =	sadd.s32 $0x7D00, s11;
	[dreg:$0x7] =	wrdreg s14  }
0xe: {  	s2 =	ssub.s32 s2, s22;
	s16 =	sadd.s32 $0x9600, s11;
	[dreg:$0x8] =	wrdreg s15  }
0xf: {  	s22 =	simm.s32 $0x19100;
	s17 =	sadd.s32 $0xAF00, s11;
	[dreg:$0x9] =	wrdreg s16  }
0x10: {  	s8 =	sshrl.u32 s8, $0x3;
	s18 =	sadd.s32 $0xC800, s11;
	[dreg:$0xa] =	wrdreg s17  }
0x11: {  	s9 =	sshrl.u32 s24, $0x3;
	s19 =	sadd.s32 $0xE100, s11;
	[dreg:$0xb] =	wrdreg s18  }
0x12: {  	s20 =	sadd.s32 $0xFA00, s11;
	s21 =	sadd.s32 $0x11300, s11;
	[dreg:$0xc] =	wrdreg s19  }
0x13: {  	s8 =	sadd.s32 s8, s1;
	s1 =	sadd.s32 s9, s1;
	[dreg:$0xd] =	wrdreg s20  }
0x14: {  	[dreg:$0xe] =	wrdreg s21;
	s18 =	sadd.s32 $0x12C00, s11;
	s19 =	sadd.s32 $0x14500, s11  }
0x15: {  	s20 =	sadd.s32 $0x15E00, s11;
	s21 =	sadd.s32 $0x17700, s11;
	s26 =	smax.u32 s2, $0x1  }
0x16: {  	s2 =	simm.s32 $0x19000;
	s9 =	simm.s32 $0x2;
	s23 =	sadd.s32 $0x620600, s1  }
0x17: {  	s24 =	sadd.s32 $0x684600, s1;
	s25 =	sadd.s32 $0x6E8600, s1;
	[dreg:$0x13] =	wrdreg s26  }
0x18: {  	s1 =	sadd.s32 $0x74C600, s1;
	s29 =	sadd.s32 $0x312400, s8;
	[dreg:$0xf] =	wrdreg s23  }
0x19: {  	s30 =	sadd.s32 $0xC7A00, s8;
	s26 =	simm.s32 $0x1B200;
	[dreg:$0x10] =	wrdreg s24  }
0x1a: {  	s8 =	simm.s32 $0x1;
	s24 =	sadd.s32 s10, s7;
	[dreg:$0x11] =	wrdreg s25  }
0x1b: {  	[dreg:$0x12] =	wrdreg s1;
	s1 =	simm.s32 $0x3;
	s23 =	simm.s32 $0x100  }
0x1c: {  	v0 =	vimm.f32 $0.0e+00;
	s25 =	simm.s32 $0x19200;
	s7 =	simm.s32 $0x1B400;
	s10 =	simm.s32 $0x0  }
.LBB2_1:
0x1d: {  	s11 =	simm.s32 $0x40;
	s12 =	simm.s32 $0x0  }
.LBB2_2:
0x1e: {  	p0 =	sne.s32 s11, $0x63C0;
	[tilespmem:s12+$0x1D400] =	vst v0;
	s12 =	smov.u32 s11;
	s11 =	sadd.s32 $0x40, s11  }
.Ltmp0:
0x1f: {  	(pc) =	sbr.rel @p0 .LBB2_2-.Ltmp0, $2  }
0x20: {  	_ =	sdelay $0x2  }
0x21: {  	s12 =	sshra.s32 s12, $0x2  }
0x22: {  	[tilespmem:s12+$0x1D400] =	vst v0  }
0x23: {  	[spmem:s24] =	stream.linear.scatter [tilespmem:s31], [sflag:$0x3], $0x1900, $0x38;
	[tilespmem:$0x1ED00] =	vst v63  }
0x24: {  	_ =	swait.ge [sflag:s1], $0x1900  }
0x25: {  	[sflag:s1] =	ssyncset.done $0x0  }
0x26: {  	s11 =	rddreg [dreg:$0x4];
	[sflag:s1] =	ssyncadd.s32 $0xFFFFE700  }
0x27: {  	[spmem:s11] =	stream.linear.scatter [tilespmem:s31], [sflag:$0x3], $0x1900, $0x38;
	[tilespmem:$0x1ED00] =	vst v63  }
0x28: {  	_ =	swait.ge [sflag:s1], $0x1900  }
0x29: {  	[sflag:s1] =	ssyncset.done $0x0  }
0x2a: {  	s17 =	rddreg [dreg:$0x5];
	[sflag:s1] =	ssyncadd.s32 $0xFFFFE700  }
0x2b: {  	[spmem:s17] =	stream.linear.scatter [tilespmem:s31], [sflag:$0x3], $0x1900, $0x38;
	[tilespmem:$0x1ED00] =	vst v63  }
0x2c: {  	_ =	swait.ge [sflag:s1], $0x1900  }
0x2d: {  	[sflag:s1] =	ssyncset.done $0x0  }
0x2e: {  	s12 =	rddreg [dreg:$0x6];
	[sflag:s1] =	ssyncadd.s32 $0xFFFFE700  }
0x2f: {  	[spmem:s12] =	stream.linear.scatter [tilespmem:s31], [sflag:$0x3], $0x1900, $0x38;
	[tilespmem:$0x1ED00] =	vst v63  }
0x30: {  	_ =	swait.ge [sflag:s1], $0x1900  }
0x31: {  	[sflag:s1] =	ssyncset.done $0x0  }
0x32: {  	s13 =	rddreg [dreg:$0x7];
	[sflag:s1] =	ssyncadd.s32 $0xFFFFE700  }
0x33: {  	[spmem:s13] =	stream.linear.scatter [tilespmem:s31], [sflag:$0x3], $0x1900, $0x38;
	[tilespmem:$0x1ED00] =	vst v63  }
0x34: {  	_ =	swait.ge [sflag:s1], $0x1900  }
0x35: {  	[sflag:s1] =	ssyncset.done $0x0  }
0x36: {  	s14 =	rddreg [dreg:$0x8];
	[sflag:s1] =	ssyncadd.s32 $0xFFFFE700  }
0x37: {  	[spmem:s14] =	stream.linear.scatter [tilespmem:s31], [sflag:$0x3], $0x1900, $0x38;
	[tilespmem:$0x1ED00] =	vst v63  }
0x38: {  	_ =	swait.ge [sflag:s1], $0x1900  }
0x39: {  	[sflag:s1] =	ssyncset.done $0x0  }
0x3a: {  	s15 =	rddreg [dreg:$0x9];
	[sflag:s1] =	ssyncadd.s32 $0xFFFFE700  }
0x3b: {  	[spmem:s15] =	stream.linear.scatter [tilespmem:s31], [sflag:$0x3], $0x1900, $0x38;
	[tilespmem:$0x1ED00] =	vst v63  }
0x3c: {  	_ =	swait.ge [sflag:s1], $0x1900  }
0x3d: {  	[sflag:s1] =	ssyncset.done $0x0  }
0x3e: {  	s16 =	rddreg [dreg:$0xa];
	[sflag:s1] =	ssyncadd.s32 $0xFFFFE700  }
0x3f: {  	[spmem:s16] =	stream.linear.scatter [tilespmem:s31], [sflag:$0x3], $0x1900, $0x38;
	[tilespmem:$0x1ED00] =	vst v63  }
0x40: {  	_ =	swait.ge [sflag:s1], $0x1900  }
0x41: {  	[sflag:s1] =	ssyncset.done $0x0  }
0x42: {  	s17 =	rddreg [dreg:$0xb];
	[sflag:s1] =	ssyncadd.s32 $0xFFFFE700  }
0x43: {  	[spmem:s17] =	stream.linear.scatter [tilespmem:s31], [sflag:$0x3], $0x1900, $0x38;
	[tilespmem:$0x1ED00] =	vst v63  }
0x44: {  	_ =	swait.ge [sflag:s1], $0x1900  }
0x45: {  	[sflag:s1] =	ssyncset.done $0x0  }
0x46: {  	s12 =	rddreg [dreg:$0xc];
	[sflag:s1] =	ssyncadd.s32 $0xFFFFE700  }
0x47: {  	[spmem:s12] =	stream.linear.scatter [tilespmem:s31], [sflag:$0x3], $0x1900, $0x38;
	[tilespmem:$0x1ED00] =	vst v63  }
0x48: {  	_ =	swait.ge [sflag:s1], $0x1900  }
0x49: {  	[sflag:s1] =	ssyncset.done $0x0  }
0x4a: {  	s13 =	rddreg [dreg:$0xd];
	[sflag:s1] =	ssyncadd.s32 $0xFFFFE700  }
0x4b: {  	[spmem:s13] =	stream.linear.scatter [tilespmem:s31], [sflag:$0x3], $0x1900, $0x38;
	[tilespmem:$0x1ED00] =	vst v63  }
0x4c: {  	_ =	swait.ge [sflag:s1], $0x1900  }
0x4d: {  	[sflag:s1] =	ssyncset.done $0x0  }
0x4e: {  	s14 =	rddreg [dreg:$0xe];
	[sflag:s1] =	ssyncadd.s32 $0xFFFFE700  }
0x4f: {  	[spmem:s14] =	stream.linear.scatter [tilespmem:s31], [sflag:$0x3], $0x1900, $0x38;
	[tilespmem:$0x1ED00] =	vst v63  }
0x50: {  	_ =	swait.ge [sflag:s1], $0x1900  }
0x51: {  	[sflag:s1] =	ssyncset.done $0x0  }
0x52: {  	[sflag:s1] =	ssyncadd.s32 $0xFFFFE700  }
0x53: {  	[spmem:s18] =	stream.linear.scatter [tilespmem:s31], [sflag:$0x3], $0x1900, $0x38;
	[tilespmem:$0x1ED00] =	vst v63  }
0x54: {  	_ =	swait.ge [sflag:s1], $0x1900  }
0x55: {  	[sflag:s1] =	ssyncset.done $0x0  }
0x56: {  	[sflag:s1] =	ssyncadd.s32 $0xFFFFE700  }
0x57: {  	[spmem:s19] =	stream.linear.scatter [tilespmem:s31], [sflag:$0x3], $0x1900, $0x38;
	[tilespmem:$0x1ED00] =	vst v63  }
0x58: {  	_ =	swait.ge [sflag:s1], $0x1900  }
0x59: {  	[sflag:s1] =	ssyncset.done $0x0  }
0x5a: {  	[sflag:s1] =	ssyncadd.s32 $0xFFFFE700  }
0x5b: {  	[spmem:s20] =	stream.linear.scatter [tilespmem:s31], [sflag:$0x3], $0x1900, $0x38;
	[tilespmem:$0x1ED00] =	vst v63  }
0x5c: {  	_ =	swait.ge [sflag:s1], $0x1900  }
0x5d: {  	[sflag:s1] =	ssyncset.done $0x0  }
0x5e: {  	[sflag:s1] =	ssyncadd.s32 $0xFFFFE700  }
0x5f: {  	[spmem:s21] =	stream.linear.scatter [tilespmem:s31], [sflag:$0x3], $0x1900, $0x38;
	[tilespmem:$0x1ED00] =	vst v63  }
0x60: {  	_ =	swait.ge [sflag:s1], $0x1900  }
0x61: {  	[sflag:s1] =	ssyncset.done $0x0  }
0x62: {  	[sflag:s1] =	ssyncadd.s32 $0xFFFFE700  }
0x63: {  	s15 =	sadd.s32 $0x0, s29;
	[bflag:$0x0] =	sbarrier.arrive $0xFFFF  }
0x64: {  	[tilespmem:s2], [sflag:$0x3] =	stream.linear.gather [hbm4b:s15+s3], $0x100, $0x38;
	[tilespmem:$0x1ED00] =	vst v63  }
0x65: {  	_ =	swait.ge [sflag:s1], $0x100  }
0x66: {  	[sflag:s1] =	ssyncset.done $0x0  }
0x67: {  	s16 =	sadd.s32 $0x0, s30;
	[sflag:s1] =	ssyncadd.s32 $0xFFFFFF00  }
0x68: {  	[tilespmem:s22], [sflag:$0x3] =	stream.linear.gather [hbm4b:s16+s3], $0x100, $0x38;
	[tilespmem:$0x1ED00] =	vst v63  }
0x69: {  	_ =	swait.ge [sflag:s1], $0x100  }
0x6a: {  	[sflag:s1] =	ssyncset.done $0x0  }
0x6b: {  	[sflag:s1] =	ssyncadd.s32 $0xFFFFFF00  }
0x6c: {  	[tilespmem:s25], [sflag:$0x1] =	stream.indirect.gather [hbm4b:s0+s23], $0x20, s2, s23, $0xb8;
	[tilespmem:$0x1ED00] =	vst v63  }
0x6d: {  	s11 =	sadd.s32 $0x20, s15  }
0x6e: {  	[tilespmem:s26], [sflag:$0x3] =	stream.linear.gather [hbm4b:s11+s3], $0x100, $0x38;
	[tilespmem:$0x1ED00] =	vst v63  }
0x6f: {  	_ =	swait.ge [sflag:s1], $0x100  }
0x70: {  	[sflag:s1] =	ssyncset.done $0x0  }
0x71: {  	s17 =	sadd.s32 $0x20, s16;
	[sflag:s1] =	ssyncadd.s32 $0xFFFFFF00  }
0x72: {  	[tilespmem:s28], [sflag:$0x3] =	stream.linear.gather [hbm4b:s17+s3], $0x100, $0x38;
	[tilespmem:$0x1ED00] =	vst v63  }
0x73: {  	_ =	swait.ge [sflag:s1], $0x100  }
0x74: {  	[sflag:s1] =	ssyncset.done $0x0  }
0x75: {  	[sflag:s1] =	ssyncadd.s32 $0xFFFFFF00  }
0x76: {  	[tilespmem:s7], [sflag:$0x2] =	stream.indirect.gather [hbm4b:s0+s23], $0x20, s26, s23, $0xb8;
	[tilespmem:$0x1ED00] =	vst v63  }
0x77: {  	_ =	swait.ge [sflag:s8], $0x2000  }
0x78: {  	[sflag:s8] =	ssyncset.done $0x0  }
0x79: {  	[sflag:s8] =	ssyncadd.s32 $0xFFFFE000  }
0x7a: {  	_ =	swait.ge [sflag:s9], $0x2000  }
0x7b: {  	s12 =	simm.s32 $0x80;
	s11 =	simm.s32 $0x40;
	[sflag:s9] =	ssyncset.done $0x0  }
.LBB2_4:
0x7c: {  	s13 =	sadd.s32 s11, s29  }
0x7d: {  	[sflag:s9] =	ssyncadd.s32 $0xFFFFE000;
	s14 =	smov.u32 s12;
	s15 =	sadd.s32 $0x40, s12  }
0x7e: {  	[tilespmem:s2], [sflag:$0x3] =	stream.linear.gather [hbm4b:s13+s3], $0x100, $0x38;
	[tilespmem:$0x1ED00] =	vst v63  }
0x7f: {  	p0 =	sne.s32 s12, $0x61C0;
	_ =	swait.ge [sflag:s1], $0x100  }
0x80: {  	[sflag:s1] =	ssyncset.done $0x0  }
0x81: {  	s12 =	sadd.s32 s11, s30;
	s11 =	smov.u32 s14;
	[sflag:s1] =	ssyncadd.s32 $0xFFFFFF00  }
0x82: {  	[tilespmem:s22], [sflag:$0x3] =	stream.linear.gather [hbm4b:s12+s3], $0x100, $0x38;
	[tilespmem:$0x1ED00] =	vst v63  }
0x83: {  	_ =	swait.ge [sflag:s1], $0x100  }
0x84: {  	[sflag:s1] =	ssyncset.done $0x0  }
0x85: {  	[sflag:s1] =	ssyncadd.s32 $0xFFFFFF00  }
0x86: {  	[tilespmem:s25], [sflag:$0x1] =	stream.indirect.gather [hbm4b:s0+s23], $0x20, s2, s23, $0xb8;
	[tilespmem:$0x1ED00] =	vst v63  }
0x87: {  	s13 =	sadd.s32 $0x20, s13  }
0x88: {  	[tilespmem:s26], [sflag:$0x3] =	stream.linear.gather [hbm4b:s13+s3], $0x100, $0x38;
	[tilespmem:$0x1ED00] =	vst v63  }
0x89: {  	_ =	swait.ge [sflag:s1], $0x100  }
0x8a: {  	[sflag:s1] =	ssyncset.done $0x0  }
0x8b: {  	s12 =	sadd.s32 $0x20, s12;
	[sflag:s1] =	ssyncadd.s32 $0xFFFFFF00  }
0x8c: {  	[tilespmem:s28], [sflag:$0x3] =	stream.linear.gather [hbm4b:s12+s3], $0x100, $0x38;
	[tilespmem:$0x1ED00] =	vst v63  }
0x8d: {  	_ =	swait.ge [sflag:s1], $0x100  }
0x8e: {  	[sflag:s1] =	ssyncset.done $0x0  }
0x8f: {  	[sflag:s1] =	ssyncadd.s32 $0xFFFFFF00  }
0x90: {  	[tilespmem:s7], [sflag:$0x2] =	stream.indirect.gather [hbm4b:s0+s23], $0x20, s26, s23, $0xb8;
	[tilespmem:$0x1ED00] =	vst v63  }
.Ltmp1:
0x91: {  	_ =	swait.ge [sflag:s8], $0x2000;
	(pc) =	sbr.rel @p0 .LBB2_4-.Ltmp1, $4  }
0x92: {  	[sflag:s8] =	ssyncset.done $0x0  }
0x93: {  	[sflag:s8] =	ssyncadd.s32 $0xFFFFE000  }
0x94: {  	_ =	swait.ge [sflag:s9], $0x2000  }
0x95: {  	s12 =	smov.u32 s15;
	[sflag:s9] =	ssyncset.done $0x0  }
0x96: {  	s12 =	sadd.s32 s11, s29;
	[sflag:s9] =	ssyncadd.s32 $0xFFFFE000  }
0x97: {  	[tilespmem:s2], [sflag:$0x3] =	stream.linear.gather [hbm4b:s12+s3], $0x100, $0x38;
	[tilespmem:$0x1ED00] =	vst v63  }
0x98: {  	_ =	swait.ge [sflag:s1], $0x100  }
0x99: {  	[sflag:s1] =	ssyncset.done $0x0  }
0x9a: {  	s15 =	sadd.s32 s11, s30;
	[sflag:s1] =	ssyncadd.s32 $0xFFFFFF00  }
0x9b: {  	[tilespmem:s22], [sflag:$0x3] =	stream.linear.gather [hbm4b:s15+s3], $0x100, $0x38;
	[tilespmem:$0x1ED00] =	vst v63  }
0x9c: {  	_ =	swait.ge [sflag:s1], $0x100  }
0x9d: {  	[sflag:s1] =	ssyncset.done $0x0  }
0x9e: {  	[sflag:s1] =	ssyncadd.s32 $0xFFFFFF00  }
0x9f: {  	[tilespmem:s25], [sflag:$0x1] =	stream.indirect.gather [hbm4b:s0+s23], $0x20, s2, s23, $0xb8;
	[tilespmem:$0x1ED00] =	vst v63  }
0xa0: {  	s12 =	sadd.s32 $0x20, s12  }
0xa1: {  	[tilespmem:s26], [sflag:$0x3] =	stream.linear.gather [hbm4b:s12+s3], $0x100, $0x38;
	[tilespmem:$0x1ED00] =	vst v63  }
0xa2: {  	_ =	swait.ge [sflag:s1], $0x100  }
0xa3: {  	[sflag:s1] =	ssyncset.done $0x0  }
0xa4: {  	s11 =	sadd.s32 $0x20, s15;
	[sflag:s1] =	ssyncadd.s32 $0xFFFFFF00  }
0xa5: {  	[tilespmem:s28], [sflag:$0x3] =	stream.linear.gather [hbm4b:s11+s3], $0x100, $0x38;
	[tilespmem:$0x1ED00] =	vst v63  }
0xa6: {  	_ =	swait.ge [sflag:s1], $0x100  }
0xa7: {  	[sflag:s1] =	ssyncset.done $0x0  }
0xa8: {  	[sflag:s1] =	ssyncadd.s32 $0xFFFFFF00  }
0xa9: {  	[tilespmem:s7], [sflag:$0x2] =	stream.indirect.gather [hbm4b:s0+s23], $0x20, s26, s23, $0xb8;
	[tilespmem:$0x1ED00] =	vst v63  }
0xaa: {  	_ =	swait.ge [sflag:s8], $0x2000  }
0xab: {  	[sflag:s8] =	ssyncset.done $0x0  }
0xac: {  	[sflag:s8] =	ssyncadd.s32 $0xFFFFE000  }
0xad: {  	_ =	swait.ge [sflag:s9], $0x2000  }
0xae: {  	[sflag:s9] =	ssyncset.done $0x0  }
0xaf: {  	s16 =	stileid.u32;
	[sflag:s9] =	ssyncadd.s32 $0xFFFFE000  }
0xb0: {  	s11 =	sshll.u32 s16, $0x6;
	[bflag:$0x0] =	sbarrier.arrive $0xFFFF  }
0xb1: {  	s12 =	sshrl.u32 s24, $0x3;
	s11 =	sor.u32 $0x1C03, s11;
	s13 =	rddreg [dreg:$0xf]  }
0xb2: {  	[hbm:s13], [sflag:s11] =	dma.local [spmem:s12], $0x3200  }
0xb3: {  	_ =	swait.ge [sflag:s1], $0x3200  }
0xb4: {  	[sflag:s1] =	ssyncset.done $0x0  }
0xb5: {  	[sflag:s1] =	ssyncadd.s32 $0xFFFFCE00  }
0xb6: {  	[bflag:$0x0] =	sbarrier.arrive $0xFFFF  }
0xb7: {  	[spmem:s24] =	stream.linear.scatter [tilespmem:s31], [sflag:$0x3], $0x1900, $0x38;
	[tilespmem:$0x1ED00] =	vst v63  }
0xb8: {  	_ =	swait.ge [sflag:s1], $0x1900  }
0xb9: {  	[sflag:s1] =	ssyncset.done $0x0  }
0xba: {  	s17 =	rddreg [dreg:$0x4];
	[sflag:s1] =	ssyncadd.s32 $0xFFFFE700  }
0xbb: {  	[spmem:s17] =	stream.linear.scatter [tilespmem:s31], [sflag:$0x3], $0x1900, $0x38;
	[tilespmem:$0x1ED00] =	vst v63  }
0xbc: {  	_ =	swait.ge [sflag:s1], $0x1900  }
0xbd: {  	[sflag:s1] =	ssyncset.done $0x0  }
0xbe: {  	s14 =	rddreg [dreg:$0x5];
	[sflag:s1] =	ssyncadd.s32 $0xFFFFE700  }
0xbf: {  	[spmem:s14] =	stream.linear.scatter [tilespmem:s31], [sflag:$0x3], $0x1900, $0x38;
	[tilespmem:$0x1ED00] =	vst v63  }
0xc0: {  	_ =	swait.ge [sflag:s1], $0x1900  }
0xc1: {  	[sflag:s1] =	ssyncset.done $0x0  }
0xc2: {  	s15 =	rddreg [dreg:$0x6];
	[sflag:s1] =	ssyncadd.s32 $0xFFFFE700  }
0xc3: {  	[spmem:s15] =	stream.linear.scatter [tilespmem:s31], [sflag:$0x3], $0x1900, $0x38;
	[tilespmem:$0x1ED00] =	vst v63  }
0xc4: {  	_ =	swait.ge [sflag:s1], $0x1900  }
0xc5: {  	[sflag:s1] =	ssyncset.done $0x0  }
0xc6: {  	s16 =	rddreg [dreg:$0x7];
	[sflag:s1] =	ssyncadd.s32 $0xFFFFE700  }
0xc7: {  	[spmem:s16] =	stream.linear.scatter [tilespmem:s31], [sflag:$0x3], $0x1900, $0x38;
	[tilespmem:$0x1ED00] =	vst v63  }
0xc8: {  	_ =	swait.ge [sflag:s1], $0x1900  }
0xc9: {  	[sflag:s1] =	ssyncset.done $0x0  }
0xca: {  	s17 =	rddreg [dreg:$0x8];
	[sflag:s1] =	ssyncadd.s32 $0xFFFFE700  }
0xcb: {  	[spmem:s17] =	stream.linear.scatter [tilespmem:s31], [sflag:$0x3], $0x1900, $0x38;
	[tilespmem:$0x1ED00] =	vst v63  }
0xcc: {  	_ =	swait.ge [sflag:s1], $0x1900  }
0xcd: {  	[sflag:s1] =	ssyncset.done $0x0  }
0xce: {  	s14 =	rddreg [dreg:$0x9];
	[sflag:s1] =	ssyncadd.s32 $0xFFFFE700  }
0xcf: {  	[spmem:s14] =	stream.linear.scatter [tilespmem:s31], [sflag:$0x3], $0x1900, $0x38;
	[tilespmem:$0x1ED00] =	vst v63  }
0xd0: {  	_ =	swait.ge [sflag:s1], $0x1900  }
0xd1: {  	[sflag:s1] =	ssyncset.done $0x0  }
0xd2: {  	s15 =	rddreg [dreg:$0xa];
	[sflag:s1] =	ssyncadd.s32 $0xFFFFE700  }
0xd3: {  	[spmem:s15] =	stream.linear.scatter [tilespmem:s31], [sflag:$0x3], $0x1900, $0x38;
	[tilespmem:$0x1ED00] =	vst v63  }
0xd4: {  	_ =	swait.ge [sflag:s1], $0x1900  }
0xd5: {  	[sflag:s1] =	ssyncset.done $0x0  }
0xd6: {  	s16 =	rddreg [dreg:$0xb];
	[sflag:s1] =	ssyncadd.s32 $0xFFFFE700  }
0xd7: {  	[spmem:s16] =	stream.linear.scatter [tilespmem:s31], [sflag:$0x3], $0x1900, $0x38;
	[tilespmem:$0x1ED00] =	vst v63  }
0xd8: {  	_ =	swait.ge [sflag:s1], $0x1900  }
0xd9: {  	[sflag:s1] =	ssyncset.done $0x0  }
0xda: {  	s17 =	rddreg [dreg:$0xc];
	[sflag:s1] =	ssyncadd.s32 $0xFFFFE700  }
0xdb: {  	[spmem:s17] =	stream.linear.scatter [tilespmem:s31], [sflag:$0x3], $0x1900, $0x38;
	[tilespmem:$0x1ED00] =	vst v63  }
0xdc: {  	_ =	swait.ge [sflag:s1], $0x1900  }
0xdd: {  	[sflag:s1] =	ssyncset.done $0x0  }
0xde: {  	s14 =	rddreg [dreg:$0xd];
	[sflag:s1] =	ssyncadd.s32 $0xFFFFE700  }
0xdf: {  	[spmem:s14] =	stream.linear.scatter [tilespmem:s31], [sflag:$0x3], $0x1900, $0x38;
	[tilespmem:$0x1ED00] =	vst v63  }
0xe0: {  	_ =	swait.ge [sflag:s1], $0x1900  }
0xe1: {  	[sflag:s1] =	ssyncset.done $0x0  }
0xe2: {  	s15 =	rddreg [dreg:$0xe];
	[sflag:s1] =	ssyncadd.s32 $0xFFFFE700  }
0xe3: {  	[spmem:s15] =	stream.linear.scatter [tilespmem:s31], [sflag:$0x3], $0x1900, $0x38;
	[tilespmem:$0x1ED00] =	vst v63  }
0xe4: {  	_ =	swait.ge [sflag:s1], $0x1900  }
0xe5: {  	[sflag:s1] =	ssyncset.done $0x0  }
0xe6: {  	[sflag:s1] =	ssyncadd.s32 $0xFFFFE700  }
0xe7: {  	[spmem:s18] =	stream.linear.scatter [tilespmem:s31], [sflag:$0x3], $0x1900, $0x38;
	[tilespmem:$0x1ED00] =	vst v63  }
0xe8: {  	_ =	swait.ge [sflag:s1], $0x1900  }
0xe9: {  	[sflag:s1] =	ssyncset.done $0x0  }
0xea: {  	[sflag:s1] =	ssyncadd.s32 $0xFFFFE700  }
0xeb: {  	[spmem:s19] =	stream.linear.scatter [tilespmem:s31], [sflag:$0x3], $0x1900, $0x38;
	[tilespmem:$0x1ED00] =	vst v63  }
0xec: {  	_ =	swait.ge [sflag:s1], $0x1900  }
0xed: {  	[sflag:s1] =	ssyncset.done $0x0  }
0xee: {  	[sflag:s1] =	ssyncadd.s32 $0xFFFFE700  }
0xef: {  	[spmem:s20] =	stream.linear.scatter [tilespmem:s31], [sflag:$0x3], $0x1900, $0x38;
	[tilespmem:$0x1ED00] =	vst v63  }
0xf0: {  	_ =	swait.ge [sflag:s1], $0x1900  }
0xf1: {  	[sflag:s1] =	ssyncset.done $0x0  }
0xf2: {  	[sflag:s1] =	ssyncadd.s32 $0xFFFFE700  }
0xf3: {  	[spmem:s21] =	stream.linear.scatter [tilespmem:s31], [sflag:$0x3], $0x1900, $0x38;
	[tilespmem:$0x1ED00] =	vst v63  }
0xf4: {  	_ =	swait.ge [sflag:s1], $0x1900  }
0xf5: {  	[sflag:s1] =	ssyncset.done $0x0  }
0xf6: {  	[sflag:s1] =	ssyncadd.s32 $0xFFFFE700  }
0xf7: {  	s16 =	sadd.s32 $0x0, s29;
	[bflag:$0x0] =	sbarrier.arrive $0xFFFF  }
0xf8: {  	[tilespmem:s2], [sflag:$0x3] =	stream.linear.gather [hbm4b:s16+s3], $0x100, $0x38;
	[tilespmem:$0x1ED00] =	vst v63  }
0xf9: {  	_ =	swait.ge [sflag:s1], $0x100  }
0xfa: {  	[sflag:s1] =	ssyncset.done $0x0  }
0xfb: {  	s14 =	sadd.s32 $0x0, s30;
	[sflag:s1] =	ssyncadd.s32 $0xFFFFFF00  }
0xfc: {  	[tilespmem:s22], [sflag:$0x3] =	stream.linear.gather [hbm4b:s14+s3], $0x100, $0x38;
	[tilespmem:$0x1ED00] =	vst v63  }
0xfd: {  	_ =	swait.ge [sflag:s1], $0x100  }
0xfe: {  	[sflag:s1] =	ssyncset.done $0x0  }
0xff: {  	[sflag:s1] =	ssyncadd.s32 $0xFFFFFF00  }
0x100: {  	[tilespmem:s25], [sflag:$0x1] =	stream.indirect.gather [hbm4b:s4+s23], $0x20, s2, s23, $0xb8;
	[tilespmem:$0x1ED00] =	vst v63  }
0x101: {  	s13 =	sadd.s32 $0x20, s16  }
0x102: {  	[tilespmem:s26], [sflag:$0x3] =	stream.linear.gather [hbm4b:s13+s3], $0x100, $0x38;
	[tilespmem:$0x1ED00] =	vst v63  }
0x103: {  	_ =	swait.ge [sflag:s1], $0x100  }
0x104: {  	[sflag:s1] =	ssyncset.done $0x0  }
0x105: {  	s17 =	sadd.s32 $0x20, s14;
	[sflag:s1] =	ssyncadd.s32 $0xFFFFFF00  }
0x106: {  	[tilespmem:s28], [sflag:$0x3] =	stream.linear.gather [hbm4b:s17+s3], $0x100, $0x38;
	[tilespmem:$0x1ED00] =	vst v63  }
0x107: {  	_ =	swait.ge [sflag:s1], $0x100  }
0x108: {  	[sflag:s1] =	ssyncset.done $0x0  }
0x109: {  	[sflag:s1] =	ssyncadd.s32 $0xFFFFFF00  }
0x10a: {  	[tilespmem:s7], [sflag:$0x2] =	stream.indirect.gather [hbm4b:s4+s23], $0x20, s26, s23, $0xb8;
	[tilespmem:$0x1ED00] =	vst v63  }
0x10b: {  	_ =	swait.ge [sflag:s8], $0x2000  }
0x10c: {  	[sflag:s8] =	ssyncset.done $0x0  }
0x10d: {  	[sflag:s8] =	ssyncadd.s32 $0xFFFFE000  }
0x10e: {  	_ =	swait.ge [sflag:s9], $0x2000  }
0x10f: {  	s14 =	simm.s32 $0x80;
	s13 =	simm.s32 $0x40;
	[sflag:s9] =	ssyncset.done $0x0  }
.LBB2_6:
0x110: {  	s15 =	sadd.s32 s13, s29  }
0x111: {  	[sflag:s9] =	ssyncadd.s32 $0xFFFFE000;
	s16 =	smov.u32 s14;
	s17 =	sadd.s32 $0x40, s14  }
0x112: {  	[tilespmem:s2], [sflag:$0x3] =	stream.linear.gather [hbm4b:s15+s3], $0x100, $0x38;
	[tilespmem:$0x1ED00] =	vst v63  }
0x113: {  	p0 =	sne.s32 s14, $0x61C0;
	_ =	swait.ge [sflag:s1], $0x100  }
0x114: {  	[sflag:s1] =	ssyncset.done $0x0  }
0x115: {  	s14 =	sadd.s32 s13, s30;
	s13 =	smov.u32 s16;
	[sflag:s1] =	ssyncadd.s32 $0xFFFFFF00  }
0x116: {  	[tilespmem:s22], [sflag:$0x3] =	stream.linear.gather [hbm4b:s14+s3], $0x100, $0x38;
	[tilespmem:$0x1ED00] =	vst v63  }
0x117: {  	_ =	swait.ge [sflag:s1], $0x100  }
0x118: {  	[sflag:s1] =	ssyncset.done $0x0  }
0x119: {  	[sflag:s1] =	ssyncadd.s32 $0xFFFFFF00  }
0x11a: {  	[tilespmem:s25], [sflag:$0x1] =	stream.indirect.gather [hbm4b:s4+s23], $0x20, s2, s23, $0xb8;
	[tilespmem:$0x1ED00] =	vst v63  }
0x11b: {  	s15 =	sadd.s32 $0x20, s15  }
0x11c: {  	[tilespmem:s26], [sflag:$0x3] =	stream.linear.gather [hbm4b:s15+s3], $0x100, $0x38;
	[tilespmem:$0x1ED00] =	vst v63  }
0x11d: {  	_ =	swait.ge [sflag:s1], $0x100  }
0x11e: {  	[sflag:s1] =	ssyncset.done $0x0  }
0x11f: {  	s14 =	sadd.s32 $0x20, s14;
	[sflag:s1] =	ssyncadd.s32 $0xFFFFFF00  }
0x120: {  	[tilespmem:s28], [sflag:$0x3] =	stream.linear.gather [hbm4b:s14+s3], $0x100, $0x38;
	[tilespmem:$0x1ED00] =	vst v63  }
0x121: {  	_ =	swait.ge [sflag:s1], $0x100  }
0x122: {  	[sflag:s1] =	ssyncset.done $0x0  }
0x123: {  	[sflag:s1] =	ssyncadd.s32 $0xFFFFFF00  }
0x124: {  	[tilespmem:s7], [sflag:$0x2] =	stream.indirect.gather [hbm4b:s4+s23], $0x20, s26, s23, $0xb8;
	[tilespmem:$0x1ED00] =	vst v63  }
.Ltmp2:
0x125: {  	_ =	swait.ge [sflag:s8], $0x2000;
	(pc) =	sbr.rel @p0 .LBB2_6-.Ltmp2, $4  }
0x126: {  	[sflag:s8] =	ssyncset.done $0x0  }
0x127: {  	[sflag:s8] =	ssyncadd.s32 $0xFFFFE000  }
0x128: {  	_ =	swait.ge [sflag:s9], $0x2000  }
0x129: {  	s14 =	smov.u32 s17;
	[sflag:s9] =	ssyncset.done $0x0  }
0x12a: {  	s14 =	sadd.s32 s13, s29;
	[sflag:s9] =	ssyncadd.s32 $0xFFFFE000  }
0x12b: {  	[tilespmem:s2], [sflag:$0x3] =	stream.linear.gather [hbm4b:s14+s3], $0x100, $0x38;
	[tilespmem:$0x1ED00] =	vst v63  }
0x12c: {  	_ =	swait.ge [sflag:s1], $0x100  }
0x12d: {  	[sflag:s1] =	ssyncset.done $0x0  }
0x12e: {  	s17 =	sadd.s32 s13, s30;
	[sflag:s1] =	ssyncadd.s32 $0xFFFFFF00  }
0x12f: {  	[tilespmem:s22], [sflag:$0x3] =	stream.linear.gather [hbm4b:s17+s3], $0x100, $0x38;
	[tilespmem:$0x1ED00] =	vst v63  }
0x130: {  	_ =	swait.ge [sflag:s1], $0x100  }
0x131: {  	[sflag:s1] =	ssyncset.done $0x0  }
0x132: {  	[sflag:s1] =	ssyncadd.s32 $0xFFFFFF00  }
0x133: {  	[tilespmem:s25], [sflag:$0x1] =	stream.indirect.gather [hbm4b:s4+s23], $0x20, s2, s23, $0xb8;
	[tilespmem:$0x1ED00] =	vst v63  }
0x134: {  	s14 =	sadd.s32 $0x20, s14  }
0x135: {  	[tilespmem:s26], [sflag:$0x3] =	stream.linear.gather [hbm4b:s14+s3], $0x100, $0x38;
	[tilespmem:$0x1ED00] =	vst v63  }
0x136: {  	_ =	swait.ge [sflag:s1], $0x100  }
0x137: {  	[sflag:s1] =	ssyncset.done $0x0  }
0x138: {  	s13 =	sadd.s32 $0x20, s17;
	[sflag:s1] =	ssyncadd.s32 $0xFFFFFF00  }
0x139: {  	[tilespmem:s28], [sflag:$0x3] =	stream.linear.gather [hbm4b:s13+s3], $0x100, $0x38;
	[tilespmem:$0x1ED00] =	vst v63  }
0x13a: {  	_ =	swait.ge [sflag:s1], $0x100  }
0x13b: {  	[sflag:s1] =	ssyncset.done $0x0  }
0x13c: {  	[sflag:s1] =	ssyncadd.s32 $0xFFFFFF00  }
0x13d: {  	[tilespmem:s7], [sflag:$0x2] =	stream.indirect.gather [hbm4b:s4+s23], $0x20, s26, s23, $0xb8;
	[tilespmem:$0x1ED00] =	vst v63  }
0x13e: {  	_ =	swait.ge [sflag:s8], $0x2000  }
0x13f: {  	[sflag:s8] =	ssyncset.done $0x0  }
0x140: {  	[sflag:s8] =	ssyncadd.s32 $0xFFFFE000  }
0x141: {  	_ =	swait.ge [sflag:s9], $0x2000  }
0x142: {  	[sflag:s9] =	ssyncset.done $0x0  }
0x143: {  	[sflag:s9] =	ssyncadd.s32 $0xFFFFE000  }
0x144: {  	[bflag:$0x0] =	sbarrier.arrive $0xFFFF  }
0x145: {  	s15 =	rddreg [dreg:$0x10]  }
0x146: {  	[hbm:s15], [sflag:s11] =	dma.local [spmem:s12], $0x3200  }
0x147: {  	_ =	swait.ge [sflag:s1], $0x3200  }
0x148: {  	[sflag:s1] =	ssyncset.done $0x0  }
0x149: {  	[sflag:s1] =	ssyncadd.s32 $0xFFFFCE00  }
0x14a: {  	[bflag:$0x0] =	sbarrier.arrive $0xFFFF  }
0x14b: {  	[spmem:s24] =	stream.linear.scatter [tilespmem:s31], [sflag:$0x3], $0x1900, $0x38;
	[tilespmem:$0x1ED00] =	vst v63  }
0x14c: {  	_ =	swait.ge [sflag:s1], $0x1900  }
0x14d: {  	[sflag:s1] =	ssyncset.done $0x0  }
0x14e: {  	s16 =	rddreg [dreg:$0x4];
	[sflag:s1] =	ssyncadd.s32 $0xFFFFE700  }
0x14f: {  	[spmem:s16] =	stream.linear.scatter [tilespmem:s31], [sflag:$0x3], $0x1900, $0x38;
	[tilespmem:$0x1ED00] =	vst v63  }
0x150: {  	_ =	swait.ge [sflag:s1], $0x1900  }
0x151: {  	[sflag:s1] =	ssyncset.done $0x0  }
0x152: {  	s17 =	rddreg [dreg:$0x5];
	[sflag:s1] =	ssyncadd.s32 $0xFFFFE700  }
0x153: {  	[spmem:s17] =	stream.linear.scatter [tilespmem:s31], [sflag:$0x3], $0x1900, $0x38;
	[tilespmem:$0x1ED00] =	vst v63  }
0x154: {  	_ =	swait.ge [sflag:s1], $0x1900  }
0x155: {  	[sflag:s1] =	ssyncset.done $0x0  }
0x156: {  	s14 =	rddreg [dreg:$0x6];
	[sflag:s1] =	ssyncadd.s32 $0xFFFFE700  }
0x157: {  	[spmem:s14] =	stream.linear.scatter [tilespmem:s31], [sflag:$0x3], $0x1900, $0x38;
	[tilespmem:$0x1ED00] =	vst v63  }
0x158: {  	_ =	swait.ge [sflag:s1], $0x1900  }
0x159: {  	[sflag:s1] =	ssyncset.done $0x0  }
0x15a: {  	s15 =	rddreg [dreg:$0x7];
	[sflag:s1] =	ssyncadd.s32 $0xFFFFE700  }
0x15b: {  	[spmem:s15] =	stream.linear.scatter [tilespmem:s31], [sflag:$0x3], $0x1900, $0x38;
	[tilespmem:$0x1ED00] =	vst v63  }
0x15c: {  	_ =	swait.ge [sflag:s1], $0x1900  }
0x15d: {  	[sflag:s1] =	ssyncset.done $0x0  }
0x15e: {  	s16 =	rddreg [dreg:$0x8];
	[sflag:s1] =	ssyncadd.s32 $0xFFFFE700  }
0x15f: {  	[spmem:s16] =	stream.linear.scatter [tilespmem:s31], [sflag:$0x3], $0x1900, $0x38;
	[tilespmem:$0x1ED00] =	vst v63  }
0x160: {  	_ =	swait.ge [sflag:s1], $0x1900  }
0x161: {  	[sflag:s1] =	ssyncset.done $0x0  }
0x162: {  	s17 =	rddreg [dreg:$0x9];
	[sflag:s1] =	ssyncadd.s32 $0xFFFFE700  }
0x163: {  	[spmem:s17] =	stream.linear.scatter [tilespmem:s31], [sflag:$0x3], $0x1900, $0x38;
	[tilespmem:$0x1ED00] =	vst v63  }
0x164: {  	_ =	swait.ge [sflag:s1], $0x1900  }
0x165: {  	[sflag:s1] =	ssyncset.done $0x0  }
0x166: {  	s14 =	rddreg [dreg:$0xa];
	[sflag:s1] =	ssyncadd.s32 $0xFFFFE700  }
0x167: {  	[spmem:s14] =	stream.linear.scatter [tilespmem:s31], [sflag:$0x3], $0x1900, $0x38;
	[tilespmem:$0x1ED00] =	vst v63  }
0x168: {  	_ =	swait.ge [sflag:s1], $0x1900  }
0x169: {  	[sflag:s1] =	ssyncset.done $0x0  }
0x16a: {  	s15 =	rddreg [dreg:$0xb];
	[sflag:s1] =	ssyncadd.s32 $0xFFFFE700  }
0x16b: {  	[spmem:s15] =	stream.linear.scatter [tilespmem:s31], [sflag:$0x3], $0x1900, $0x38;
	[tilespmem:$0x1ED00] =	vst v63  }
0x16c: {  	_ =	swait.ge [sflag:s1], $0x1900  }
0x16d: {  	[sflag:s1] =	ssyncset.done $0x0  }
0x16e: {  	s16 =	rddreg [dreg:$0xc];
	[sflag:s1] =	ssyncadd.s32 $0xFFFFE700  }
0x16f: {  	[spmem:s16] =	stream.linear.scatter [tilespmem:s31], [sflag:$0x3], $0x1900, $0x38;
	[tilespmem:$0x1ED00] =	vst v63  }
0x170: {  	_ =	swait.ge [sflag:s1], $0x1900  }
0x171: {  	[sflag:s1] =	ssyncset.done $0x0  }
0x172: {  	s17 =	rddreg [dreg:$0xd];
	[sflag:s1] =	ssyncadd.s32 $0xFFFFE700  }
0x173: {  	[spmem:s17] =	stream.linear.scatter [tilespmem:s31], [sflag:$0x3], $0x1900, $0x38;
	[tilespmem:$0x1ED00] =	vst v63  }
0x174: {  	_ =	swait.ge [sflag:s1], $0x1900  }
0x175: {  	[sflag:s1] =	ssyncset.done $0x0  }
0x176: {  	s14 =	rddreg [dreg:$0xe];
	[sflag:s1] =	ssyncadd.s32 $0xFFFFE700  }
0x177: {  	[spmem:s14] =	stream.linear.scatter [tilespmem:s31], [sflag:$0x3], $0x1900, $0x38;
	[tilespmem:$0x1ED00] =	vst v63  }
0x178: {  	_ =	swait.ge [sflag:s1], $0x1900  }
0x179: {  	[sflag:s1] =	ssyncset.done $0x0  }
0x17a: {  	[sflag:s1] =	ssyncadd.s32 $0xFFFFE700  }
0x17b: {  	[spmem:s18] =	stream.linear.scatter [tilespmem:s31], [sflag:$0x3], $0x1900, $0x38;
	[tilespmem:$0x1ED00] =	vst v63  }
0x17c: {  	_ =	swait.ge [sflag:s1], $0x1900  }
0x17d: {  	[sflag:s1] =	ssyncset.done $0x0  }
0x17e: {  	[sflag:s1] =	ssyncadd.s32 $0xFFFFE700  }
0x17f: {  	[spmem:s19] =	stream.linear.scatter [tilespmem:s31], [sflag:$0x3], $0x1900, $0x38;
	[tilespmem:$0x1ED00] =	vst v63  }
0x180: {  	_ =	swait.ge [sflag:s1], $0x1900  }
0x181: {  	[sflag:s1] =	ssyncset.done $0x0  }
0x182: {  	[sflag:s1] =	ssyncadd.s32 $0xFFFFE700  }
0x183: {  	[spmem:s20] =	stream.linear.scatter [tilespmem:s31], [sflag:$0x3], $0x1900, $0x38;
	[tilespmem:$0x1ED00] =	vst v63  }
0x184: {  	_ =	swait.ge [sflag:s1], $0x1900  }
0x185: {  	[sflag:s1] =	ssyncset.done $0x0  }
0x186: {  	[sflag:s1] =	ssyncadd.s32 $0xFFFFE700  }
0x187: {  	[spmem:s21] =	stream.linear.scatter [tilespmem:s31], [sflag:$0x3], $0x1900, $0x38;
	[tilespmem:$0x1ED00] =	vst v63  }
0x188: {  	_ =	swait.ge [sflag:s1], $0x1900  }
0x189: {  	[sflag:s1] =	ssyncset.done $0x0  }
0x18a: {  	[sflag:s1] =	ssyncadd.s32 $0xFFFFE700  }
0x18b: {  	s15 =	sadd.s32 $0x0, s29;
	[bflag:$0x0] =	sbarrier.arrive $0xFFFF  }
0x18c: {  	[tilespmem:s2], [sflag:$0x3] =	stream.linear.gather [hbm4b:s15+s3], $0x100, $0x38;
	[tilespmem:$0x1ED00] =	vst v63  }
0x18d: {  	_ =	swait.ge [sflag:s1], $0x100  }
0x18e: {  	[sflag:s1] =	ssyncset.done $0x0  }
0x18f: {  	s16 =	sadd.s32 $0x0, s30;
	[sflag:s1] =	ssyncadd.s32 $0xFFFFFF00  }
0x190: {  	[tilespmem:s22], [sflag:$0x3] =	stream.linear.gather [hbm4b:s16+s3], $0x100, $0x38;
	[tilespmem:$0x1ED00] =	vst v63  }
0x191: {  	_ =	swait.ge [sflag:s1], $0x100  }
0x192: {  	[sflag:s1] =	ssyncset.done $0x0  }
0x193: {  	[sflag:s1] =	ssyncadd.s32 $0xFFFFFF00  }
0x194: {  	[tilespmem:s25], [sflag:$0x1] =	stream.indirect.gather [hbm4b:s5+s23], $0x20, s2, s23, $0xb8;
	[tilespmem:$0x1ED00] =	vst v63  }
0x195: {  	s13 =	sadd.s32 $0x20, s15  }
0x196: {  	[tilespmem:s26], [sflag:$0x3] =	stream.linear.gather [hbm4b:s13+s3], $0x100, $0x38;
	[tilespmem:$0x1ED00] =	vst v63  }
0x197: {  	_ =	swait.ge [sflag:s1], $0x100  }
0x198: {  	[sflag:s1] =	ssyncset.done $0x0  }
0x199: {  	s17 =	sadd.s32 $0x20, s16;
	[sflag:s1] =	ssyncadd.s32 $0xFFFFFF00  }
0x19a: {  	[tilespmem:s28], [sflag:$0x3] =	stream.linear.gather [hbm4b:s17+s3], $0x100, $0x38;
	[tilespmem:$0x1ED00] =	vst v63  }
0x19b: {  	_ =	swait.ge [sflag:s1], $0x100  }
0x19c: {  	[sflag:s1] =	ssyncset.done $0x0  }
0x19d: {  	[sflag:s1] =	ssyncadd.s32 $0xFFFFFF00  }
0x19e: {  	[tilespmem:s7], [sflag:$0x2] =	stream.indirect.gather [hbm4b:s5+s23], $0x20, s26, s23, $0xb8;
	[tilespmem:$0x1ED00] =	vst v63  }
0x19f: {  	_ =	swait.ge [sflag:s8], $0x2000  }
0x1a0: {  	[sflag:s8] =	ssyncset.done $0x0  }
0x1a1: {  	[sflag:s8] =	ssyncadd.s32 $0xFFFFE000  }
0x1a2: {  	_ =	swait.ge [sflag:s9], $0x2000  }
0x1a3: {  	s14 =	simm.s32 $0x80;
	s13 =	simm.s32 $0x40;
	[sflag:s9] =	ssyncset.done $0x0  }
.LBB2_8:
0x1a4: {  	s15 =	sadd.s32 s13, s29  }
0x1a5: {  	[sflag:s9] =	ssyncadd.s32 $0xFFFFE000;
	s16 =	smov.u32 s14;
	s17 =	sadd.s32 $0x40, s14  }
0x1a6: {  	[tilespmem:s2], [sflag:$0x3] =	stream.linear.gather [hbm4b:s15+s3], $0x100, $0x38;
	[tilespmem:$0x1ED00] =	vst v63  }
0x1a7: {  	p0 =	sne.s32 s14, $0x61C0;
	_ =	swait.ge [sflag:s1], $0x100  }
0x1a8: {  	[sflag:s1] =	ssyncset.done $0x0  }
0x1a9: {  	s14 =	sadd.s32 s13, s30;
	s13 =	smov.u32 s16;
	[sflag:s1] =	ssyncadd.s32 $0xFFFFFF00  }
0x1aa: {  	[tilespmem:s22], [sflag:$0x3] =	stream.linear.gather [hbm4b:s14+s3], $0x100, $0x38;
	[tilespmem:$0x1ED00] =	vst v63  }
0x1ab: {  	_ =	swait.ge [sflag:s1], $0x100  }
0x1ac: {  	[sflag:s1] =	ssyncset.done $0x0  }
0x1ad: {  	[sflag:s1] =	ssyncadd.s32 $0xFFFFFF00  }
0x1ae: {  	[tilespmem:s25], [sflag:$0x1] =	stream.indirect.gather [hbm4b:s5+s23], $0x20, s2, s23, $0xb8;
	[tilespmem:$0x1ED00] =	vst v63  }
0x1af: {  	s15 =	sadd.s32 $0x20, s15  }
0x1b0: {  	[tilespmem:s26], [sflag:$0x3] =	stream.linear.gather [hbm4b:s15+s3], $0x100, $0x38;
	[tilespmem:$0x1ED00] =	vst v63  }
0x1b1: {  	_ =	swait.ge [sflag:s1], $0x100  }
0x1b2: {  	[sflag:s1] =	ssyncset.done $0x0  }
0x1b3: {  	s14 =	sadd.s32 $0x20, s14;
	[sflag:s1] =	ssyncadd.s32 $0xFFFFFF00  }
0x1b4: {  	[tilespmem:s28], [sflag:$0x3] =	stream.linear.gather [hbm4b:s14+s3], $0x100, $0x38;
	[tilespmem:$0x1ED00] =	vst v63  }
0x1b5: {  	_ =	swait.ge [sflag:s1], $0x100  }
0x1b6: {  	[sflag:s1] =	ssyncset.done $0x0  }
0x1b7: {  	[sflag:s1] =	ssyncadd.s32 $0xFFFFFF00  }
0x1b8: {  	[tilespmem:s7], [sflag:$0x2] =	stream.indirect.gather [hbm4b:s5+s23], $0x20, s26, s23, $0xb8;
	[tilespmem:$0x1ED00] =	vst v63  }
.Ltmp3:
0x1b9: {  	_ =	swait.ge [sflag:s8], $0x2000;
	(pc) =	sbr.rel @p0 .LBB2_8-.Ltmp3, $4  }
0x1ba: {  	[sflag:s8] =	ssyncset.done $0x0  }
0x1bb: {  	[sflag:s8] =	ssyncadd.s32 $0xFFFFE000  }
0x1bc: {  	_ =	swait.ge [sflag:s9], $0x2000  }
0x1bd: {  	s14 =	smov.u32 s17;
	[sflag:s9] =	ssyncset.done $0x0  }
0x1be: {  	s14 =	sadd.s32 s13, s29;
	[sflag:s9] =	ssyncadd.s32 $0xFFFFE000  }
0x1bf: {  	[tilespmem:s2], [sflag:$0x3] =	stream.linear.gather [hbm4b:s14+s3], $0x100, $0x38;
	[tilespmem:$0x1ED00] =	vst v63  }
0x1c0: {  	_ =	swait.ge [sflag:s1], $0x100  }
0x1c1: {  	[sflag:s1] =	ssyncset.done $0x0  }
0x1c2: {  	s17 =	sadd.s32 s13, s30;
	[sflag:s1] =	ssyncadd.s32 $0xFFFFFF00  }
0x1c3: {  	[tilespmem:s22], [sflag:$0x3] =	stream.linear.gather [hbm4b:s17+s3], $0x100, $0x38;
	[tilespmem:$0x1ED00] =	vst v63  }
0x1c4: {  	_ =	swait.ge [sflag:s1], $0x100  }
0x1c5: {  	[sflag:s1] =	ssyncset.done $0x0  }
0x1c6: {  	[sflag:s1] =	ssyncadd.s32 $0xFFFFFF00  }
0x1c7: {  	[tilespmem:s25], [sflag:$0x1] =	stream.indirect.gather [hbm4b:s5+s23], $0x20, s2, s23, $0xb8;
	[tilespmem:$0x1ED00] =	vst v63  }
0x1c8: {  	s14 =	sadd.s32 $0x20, s14  }
0x1c9: {  	[tilespmem:s26], [sflag:$0x3] =	stream.linear.gather [hbm4b:s14+s3], $0x100, $0x38;
	[tilespmem:$0x1ED00] =	vst v63  }
0x1ca: {  	_ =	swait.ge [sflag:s1], $0x100  }
0x1cb: {  	[sflag:s1] =	ssyncset.done $0x0  }
0x1cc: {  	s13 =	sadd.s32 $0x20, s17;
	[sflag:s1] =	ssyncadd.s32 $0xFFFFFF00  }
0x1cd: {  	[tilespmem:s28], [sflag:$0x3] =	stream.linear.gather [hbm4b:s13+s3], $0x100, $0x38;
	[tilespmem:$0x1ED00] =	vst v63  }
0x1ce: {  	_ =	swait.ge [sflag:s1], $0x100  }
0x1cf: {  	[sflag:s1] =	ssyncset.done $0x0  }
0x1d0: {  	[sflag:s1] =	ssyncadd.s32 $0xFFFFFF00  }
0x1d1: {  	[tilespmem:s7], [sflag:$0x2] =	stream.indirect.gather [hbm4b:s5+s23], $0x20, s26, s23, $0xb8;
	[tilespmem:$0x1ED00] =	vst v63  }
0x1d2: {  	_ =	swait.ge [sflag:s8], $0x2000  }
0x1d3: {  	[sflag:s8] =	ssyncset.done $0x0  }
0x1d4: {  	[sflag:s8] =	ssyncadd.s32 $0xFFFFE000  }
0x1d5: {  	_ =	swait.ge [sflag:s9], $0x2000  }
0x1d6: {  	[sflag:s9] =	ssyncset.done $0x0  }
0x1d7: {  	[sflag:s9] =	ssyncadd.s32 $0xFFFFE000  }
0x1d8: {  	[bflag:$0x0] =	sbarrier.arrive $0xFFFF  }
0x1d9: {  	s15 =	rddreg [dreg:$0x11]  }
0x1da: {  	[hbm:s15], [sflag:s11] =	dma.local [spmem:s12], $0x3200  }
0x1db: {  	_ =	swait.ge [sflag:s1], $0x3200  }
0x1dc: {  	[sflag:s1] =	ssyncset.done $0x0  }
0x1dd: {  	[sflag:s1] =	ssyncadd.s32 $0xFFFFCE00  }
0x1de: {  	[bflag:$0x0] =	sbarrier.arrive $0xFFFF  }
0x1df: {  	[spmem:s24] =	stream.linear.scatter [tilespmem:s31], [sflag:$0x3], $0x1900, $0x38;
	[tilespmem:$0x1ED00] =	vst v63  }
0x1e0: {  	_ =	swait.ge [sflag:s1], $0x1900  }
0x1e1: {  	[sflag:s1] =	ssyncset.done $0x0  }
0x1e2: {  	s16 =	rddreg [dreg:$0x4];
	[sflag:s1] =	ssyncadd.s32 $0xFFFFE700  }
0x1e3: {  	[spmem:s16] =	stream.linear.scatter [tilespmem:s31], [sflag:$0x3], $0x1900, $0x38;
	[tilespmem:$0x1ED00] =	vst v63  }
0x1e4: {  	_ =	swait.ge [sflag:s1], $0x1900  }
0x1e5: {  	[sflag:s1] =	ssyncset.done $0x0  }
0x1e6: {  	s17 =	rddreg [dreg:$0x5];
	[sflag:s1] =	ssyncadd.s32 $0xFFFFE700  }
0x1e7: {  	[spmem:s17] =	stream.linear.scatter [tilespmem:s31], [sflag:$0x3], $0x1900, $0x38;
	[tilespmem:$0x1ED00] =	vst v63  }
0x1e8: {  	_ =	swait.ge [sflag:s1], $0x1900  }
0x1e9: {  	[sflag:s1] =	ssyncset.done $0x0  }
0x1ea: {  	s14 =	rddreg [dreg:$0x6];
	[sflag:s1] =	ssyncadd.s32 $0xFFFFE700  }
0x1eb: {  	[spmem:s14] =	stream.linear.scatter [tilespmem:s31], [sflag:$0x3], $0x1900, $0x38;
	[tilespmem:$0x1ED00] =	vst v63  }
0x1ec: {  	_ =	swait.ge [sflag:s1], $0x1900  }
0x1ed: {  	[sflag:s1] =	ssyncset.done $0x0  }
0x1ee: {  	s15 =	rddreg [dreg:$0x7];
	[sflag:s1] =	ssyncadd.s32 $0xFFFFE700  }
0x1ef: {  	[spmem:s15] =	stream.linear.scatter [tilespmem:s31], [sflag:$0x3], $0x1900, $0x38;
	[tilespmem:$0x1ED00] =	vst v63  }
0x1f0: {  	_ =	swait.ge [sflag:s1], $0x1900  }
0x1f1: {  	[sflag:s1] =	ssyncset.done $0x0  }
0x1f2: {  	s16 =	rddreg [dreg:$0x8];
	[sflag:s1] =	ssyncadd.s32 $0xFFFFE700  }
0x1f3: {  	[spmem:s16] =	stream.linear.scatter [tilespmem:s31], [sflag:$0x3], $0x1900, $0x38;
	[tilespmem:$0x1ED00] =	vst v63  }
0x1f4: {  	_ =	swait.ge [sflag:s1], $0x1900  }
0x1f5: {  	[sflag:s1] =	ssyncset.done $0x0  }
0x1f6: {  	s17 =	rddreg [dreg:$0x9];
	[sflag:s1] =	ssyncadd.s32 $0xFFFFE700  }
0x1f7: {  	[spmem:s17] =	stream.linear.scatter [tilespmem:s31], [sflag:$0x3], $0x1900, $0x38;
	[tilespmem:$0x1ED00] =	vst v63  }
0x1f8: {  	_ =	swait.ge [sflag:s1], $0x1900  }
0x1f9: {  	[sflag:s1] =	ssyncset.done $0x0  }
0x1fa: {  	s14 =	rddreg [dreg:$0xa];
	[sflag:s1] =	ssyncadd.s32 $0xFFFFE700  }
0x1fb: {  	[spmem:s14] =	stream.linear.scatter [tilespmem:s31], [sflag:$0x3], $0x1900, $0x38;
	[tilespmem:$0x1ED00] =	vst v63  }
0x1fc: {  	_ =	swait.ge [sflag:s1], $0x1900  }
0x1fd: {  	[sflag:s1] =	ssyncset.done $0x0  }
0x1fe: {  	s15 =	rddreg [dreg:$0xb];
	[sflag:s1] =	ssyncadd.s32 $0xFFFFE700  }
0x1ff: {  	[spmem:s15] =	stream.linear.scatter [tilespmem:s31], [sflag:$0x3], $0x1900, $0x38;
	[tilespmem:$0x1ED00] =	vst v63  }
0x200: {  	_ =	swait.ge [sflag:s1], $0x1900  }
0x201: {  	[sflag:s1] =	ssyncset.done $0x0  }
0x202: {  	s16 =	rddreg [dreg:$0xc];
	[sflag:s1] =	ssyncadd.s32 $0xFFFFE700  }
0x203: {  	[spmem:s16] =	stream.linear.scatter [tilespmem:s31], [sflag:$0x3], $0x1900, $0x38;
	[tilespmem:$0x1ED00] =	vst v63  }
0x204: {  	_ =	swait.ge [sflag:s1], $0x1900  }
0x205: {  	[sflag:s1] =	ssyncset.done $0x0  }
0x206: {  	s17 =	rddreg [dreg:$0xd];
	[sflag:s1] =	ssyncadd.s32 $0xFFFFE700  }
0x207: {  	[spmem:s17] =	stream.linear.scatter [tilespmem:s31], [sflag:$0x3], $0x1900, $0x38;
	[tilespmem:$0x1ED00] =	vst v63  }
0x208: {  	_ =	swait.ge [sflag:s1], $0x1900  }
0x209: {  	[sflag:s1] =	ssyncset.done $0x0  }
0x20a: {  	s14 =	rddreg [dreg:$0xe];
	[sflag:s1] =	ssyncadd.s32 $0xFFFFE700  }
0x20b: {  	[spmem:s14] =	stream.linear.scatter [tilespmem:s31], [sflag:$0x3], $0x1900, $0x38;
	[tilespmem:$0x1ED00] =	vst v63  }
0x20c: {  	_ =	swait.ge [sflag:s1], $0x1900  }
0x20d: {  	[sflag:s1] =	ssyncset.done $0x0  }
0x20e: {  	[sflag:s1] =	ssyncadd.s32 $0xFFFFE700  }
0x20f: {  	[spmem:s18] =	stream.linear.scatter [tilespmem:s31], [sflag:$0x3], $0x1900, $0x38;
	[tilespmem:$0x1ED00] =	vst v63  }
0x210: {  	_ =	swait.ge [sflag:s1], $0x1900  }
0x211: {  	[sflag:s1] =	ssyncset.done $0x0  }
0x212: {  	[sflag:s1] =	ssyncadd.s32 $0xFFFFE700  }
0x213: {  	[spmem:s19] =	stream.linear.scatter [tilespmem:s31], [sflag:$0x3], $0x1900, $0x38;
	[tilespmem:$0x1ED00] =	vst v63  }
0x214: {  	_ =	swait.ge [sflag:s1], $0x1900  }
0x215: {  	[sflag:s1] =	ssyncset.done $0x0  }
0x216: {  	[sflag:s1] =	ssyncadd.s32 $0xFFFFE700  }
0x217: {  	[spmem:s20] =	stream.linear.scatter [tilespmem:s31], [sflag:$0x3], $0x1900, $0x38;
	[tilespmem:$0x1ED00] =	vst v63  }
0x218: {  	_ =	swait.ge [sflag:s1], $0x1900  }
0x219: {  	[sflag:s1] =	ssyncset.done $0x0  }
0x21a: {  	[sflag:s1] =	ssyncadd.s32 $0xFFFFE700  }
0x21b: {  	[spmem:s21] =	stream.linear.scatter [tilespmem:s31], [sflag:$0x3], $0x1900, $0x38;
	[tilespmem:$0x1ED00] =	vst v63  }
0x21c: {  	_ =	swait.ge [sflag:s1], $0x1900  }
0x21d: {  	[sflag:s1] =	ssyncset.done $0x0  }
0x21e: {  	[sflag:s1] =	ssyncadd.s32 $0xFFFFE700  }
0x21f: {  	s15 =	sadd.s32 $0x0, s29;
	[bflag:$0x0] =	sbarrier.arrive $0xFFFF  }
0x220: {  	[tilespmem:s2], [sflag:$0x3] =	stream.linear.gather [hbm4b:s15+s3], $0x100, $0x38;
	[tilespmem:$0x1ED00] =	vst v63  }
0x221: {  	_ =	swait.ge [sflag:s1], $0x100  }
0x222: {  	[sflag:s1] =	ssyncset.done $0x0  }
0x223: {  	s16 =	sadd.s32 $0x0, s30;
	[sflag:s1] =	ssyncadd.s32 $0xFFFFFF00  }
0x224: {  	[tilespmem:s22], [sflag:$0x3] =	stream.linear.gather [hbm4b:s16+s3], $0x100, $0x38;
	[tilespmem:$0x1ED00] =	vst v63  }
0x225: {  	_ =	swait.ge [sflag:s1], $0x100  }
0x226: {  	[sflag:s1] =	ssyncset.done $0x0  }
0x227: {  	[sflag:s1] =	ssyncadd.s32 $0xFFFFFF00  }
0x228: {  	[tilespmem:s25], [sflag:$0x1] =	stream.indirect.gather [hbm4b:s6+s23], $0x20, s2, s23, $0xb8;
	[tilespmem:$0x1ED00] =	vst v63  }
0x229: {  	s13 =	sadd.s32 $0x20, s15  }
0x22a: {  	[tilespmem:s26], [sflag:$0x3] =	stream.linear.gather [hbm4b:s13+s3], $0x100, $0x38;
	[tilespmem:$0x1ED00] =	vst v63  }
0x22b: {  	_ =	swait.ge [sflag:s1], $0x100  }
0x22c: {  	[sflag:s1] =	ssyncset.done $0x0  }
0x22d: {  	s17 =	sadd.s32 $0x20, s16;
	[sflag:s1] =	ssyncadd.s32 $0xFFFFFF00  }
0x22e: {  	[tilespmem:s28], [sflag:$0x3] =	stream.linear.gather [hbm4b:s17+s3], $0x100, $0x38;
	[tilespmem:$0x1ED00] =	vst v63  }
0x22f: {  	_ =	swait.ge [sflag:s1], $0x100  }
0x230: {  	[sflag:s1] =	ssyncset.done $0x0  }
0x231: {  	[sflag:s1] =	ssyncadd.s32 $0xFFFFFF00  }
0x232: {  	[tilespmem:s7], [sflag:$0x2] =	stream.indirect.gather [hbm4b:s6+s23], $0x20, s26, s23, $0xb8;
	[tilespmem:$0x1ED00] =	vst v63  }
0x233: {  	_ =	swait.ge [sflag:s8], $0x2000  }
0x234: {  	[sflag:s8] =	ssyncset.done $0x0  }
0x235: {  	[sflag:s8] =	ssyncadd.s32 $0xFFFFE000  }
0x236: {  	_ =	swait.ge [sflag:s9], $0x2000  }
0x237: {  	s14 =	simm.s32 $0x80;
	s13 =	simm.s32 $0x40;
	[sflag:s9] =	ssyncset.done $0x0  }
.LBB2_10:
0x238: {  	s15 =	sadd.s32 s13, s29  }
0x239: {  	[sflag:s9] =	ssyncadd.s32 $0xFFFFE000;
	s16 =	smov.u32 s14;
	s17 =	sadd.s32 $0x40, s14  }
0x23a: {  	[tilespmem:s2], [sflag:$0x3] =	stream.linear.gather [hbm4b:s15+s3], $0x100, $0x38;
	[tilespmem:$0x1ED00] =	vst v63  }
0x23b: {  	p0 =	sne.s32 s14, $0x61C0;
	_ =	swait.ge [sflag:s1], $0x100  }
0x23c: {  	[sflag:s1] =	ssyncset.done $0x0  }
0x23d: {  	s14 =	sadd.s32 s13, s30;
	s13 =	smov.u32 s16;
	[sflag:s1] =	ssyncadd.s32 $0xFFFFFF00  }
0x23e: {  	[tilespmem:s22], [sflag:$0x3] =	stream.linear.gather [hbm4b:s14+s3], $0x100, $0x38;
	[tilespmem:$0x1ED00] =	vst v63  }
0x23f: {  	_ =	swait.ge [sflag:s1], $0x100  }
0x240: {  	[sflag:s1] =	ssyncset.done $0x0  }
0x241: {  	[sflag:s1] =	ssyncadd.s32 $0xFFFFFF00  }
0x242: {  	[tilespmem:s25], [sflag:$0x1] =	stream.indirect.gather [hbm4b:s6+s23], $0x20, s2, s23, $0xb8;
	[tilespmem:$0x1ED00] =	vst v63  }
0x243: {  	s15 =	sadd.s32 $0x20, s15  }
0x244: {  	[tilespmem:s26], [sflag:$0x3] =	stream.linear.gather [hbm4b:s15+s3], $0x100, $0x38;
	[tilespmem:$0x1ED00] =	vst v63  }
0x245: {  	_ =	swait.ge [sflag:s1], $0x100  }
0x246: {  	[sflag:s1] =	ssyncset.done $0x0  }
0x247: {  	s14 =	sadd.s32 $0x20, s14;
	[sflag:s1] =	ssyncadd.s32 $0xFFFFFF00  }
0x248: {  	[tilespmem:s28], [sflag:$0x3] =	stream.linear.gather [hbm4b:s14+s3], $0x100, $0x38;
	[tilespmem:$0x1ED00] =	vst v63  }
0x249: {  	_ =	swait.ge [sflag:s1], $0x100  }
0x24a: {  	[sflag:s1] =	ssyncset.done $0x0  }
0x24b: {  	[sflag:s1] =	ssyncadd.s32 $0xFFFFFF00  }
0x24c: {  	[tilespmem:s7], [sflag:$0x2] =	stream.indirect.gather [hbm4b:s6+s23], $0x20, s26, s23, $0xb8;
	[tilespmem:$0x1ED00] =	vst v63  }
.Ltmp4:
0x24d: {  	_ =	swait.ge [sflag:s8], $0x2000;
	(pc) =	sbr.rel @p0 .LBB2_10-.Ltmp4, $4  }
0x24e: {  	[sflag:s8] =	ssyncset.done $0x0  }
0x24f: {  	[sflag:s8] =	ssyncadd.s32 $0xFFFFE000  }
0x250: {  	_ =	swait.ge [sflag:s9], $0x2000  }
0x251: {  	s14 =	smov.u32 s17;
	[sflag:s9] =	ssyncset.done $0x0  }
0x252: {  	s14 =	sadd.s32 s13, s29;
	[sflag:s9] =	ssyncadd.s32 $0xFFFFE000  }
0x253: {  	[tilespmem:s2], [sflag:$0x3] =	stream.linear.gather [hbm4b:s14+s3], $0x100, $0x38;
	[tilespmem:$0x1ED00] =	vst v63  }
0x254: {  	_ =	swait.ge [sflag:s1], $0x100  }
0x255: {  	[sflag:s1] =	ssyncset.done $0x0  }
0x256: {  	s15 =	sadd.s32 s13, s30;
	[sflag:s1] =	ssyncadd.s32 $0xFFFFFF00  }
0x257: {  	[tilespmem:s22], [sflag:$0x3] =	stream.linear.gather [hbm4b:s15+s3], $0x100, $0x38;
	[tilespmem:$0x1ED00] =	vst v63  }
0x258: {  	_ =	swait.ge [sflag:s1], $0x100  }
0x259: {  	[sflag:s1] =	ssyncset.done $0x0  }
0x25a: {  	[sflag:s1] =	ssyncadd.s32 $0xFFFFFF00  }
0x25b: {  	[tilespmem:s25], [sflag:$0x1] =	stream.indirect.gather [hbm4b:s6+s23], $0x20, s2, s23, $0xb8;
	[tilespmem:$0x1ED00] =	vst v63  }
0x25c: {  	s14 =	sadd.s32 $0x20, s14  }
0x25d: {  	[tilespmem:s26], [sflag:$0x3] =	stream.linear.gather [hbm4b:s14+s3], $0x100, $0x38;
	[tilespmem:$0x1ED00] =	vst v63  }
0x25e: {  	_ =	swait.ge [sflag:s1], $0x100  }
0x25f: {  	[sflag:s1] =	ssyncset.done $0x0  }
0x260: {  	s13 =	sadd.s32 $0x20, s15;
	[sflag:s1] =	ssyncadd.s32 $0xFFFFFF00  }
0x261: {  	[tilespmem:s28], [sflag:$0x3] =	stream.linear.gather [hbm4b:s13+s3], $0x100, $0x38;
	[tilespmem:$0x1ED00] =	vst v63  }
0x262: {  	_ =	swait.ge [sflag:s1], $0x100  }
0x263: {  	[sflag:s1] =	ssyncset.done $0x0  }
0x264: {  	[sflag:s1] =	ssyncadd.s32 $0xFFFFFF00  }
0x265: {  	[tilespmem:s7], [sflag:$0x2] =	stream.indirect.gather [hbm4b:s6+s23], $0x20, s26, s23, $0xb8;
	[tilespmem:$0x1ED00] =	vst v63  }
0x266: {  	_ =	swait.ge [sflag:s8], $0x2000  }
0x267: {  	[sflag:s8] =	ssyncset.done $0x0  }
0x268: {  	[sflag:s8] =	ssyncadd.s32 $0xFFFFE000  }
0x269: {  	_ =	swait.ge [sflag:s9], $0x2000  }
0x26a: {  	[sflag:s9] =	ssyncset.done $0x0  }
0x26b: {  	[sflag:s9] =	ssyncadd.s32 $0xFFFFE000  }
0x26c: {  	[bflag:$0x0] =	sbarrier.arrive $0xFFFF  }
0x26d: {  	s16 =	rddreg [dreg:$0x12]  }
0x26e: {  	[hbm:s16], [sflag:s11] =	dma.local [spmem:s12], $0x3200  }
0x26f: {  	_ =	swait.ge [sflag:s1], $0x3200  }
0x270: {  	s10 =	sadd.s32 $0x1, s10;
	s17 =	rddreg [dreg:$0x13]  }
0x271: {  	p0 =	sne.s32 s10, s17  }
.Ltmp5:
0x272: {  	_ = 	snop;
	(pc) =	sbr.rel @p0 .LBB2_1-.Ltmp5, $3  }
0x273: {  	[sflag:s1] =	ssyncset.done $0x0  }
0x274: {  	[sflag:s1] =	ssyncadd.s32 $0xFFFFCE00  }
0x275: {  	[bflag:$0x0] =	sbarrier.arrive $0xFFFF;
	_ =	sdelay $0x1  }
0x276: {  	_ =	sfence.sel $0x180000  }
0x277: {  	[bflag:$0x0] =	sbarrier.arrive $0xFFFF  }
0x278: {  	_ =	strace $0x9000004D  }
0x279: {  	s0 =	stileid.u32;
	[bflag:$0x2] =	sbarrier.arrive $0xFFFF  }
0x27a: {  	p0 =	sne.s32 s0, $0x0;
	s0 =	rddreg [dreg:$0x3]  }
0x27b: {  	s0 =	sadd.s32 @!p0 $0x100000, s0  }
0x27c: {  	[sflag:s0] =	ssyncadd.tile.s32 @!p0 $0x1;
	_ =	shalt  }
.Lfunc_end2:
_tile_overlayer_lowered:
.L_overlay_start_2:
0x27d: {  	(tag) =	ssettag $0x2  }
0x27e: {  	s0 =	rddreg [dreg:$0x0];
	s2 =	stileid.u32  }
0x27f: {  	s1 =	rddreg [dreg:$0x1];
	p0 =	sne.s32 s2, $0x0  }
0x280: {  	s3 =	rddreg [dreg:$0x2];
	[bflag:$0x3] =	sbarrier.arrive $0xFFFF;
	s2 =	simm.s32 @!p0 $0x1C03  }
0x281: {  	[timem:s3], [sflag:s2] =	dma.local @!p0 [hbm:s0], s1  }
0x282: {  	s0 =	simm.s32 @!p0 $0x3  }
0x283: {  	_ =	swait.ge @!p0 [sflag:s0], s1  }
0x284: {  	s1 =	ssub.s32 @!p0 $0x0, s1;
	[sflag:s0] =	ssyncset.done @!p0 $0x0  }
0x285: {  	[sflag:s0] =	ssyncadd.s32 @!p0 s1  }
0x286: {  	[bflag:$0x3] =	sbarrier.arrive $0xFFFF  }
0x287: {  	_ =	shalt  }

// kernel: kernel.8.cloned.1.call-start
scs
__scs_entry_jumppad:
0x0: {  	(pc) =	sbr.rel $0x88, $3  }
0x1: {  	(tag) =	ssettag $0x0;
	lr =	simm.s32 $0x1  }
0x2: {  	[smem:$0x3F9B] =	sst lr;
	_ =	strace $0xD0000000  }
0x3: {  	_ = 	snop  }
0x4: {  	_ = 	snop  }
0x5: {  	_ = 	snop  }
0x6: {  	_ = 	snop  }
0x7: {  	_ = 	snop  }
__scs_overlays_trampoline_lowered:
0x8: {  	[smem:$0x3FAA] =	sst s0  }
0x9: {  	[smem:$0x3FAB] =	sst s1  }
0xa: {  	[smem:$0x3FAC] =	sst s2  }
0xb: {  	[smem:$0x3FAD] =	sst s3  }
0xc: {  	[smem:$0x3FAE] =	sst s4  }
0xd: {  	[smem:$0x3FAF] =	sst s5  }
0xe: {  	[smem:$0x3FB0] =	sst s6  }
0xf: {  	[smem:$0x3FB1] =	sst s7  }
0x10: {  	[smem:$0x3FB2] =	sst s8  }
0x11: {  	[smem:$0x3FB3] =	sst s9;
	s0 =	simm.s32 @!p0 $0x0  }
0x12: {  	s1 =	sld [smem:$0x3F99];
	s0 =	simm.s32 @p0 $0x1  }
0x13: {  	[smem:$0x3FB4] =	sst s0;
	s0 =	simm.s32 @!p1 $0x0  }
0x14: {  	s2 =	sld [smem:$0x3F98];
	s0 =	simm.s32 @p1 $0x1  }
0x15: {  	[smem:$0x3FB5] =	sst s0;
	s0 =	simm.s32 @!p2 $0x0  }
0x16: {  	s3 =	sld [smem:$0x3FDB];
	s0 =	simm.s32 @p2 $0x1  }
0x17: {  	s4 =	simm.s32 $0x1BF5;
	[smem:$0x3FB7] =	sst s0  }
0x18: {  	s0 =	sld [smem:$0x3F9A];
	_ =	swait.ge [sflag:s4], $0x0  }
0x19: {  	s7 =	sld [smem:$0x3F9B]  }
0x1a: {  	s8 =	sadd.s32 $0xFFFFE003, lr  }
0x1b: {  	s9 =	sadd.s32 $0xFFFFFEF7, lr;
	s5 =	simm.s32 $0xFFFFFFFF;
	p2 =	slt.u32 s8, $0xFFFFF086  }
0x1c: {  	p1 =	slt.u32 s9, $0xF7A;
	s5 =	simm.s32 @!p2 $0x0  }
0x1d: {  	s5 =	simm.s32 @p1 $0x1;
	p0 =	seq.s32 s7, s2  }
0x1e: {  	s7 =	smul.u32 @!p0 $0xF7A, s2;
	p2 =	seq.s32 @!p0 s5, $0x0  }
0x1f: {  	s9 =	smul.u32 $0xF7A, s1;
	s8 =	simm.s32 @!p0 $0x1BF5;
	p2 =	por !p2, p0  }
0x20: {  	[sflag:s8] =	ssyncset.s32 @!p0 $0xFFFFF086;
	s6 =	sadd.s32 @!p0 s3, s7;
	s7 =	simm.s32 @!p0 $0x108  }
0x21: {  	s3 =	sadd.s32 s3, s9;
	s6 =	sadd.s32 @!p0 $0x88, s6;
	s7 =	simm.s32 @p2 $0x1082  }
0x22: {  	[simem:s7], [sflag:s8] =	dma.local @!p0 [hbm:s6], $0xF7A  }
0x23: {  	s9 =	sor.u32 $0xD0000000, s2;
	s6 =	simm.s32 $0x108;
	_ =	swait.ge @!p0 [sflag:s8], $0x0  }
0x24: {  	s3 =	sadd.s32 $0x88, s3;
	s6 =	simm.s32 @!p1 $0x1082;
	[sflag:s4] =	ssyncset.s32 $0xFFFFF086  }
0x25: {  	[simem:s6], [sflag:s4] =	dma.local [hbm:s3], $0xF7A  }
0x26: {  	[smem:$0x3F9B] =	sst s1;
	(tag) =	ssettag s2;
	_ =	strace s9  }
0x27: {  	s1 =	sld [smem:$0x3FAB]  }
0x28: {  	s2 =	sld [smem:$0x3FAC]  }
0x29: {  	s4 =	sld [smem:$0x3FAE]  }
0x2a: {  	p0 =	seq.s32 s5, $0x0;
	s5 =	sld [smem:$0x3FAF]  }
0x2b: {  	s6 =	sld [smem:$0x3FB0]  }
0x2c: {  	s7 =	sld [smem:$0x3FB1]  }
0x2d: {  	s3 =	simm.s32 $0x108;
	s8 =	sld [smem:$0x3FB2]  }
0x2e: {  	s3 =	simm.s32 @!p0 $0x1082;
	s9 =	sld [smem:$0x3FB3]  }
0x2f: {  	lr =	sadd.s32 s0, s3;
	s0 =	sld [smem:$0x3FAA]  }
0x30: {  	s3 =	sld [smem:$0x3FAD]  }
0x31: {  	[smem:$0x3FB6] =	sst s10  }
0x32: {  	s10 =	sld [smem:$0x3FB4];
	_ =	sdelay $0x3  }
0x33: {  	p0 =	seq.s32 s10, $0x1;
	s10 =	sld [smem:$0x3FB6];
	_ =	sdelay $0x3  }
0x34: {  	[smem:$0x3FB6] =	sst s10  }
0x35: {  	s10 =	sld [smem:$0x3FB5];
	_ =	sdelay $0x3  }
0x36: {  	p1 =	seq.s32 s10, $0x1;
	s10 =	sld [smem:$0x3FB6];
	_ =	sdelay $0x3  }
0x37: {  	[smem:$0x3FB6] =	sst s10  }
0x38: {  	s10 =	sld [smem:$0x3FB7]  }
0x39: {  	_ = 	snop;
	(pc) =	sbr.ind lr, $3  }
0x3a: {  	_ = 	snop  }
0x3b: {  	_ = 	snop  }
0x3c: {  	p2 =	seq.s32 s10, $0x1;
	s10 =	sld [smem:$0x3FB6]  }
0x3d: {  	_ =	shalt  }
0x3e: {  	_ =	shalt  }
0x3f: {  	_ =	shalt  }
0x40: {  	_ =	shalt  }
0x41: {  	_ =	shalt  }
0x42: {  	_ =	shalt  }
0x43: {  	_ =	shalt  }
0x44: {  	_ =	shalt  }
0x45: {  	_ =	shalt  }
0x46: {  	_ =	shalt  }
0x47: {  	_ =	shalt  }
0x48: {  	_ =	shalt  }
0x49: {  	_ =	shalt  }
0x4a: {  	_ =	shalt  }
0x4b: {  	_ =	shalt  }
0x4c: {  	_ =	shalt  }
0x4d: {  	_ =	shalt  }
0x4e: {  	_ =	shalt  }
0x4f: {  	_ =	shalt  }
0x50: {  	_ =	shalt  }
0x51: {  	_ =	shalt  }
0x52: {  	_ =	shalt  }
0x53: {  	_ =	shalt  }
0x54: {  	_ =	shalt  }
0x55: {  	_ =	shalt  }
0x56: {  	_ =	shalt  }
0x57: {  	_ =	shalt  }
0x58: {  	_ =	shalt  }
0x59: {  	_ =	shalt  }
0x5a: {  	_ =	shalt  }
0x5b: {  	_ =	shalt  }
0x5c: {  	_ =	shalt  }
0x5d: {  	_ =	shalt  }
0x5e: {  	_ =	shalt  }
0x5f: {  	_ =	shalt  }
0x60: {  	_ =	shalt  }
0x61: {  	_ =	shalt  }
0x62: {  	_ =	shalt  }
0x63: {  	_ =	shalt  }
0x64: {  	_ =	shalt  }
0x65: {  	_ =	shalt  }
0x66: {  	_ =	shalt  }
0x67: {  	_ =	shalt  }
0x68: {  	_ =	shalt  }
0x69: {  	_ =	shalt  }
0x6a: {  	_ =	shalt  }
0x6b: {  	_ =	shalt  }
0x6c: {  	_ =	shalt  }
0x6d: {  	_ =	shalt  }
0x6e: {  	_ =	shalt  }
0x6f: {  	_ =	shalt  }
0x70: {  	_ =	shalt  }
0x71: {  	_ =	shalt  }
0x72: {  	_ =	shalt  }
0x73: {  	_ =	shalt  }
0x74: {  	_ =	shalt  }
0x75: {  	_ =	shalt  }
0x76: {  	_ =	shalt  }
0x77: {  	_ =	shalt  }
0x78: {  	_ =	shalt  }
0x79: {  	_ =	shalt  }
0x7a: {  	_ =	shalt  }
0x7b: {  	_ =	shalt  }
0x7c: {  	_ =	shalt  }
0x7d: {  	_ =	shalt  }
0x7e: {  	_ =	shalt  }
0x7f: {  	_ =	shalt  }
0x80: {  	_ =	shalt  }
0x81: {  	_ =	shalt  }
0x82: {  	_ =	shalt  }
0x83: {  	_ =	shalt  }
0x84: {  	_ =	shalt  }
0x85: {  	_ =	shalt  }
0x86: {  	_ =	shalt  }
0x87: {  	_ =	shalt  }
.Lfunc_end0:
.L_simem_size_0:
called_computation_lowered:
.L_overlay_start_0:
0x88: {  	s2 =	sld [smem:$0x3FD9]  }
0x89: {  	s3 =	sld [smem:$0x3FFE];
	_ =	sdelay $0x1  }
0x8a: {  	s1 =	srdreg.scid  }
0x8b: {  	s0 =	sand.u32 $0x1, s1  }
0x8c: {  	s17 =	sshll.u32 s0, $0xA;
	s2 =	sadd.s32 s3, s2  }
0x8d: {  	s2 =	sadd.s32 s2, s17  }
0x8e: {  	[smem:$0x3FC2] =	sst s2  }
0x8f: {  	_ = 	snop  }
0x90: {  	s2 =	sld [smem:$0x3FD0];
	(tm) =	ssettm $0x1  }
0x91: {  	s18 =	sld [smem:$0x3FFB];
	_ =	sdelay $0x3  }
0x92: {  	_ =	strace s18  }
0x93: {  	s3 =	sld [smem:$0x3FFC];
	_ =	sdelay $0x3  }
0x94: {  	_ =	strace s3  }
0x95: {  	s3 =	sld [smem:$0x3FFD];
	_ =	sdelay $0x3  }
0x96: {  	_ =	strace s3  }
0x97: {  	_ =	strace $0x8FFFFFFF  }
0x98: {  	s19 =	sld [smem:$0x3FDB];
	_ =	sdelay $0x1  }
0x99: {  	s4 =	simm.s32 $_scs_section_size  }
0x9a: {  	s5 =	simm.s32 $_size__tile_overlayer_lowered;
	s6 =	simm.s32 $_tile_overlayer_lowered  }
0x9b: {  	s22 =	simm.s32 $0x1BFF;
	s21 =	sshll.u32 s6, $0x1;
	s3 =	sadd.s32 s4, s19  }
0x9c: {  	s7 =	simm.s32 $0x0;
	s20 =	sshll.u32 s5, $0x1;
	s5 =	sadd.s32 s21, s3  }
0x9d: {  	[timem:s7], [sflag:s22] =	dma.local [hbm:s5], s20  }
0x9e: {  	_ =	swait.ge [sflag:s22], s20  }
0x9f: {  	s4 =	ssub.s32 $0x0, s20;
	[sflag:s22] =	ssyncset.done $0x0  }
0xa0: {  	[sflag:s22] =	ssyncadd.s32 s4;
	_ =	sdelay $0x1  }
0xa1: {  	s23 =	simm.s32 $0x1B8B  }
0xa2: {  	_ =	swait.ge [sflag:s23], $0x1  }
0xa3: {  	[sflag:s23] =	ssyncset.done $0x0  }
0xa4: {  	s25 =	simm.s32 $0x1B8E;
	s24 =	sld [smem:$0x3FFE];
	[sflag:s23] =	ssyncadd.s32 $0xFFFFFFFF  }
0xa5: {  	s26 =	simm.s32 $execute0_lowered;
	[smem:$0x3FD2] =	sst s25  }
0xa6: {  	s5 =	sshll.u32 s26, $0x1;
	_ =	strace $0x80000046;
	[dreg:$0x1] =	wrdreg $0xFFFFFFFF  }
0xa7: {  	s28 =	simm.s32 $_size_execute0_lowered;
	s3 =	sadd.s32 s3, s5;
	[dreg:$0x0] =	wrdreg $0x0  }
0xa8: {  	s5 =	sshll.u32 s28, $0x1;
	[dreg:$0x2] =	wrdreg s3  }
0xa9: {  	[dreg:$0x3] =	wrdreg s5  }
0xaa: {  	[dreg:$0x4] =	wrdreg $0xC0  }
0xab: {  	_ =	task [dreg:s7], $0x5FFFF  }
0xac: {  	[dreg:$0x1] =	wrdreg $0xFFFFFFFF  }
0xad: {  	[dreg:$0x0] =	wrdreg $0x60  }
0xae: {  	[dreg:$0x2] =	wrdreg s24  }
0xaf: {  	[dreg:$0x3] =	wrdreg s2  }
0xb0: {  	[dreg:$0x4] =	wrdreg $0x9  }
0xb1: {  	_ =	task.clear_ibuf [dreg:s7], $0x5FFFF;
	_ =	strace $0x90000046  }
0xb2: {  	s29 =	simm.s32 $0x9;
	_ =	strace $0x80000048  }
0xb3: {  	_ =	swait.ge [sflag:s29], $0x1  }
0xb4: {  	[sflag:s29] =	ssyncadd.s32 $0xFFFFFFFF  }
0xb5: {  	_ =	strace $0x90000048  }
0xb6: {  	_ =	sfence  }
0xb7: {  	s30 =	sld [smem:$0x0];
	_ =	sdelay $0x2  }
0xb8: {  	s31 =	sshll.u32 s1, $0xD;
	s1 =	sshrl.u32 s1, $0x2  }
0xb9: {  	s3 =	sand.u32 $0x4000, s31;
	s1 =	sadd.s32 s1, s30  }
0xba: {  	s0 =	sor.u32 s3, s0;
	s1 =	sshll.u32 s1, $0x11  }
0xbb: {  	s0 =	sor.u32 s1, s0  }
0xbc: {  	s0 =	sadd.s32 $0x8F2B, s0  }
0xbd: {  	[sflag:s0] =	ssyncadd.remote.s32 $0x1  }
0xbe: {  	_ =	sfence.sel $0xFFFF  }
0xbf: {  	[dreg:$0x0] =	wrdreg $0xFFFFFFFF;
	(pc) =	sbr.abs _section_cstart, $3  }
0xc0: {  	[dreg:$0x1] =	wrdreg $0xFFFFFFFF  }
0xc1: {  	_ =	task.clear_ibuf [dreg:s7], $0x2FFFF;
	_ =	strace $0x9FFFFFFF  }
0xc2: {  	(tm) =	ssettm $0x7FFFFFFF  }
0xc3: {  	_ =	shalt  }
tec
execute0_lowered:
.L_overlay_start_1:
0x0: {  	(tag) =	ssettag $0x1  }
0x1: {  	s3 =	rddreg [dreg:$0x0]  }
0x2: {  	s0 =	srdreg.scid;
	s5 =	rddreg [dreg:$0x1]  }
0x3: {  	s1 =	stileid.u32;
	s10 =	simm.s32 $0x0;
	s4 =	sand.u32 $0x1, s0  }
0x4: {  	s0 =	rddreg [dreg:$0x2];
	s8 =	smul.u32 $0x31000, s1;
	s2 =	sshll.u32 s4, $0x4  }
0x5: {  	s9 =	sshll.u32 s1, $0x7;
	s6 =	smul.u32 $0x310000, s4;
	s7 =	sor.u32 s1, s2  }
0x6: {  	s4 =	ssub.s32 $0x2, s4;
	s9 =	sand.u32 $0x380, s9;
	s7 =	sshrl.u32 s7, $0x3  }
0x7: {  	s2 =	simm.s32 $0x0;
	s31 =	sshrl.u32 s4, $0x1;
	s7 =	smul.u32 $0xC8000, s7  }
0x8: {  	[smem:$0x7FF] =	sst s2;
	s6 =	sadd.s32 s8, s6;
	s4 =	ssub.s32 s4, s31  }
0x9: {  	s8 =	simm.s32 $0x80;
	_ =	strace $0x80000047;
	s7 =	sor.u32 s9, s7  }
0xa: {  	s6 =	sshrl.u32 s6, $0x3;
	s4 =	smax.u32 s4, $0x1;
	s7 =	sshrl.u32 s7, $0x3  }
0xb: {  	s6 =	sadd.s32 s6, s3;
	s9 =	simm.s32 $0x400;
	s3 =	sadd.s32 s5, s7  }
0xc: {  	v0 =	vimm.f32 $0.0e+00;
	v1 =	vimm.f32 $1.000000000e+00;
	s5 =	sadd.s32 $0xC7A00, s6;
	s6 =	simm.s32 $0x19000;
	s7 =	simm.s32 $0x1  }
.LBB2_1:
0xd: {  	s11 =	simm.s32 $0x0  }
.LBB2_2:
0xe: {  	p0 =	sne.s32 s11, $0x63FC0  }
.Ltmp0:
0xf: {  	_ = 	snop;
	(pc) =	sbr.rel @p0 .LBB2_2-.Ltmp0, $3  }
0x10: {  	_ =	sdelay $0x1  }
0x11: {  	s12 =	sshra.s32 s11, $0x2  }
0x12: {  	s11 =	sadd.s32 $0x40, s11;
	[tilespmem:s12+$0x0] =	vst v0  }
0x13: {  	s11 =	simm.s32 $0x0  }
.LBB2_4:
0x14: {  	s12 =	sadd.s32 s11, s5  }
0x15: {  	[tilespmem:s6], [sflag:$0x1] =	stream.linear.gather [hbm4b:s12+s2], $0x200, $0x38;
	[tilespmem:$0x19200] =	vst v63  }
0x16: {  	_ =	swait.ge [sflag:s7], $0x200  }
0x17: {  	[sflag:s7] =	ssyncset.done $0x0  }
0x18: {  	[sflag:s7] =	ssyncadd.s32 $0xFFFFFE00  }
0x19: {  	v2 =	vld [tilespmem:$0x19000];
	_ =	sdelay $0x7  }
0x1a: {  	[tilespmem:v2+s2+$0x0] =	vst.idx.add.f32.msk $0xffff, v1  }
0x1b: {  	v2 =	vld [tilespmem:$0x19010];
	_ =	sdelay $0x7  }
0x1c: {  	[tilespmem:v2+s2+$0x0] =	vst.idx.add.f32.msk $0xffff, v1  }
0x1d: {  	v2 =	vld [tilespmem:$0x19020];
	_ =	sdelay $0x7  }
0x1e: {  	[tilespmem:v2+s2+$0x0] =	vst.idx.add.f32.msk $0xffff, v1  }
0x1f: {  	v2 =	vld [tilespmem:$0x19030];
	_ =	sdelay $0x7  }
0x20: {  	[tilespmem:v2+s2+$0x0] =	vst.idx.add.f32.msk $0xffff, v1  }
0x21: {  	v2 =	vld [tilespmem:$0x19040];
	_ =	sdelay $0x7  }
0x22: {  	[tilespmem:v2+s2+$0x0] =	vst.idx.add.f32.msk $0xffff, v1  }
0x23: {  	v2 =	vld [tilespmem:$0x19050];
	_ =	sdelay $0x7  }
0x24: {  	[tilespmem:v2+s2+$0x0] =	vst.idx.add.f32.msk $0xffff, v1  }
0x25: {  	v2 =	vld [tilespmem:$0x19060];
	_ =	sdelay $0x7  }
0x26: {  	[tilespmem:v2+s2+$0x0] =	vst.idx.add.f32.msk $0xffff, v1  }
0x27: {  	v2 =	vld [tilespmem:$0x19070];
	_ =	sdelay $0x7  }
0x28: {  	[tilespmem:v2+s2+$0x0] =	vst.idx.add.f32.msk $0xffff, v1  }
0x29: {  	v2 =	vld [tilespmem:$0x19080];
	_ =	sdelay $0x7  }
0x2a: {  	[tilespmem:v2+s2+$0x0] =	vst.idx.add.f32.msk $0xffff, v1  }
0x2b: {  	v2 =	vld [tilespmem:$0x19090];
	_ =	sdelay $0x7  }
0x2c: {  	[tilespmem:v2+s2+$0x0] =	vst.idx.add.f32.msk $0xffff, v1  }
0x2d: {  	v2 =	vld [tilespmem:$0x190A0];
	_ =	sdelay $0x7  }
0x2e: {  	[tilespmem:v2+s2+$0x0] =	vst.idx.add.f32.msk $0xffff, v1  }
0x2f: {  	v2 =	vld [tilespmem:$0x190B0];
	_ =	sdelay $0x7  }
0x30: {  	[tilespmem:v2+s2+$0x0] =	vst.idx.add.f32.msk $0xffff, v1  }
0x31: {  	v2 =	vld [tilespmem:$0x190C0];
	_ =	sdelay $0x7  }
0x32: {  	[tilespmem:v2+s2+$0x0] =	vst.idx.add.f32.msk $0xffff, v1  }
0x33: {  	v2 =	vld [tilespmem:$0x190D0];
	_ =	sdelay $0x7  }
0x34: {  	[tilespmem:v2+s2+$0x0] =	vst.idx.add.f32.msk $0xffff, v1  }
0x35: {  	v2 =	vld [tilespmem:$0x190E0];
	_ =	sdelay $0x7  }
0x36: {  	[tilespmem:v2+s2+$0x0] =	vst.idx.add.f32.msk $0xffff, v1  }
0x37: {  	v2 =	vld [tilespmem:$0x190F0];
	_ =	sdelay $0x7  }
0x38: {  	[tilespmem:v2+s2+$0x0] =	vst.idx.add.f32.msk $0xffff, v1  }
0x39: {  	v2 =	vld [tilespmem:$0x19100];
	_ =	sdelay $0x7  }
0x3a: {  	[tilespmem:v2+s2+$0x0] =	vst.idx.add.f32.msk $0xffff, v1  }
0x3b: {  	v2 =	vld [tilespmem:$0x19110];
	_ =	sdelay $0x7  }
0x3c: {  	[tilespmem:v2+s2+$0x0] =	vst.idx.add.f32.msk $0xffff, v1  }
0x3d: {  	v2 =	vld [tilespmem:$0x19120];
	_ =	sdelay $0x7  }
0x3e: {  	[tilespmem:v2+s2+$0x0] =	vst.idx.add.f32.msk $0xffff, v1  }
0x3f: {  	v2 =	vld [tilespmem:$0x19130];
	_ =	sdelay $0x7  }
0x40: {  	[tilespmem:v2+s2+$0x0] =	vst.idx.add.f32.msk $0xffff, v1  }
0x41: {  	v2 =	vld [tilespmem:$0x19140];
	_ =	sdelay $0x7  }
0x42: {  	[tilespmem:v2+s2+$0x0] =	vst.idx.add.f32.msk $0xffff, v1  }
0x43: {  	v2 =	vld [tilespmem:$0x19150];
	_ =	sdelay $0x7  }
0x44: {  	[tilespmem:v2+s2+$0x0] =	vst.idx.add.f32.msk $0xffff, v1  }
0x45: {  	v2 =	vld [tilespmem:$0x19160];
	_ =	sdelay $0x7  }
0x46: {  	[tilespmem:v2+s2+$0x0] =	vst.idx.add.f32.msk $0xffff, v1  }
0x47: {  	v2 =	vld [tilespmem:$0x19170];
	_ =	sdelay $0x7  }
0x48: {  	[tilespmem:v2+s2+$0x0] =	vst.idx.add.f32.msk $0xffff, v1  }
0x49: {  	v2 =	vld [tilespmem:$0x19180];
	_ =	sdelay $0x7  }
0x4a: {  	[tilespmem:v2+s2+$0x0] =	vst.idx.add.f32.msk $0xffff, v1  }
0x4b: {  	v2 =	vld [tilespmem:$0x19190];
	_ =	sdelay $0x7  }
0x4c: {  	[tilespmem:v2+s2+$0x0] =	vst.idx.add.f32.msk $0xffff, v1  }
0x4d: {  	v2 =	vld [tilespmem:$0x191A0];
	_ =	sdelay $0x7  }
0x4e: {  	[tilespmem:v2+s2+$0x0] =	vst.idx.add.f32.msk $0xffff, v1  }
0x4f: {  	v2 =	vld [tilespmem:$0x191B0];
	_ =	sdelay $0x7  }
0x50: {  	[tilespmem:v2+s2+$0x0] =	vst.idx.add.f32.msk $0xffff, v1  }
0x51: {  	v2 =	vld [tilespmem:$0x191C0];
	_ =	sdelay $0x7  }
0x52: {  	[tilespmem:v2+s2+$0x0] =	vst.idx.add.f32.msk $0xffff, v1  }
0x53: {  	v2 =	vld [tilespmem:$0x191D0];
	_ =	sdelay $0x7  }
0x54: {  	[tilespmem:v2+s2+$0x0] =	vst.idx.add.f32.msk $0xffff, v1  }
0x55: {  	v2 =	vld [tilespmem:$0x191E0];
	_ =	sdelay $0x7  }
0x56: {  	[tilespmem:v2+s2+$0x0] =	vst.idx.add.f32.msk $0xffff, v1  }
0x57: {  	v2 =	vld [tilespmem:$0x191F0];
	_ =	sdelay $0x2  }
0x58: {  	p0 =	sne.s32 s11, $0x61C0  }
.Ltmp1:
0x59: {  	_ = 	snop;
	(pc) =	sbr.rel @p0 .LBB2_4-.Ltmp1, $2  }
0x5a: {  	_ =	sdelay $0x2  }
0x5b: {  	s11 =	sadd.s32 $0x40, s11;
	[tilespmem:v2+s2+$0x0] =	vst.idx.add.f32.msk $0xffff, v1  }
0x5c: {  	s10 =	sadd.s32 $0x1, s10  }
0x5d: {  	p0 =	sne.s32 s10, s4  }
.Ltmp2:
0x5e: {  	_ = 	snop;
	(pc) =	sbr.rel @p0 .LBB2_1-.Ltmp2, $4  }
0x5f: {  	[hbm4b:s3+s8] =	stream.strided.scatter [tilespmem:s2], [sflag:$0x1], $0x19000, s9, s8, $0x38;
	[tilespmem:$0x19200] =	vst v63  }
0x60: {  	_ =	swait.ge [sflag:s7], $0x19000  }
0x61: {  	[sflag:s7] =	ssyncset.done $0x0  }
0x62: {  	[sflag:s7] =	ssyncadd.s32 $0xFFFE7000  }
0x63: {  	_ =	sfence.sel $0x180000  }
0x64: {  	[bflag:$0x0] =	sbarrier.arrive $0xFFFF  }
0x65: {  	p0 =	sne.s32 s1, $0x0;
	_ =	strace $0x90000047  }
0x66: {  	s0 =	sadd.s32 @!p0 $0x100000, s0;
	[bflag:$0x2] =	sbarrier.arrive $0xFFFF  }
0x67: {  	[sflag:s0] =	ssyncadd.tile.s32 @!p0 $0x1;
	_ =	shalt  }
.Lfunc_end2:
_tile_overlayer_lowered:
.L_overlay_start_2:
0x68: {  	(tag) =	ssettag $0x2  }
0x69: {  	s0 =	rddreg [dreg:$0x0];
	s2 =	stileid.u32  }
0x6a: {  	s1 =	rddreg [dreg:$0x1];
	p0 =	sne.s32 s2, $0x0  }
0x6b: {  	s3 =	rddreg [dreg:$0x2];
	[bflag:$0x3] =	sbarrier.arrive $0xFFFF;
	s2 =	simm.s32 @!p0 $0x1C01  }
0x6c: {  	[timem:s3], [sflag:s2] =	dma.local @!p0 [hbm:s0], s1  }
0x6d: {  	s0 =	simm.s32 @!p0 $0x1  }
0x6e: {  	_ =	swait.ge @!p0 [sflag:s0], s1  }
0x6f: {  	s1 =	ssub.s32 @!p0 $0x0, s1;
	[sflag:s0] =	ssyncset.done @!p0 $0x0  }
0x70: {  	[sflag:s0] =	ssyncadd.s32 @!p0 s1  }
0x71: {  	[bflag:$0x3] =	sbarrier.arrive $0xFFFF  }
0x72: {  	_ =	shalt  }

</sc_bundles>
